<compile_context>
chip_gen: v7x
topology: tpu7x:2x2x1
jax: 0.10.2.dev20260603
libtpu: 0.0.44.dev20260713+nightly
codegen_flags: <defaults>
</compile_context>

<pallas_src>
import functools

import jax
import jax.numpy as jnp
from jax import lax
from jax.experimental import pallas as pl
from jax.experimental.pallas import tpu as pltpu
from jax.experimental.pallas import tpu_sc as plsc

NUM_CLASSES = 2
THRESHOLD = 0.35
NEGPOS_RATIO = 7
VAR0 = 0.1
VAR1 = 0.2
O = 50
B = 16
P = 20000

BT = 6
RS = B - BT
RPC = RS // 2
W = 3
P2 = 20160
SEG = P2 // W
NV = SEG // 16
CHUNK = 2240
NCH = SEG // CHUNK
CV = CHUNK // 16
SROW = W * 64 + SEG + 48
LN2 = 0.6931471805599453
BIG_F = 3.0e38
BIG_I = 1 << 30

R, C = 160, 128
P_PAD = R * C



def _row_kernel(targets_ref, loc_ref, conf_ref, priors_ref,
                ll_ref, lc_ref, np_ref,
                bto_ref, bti_ref, bpv_ref, bpi_ref, num_priors):
    b = pl.program_id(0)

    @pl.when(b == 0)
    def _():
        ll_ref[0] = 0.0
        lc_ref[0] = 0.0
        np_ref[0] = 0.0

    pcx = priors_ref[0]
    pcy = priors_ref[1]
    pw = priors_ref[2]
    ph = priors_ref[3]
    px1 = pcx - pw * 0.5
    py1 = pcy - ph * 0.5
    px2 = pcx + pw * 0.5
    py2 = pcy + ph * 0.5
    parea = pw * ph

    idx2d = (lax.broadcasted_iota(jnp.int32, (R, C), 0) * C
             + lax.broadcasted_iota(jnp.int32, (R, C), 1))

    neg_inf = jnp.float32(-jnp.inf)
    bto_ref[...] = jnp.full((R, C), neg_inf, jnp.float32)
    bti_ref[...] = jnp.zeros((R, C), jnp.int32)

    def truth_body(j, best_ov):
        tx1 = targets_ref[0, j, 0]
        ty1 = targets_ref[0, j, 1]
        tx2 = targets_ref[0, j, 2]
        ty2 = targets_ref[0, j, 3]
        iw = jnp.maximum(jnp.minimum(tx2, px2) - jnp.maximum(tx1, px1), 0.0)
        ih = jnp.maximum(jnp.minimum(ty2, py2) - jnp.maximum(ty1, py1), 0.0)
        inter = iw * ih
        tarea = (tx2 - tx1) * (ty2 - ty1)
        ov = inter / (tarea + parea - inter)
        bto = bto_ref[...]
        better = ov > bto
        bto_ref[...] = jnp.where(better, ov, bto)
        bti_ref[...] = jnp.where(better, j, bti_ref[...])
        m = jnp.max(ov)
        bpv_ref[j] = m
        bpi_ref[j] = jnp.min(jnp.where(ov == m, idx2d, jnp.int32(2**30)))
        return jnp.maximum(best_ov, m)

    best_ov = lax.fori_loop(0, O, truth_body, jnp.float32(-jnp.inf),
                        unroll=4)

    def scatter_body(j, carry):
        mj, vm = carry
        pj = bpi_ref[j]
        hit = idx2d == pj
        mj = jnp.where(hit, j, mj)
        hitv = jnp.logical_and(hit, bpv_ref[j] >= 0.2).astype(jnp.int32)
        return mj, jnp.maximum(vm, hitv)

    mj, vm = lax.fori_loop(
        0, O, scatter_body,
        (jnp.full((R, C), -1, jnp.int32), jnp.zeros((R, C), jnp.int32)),
        unroll=4)
    bti = jnp.where(mj >= 0, mj, bti_ref[...])
    bto = jnp.where(vm > 0, 2.0, bto_ref[...])

    any_valid = best_ov >= 0.2
    real = idx2d < num_priors
    pos = jnp.logical_and(jnp.logical_and(bto >= THRESHOLD, any_valid), real)

    def gather_body(j, carry):
        m1, m2, m3, m4 = carry
        hit = bti == j
        m1 = jnp.where(hit, targets_ref[0, j, 0], m1)
        m2 = jnp.where(hit, targets_ref[0, j, 1], m2)
        m3 = jnp.where(hit, targets_ref[0, j, 2], m3)
        m4 = jnp.where(hit, targets_ref[0, j, 3], m4)
        return m1, m2, m3, m4

    z = jnp.zeros((R, C), jnp.float32)
    mx1, my1, mx2, my2 = lax.fori_loop(0, O, gather_body, (z, z, z, z),
                                   unroll=4)

    gcx = ((mx1 + mx2) * 0.5 - pcx) / (VAR0 * pw)
    gcy = ((my1 + my2) * 0.5 - pcy) / (VAR0 * ph)
    gw = jnp.log(jnp.maximum(mx2 - mx1, 1e-30) / pw) / VAR1
    gh = jnp.log(jnp.maximum(my2 - my1, 1e-30) / ph) / VAR1

    def sl1(d):
        ad = jnp.abs(d)
        return jnp.where(ad < 1.0, 0.5 * d * d, ad - 0.5)

    posf = pos.astype(jnp.float32)
    loss_l = jnp.sum(
        jnp.where(pos,
                  sl1(loc_ref[0, 0] - gcx) + sl1(loc_ref[0, 1] - gcy)
                  + sl1(loc_ref[0, 2] - gw) + sl1(loc_ref[0, 3] - gh), 0.0))
    num_pos = jnp.sum(posf)

    c0 = conf_ref[0, 0]
    c1 = conf_ref[0, 1]
    mx = jnp.maximum(c0, c1)
    lse = jnp.log(jnp.exp(c0 - mx) + jnp.exp(c1 - mx)) + mx
    ce = lse - jnp.where(pos, c1, c0)
    ce_pos_sum = jnp.sum(jnp.where(pos, ce, 0.0))

    masked = jnp.where(real, jnp.where(pos, 0.0, ce), -1.0)
    vbits = lax.bitcast_convert_type(masked, jnp.int32)

    k = jnp.minimum((NEGPOS_RATIO * num_pos).astype(jnp.int32),
                    num_priors - 1)

    def bis_body(_, lohi):
        lo, hi = lohi
        mid = lo + lax.div(hi - lo, jnp.int32(2))
        cnt = jnp.sum((vbits >= mid).astype(jnp.int32))
        good = cnt >= k
        return jnp.where(good, mid, lo), jnp.where(good, hi, mid)

    lo, _ = lax.fori_loop(0, 31, bis_body,
                          (jnp.int32(0), jnp.int32(0x7FFFFFFF)))
    vthr = jnp.max(jnp.where(vbits == lo, masked, -1.0))
    cnt_gt = jnp.sum((vbits > lo).astype(jnp.int32))
    sum_gt = jnp.sum(jnp.where(vbits > lo, masked, 0.0))
    topk_sum = sum_gt + (k - cnt_gt).astype(jnp.float32) * vthr
    topk_sum = jnp.where(k > 0, topk_sum, 0.0)

    ll_ref[0] += loss_l
    lc_ref[0] += ce_pos_sum + topk_sum
    np_ref[0] += num_pos


def _tc_part(loc_data, conf_data, priors, targets):
    pad = P_PAD - P
    loc_t = jnp.pad(jnp.transpose(loc_data[:BT], (0, 2, 1)),
                    ((0, 0), (0, 0), (0, pad))).reshape(BT, 4, R, C)
    conf_t = jnp.pad(jnp.transpose(conf_data[:BT], (0, 2, 1)),
                     ((0, 0), (0, 0), (0, pad))).reshape(
                         BT, NUM_CLASSES, R, C)
    pri_pad = jnp.concatenate(
        [priors.T, jnp.tile(jnp.array([[-10.0], [-10.0], [1.0], [1.0]],
                                      jnp.float32), (1, pad))],
        axis=1).reshape(4, R, C)

    return pl.pallas_call(
        functools.partial(_row_kernel, num_priors=P),
        grid=(BT,),
        in_specs=[
            pl.BlockSpec((1, O, 5), lambda b: (b, 0, 0),
                         memory_space=pltpu.SMEM),
            pl.BlockSpec((1, 4, R, C), lambda b: (b, 0, 0, 0)),
            pl.BlockSpec((1, NUM_CLASSES, R, C), lambda b: (b, 0, 0, 0)),
            pl.BlockSpec((4, R, C), lambda b: (0, 0, 0)),
        ],
        out_specs=[
            pl.BlockSpec(memory_space=pltpu.SMEM),
            pl.BlockSpec(memory_space=pltpu.SMEM),
            pl.BlockSpec(memory_space=pltpu.SMEM),
        ],
        out_shape=[jax.ShapeDtypeStruct((1,), jnp.float32)] * 3,
        scratch_shapes=[
            pltpu.VMEM((R, C), jnp.float32),
            pltpu.VMEM((R, C), jnp.int32),
            pltpu.SMEM((O,), jnp.float32),
            pltpu.SMEM((O,), jnp.int32),
        ],
        compiler_params=pltpu.CompilerParams(
            dimension_semantics=("arbitrary",)),
    )(targets[:BT], loc_t, conf_t, pri_pad)



def _ln(x):
    bits = plsc.bitcast(x, jnp.int32)
    e = ((bits >> 23) & 0xFF) - 127
    m = plsc.bitcast((bits & 0x007FFFFF) | 0x3F800000, jnp.float32)
    s = (m - 1.0) / (m + 1.0)
    s2 = s * s
    p = s * (2.0 + s2 * (0.66666666 + s2 * (0.4 + s2 * (0.28571429
             + s2 * 0.22222222))))
    return e.astype(jnp.float32) * LN2 + p


def _sc_body(loc_hbm, conf_hbm, pri_hbm, tgt_hbm,
             ll_out, lc_out, np_out,
             px1, py1, px2, py2, parea,
             bto, bti, ceb, pceb,
             lbuf0, lbuf1, lbuf2, lbuf3, cbuf0, cbuf1,
             tgt_v, bpv, bpi, abv, abi, stage, ost):
    cid = lax.axis_index("c")
    sid = lax.axis_index("s")
    active = sid < RPC * W
    rloc = lax.div(sid, W)
    row = BT + cid * RPC + rloc
    seg = lax.rem(sid, W)
    base = seg * SEG
    iota16 = lax.broadcasted_iota(jnp.int32, (16,), 0)
    lane0 = iota16 == 0

    @pl.when(active)
    def _():
        pltpu.sync_copy(pri_hbm.at[pl.ds(0 * P2 + base, SEG)], px1)
        pltpu.sync_copy(pri_hbm.at[pl.ds(1 * P2 + base, SEG)], py1)
        pltpu.sync_copy(pri_hbm.at[pl.ds(2 * P2 + base, SEG)], px2)
        pltpu.sync_copy(pri_hbm.at[pl.ds(3 * P2 + base, SEG)], py2)
        pltpu.sync_copy(tgt_hbm.at[pl.ds(row * 5 * 64, 5 * 64)], tgt_v)

        @plsc.parallel_loop(0, NV, unroll=4)
        def corner_body(i):
            d = pl.ds(i * 16, 16)
            cx = px1[d]
            cy = py1[d]
            w = px2[d]
            h = py2[d]
            px1[d] = cx - w * 0.5
            px2[d] = cx + w * 0.5
            py1[d] = cy - h * 0.5
            py2[d] = cy + h * 0.5
            parea[d] = w * h
            bto[d] = jnp.full((16,), -BIG_F, jnp.float32)
            bti[d] = jnp.zeros((16,), jnp.int32)


        def truth_body(j, _c):
            jv = jnp.full((16,), j, jnp.int32)
            tx1 = plsc.load_gather(tgt_v, [jv])
            ty1 = plsc.load_gather(tgt_v, [jv + 64])
            tx2 = plsc.load_gather(tgt_v, [jv + 128])
            ty2 = plsc.load_gather(tgt_v, [jv + 192])
            tarea = (tx2 - tx1) * (ty2 - ty1)

            @plsc.parallel_loop(
                0, NV, unroll=4,
                carry=(jnp.full((16,), -BIG_F, jnp.float32),
                       jnp.zeros((16,), jnp.int32)))
            def prior_loop(i, carry):
                vmax, vidx = carry
                d = pl.ds(i * 16, 16)
                iw = jnp.maximum(
                    jnp.minimum(tx2, px2[d]) - jnp.maximum(tx1, px1[d]), 0.0)
                ih = jnp.maximum(
                    jnp.minimum(ty2, py2[d]) - jnp.maximum(ty1, py1[d]), 0.0)
                inter = iw * ih
                ov = inter / (tarea + parea[d] - inter)
                lidx = iota16 + i * 16
                better = ov > bto[d]
                plsc.store_scatter(bto, [lidx], ov, mask=better)
                plsc.store_scatter(bti, [lidx], jv, mask=better)
                gm = ov > vmax
                vmax = jnp.where(gm, ov, vmax)
                vidx = jnp.where(gm, lidx, vidx)
                return vmax, vidx

            vmax, vidx = prior_loop
            mj = jnp.max(vmax)
            ij = jnp.min(jnp.where(vmax == mj, vidx, BIG_I)) + base
            plsc.store_scatter(bpv, [jv], jnp.full((16,), mj), mask=lane0)
            plsc.store_scatter(bpi, [jv],
                               jnp.full((16,), ij.astype(jnp.float32)),
                               mask=lane0)
            return 0

        lax.fori_loop(0, O, truth_body, 0)

        pltpu.sync_copy(bpv, stage.at[pl.ds(sid * SROW, 64)])
        pltpu.sync_copy(bpi, stage.at[pl.ds(sid * SROW + 64, 64)])

    plsc.subcore_barrier()

    @pl.when(active)
    def _():
        for m in range(W):
            src = (rloc * W + m) * SROW
            pltpu.sync_copy(stage.at[pl.ds(src, 64)],
                            abv.at[pl.ds(m * 64, 64)])
            pltpu.sync_copy(stage.at[pl.ds(src + 64, 64)],
                            abi.at[pl.ds(m * 64, 64)])

    def _ext(ref, g, lanev):
        v = ref[pl.ds(g, 16)]
        return jnp.max(jnp.where(iota16 == lanev, v, -BIG_F))

    def _merge_scatter():
        def merge_body(j, any_valid):
            g = lax.div(j, 16) * 16
            lanev = lax.rem(j, 16)
            gv = jnp.float32(-BIG_F)
            gi = jnp.float32(0.0)
            for m in range(W):
                v_m = _ext(abv, m * 64 + g, lanev)
                i_m = _ext(abi, m * 64 + g, lanev)
                take = v_m > gv
                gv = jnp.where(take, v_m, gv)
                gi = jnp.where(take, i_m, gi)
            gii = gi.astype(jnp.int32)
            validv = jnp.full((16,), gv) >= 0.2
            ltv = jnp.full((16,), gii - base, jnp.int32)
            hitm = jnp.logical_and(jnp.logical_and(lane0, ltv >= 0),
                                   ltv < SEG)
            plsc.store_scatter(bti, [ltv], jnp.full((16,), j, jnp.int32),
                               mask=hitm)
            plsc.store_scatter(bto, [ltv],
                               jnp.full((16,), 2.0, jnp.float32),
                               mask=jnp.logical_and(hitm, validv))
            return jnp.maximum(any_valid,
                               jnp.where(gv >= 0.2, jnp.int32(1),
                                         jnp.int32(0)))

        return lax.fori_loop(0, O, merge_body, jnp.int32(0))

    def _phase_c(avv):
        def chunk_body(c, carry):
            ll_acc, np_acc, cep_acc = carry
            off = (row * 4) * P2 + base + c * CHUNK
            pltpu.sync_copy(loc_hbm.at[pl.ds(off, CHUNK)], lbuf0)
            pltpu.sync_copy(loc_hbm.at[pl.ds(off + P2, CHUNK)], lbuf1)
            pltpu.sync_copy(loc_hbm.at[pl.ds(off + 2 * P2, CHUNK)], lbuf2)
            pltpu.sync_copy(loc_hbm.at[pl.ds(off + 3 * P2, CHUNK)], lbuf3)
            coff = (row * 2) * P2 + base + c * CHUNK
            pltpu.sync_copy(conf_hbm.at[pl.ds(coff, CHUNK)], cbuf0)
            pltpu.sync_copy(conf_hbm.at[pl.ds(coff + P2, CHUNK)], cbuf1)

            @plsc.parallel_loop(0, CV, unroll=2,
                                carry=(ll_acc, np_acc, cep_acc))
            def vreg_loop(i, carry2):
                ll, npv, cep = carry2
                d = pl.ds(c * CHUNK + i * 16, 16)
                dc = pl.ds(i * 16, 16)
                ti = bti[d]
                pos = jnp.logical_and(bto[d] >= THRESHOLD, avv)
                x1 = px1[d]
                x2 = px2[d]
                y1 = py1[d]
                y2 = py2[d]
                pw = x2 - x1
                ph = y2 - y1
                mx1 = plsc.load_gather(tgt_v, [ti])
                my1 = plsc.load_gather(tgt_v, [ti + 64])
                mx2 = plsc.load_gather(tgt_v, [ti + 128])
                my2 = plsc.load_gather(tgt_v, [ti + 192])
                gcx = ((mx1 + mx2) - (x1 + x2)) * 0.5 / (VAR0 * pw)
                gcy = ((my1 + my2) - (y1 + y2)) * 0.5 / (VAR0 * ph)
                gw = _ln((mx2 - mx1) / pw) / VAR1
                gh = _ln((my2 - my1) / ph) / VAR1

                def sl1(dd):
                    ad = jnp.abs(dd)
                    return jnp.where(ad < 1.0, 0.5 * dd * dd, ad - 0.5)

                sl = (sl1(lbuf0[dc] - gcx) + sl1(lbuf1[dc] - gcy)
                      + sl1(lbuf2[dc] - gw) + sl1(lbuf3[dc] - gh))
                ll = ll + jnp.where(pos, sl, 0.0)
                npv = npv + jnp.where(pos, 1, 0)
                c0 = cbuf0[dc]
                c1 = cbuf1[dc]
                mx = jnp.maximum(c0, c1)
                lse = _ln(1.0 + jnp.exp(-jnp.abs(c0 - c1))) + mx
                ce = lse - jnp.where(pos, c1, c0)
                cep = cep + jnp.where(pos, ce, 0.0)
                realv = (base + c * CHUNK + i * 16 + iota16) < P
                ceb[d] = jnp.where(realv,
                                   jnp.where(pos, 0.0, ce), -1.0)
                return ll, npv, cep

            return vreg_loop

        zf = jnp.zeros((16,), jnp.float32)
        return lax.fori_loop(
            0, NCH, chunk_body, (zf, jnp.zeros((16,), jnp.int32), zf))

    @pl.when(active)
    def _():
        avv = jnp.full((16,), _merge_scatter()) > 0
        ll_acc, np_acc, cep_acc = _phase_c(avv)
        pltpu.sync_copy(ceb, stage.at[pl.ds(sid * SROW + W * 64, SEG)])
        ost[pl.ds(0, 16)] = ll_acc
        ost[pl.ds(16, 16)] = np_acc.astype(jnp.float32)
        ost[pl.ds(32, 16)] = cep_acc
        pltpu.sync_copy(ost,
                        stage.at[pl.ds(sid * SROW + W * 64 + SEG, 48)])

    plsc.subcore_barrier()

    @pl.when(jnp.logical_and(active, seg == 0))
    def _():
        for m in range(1, W):
            src = (rloc * W + m) * SROW
            pltpu.sync_copy(stage.at[pl.ds(src + W * 64, SEG)],
                            pceb.at[pl.ds((m - 1) * SEG, SEG)])
            pltpu.sync_copy(stage.at[pl.ds(src + W * 64 + SEG, 48)],
                            abv.at[pl.ds((m - 1) * 64, 48)])
        ll_v = ost[pl.ds(0, 16)]
        np_v = ost[pl.ds(16, 16)]
        cep_v = ost[pl.ds(32, 16)]
        for m in range(1, W):
            o = (m - 1) * 64
            ll_v = ll_v + abv[pl.ds(o, 16)]
            np_v = np_v + abv[pl.ds(o + 16, 16)]
            cep_v = cep_v + abv[pl.ds(o + 32, 16)]
        np_row = jnp.sum(np_v).astype(jnp.int32)
        k = jnp.minimum(NEGPOS_RATIO * np_row, P - 1)

        NPV = (W - 1) * NV

        def bis_body(_b, lohi):
            lo, hi = lohi
            mid = lo + lax.div(hi - lo, jnp.int32(2))

            @plsc.parallel_loop(0, NV, unroll=8,
                                carry=jnp.zeros((16,), jnp.int32))
            def cloop(i, acc):
                d = pl.ds(i * 16, 16)
                return acc + jnp.where(
                    plsc.bitcast(ceb[d], jnp.int32) >= mid, 1, 0)

            @plsc.parallel_loop(0, NPV, unroll=8, carry=cloop)
            def cloop2(i, acc):
                d = pl.ds(i * 16, 16)
                return acc + jnp.where(
                    plsc.bitcast(pceb[d], jnp.int32) >= mid, 1, 0)

            good = jnp.sum(cloop2) >= k
            return (jnp.where(good, mid, lo), jnp.where(good, hi, mid))

        lo, _hi = lax.fori_loop(0, 31, bis_body,
                                (jnp.int32(0), jnp.int32(0x7FFFFFFF)))

        def fbody(ref):
            def fb(i, carry):
                sgt, cgt, vth = carry
                d = pl.ds(i * 16, 16)
                v = ref[d]
                vb = plsc.bitcast(v, jnp.int32)
                gt = vb > lo
                sgt = sgt + jnp.where(gt, v, 0.0)
                cgt = cgt + jnp.where(gt, 1, 0)
                vth = jnp.maximum(vth, jnp.where(vb == lo, v, -BIG_F))
                return sgt, cgt, vth
            return fb

        zf = jnp.zeros((16,), jnp.float32)
        st0 = (zf, jnp.zeros((16,), jnp.int32),
               jnp.full((16,), -BIG_F, jnp.float32))
        st1 = plsc.parallel_loop(0, NV, unroll=4, carry=st0)(fbody(ceb))
        sgt, cgt, vth = plsc.parallel_loop(
            0, NPV, unroll=4, carry=st1)(fbody(pceb))
        topk = (jnp.sum(sgt)
                + (k - jnp.sum(cgt)).astype(jnp.float32) * jnp.max(vth))
        topk = jnp.where(k > 0, topk, 0.0)

        r = row - BT
        ost[pl.ds(0, 16)] = ll_v
        ost[pl.ds(16, 16)] = np_v
        ost[pl.ds(32, 16)] = cep_v + jnp.where(lane0, topk, 0.0)
        pltpu.sync_copy(ost.at[pl.ds(0, 16)],
                        ll_out.at[pl.ds(r * 16, 16)])
        pltpu.sync_copy(ost.at[pl.ds(16, 16)],
                        np_out.at[pl.ds(r * 16, 16)])
        pltpu.sync_copy(ost.at[pl.ds(32, 16)],
                        lc_out.at[pl.ds(r * 16, 16)])


def _sc_part(loc_data, conf_data, priors, targets):
    spad = P2 - P
    loc_flat = jnp.pad(jnp.transpose(loc_data, (0, 2, 1)),
                       ((0, 0), (0, 0), (0, spad))).reshape(-1)
    conf_flat = jnp.pad(jnp.transpose(conf_data, (0, 2, 1)),
                        ((0, 0), (0, 0), (0, spad))).reshape(-1)
    pri_flat = jnp.concatenate(
        [priors.T, jnp.tile(jnp.array([[-10.0], [-10.0], [1.0], [1.0]],
                                      jnp.float32), (1, spad))],
        axis=1).reshape(-1)
    tgt_pad = jnp.pad(jnp.transpose(targets, (0, 2, 1)),
                      ((0, 0), (0, 0), (0, 64 - O))).reshape(-1)

    mesh = plsc.VectorSubcoreMesh(core_axis_name="c", subcore_axis_name="s")
    f32 = jnp.float32
    run = pl.kernel(
        _sc_body, mesh=mesh,
        compiler_params=pltpu.CompilerParams(needs_layout_passes=False),
        out_type=[jax.ShapeDtypeStruct((RS * 16,), f32)] * 3,
        scratch_types=[
            pltpu.VMEM((SEG,), f32), pltpu.VMEM((SEG,), f32),
            pltpu.VMEM((SEG,), f32), pltpu.VMEM((SEG,), f32),
            pltpu.VMEM((SEG,), f32),
            pltpu.VMEM((SEG,), f32), pltpu.VMEM((SEG,), jnp.int32),
            pltpu.VMEM((SEG,), f32), pltpu.VMEM(((W - 1) * SEG,), f32),
            pltpu.VMEM((CHUNK,), f32), pltpu.VMEM((CHUNK,), f32),
            pltpu.VMEM((CHUNK,), f32), pltpu.VMEM((CHUNK,), f32),
            pltpu.VMEM((CHUNK,), f32), pltpu.VMEM((CHUNK,), f32),
            pltpu.VMEM((5 * 64,), f32),
            pltpu.VMEM((64,), f32), pltpu.VMEM((64,), f32),
            pltpu.VMEM((W * 64,), f32), pltpu.VMEM((W * 64,), f32),
            pltpu.VMEM_SHARED((16 * SROW,), f32),
            pltpu.VMEM((48,), f32),
        ],
    )
    return run(loc_flat, conf_flat, pri_flat, tgt_pad)


def kernel(loc_data, conf_data, priors, targets):
    ll_t, lc_t, np_t = _tc_part(loc_data, conf_data, priors, targets)
    ll_s, lc_s, np_s = _sc_part(loc_data, conf_data, priors, targets)
    ll = ll_t[0] + jnp.sum(ll_s)
    lc = lc_t[0] + jnp.sum(lc_s)
    n = jnp.maximum(np_t[0] + jnp.sum(np_s), 1.0)
    return ll / n, lc / n

# --- scband reference (transcript-rebuilt; emitter-appended) ---
"""Pipeline reference for scband-multi-box-loss-2422361555363 (READ-ONLY COPY).

The authoritative reference and input builder live on the scoring server;
editing this copy changes nothing except your own understanding.
"""

import jax, jax.numpy as jnp
import numpy as np

NUM_CLASSES = 2
THRESHOLD = 0.35
NEGPOS_RATIO = 7
VARIANCES = (0.1, 0.2)


def point_form(boxes):
    return jnp.concatenate([boxes[:, :2] - boxes[:, 2:] / 2,
                            boxes[:, :2] + boxes[:, 2:] / 2], axis=1)


def intersect(box_a, box_b):
    max_xy = jnp.minimum(box_a[:, None, 2:], box_b[None, :, 2:])
    min_xy = jnp.maximum(box_a[:, None, :2], box_b[None, :, :2])
    inter = jnp.clip(max_xy - min_xy, 0)
    return inter[:, :, 0] * inter[:, :, 1]


def jaccard(box_a, box_b):
    inter = intersect(box_a, box_b)
    area_a = ((box_a[:, 2] - box_a[:, 0]) * (box_a[:, 3] - box_a[:, 1]))[:, None]
    area_b = ((box_b[:, 2] - box_b[:, 0]) * (box_b[:, 3] - box_b[:, 1]))[None, :]
    union = area_a + area_b - inter
    return inter / union


def encode(matched, priors, variances):
    g_cxcy = (matched[:, :2] + matched[:, 2:]) / 2 - priors[:, :2]
    g_cxcy = g_cxcy / (variances[0] * priors[:, 2:])
    g_wh = (matched[:, 2:] - matched[:, :2]) / priors[:, 2:]
    g_wh = jnp.log(g_wh) / variances[1]
    return jnp.concatenate([g_cxcy, g_wh], axis=1)


def log_sum_exp(x):
    x_max = x.max()
    return jnp.log(jnp.sum(jnp.exp(x - x_max), axis=1, keepdims=True)) + x_max


def match_one(truths, labels, priors):
    # truths: [O,4] point-form, labels: [O] (float), priors: [P,4] center-form
    overlaps = jaccard(truths, point_form(priors))  # [O, P]
    best_prior_overlap = overlaps.max(axis=1)       # [O]
    best_prior_idx = overlaps.argmax(axis=1)        # [O]
    valid_gt = best_prior_overlap >= 0.2
    any_valid = jnp.any(valid_gt)
    best_truth_overlap = overlaps.max(axis=0)       # [P]
    best_truth_idx = overlaps.argmax(axis=0)        # [P]
    # best_truth_overlap.index_fill_(0, best_prior_idx_filter, 2)
    fill_val = jnp.where(valid_gt, 2.0, -jnp.inf)
    best_truth_overlap = best_truth_overlap.at[best_prior_idx].max(fill_val)
    # for j: best_truth_idx[best_prior_idx[j]] = j
    best_truth_idx = best_truth_idx.at[best_prior_idx].set(jnp.arange(truths.shape[0]))
    matches = truths[best_truth_idx]                # [P,4]
    conf = labels[best_truth_idx].astype(jnp.int32)  # [P]
    conf = jnp.where(best_truth_overlap < THRESHOLD, 0, conf)
    loc = encode(matches, priors, VARIANCES)
    loc = jnp.where(any_valid, loc, jnp.zeros_like(loc))
    conf = jnp.where(any_valid, conf, jnp.zeros_like(conf))
    return loc, conf


def setup_inputs(seed: int = 0) -> dict:
    key = jax.random.key(seed)
    B, P, O, C = 16, 20000, 50, NUM_CLASSES
    k1, k2, k3, k4, k5, k6 = jax.random.split(key, 6)
    loc_data = jax.random.normal(k1, (B, P, 4), dtype=jnp.float32)
    conf_data = jax.random.normal(k2, (B, P, C), dtype=jnp.float32)
    # priors in center-size form (cx, cy, w, h)
    cxcy = jax.random.uniform(k3, (P, 2), minval=0.05, maxval=0.95)
    wh = jax.random.uniform(k4, (P, 2), minval=0.02, maxval=0.3)
    priors = jnp.concatenate([cxcy, wh], axis=1).astype(jnp.float32)
    # GT targets: point-form boxes + class label (1 = foreground)
    gcx = jax.random.uniform(k5, (B, O, 2), minval=0.2, maxval=0.8)
    gwh = jax.random.uniform(k6, (B, O, 2), minval=0.05, maxval=0.4)
    boxes = jnp.concatenate([gcx - gwh / 2, gcx + gwh / 2], axis=2)
    labels = jnp.ones((B, O, 1), dtype=jnp.float32)
    targets = jnp.concatenate([boxes, labels], axis=2).astype(jnp.float32)
    return {"loc_data": loc_data, "conf_data": conf_data,
            "priors": priors, "targets": targets}


def reference(loc_data, conf_data, priors, targets):
    num = loc_data.shape[0]
    num_priors = priors.shape[0]
    truths = targets[:, :, :4]
    labels = targets[:, :, 4]
    loc_t, conf_t = jax.vmap(lambda t, l: match_one(t, l, priors))(truths, labels)
    loc_t = jax.lax.stop_gradient(loc_t)
    conf_t = jax.lax.stop_gradient(conf_t)

    pos = conf_t > 0  # [B, P]
    # Localization loss: SmoothL1 over positive priors (sum reduction)
    diff = loc_data - loc_t
    ad = jnp.abs(diff)
    sl1 = jnp.where(ad < 1.0, 0.5 * diff * diff, ad - 0.5)
    loss_l = jnp.sum(sl1 * pos[:, :, None].astype(sl1.dtype))

    # Hard negative mining
    batch_conf = conf_data.reshape(-1, NUM_CLASSES)
    conf_t_flat = conf_t.reshape(-1)
    loss_c = log_sum_exp(batch_conf) - jnp.take_along_axis(
        batch_conf, conf_t_flat[:, None], axis=1)
    loss_c = loss_c.reshape(num, -1)
    loss_c = jnp.where(pos, 0.0, loss_c)
    loss_idx = jnp.argsort(-loss_c, axis=1)
    idx_rank = jnp.argsort(loss_idx, axis=1)
    num_pos = pos.sum(axis=1, keepdims=True)
    num_neg = jnp.clip(NEGPOS_RATIO * num_pos, None, num_priors - 1)
    neg = idx_rank < num_neg

    # Confidence loss over selected positives + hard negatives (sum reduction)
    sel = (pos | neg).reshape(-1).astype(jnp.float32)
    log_probs = jax.nn.log_softmax(batch_conf, axis=1)
    ce = -jnp.take_along_axis(log_probs, conf_t_flat[:, None], axis=1)[:, 0]
    loss_c_sum = jnp.sum(ce * sel)

    N = jnp.maximum(num_pos.sum().astype(jnp.float32), 1.0)
    return loss_l / N, loss_c_sum / N

if __name__ == "__main__":
    import jax
    _d = setup_inputs()
    print(jax.jit(kernel)(*tuple(_d.values())))

</pallas_src>

<mosaic_0001>
#map = affine_map<(d0, d1) -> (0)>
module attributes {stable_mosaic.version = 14 : i64} {
  func.func @_sc_body(%arg0: i32, %arg1: i32, %arg2: memref<1290240xf32, #tpu.memory_space<hbm>>, %arg3: memref<645120xf32, #tpu.memory_space<hbm>>, %arg4: memref<80640xf32, #tpu.memory_space<hbm>>, %arg5: memref<5120xf32, #tpu.memory_space<hbm>>, %arg6: memref<160xf32, #tpu.memory_space<hbm>>, %arg7: memref<160xf32, #tpu.memory_space<hbm>>, %arg8: memref<160xf32, #tpu.memory_space<hbm>>, %arg9: memref<6720xf32, #tpu.memory_space<vmem>>, %arg10: memref<6720xf32, #tpu.memory_space<vmem>>, %arg11: memref<6720xf32, #tpu.memory_space<vmem>>, %arg12: memref<6720xf32, #tpu.memory_space<vmem>>, %arg13: memref<6720xf32, #tpu.memory_space<vmem>>, %arg14: memref<6720xf32, #tpu.memory_space<vmem>>, %arg15: memref<6720xi32, #tpu.memory_space<vmem>>, %arg16: memref<6720xf32, #tpu.memory_space<vmem>>, %arg17: memref<13440xf32, #tpu.memory_space<vmem>>, %arg18: memref<2240xf32, #tpu.memory_space<vmem>>, %arg19: memref<2240xf32, #tpu.memory_space<vmem>>, %arg20: memref<2240xf32, #tpu.memory_space<vmem>>, %arg21: memref<2240xf32, #tpu.memory_space<vmem>>, %arg22: memref<2240xf32, #tpu.memory_space<vmem>>, %arg23: memref<2240xf32, #tpu.memory_space<vmem>>, %arg24: memref<320xf32, #tpu.memory_space<vmem>>, %arg25: memref<64xf32, #tpu.memory_space<vmem>>, %arg26: memref<64xf32, #tpu.memory_space<vmem>>, %arg27: memref<192xf32, #tpu.memory_space<vmem>>, %arg28: memref<192xf32, #tpu.memory_space<vmem>>, %arg29: memref<111360xf32, #tpu.memory_space<vmem_shared>>, %arg30: memref<48xf32, #tpu.memory_space<vmem>>) attributes {dimension_semantics = [#tpu.dimension_semantics<core_parallel>, #tpu.dimension_semantics<subcore_parallel>], iteration_bounds = array<i64: 2, 16>, scalar_prefetch = 0 : i64, scratch_operands = 22 : i64, tpu.core_type = #tpu.core_type<sc_vector_subcore>, window_params = [{transform_indices = #map}, {transform_indices = #map}, {transform_indices = #map}, {transform_indices = #map}, {transform_indices = #map}, {transform_indices = #map}, {transform_indices = #map}]} {
    %lt3A = arith.constant 15 : i32
    %lt3A_0 = arith.cmpi slt, %arg1, %lt3A : i32
    %div3A = arith.constant 3 : i32
    %div3A_1 = arith.divsi %arg1, %div3A : i32
    %mul3A = arith.constant 5 : i32
    %mul3A_2 = arith.muli %arg0, %mul3A : i32
    %add3A = arith.constant 6 : i32
    %add3A_3 = arith.addi %add3A, %mul3A_2 : i32
    %add3A_4 = arith.addi %add3A_3, %div3A_1 : i32
    %rem3A = arith.constant 3 : i32
    %rem3A_5 = arith.remsi %arg1, %rem3A : i32
    %mul3A_6 = arith.constant 6720 : i32
    %mul3A_7 = arith.muli %rem3A_5, %mul3A_6 : i32
    %iota3A = tpu.iota {dimensions = array<i32: 0>} : vector<16xi32>
    %eq3A = arith.constant 0 : i32
    %eq3A_8 = vector.broadcast %eq3A : i32 to vector<16xi32>
    %eq3A_9 = arith.cmpi eq, %iota3A, %eq3A_8 : vector<16xi32>
    %convert_element_type3A = arith.extui %lt3A_0 : i1 to i32
    %cond3A = arith.constant 0 : i32
    %cond3A_10 = arith.cmpi ne, %convert_element_type3A, %cond3A : i32
    scf.if %cond3A_10 {
      %add3A_23 = arith.constant 0 : i32
      %add3A_24 = arith.addi %add3A_23, %mul3A_7 : i32
      "tpu.region"() ({
        %run_scoped3A = tpu.sem_alloc : memref<!tpu.dma_semaphore, #tpu.memory_space<semaphore_mem>>
        %dma_start3A = tpu.memref_slice %arg4[%add3A_24] : memref<80640xf32, #tpu.memory_space<hbm>> -> memref<6720xf32, #tpu.memory_space<hbm>>
        %dma_start3A_49 = tpu.memref_slice %arg4[%add3A_24] : memref<80640xf32, #tpu.memory_space<hbm>> -> memref<6720xf32, #tpu.memory_space<hbm>>
        tpu.enqueue_dma source(%dma_start3A_49 : memref<6720xf32, #tpu.memory_space<hbm>>) target(%arg9 : memref<6720xf32, #tpu.memory_space<vmem>>) target_semaphore(%run_scoped3A : memref<!tpu.dma_semaphore, #tpu.memory_space<semaphore_mem>>)
        %dma_wait3A = tpu.memref_slice %arg4[%add3A_24] : memref<80640xf32, #tpu.memory_space<hbm>> -> memref<6720xf32, #tpu.memory_space<hbm>>
        %dma_wait3A_50 = tpu.memref_slice %arg4[%add3A_24] : memref<80640xf32, #tpu.memory_space<hbm>> -> memref<6720xf32, #tpu.memory_space<hbm>>
        tpu.wait_dma2 semaphore(%run_scoped3A : memref<!tpu.dma_semaphore, #tpu.memory_space<semaphore_mem>>) src(%dma_wait3A_50 : memref<6720xf32, #tpu.memory_space<hbm>>) dst(%arg9 : memref<6720xf32, #tpu.memory_space<vmem>>)
        tpu.yield
      }) : () -> ()
      %add3A_25 = arith.constant 20160 : i32
      %add3A_26 = arith.addi %add3A_25, %mul3A_7 : i32
      "tpu.region"() ({
        %run_scoped3A = tpu.sem_alloc : memref<!tpu.dma_semaphore, #tpu.memory_space<semaphore_mem>>
        %dma_start3A = tpu.memref_slice %arg4[%add3A_26] : memref<80640xf32, #tpu.memory_space<hbm>> -> memref<6720xf32, #tpu.memory_space<hbm>>
        %dma_start3A_49 = tpu.memref_slice %arg4[%add3A_26] : memref<80640xf32, #tpu.memory_space<hbm>> -> memref<6720xf32, #tpu.memory_space<hbm>>
        tpu.enqueue_dma source(%dma_start3A_49 : memref<6720xf32, #tpu.memory_space<hbm>>) target(%arg10 : memref<6720xf32, #tpu.memory_space<vmem>>) target_semaphore(%run_scoped3A : memref<!tpu.dma_semaphore, #tpu.memory_space<semaphore_mem>>)
        %dma_wait3A = tpu.memref_slice %arg4[%add3A_26] : memref<80640xf32, #tpu.memory_space<hbm>> -> memref<6720xf32, #tpu.memory_space<hbm>>
        %dma_wait3A_50 = tpu.memref_slice %arg4[%add3A_26] : memref<80640xf32, #tpu.memory_space<hbm>> -> memref<6720xf32, #tpu.memory_space<hbm>>
        tpu.wait_dma2 semaphore(%run_scoped3A : memref<!tpu.dma_semaphore, #tpu.memory_space<semaphore_mem>>) src(%dma_wait3A_50 : memref<6720xf32, #tpu.memory_space<hbm>>) dst(%arg10 : memref<6720xf32, #tpu.memory_space<vmem>>)
        tpu.yield
      }) : () -> ()
      %add3A_27 = arith.constant 40320 : i32
      %add3A_28 = arith.addi %add3A_27, %mul3A_7 : i32
      "tpu.region"() ({
        %run_scoped3A = tpu.sem_alloc : memref<!tpu.dma_semaphore, #tpu.memory_space<semaphore_mem>>
        %dma_start3A = tpu.memref_slice %arg4[%add3A_28] : memref<80640xf32, #tpu.memory_space<hbm>> -> memref<6720xf32, #tpu.memory_space<hbm>>
        %dma_start3A_49 = tpu.memref_slice %arg4[%add3A_28] : memref<80640xf32, #tpu.memory_space<hbm>> -> memref<6720xf32, #tpu.memory_space<hbm>>
        tpu.enqueue_dma source(%dma_start3A_49 : memref<6720xf32, #tpu.memory_space<hbm>>) target(%arg11 : memref<6720xf32, #tpu.memory_space<vmem>>) target_semaphore(%run_scoped3A : memref<!tpu.dma_semaphore, #tpu.memory_space<semaphore_mem>>)
        %dma_wait3A = tpu.memref_slice %arg4[%add3A_28] : memref<80640xf32, #tpu.memory_space<hbm>> -> memref<6720xf32, #tpu.memory_space<hbm>>
        %dma_wait3A_50 = tpu.memref_slice %arg4[%add3A_28] : memref<80640xf32, #tpu.memory_space<hbm>> -> memref<6720xf32, #tpu.memory_space<hbm>>
        tpu.wait_dma2 semaphore(%run_scoped3A : memref<!tpu.dma_semaphore, #tpu.memory_space<semaphore_mem>>) src(%dma_wait3A_50 : memref<6720xf32, #tpu.memory_space<hbm>>) dst(%arg11 : memref<6720xf32, #tpu.memory_space<vmem>>)
        tpu.yield
      }) : () -> ()
      %add3A_29 = arith.constant 60480 : i32
      %add3A_30 = arith.addi %add3A_29, %mul3A_7 : i32
      "tpu.region"() ({
        %run_scoped3A = tpu.sem_alloc : memref<!tpu.dma_semaphore, #tpu.memory_space<semaphore_mem>>
        %dma_start3A = tpu.memref_slice %arg4[%add3A_30] : memref<80640xf32, #tpu.memory_space<hbm>> -> memref<6720xf32, #tpu.memory_space<hbm>>
        %dma_start3A_49 = tpu.memref_slice %arg4[%add3A_30] : memref<80640xf32, #tpu.memory_space<hbm>> -> memref<6720xf32, #tpu.memory_space<hbm>>
        tpu.enqueue_dma source(%dma_start3A_49 : memref<6720xf32, #tpu.memory_space<hbm>>) target(%arg12 : memref<6720xf32, #tpu.memory_space<vmem>>) target_semaphore(%run_scoped3A : memref<!tpu.dma_semaphore, #tpu.memory_space<semaphore_mem>>)
        %dma_wait3A = tpu.memref_slice %arg4[%add3A_30] : memref<80640xf32, #tpu.memory_space<hbm>> -> memref<6720xf32, #tpu.memory_space<hbm>>
        %dma_wait3A_50 = tpu.memref_slice %arg4[%add3A_30] : memref<80640xf32, #tpu.memory_space<hbm>> -> memref<6720xf32, #tpu.memory_space<hbm>>
        tpu.wait_dma2 semaphore(%run_scoped3A : memref<!tpu.dma_semaphore, #tpu.memory_space<semaphore_mem>>) src(%dma_wait3A_50 : memref<6720xf32, #tpu.memory_space<hbm>>) dst(%arg12 : memref<6720xf32, #tpu.memory_space<vmem>>)
        tpu.yield
      }) : () -> ()
      %mul3A_31 = arith.constant 5 : i32
      %mul3A_32 = arith.muli %add3A_4, %mul3A_31 : i32
      %mul3A_33 = arith.constant 64 : i32
      %mul3A_34 = arith.muli %mul3A_32, %mul3A_33 : i32
      "tpu.region"() ({
        %run_scoped3A = tpu.sem_alloc : memref<!tpu.dma_semaphore, #tpu.memory_space<semaphore_mem>>
        %dma_start3A = tpu.memref_slice %arg5[%mul3A_34] : memref<5120xf32, #tpu.memory_space<hbm>> -> memref<320xf32, #tpu.memory_space<hbm>>
        %dma_start3A_49 = tpu.memref_slice %arg5[%mul3A_34] : memref<5120xf32, #tpu.memory_space<hbm>> -> memref<320xf32, #tpu.memory_space<hbm>>
        tpu.enqueue_dma source(%dma_start3A_49 : memref<320xf32, #tpu.memory_space<hbm>>) target(%arg24 : memref<320xf32, #tpu.memory_space<vmem>>) target_semaphore(%run_scoped3A : memref<!tpu.dma_semaphore, #tpu.memory_space<semaphore_mem>>)
        %dma_wait3A = tpu.memref_slice %arg5[%mul3A_34] : memref<5120xf32, #tpu.memory_space<hbm>> -> memref<320xf32, #tpu.memory_space<hbm>>
        %dma_wait3A_50 = tpu.memref_slice %arg5[%mul3A_34] : memref<5120xf32, #tpu.memory_space<hbm>> -> memref<320xf32, #tpu.memory_space<hbm>>
        tpu.wait_dma2 semaphore(%run_scoped3A : memref<!tpu.dma_semaphore, #tpu.memory_space<semaphore_mem>>) src(%dma_wait3A_50 : memref<320xf32, #tpu.memory_space<hbm>>) dst(%arg24 : memref<320xf32, #tpu.memory_space<vmem>>)
        tpu.yield
      }) : () -> ()
      %parallel_loop3A = arith.constant 0 : i32
      %parallel_loop3A_35 = arith.constant 420 : i32
      %parallel_loop3A_36 = arith.constant 1 : i32
      scf.for %parallel_loop3A_49 = %parallel_loop3A to %parallel_loop3A_35 step %parallel_loop3A_36  : i32 {
        %parallel_loop3A_50 = arith.constant 16 : i32
        %parallel_loop3A_51 = arith.muli %parallel_loop3A_49, %parallel_loop3A_50 : i32
        %parallel_loop3A_52 = arith.index_cast %parallel_loop3A_51 : i32 to index
        %parallel_loop3A_53 = tpu.vector_load %arg9[%parallel_loop3A_52] {strides = array<i32>} : memref<6720xf32, #tpu.memory_space<vmem>>, vector<16xf32>,
        %parallel_loop3A_54 = arith.index_cast %parallel_loop3A_51 : i32 to index
        %parallel_loop3A_55 = tpu.vector_load %arg10[%parallel_loop3A_54] {strides = array<i32>} : memref<6720xf32, #tpu.memory_space<vmem>>, vector<16xf32>,
        %parallel_loop3A_56 = arith.index_cast %parallel_loop3A_51 : i32 to index
        %parallel_loop3A_57 = tpu.vector_load %arg11[%parallel_loop3A_56] {strides = array<i32>} : memref<6720xf32, #tpu.memory_space<vmem>>, vector<16xf32>,
        %parallel_loop3A_58 = arith.index_cast %parallel_loop3A_51 : i32 to index
        %parallel_loop3A_59 = tpu.vector_load %arg12[%parallel_loop3A_58] {strides = array<i32>} : memref<6720xf32, #tpu.memory_space<vmem>>, vector<16xf32>,
        %parallel_loop3A_60 = arith.constant 5.000000e-01 : f32
        %parallel_loop3A_61 = vector.broadcast %parallel_loop3A_60 : f32 to vector<16xf32>
        %parallel_loop3A_62 = arith.mulf %parallel_loop3A_57, %parallel_loop3A_61 : vector<16xf32>
        %parallel_loop3A_63 = arith.subf %parallel_loop3A_53, %parallel_loop3A_62 : vector<16xf32>
        %parallel_loop3A_64 = arith.index_cast %parallel_loop3A_51 : i32 to index
        %parallel_loop3A_65 = tpu.vector_load %arg9[%parallel_loop3A_64] {strides = array<i32>} : memref<6720xf32, #tpu.memory_space<vmem>>, vector<16xf32>,
        tpu.vector_store %arg9[%parallel_loop3A_64], %parallel_loop3A_63 {strides = array<i32>} : memref<6720xf32, #tpu.memory_space<vmem>>, vector<16xf32>,
        %parallel_loop3A_66 = arith.constant 5.000000e-01 : f32
        %parallel_loop3A_67 = vector.broadcast %parallel_loop3A_66 : f32 to vector<16xf32>
        %parallel_loop3A_68 = arith.mulf %parallel_loop3A_57, %parallel_loop3A_67 : vector<16xf32>
        %parallel_loop3A_69 = arith.addf %parallel_loop3A_53, %parallel_loop3A_68 : vector<16xf32>
        %parallel_loop3A_70 = arith.index_cast %parallel_loop3A_51 : i32 to index
        %parallel_loop3A_71 = tpu.vector_load %arg11[%parallel_loop3A_70] {strides = array<i32>} : memref<6720xf32, #tpu.memory_space<vmem>>, vector<16xf32>,
        tpu.vector_store %arg11[%parallel_loop3A_70], %parallel_loop3A_69 {strides = array<i32>} : memref<6720xf32, #tpu.memory_space<vmem>>, vector<16xf32>,
        %parallel_loop3A_72 = arith.constant 5.000000e-01 : f32
        %parallel_loop3A_73 = vector.broadcast %parallel_loop3A_72 : f32 to vector<16xf32>
        %parallel_loop3A_74 = arith.mulf %parallel_loop3A_59, %parallel_loop3A_73 : vector<16xf32>
        %parallel_loop3A_75 = arith.subf %parallel_loop3A_55, %parallel_loop3A_74 : vector<16xf32>
        %parallel_loop3A_76 = arith.index_cast %parallel_loop3A_51 : i32 to index
        %parallel_loop3A_77 = tpu.vector_load %arg10[%parallel_loop3A_76] {strides = array<i32>} : memref<6720xf32, #tpu.memory_space<vmem>>, vector<16xf32>,
        tpu.vector_store %arg10[%parallel_loop3A_76], %parallel_loop3A_75 {strides = array<i32>} : memref<6720xf32, #tpu.memory_space<vmem>>, vector<16xf32>,
        %parallel_loop3A_78 = arith.constant 5.000000e-01 : f32
        %parallel_loop3A_79 = vector.broadcast %parallel_loop3A_78 : f32 to vector<16xf32>
        %parallel_loop3A_80 = arith.mulf %parallel_loop3A_59, %parallel_loop3A_79 : vector<16xf32>
        %parallel_loop3A_81 = arith.addf %parallel_loop3A_55, %parallel_loop3A_80 : vector<16xf32>
        %parallel_loop3A_82 = arith.index_cast %parallel_loop3A_51 : i32 to index
        %parallel_loop3A_83 = tpu.vector_load %arg12[%parallel_loop3A_82] {strides = array<i32>} : memref<6720xf32, #tpu.memory_space<vmem>>, vector<16xf32>,
        tpu.vector_store %arg12[%parallel_loop3A_82], %parallel_loop3A_81 {strides = array<i32>} : memref<6720xf32, #tpu.memory_space<vmem>>, vector<16xf32>,
        %parallel_loop3A_84 = arith.mulf %parallel_loop3A_57, %parallel_loop3A_59 : vector<16xf32>
        %parallel_loop3A_85 = arith.index_cast %parallel_loop3A_51 : i32 to index
        %parallel_loop3A_86 = tpu.vector_load %arg13[%parallel_loop3A_85] {strides = array<i32>} : memref<6720xf32, #tpu.memory_space<vmem>>, vector<16xf32>,
        tpu.vector_store %arg13[%parallel_loop3A_85], %parallel_loop3A_84 {strides = array<i32>} : memref<6720xf32, #tpu.memory_space<vmem>>, vector<16xf32>,
        %parallel_loop3A_87 = arith.constant -3.000000e+38 : f32
        %parallel_loop3A_88 = vector.broadcast %parallel_loop3A_87 : f32 to vector<16xf32>
        %parallel_loop3A_89 = arith.index_cast %parallel_loop3A_51 : i32 to index
        %parallel_loop3A_90 = tpu.vector_load %arg14[%parallel_loop3A_89] {strides = array<i32>} : memref<6720xf32, #tpu.memory_space<vmem>>, vector<16xf32>,
        tpu.vector_store %arg14[%parallel_loop3A_89], %parallel_loop3A_88 {strides = array<i32>} : memref<6720xf32, #tpu.memory_space<vmem>>, vector<16xf32>,
        %parallel_loop3A_91 = arith.constant 0 : i32
        %parallel_loop3A_92 = vector.broadcast %parallel_loop3A_91 : i32 to vector<16xi32>
        %parallel_loop3A_93 = arith.index_cast %parallel_loop3A_51 : i32 to index
        %parallel_loop3A_94 = tpu.vector_load %arg15[%parallel_loop3A_93] {strides = array<i32>} : memref<6720xi32, #tpu.memory_space<vmem>>, vector<16xi32>,
        tpu.vector_store %arg15[%parallel_loop3A_93], %parallel_loop3A_92 {strides = array<i32>} : memref<6720xi32, #tpu.memory_space<vmem>>, vector<16xi32>,
      } {sc.loop_unroll_factor = 4 : i64, sc.parallel_access}
      %scan3A = arith.constant 0 : i32
      %scan3A_37 = arith.constant 0 : i32
      %scan3A_38 = arith.constant 50 : i32
      %scan3A_39 = arith.addi %scan3A_37, %scan3A_38 : i32
      %scan3A_40 = arith.constant 1 : i32
      %scan3A_41 = scf.for %scan3A_49 = %scan3A_37 to %scan3A_39 step %scan3A_40 iter_args(%scan3A_50 = %scan3A) -> (i32)  : i32 {
        %broadcast_in_dim3A = vector.broadcast %scan3A_49 : i32 to vector<16xi32>
        %gather3A = tpu.vector_load_idx %arg24[%broadcast_in_dim3A] : memref<320xf32, #tpu.memory_space<vmem>>[vector<16xi32>], vector<16xf32>,
        %add3A_51 = arith.constant 64 : i32
        %add3A_52 = vector.broadcast %add3A_51 : i32 to vector<16xi32>
        %add3A_53 = arith.addi %broadcast_in_dim3A, %add3A_52 : vector<16xi32>
        %gather3A_54 = tpu.vector_load_idx %arg24[%add3A_53] : memref<320xf32, #tpu.memory_space<vmem>>[vector<16xi32>], vector<16xf32>,
        %add3A_55 = arith.constant 128 : i32
        %add3A_56 = vector.broadcast %add3A_55 : i32 to vector<16xi32>
        %add3A_57 = arith.addi %broadcast_in_dim3A, %add3A_56 : vector<16xi32>
        %gather3A_58 = tpu.vector_load_idx %arg24[%add3A_57] : memref<320xf32, #tpu.memory_space<vmem>>[vector<16xi32>], vector<16xf32>,
        %add3A_59 = arith.constant 192 : i32
        %add3A_60 = vector.broadcast %add3A_59 : i32 to vector<16xi32>
        %add3A_61 = arith.addi %broadcast_in_dim3A, %add3A_60 : vector<16xi32>
        %gather3A_62 = tpu.vector_load_idx %arg24[%add3A_61] : memref<320xf32, #tpu.memory_space<vmem>>[vector<16xi32>], vector<16xf32>,
        %sub3A = arith.subf %gather3A_58, %gather3A : vector<16xf32>
        %sub3A_63 = arith.subf %gather3A_62, %gather3A_54 : vector<16xf32>
        %mul3A_64 = arith.mulf %sub3A, %sub3A_63 : vector<16xf32>
        %broadcast_in_dim3A_65 = arith.constant -3.000000e+38 : f32
        %broadcast_in_dim3A_66 = vector.broadcast %broadcast_in_dim3A_65 : f32 to vector<16xf32>
        %broadcast_in_dim3A_67 = arith.constant 0 : i32
        %broadcast_in_dim3A_68 = vector.broadcast %broadcast_in_dim3A_67 : i32 to vector<16xi32>
        %parallel_loop3A_69 = arith.constant 0 : i32
        %parallel_loop3A_70 = arith.constant 420 : i32
        %parallel_loop3A_71 = arith.constant 1 : i32
        %parallel_loop3A_72:2 = scf.for %parallel_loop3A_91 = %parallel_loop3A_69 to %parallel_loop3A_70 step %parallel_loop3A_71 iter_args(%parallel_loop3A_92 = %broadcast_in_dim3A_66, %parallel_loop3A_93 = %broadcast_in_dim3A_68) -> (vector<16xf32>, vector<16xi32>)  : i32 {
          %parallel_loop3A_94 = arith.constant 16 : i32
          %parallel_loop3A_95 = arith.muli %parallel_loop3A_91, %parallel_loop3A_94 : i32
          %parallel_loop3A_96 = arith.index_cast %parallel_loop3A_95 : i32 to index
          %parallel_loop3A_97 = tpu.vector_load %arg11[%parallel_loop3A_96] {strides = array<i32>} : memref<6720xf32, #tpu.memory_space<vmem>>, vector<16xf32>,
          %parallel_loop3A_98 = arith.minimumf %gather3A_58, %parallel_loop3A_97 : vector<16xf32>
          %parallel_loop3A_99 = arith.index_cast %parallel_loop3A_95 : i32 to index
          %parallel_loop3A_100 = tpu.vector_load %arg9[%parallel_loop3A_99] {strides = array<i32>} : memref<6720xf32, #tpu.memory_space<vmem>>, vector<16xf32>,
          %parallel_loop3A_101 = arith.maximumf %gather3A, %parallel_loop3A_100 : vector<16xf32>
          %parallel_loop3A_102 = arith.subf %parallel_loop3A_98, %parallel_loop3A_101 : vector<16xf32>
          %parallel_loop3A_103 = arith.constant 0.000000e+00 : f32
          %parallel_loop3A_104 = vector.broadcast %parallel_loop3A_103 : f32 to vector<16xf32>
          %parallel_loop3A_105 = arith.maximumf %parallel_loop3A_102, %parallel_loop3A_104 : vector<16xf32>
          %parallel_loop3A_106 = arith.index_cast %parallel_loop3A_95 : i32 to index
          %parallel_loop3A_107 = tpu.vector_load %arg12[%parallel_loop3A_106] {strides = array<i32>} : memref<6720xf32, #tpu.memory_space<vmem>>, vector<16xf32>,
          %parallel_loop3A_108 = arith.minimumf %gather3A_62, %parallel_loop3A_107 : vector<16xf32>
          %parallel_loop3A_109 = arith.index_cast %parallel_loop3A_95 : i32 to index
          %parallel_loop3A_110 = tpu.vector_load %arg10[%parallel_loop3A_109] {strides = array<i32>} : memref<6720xf32, #tpu.memory_space<vmem>>, vector<16xf32>,
          %parallel_loop3A_111 = arith.maximumf %gather3A_54, %parallel_loop3A_110 : vector<16xf32>
          %parallel_loop3A_112 = arith.subf %parallel_loop3A_108, %parallel_loop3A_111 : vector<16xf32>
          %parallel_loop3A_113 = arith.constant 0.000000e+00 : f32
          %parallel_loop3A_114 = vector.broadcast %parallel_loop3A_113 : f32 to vector<16xf32>
          %parallel_loop3A_115 = arith.maximumf %parallel_loop3A_112, %parallel_loop3A_114 : vector<16xf32>
          %parallel_loop3A_116 = arith.mulf %parallel_loop3A_105, %parallel_loop3A_115 : vector<16xf32>
          %parallel_loop3A_117 = arith.index_cast %parallel_loop3A_95 : i32 to index
          %parallel_loop3A_118 = tpu.vector_load %arg13[%parallel_loop3A_117] {strides = array<i32>} : memref<6720xf32, #tpu.memory_space<vmem>>, vector<16xf32>,
          %parallel_loop3A_119 = arith.addf %mul3A_64, %parallel_loop3A_118 : vector<16xf32>
          %parallel_loop3A_120 = arith.subf %parallel_loop3A_119, %parallel_loop3A_116 : vector<16xf32>
          %parallel_loop3A_121 = arith.divf %parallel_loop3A_116, %parallel_loop3A_120 : vector<16xf32>
          %parallel_loop3A_122 = arith.constant 16 : i32
          %parallel_loop3A_123 = arith.muli %parallel_loop3A_91, %parallel_loop3A_122 : i32
          %parallel_loop3A_124 = vector.broadcast %parallel_loop3A_123 : i32 to vector<16xi32>
          %parallel_loop3A_125 = arith.addi %iota3A, %parallel_loop3A_124 : vector<16xi32>
          %parallel_loop3A_126 = arith.index_cast %parallel_loop3A_95 : i32 to index
          %parallel_loop3A_127 = tpu.vector_load %arg14[%parallel_loop3A_126] {strides = array<i32>} : memref<6720xf32, #tpu.memory_space<vmem>>, vector<16xf32>,
          %parallel_loop3A_128 = arith.cmpf ogt, %parallel_loop3A_121, %parallel_loop3A_127 : vector<16xf32>
          tpu.vector_store_idx %arg14[%parallel_loop3A_125], %parallel_loop3A_121 masked %parallel_loop3A_128 : memref<6720xf32, #tpu.memory_space<vmem>>[vector<16xi32>], vector<16xf32>, vector<16xi1>
          tpu.vector_store_idx %arg15[%parallel_loop3A_125], %broadcast_in_dim3A masked %parallel_loop3A_128 : memref<6720xi32, #tpu.memory_space<vmem>>[vector<16xi32>], vector<16xi32>, vector<16xi1>
          %parallel_loop3A_129 = arith.cmpf ogt, %parallel_loop3A_121, %parallel_loop3A_92 : vector<16xf32>
          %parallel_loop3A_130 = arith.select %parallel_loop3A_129, %parallel_loop3A_121, %parallel_loop3A_92 : vector<16xi1>, vector<16xf32>
          %parallel_loop3A_131 = arith.select %parallel_loop3A_129, %parallel_loop3A_125, %parallel_loop3A_93 : vector<16xi1>, vector<16xi32>
          scf.yield %parallel_loop3A_130, %parallel_loop3A_131 : vector<16xf32>, vector<16xi32>
        } {sc.loop_unroll_factor = 4 : i64, sc.parallel_access}
        %reduce_max3A = arith.constant true
        %reduce_max3A_73 = vector.broadcast %reduce_max3A : i1 to vector<16xi1>
        %reduce_max3A_74 = tpu.scan <max>, %parallel_loop3A_72#0 masked %reduce_max3A_73 : vector<16xf32>, vector<16xi1> -> vector<16xf32>
        %reduce_max3A_75 = vector.extract %reduce_max3A_74[15] : f32 from vector<16xf32>
        %eq3A_76 = vector.broadcast %reduce_max3A_75 : f32 to vector<16xf32>
        %eq3A_77 = arith.cmpf oeq, %parallel_loop3A_72#0, %eq3A_76 : vector<16xf32>
        %jit3A = arith.constant 1073741824 : i32
        %broadcast_in_dim3A_78 = vector.broadcast %jit3A : i32 to vector<16xi32>
        %select_n3A = arith.select %eq3A_77, %parallel_loop3A_72#1, %broadcast_in_dim3A_78 : vector<16xi1>, vector<16xi32>
        %reduce_min3A = arith.constant true
        %reduce_min3A_79 = vector.broadcast %reduce_min3A : i1 to vector<16xi1>
        %reduce_min3A_80 = arith.constant -2147483648 : i32
        %reduce_min3A_81 = vector.broadcast %reduce_min3A_80 : i32 to vector<16xi32>
        %reduce_min3A_82 = arith.xori %select_n3A, %reduce_min3A_81 : vector<16xi32>
        %reduce_min3A_83 = tpu.scan <min>, %reduce_min3A_82 masked %reduce_min3A_79 : vector<16xi32>, vector<16xi1> -> vector<16xi32>
        %reduce_min3A_84 = arith.xori %reduce_min3A_83, %reduce_min3A_81 : vector<16xi32>
        %reduce_min3A_85 = vector.extract %reduce_min3A_84[15] : i32 from vector<16xi32>
        %add3A_86 = arith.addi %reduce_min3A_85, %mul3A_7 : i32
        %broadcast_in_dim3A_87 = vector.broadcast %reduce_max3A_75 : f32 to vector<16xf32>
        tpu.vector_store_idx %arg25[%broadcast_in_dim3A], %broadcast_in_dim3A_87 masked %eq3A_9 : memref<64xf32, #tpu.memory_space<vmem>>[vector<16xi32>], vector<16xf32>, vector<16xi1>
        %convert_element_type3A_88 = arith.sitofp %add3A_86 : i32 to f32
        %broadcast_in_dim3A_89 = vector.broadcast %convert_element_type3A_88 : f32 to vector<16xf32>
        tpu.vector_store_idx %arg26[%broadcast_in_dim3A], %broadcast_in_dim3A_89 masked %eq3A_9 : memref<64xf32, #tpu.memory_space<vmem>>[vector<16xi32>], vector<16xf32>, vector<16xi1>
        %scan3A_90 = arith.constant 0 : i32
        scf.yield %scan3A_90 : i32
      }
      %scan3A_42 = arith.constant 50 : i32
      %mul3A_43 = arith.constant 6960 : i32
      %mul3A_44 = arith.muli %arg1, %mul3A_43 : i32
      "tpu.region"() ({
        %run_scoped3A = tpu.sem_alloc : memref<!tpu.dma_semaphore, #tpu.memory_space<semaphore_mem>>
        %dma_start3A = tpu.memref_slice %arg29[%mul3A_44] : memref<111360xf32, #tpu.memory_space<vmem_shared>> -> memref<64xf32, #tpu.memory_space<vmem_shared>>
        %dma_start3A_49 = tpu.memref_slice %arg29[%mul3A_44] : memref<111360xf32, #tpu.memory_space<vmem_shared>> -> memref<64xf32, #tpu.memory_space<vmem_shared>>
        tpu.enqueue_dma source(%arg25 : memref<64xf32, #tpu.memory_space<vmem>>) target(%dma_start3A_49 : memref<64xf32, #tpu.memory_space<vmem_shared>>) target_semaphore(%run_scoped3A : memref<!tpu.dma_semaphore, #tpu.memory_space<semaphore_mem>>)
        %dma_wait3A = tpu.memref_slice %arg29[%mul3A_44] : memref<111360xf32, #tpu.memory_space<vmem_shared>> -> memref<64xf32, #tpu.memory_space<vmem_shared>>
        %dma_wait3A_50 = tpu.memref_slice %arg29[%mul3A_44] : memref<111360xf32, #tpu.memory_space<vmem_shared>> -> memref<64xf32, #tpu.memory_space<vmem_shared>>
        tpu.wait_dma2 semaphore(%run_scoped3A : memref<!tpu.dma_semaphore, #tpu.memory_space<semaphore_mem>>) src(%arg25 : memref<64xf32, #tpu.memory_space<vmem>>) dst(%dma_wait3A_50 : memref<64xf32, #tpu.memory_space<vmem_shared>>)
        tpu.yield
      }) : () -> ()
      %mul3A_45 = arith.constant 6960 : i32
      %mul3A_46 = arith.muli %arg1, %mul3A_45 : i32
      %add3A_47 = arith.constant 64 : i32
      %add3A_48 = arith.addi %mul3A_46, %add3A_47 : i32
      "tpu.region"() ({
        %run_scoped3A = tpu.sem_alloc : memref<!tpu.dma_semaphore, #tpu.memory_space<semaphore_mem>>
        %dma_start3A = tpu.memref_slice %arg29[%add3A_48] : memref<111360xf32, #tpu.memory_space<vmem_shared>> -> memref<64xf32, #tpu.memory_space<vmem_shared>>
        %dma_start3A_49 = tpu.memref_slice %arg29[%add3A_48] : memref<111360xf32, #tpu.memory_space<vmem_shared>> -> memref<64xf32, #tpu.memory_space<vmem_shared>>
        tpu.enqueue_dma source(%arg26 : memref<64xf32, #tpu.memory_space<vmem>>) target(%dma_start3A_49 : memref<64xf32, #tpu.memory_space<vmem_shared>>) target_semaphore(%run_scoped3A : memref<!tpu.dma_semaphore, #tpu.memory_space<semaphore_mem>>)
        %dma_wait3A = tpu.memref_slice %arg29[%add3A_48] : memref<111360xf32, #tpu.memory_space<vmem_shared>> -> memref<64xf32, #tpu.memory_space<vmem_shared>>
        %dma_wait3A_50 = tpu.memref_slice %arg29[%add3A_48] : memref<111360xf32, #tpu.memory_space<vmem_shared>> -> memref<64xf32, #tpu.memory_space<vmem_shared>>
        tpu.wait_dma2 semaphore(%run_scoped3A : memref<!tpu.dma_semaphore, #tpu.memory_space<semaphore_mem>>) src(%arg26 : memref<64xf32, #tpu.memory_space<vmem>>) dst(%dma_wait3A_50 : memref<64xf32, #tpu.memory_space<vmem_shared>>)
        tpu.yield
      }) : () -> ()
    } else {
    }
    %barrier3A = arith.constant 0 : index
    tpu.barrier barrier_id(%barrier3A)
    %convert_element_type3A_11 = arith.extui %lt3A_0 : i1 to i32
    %cond3A_12 = arith.constant 0 : i32
    %cond3A_13 = arith.cmpi ne, %convert_element_type3A_11, %cond3A_12 : i32
    scf.if %cond3A_13 {
      %mul3A_23 = arith.constant 3 : i32
      %mul3A_24 = arith.muli %div3A_1, %mul3A_23 : i32
      %add3A_25 = arith.constant 0 : i32
      %add3A_26 = arith.addi %mul3A_24, %add3A_25 : i32
      %mul3A_27 = arith.constant 6960 : i32
      %mul3A_28 = arith.muli %add3A_26, %mul3A_27 : i32
      "tpu.region"() ({
        %run_scoped3A = tpu.sem_alloc : memref<!tpu.dma_semaphore, #tpu.memory_space<semaphore_mem>>
        %dma_start3A = arith.constant 0 : i32
        %dma_start3A_47 = tpu.memref_slice %arg27[%dma_start3A] : memref<192xf32, #tpu.memory_space<vmem>> -> memref<64xf32, #tpu.memory_space<vmem>>
        %dma_start3A_48 = tpu.memref_slice %arg29[%mul3A_28] : memref<111360xf32, #tpu.memory_space<vmem_shared>> -> memref<64xf32, #tpu.memory_space<vmem_shared>>
        %dma_start3A_49 = arith.constant 0 : i32
        %dma_start3A_50 = tpu.memref_slice %arg27[%dma_start3A_49] : memref<192xf32, #tpu.memory_space<vmem>> -> memref<64xf32, #tpu.memory_space<vmem>>
        %dma_start3A_51 = tpu.memref_slice %arg29[%mul3A_28] : memref<111360xf32, #tpu.memory_space<vmem_shared>> -> memref<64xf32, #tpu.memory_space<vmem_shared>>
        tpu.enqueue_dma source(%dma_start3A_51 : memref<64xf32, #tpu.memory_space<vmem_shared>>) target(%dma_start3A_50 : memref<64xf32, #tpu.memory_space<vmem>>) target_semaphore(%run_scoped3A : memref<!tpu.dma_semaphore, #tpu.memory_space<semaphore_mem>>)
        %dma_wait3A = arith.constant 0 : i32
        %dma_wait3A_52 = tpu.memref_slice %arg27[%dma_wait3A] : memref<192xf32, #tpu.memory_space<vmem>> -> memref<64xf32, #tpu.memory_space<vmem>>
        %dma_wait3A_53 = tpu.memref_slice %arg29[%mul3A_28] : memref<111360xf32, #tpu.memory_space<vmem_shared>> -> memref<64xf32, #tpu.memory_space<vmem_shared>>
        %dma_wait3A_54 = arith.constant 0 : i32
        %dma_wait3A_55 = tpu.memref_slice %arg27[%dma_wait3A_54] : memref<192xf32, #tpu.memory_space<vmem>> -> memref<64xf32, #tpu.memory_space<vmem>>
        %dma_wait3A_56 = tpu.memref_slice %arg29[%mul3A_28] : memref<111360xf32, #tpu.memory_space<vmem_shared>> -> memref<64xf32, #tpu.memory_space<vmem_shared>>
        tpu.wait_dma2 semaphore(%run_scoped3A : memref<!tpu.dma_semaphore, #tpu.memory_space<semaphore_mem>>) src(%dma_wait3A_56 : memref<64xf32, #tpu.memory_space<vmem_shared>>) dst(%dma_wait3A_55 : memref<64xf32, #tpu.memory_space<vmem>>)
        tpu.yield
      }) : () -> ()
      %add3A_29 = arith.constant 64 : i32
      %add3A_30 = arith.addi %mul3A_28, %add3A_29 : i32
      "tpu.region"() ({
        %run_scoped3A = tpu.sem_alloc : memref<!tpu.dma_semaphore, #tpu.memory_space<semaphore_mem>>
        %dma_start3A = arith.constant 0 : i32
        %dma_start3A_47 = tpu.memref_slice %arg28[%dma_start3A] : memref<192xf32, #tpu.memory_space<vmem>> -> memref<64xf32, #tpu.memory_space<vmem>>
        %dma_start3A_48 = tpu.memref_slice %arg29[%add3A_30] : memref<111360xf32, #tpu.memory_space<vmem_shared>> -> memref<64xf32, #tpu.memory_space<vmem_shared>>
        %dma_start3A_49 = arith.constant 0 : i32
        %dma_start3A_50 = tpu.memref_slice %arg28[%dma_start3A_49] : memref<192xf32, #tpu.memory_space<vmem>> -> memref<64xf32, #tpu.memory_space<vmem>>
        %dma_start3A_51 = tpu.memref_slice %arg29[%add3A_30] : memref<111360xf32, #tpu.memory_space<vmem_shared>> -> memref<64xf32, #tpu.memory_space<vmem_shared>>
        tpu.enqueue_dma source(%dma_start3A_51 : memref<64xf32, #tpu.memory_space<vmem_shared>>) target(%dma_start3A_50 : memref<64xf32, #tpu.memory_space<vmem>>) target_semaphore(%run_scoped3A : memref<!tpu.dma_semaphore, #tpu.memory_space<semaphore_mem>>)
        %dma_wait3A = arith.constant 0 : i32
        %dma_wait3A_52 = tpu.memref_slice %arg28[%dma_wait3A] : memref<192xf32, #tpu.memory_space<vmem>> -> memref<64xf32, #tpu.memory_space<vmem>>
        %dma_wait3A_53 = tpu.memref_slice %arg29[%add3A_30] : memref<111360xf32, #tpu.memory_space<vmem_shared>> -> memref<64xf32, #tpu.memory_space<vmem_shared>>
        %dma_wait3A_54 = arith.constant 0 : i32
        %dma_wait3A_55 = tpu.memref_slice %arg28[%dma_wait3A_54] : memref<192xf32, #tpu.memory_space<vmem>> -> memref<64xf32, #tpu.memory_space<vmem>>
        %dma_wait3A_56 = tpu.memref_slice %arg29[%add3A_30] : memref<111360xf32, #tpu.memory_space<vmem_shared>> -> memref<64xf32, #tpu.memory_space<vmem_shared>>
        tpu.wait_dma2 semaphore(%run_scoped3A : memref<!tpu.dma_semaphore, #tpu.memory_space<semaphore_mem>>) src(%dma_wait3A_56 : memref<64xf32, #tpu.memory_space<vmem_shared>>) dst(%dma_wait3A_55 : memref<64xf32, #tpu.memory_space<vmem>>)
        tpu.yield
      }) : () -> ()
      %mul3A_31 = arith.constant 3 : i32
      %mul3A_32 = arith.muli %div3A_1, %mul3A_31 : i32
      %add3A_33 = arith.constant 1 : i32
      %add3A_34 = arith.addi %mul3A_32, %add3A_33 : i32
      %mul3A_35 = arith.constant 6960 : i32
      %mul3A_36 = arith.muli %add3A_34, %mul3A_35 : i32
      "tpu.region"() ({
        %run_scoped3A = tpu.sem_alloc : memref<!tpu.dma_semaphore, #tpu.memory_space<semaphore_mem>>
        %dma_start3A = arith.constant 64 : i32
        %dma_start3A_47 = tpu.memref_slice %arg27[%dma_start3A] : memref<192xf32, #tpu.memory_space<vmem>> -> memref<64xf32, #tpu.memory_space<vmem>>
        %dma_start3A_48 = tpu.memref_slice %arg29[%mul3A_36] : memref<111360xf32, #tpu.memory_space<vmem_shared>> -> memref<64xf32, #tpu.memory_space<vmem_shared>>
        %dma_start3A_49 = arith.constant 64 : i32
        %dma_start3A_50 = tpu.memref_slice %arg27[%dma_start3A_49] : memref<192xf32, #tpu.memory_space<vmem>> -> memref<64xf32, #tpu.memory_space<vmem>>
        %dma_start3A_51 = tpu.memref_slice %arg29[%mul3A_36] : memref<111360xf32, #tpu.memory_space<vmem_shared>> -> memref<64xf32, #tpu.memory_space<vmem_shared>>
        tpu.enqueue_dma source(%dma_start3A_51 : memref<64xf32, #tpu.memory_space<vmem_shared>>) target(%dma_start3A_50 : memref<64xf32, #tpu.memory_space<vmem>>) target_semaphore(%run_scoped3A : memref<!tpu.dma_semaphore, #tpu.memory_space<semaphore_mem>>)
        %dma_wait3A = arith.constant 64 : i32
        %dma_wait3A_52 = tpu.memref_slice %arg27[%dma_wait3A] : memref<192xf32, #tpu.memory_space<vmem>> -> memref<64xf32, #tpu.memory_space<vmem>>
        %dma_wait3A_53 = tpu.memref_slice %arg29[%mul3A_36] : memref<111360xf32, #tpu.memory_space<vmem_shared>> -> memref<64xf32, #tpu.memory_space<vmem_shared>>
        %dma_wait3A_54 = arith.constant 64 : i32
        %dma_wait3A_55 = tpu.memref_slice %arg27[%dma_wait3A_54] : memref<192xf32, #tpu.memory_space<vmem>> -> memref<64xf32, #tpu.memory_space<vmem>>
        %dma_wait3A_56 = tpu.memref_slice %arg29[%mul3A_36] : memref<111360xf32, #tpu.memory_space<vmem_shared>> -> memref<64xf32, #tpu.memory_space<vmem_shared>>
        tpu.wait_dma2 semaphore(%run_scoped3A : memref<!tpu.dma_semaphore, #tpu.memory_space<semaphore_mem>>) src(%dma_wait3A_56 : memref<64xf32, #tpu.memory_space<vmem_shared>>) dst(%dma_wait3A_55 : memref<64xf32, #tpu.memory_space<vmem>>)
        tpu.yield
      }) : () -> ()
      %add3A_37 = arith.constant 64 : i32
      %add3A_38 = arith.addi %mul3A_36, %add3A_37 : i32
      "tpu.region"() ({
        %run_scoped3A = tpu.sem_alloc : memref<!tpu.dma_semaphore, #tpu.memory_space<semaphore_mem>>
        %dma_start3A = arith.constant 64 : i32
        %dma_start3A_47 = tpu.memref_slice %arg28[%dma_start3A] : memref<192xf32, #tpu.memory_space<vmem>> -> memref<64xf32, #tpu.memory_space<vmem>>
        %dma_start3A_48 = tpu.memref_slice %arg29[%add3A_38] : memref<111360xf32, #tpu.memory_space<vmem_shared>> -> memref<64xf32, #tpu.memory_space<vmem_shared>>
        %dma_start3A_49 = arith.constant 64 : i32
        %dma_start3A_50 = tpu.memref_slice %arg28[%dma_start3A_49] : memref<192xf32, #tpu.memory_space<vmem>> -> memref<64xf32, #tpu.memory_space<vmem>>
        %dma_start3A_51 = tpu.memref_slice %arg29[%add3A_38] : memref<111360xf32, #tpu.memory_space<vmem_shared>> -> memref<64xf32, #tpu.memory_space<vmem_shared>>
        tpu.enqueue_dma source(%dma_start3A_51 : memref<64xf32, #tpu.memory_space<vmem_shared>>) target(%dma_start3A_50 : memref<64xf32, #tpu.memory_space<vmem>>) target_semaphore(%run_scoped3A : memref<!tpu.dma_semaphore, #tpu.memory_space<semaphore_mem>>)
        %dma_wait3A = arith.constant 64 : i32
        %dma_wait3A_52 = tpu.memref_slice %arg28[%dma_wait3A] : memref<192xf32, #tpu.memory_space<vmem>> -> memref<64xf32, #tpu.memory_space<vmem>>
        %dma_wait3A_53 = tpu.memref_slice %arg29[%add3A_38] : memref<111360xf32, #tpu.memory_space<vmem_shared>> -> memref<64xf32, #tpu.memory_space<vmem_shared>>
        %dma_wait3A_54 = arith.constant 64 : i32
        %dma_wait3A_55 = tpu.memref_slice %arg28[%dma_wait3A_54] : memref<192xf32, #tpu.memory_space<vmem>> -> memref<64xf32, #tpu.memory_space<vmem>>
        %dma_wait3A_56 = tpu.memref_slice %arg29[%add3A_38] : memref<111360xf32, #tpu.memory_space<vmem_shared>> -> memref<64xf32, #tpu.memory_space<vmem_shared>>
        tpu.wait_dma2 semaphore(%run_scoped3A : memref<!tpu.dma_semaphore, #tpu.memory_space<semaphore_mem>>) src(%dma_wait3A_56 : memref<64xf32, #tpu.memory_space<vmem_shared>>) dst(%dma_wait3A_55 : memref<64xf32, #tpu.memory_space<vmem>>)
        tpu.yield
      }) : () -> ()
      %mul3A_39 = arith.constant 3 : i32
      %mul3A_40 = arith.muli %div3A_1, %mul3A_39 : i32
      %add3A_41 = arith.constant 2 : i32
      %add3A_42 = arith.addi %mul3A_40, %add3A_41 : i32
      %mul3A_43 = arith.constant 6960 : i32
      %mul3A_44 = arith.muli %add3A_42, %mul3A_43 : i32
      "tpu.region"() ({
        %run_scoped3A = tpu.sem_alloc : memref<!tpu.dma_semaphore, #tpu.memory_space<semaphore_mem>>
        %dma_start3A = arith.constant 128 : i32
        %dma_start3A_47 = tpu.memref_slice %arg27[%dma_start3A] : memref<192xf32, #tpu.memory_space<vmem>> -> memref<64xf32, #tpu.memory_space<vmem>>
        %dma_start3A_48 = tpu.memref_slice %arg29[%mul3A_44] : memref<111360xf32, #tpu.memory_space<vmem_shared>> -> memref<64xf32, #tpu.memory_space<vmem_shared>>
        %dma_start3A_49 = arith.constant 128 : i32
        %dma_start3A_50 = tpu.memref_slice %arg27[%dma_start3A_49] : memref<192xf32, #tpu.memory_space<vmem>> -> memref<64xf32, #tpu.memory_space<vmem>>
        %dma_start3A_51 = tpu.memref_slice %arg29[%mul3A_44] : memref<111360xf32, #tpu.memory_space<vmem_shared>> -> memref<64xf32, #tpu.memory_space<vmem_shared>>
        tpu.enqueue_dma source(%dma_start3A_51 : memref<64xf32, #tpu.memory_space<vmem_shared>>) target(%dma_start3A_50 : memref<64xf32, #tpu.memory_space<vmem>>) target_semaphore(%run_scoped3A : memref<!tpu.dma_semaphore, #tpu.memory_space<semaphore_mem>>)
        %dma_wait3A = arith.constant 128 : i32
        %dma_wait3A_52 = tpu.memref_slice %arg27[%dma_wait3A] : memref<192xf32, #tpu.memory_space<vmem>> -> memref<64xf32, #tpu.memory_space<vmem>>
        %dma_wait3A_53 = tpu.memref_slice %arg29[%mul3A_44] : memref<111360xf32, #tpu.memory_space<vmem_shared>> -> memref<64xf32, #tpu.memory_space<vmem_shared>>
        %dma_wait3A_54 = arith.constant 128 : i32
        %dma_wait3A_55 = tpu.memref_slice %arg27[%dma_wait3A_54] : memref<192xf32, #tpu.memory_space<vmem>> -> memref<64xf32, #tpu.memory_space<vmem>>
        %dma_wait3A_56 = tpu.memref_slice %arg29[%mul3A_44] : memref<111360xf32, #tpu.memory_space<vmem_shared>> -> memref<64xf32, #tpu.memory_space<vmem_shared>>
        tpu.wait_dma2 semaphore(%run_scoped3A : memref<!tpu.dma_semaphore, #tpu.memory_space<semaphore_mem>>) src(%dma_wait3A_56 : memref<64xf32, #tpu.memory_space<vmem_shared>>) dst(%dma_wait3A_55 : memref<64xf32, #tpu.memory_space<vmem>>)
        tpu.yield
      }) : () -> ()
      %add3A_45 = arith.constant 64 : i32
      %add3A_46 = arith.addi %mul3A_44, %add3A_45 : i32
      "tpu.region"() ({
        %run_scoped3A = tpu.sem_alloc : memref<!tpu.dma_semaphore, #tpu.memory_space<semaphore_mem>>
        %dma_start3A = arith.constant 128 : i32
        %dma_start3A_47 = tpu.memref_slice %arg28[%dma_start3A] : memref<192xf32, #tpu.memory_space<vmem>> -> memref<64xf32, #tpu.memory_space<vmem>>
        %dma_start3A_48 = tpu.memref_slice %arg29[%add3A_46] : memref<111360xf32, #tpu.memory_space<vmem_shared>> -> memref<64xf32, #tpu.memory_space<vmem_shared>>
        %dma_start3A_49 = arith.constant 128 : i32
        %dma_start3A_50 = tpu.memref_slice %arg28[%dma_start3A_49] : memref<192xf32, #tpu.memory_space<vmem>> -> memref<64xf32, #tpu.memory_space<vmem>>
        %dma_start3A_51 = tpu.memref_slice %arg29[%add3A_46] : memref<111360xf32, #tpu.memory_space<vmem_shared>> -> memref<64xf32, #tpu.memory_space<vmem_shared>>
        tpu.enqueue_dma source(%dma_start3A_51 : memref<64xf32, #tpu.memory_space<vmem_shared>>) target(%dma_start3A_50 : memref<64xf32, #tpu.memory_space<vmem>>) target_semaphore(%run_scoped3A : memref<!tpu.dma_semaphore, #tpu.memory_space<semaphore_mem>>)
        %dma_wait3A = arith.constant 128 : i32
        %dma_wait3A_52 = tpu.memref_slice %arg28[%dma_wait3A] : memref<192xf32, #tpu.memory_space<vmem>> -> memref<64xf32, #tpu.memory_space<vmem>>
        %dma_wait3A_53 = tpu.memref_slice %arg29[%add3A_46] : memref<111360xf32, #tpu.memory_space<vmem_shared>> -> memref<64xf32, #tpu.memory_space<vmem_shared>>
        %dma_wait3A_54 = arith.constant 128 : i32
        %dma_wait3A_55 = tpu.memref_slice %arg28[%dma_wait3A_54] : memref<192xf32, #tpu.memory_space<vmem>> -> memref<64xf32, #tpu.memory_space<vmem>>
        %dma_wait3A_56 = tpu.memref_slice %arg29[%add3A_46] : memref<111360xf32, #tpu.memory_space<vmem_shared>> -> memref<64xf32, #tpu.memory_space<vmem_shared>>
        tpu.wait_dma2 semaphore(%run_scoped3A : memref<!tpu.dma_semaphore, #tpu.memory_space<semaphore_mem>>) src(%dma_wait3A_56 : memref<64xf32, #tpu.memory_space<vmem_shared>>) dst(%dma_wait3A_55 : memref<64xf32, #tpu.memory_space<vmem>>)
        tpu.yield
      }) : () -> ()
    } else {
    }
    %convert_element_type3A_14 = arith.extui %lt3A_0 : i1 to i32
    %cond3A_15 = arith.constant 0 : i32
    %cond3A_16 = arith.cmpi ne, %convert_element_type3A_14, %cond3A_15 : i32
    scf.if %cond3A_16 {
      %scan3A = arith.constant 0 : i32
      %scan3A_23 = arith.constant 0 : i32
      %scan3A_24 = arith.constant 50 : i32
      %scan3A_25 = arith.addi %scan3A_23, %scan3A_24 : i32
      %scan3A_26 = arith.constant 1 : i32
      %scan3A_27 = scf.for %scan3A_57 = %scan3A_23 to %scan3A_25 step %scan3A_26 iter_args(%scan3A_58 = %scan3A) -> (i32)  : i32 {
        %div3A_59 = arith.constant 16 : i32
        %div3A_60 = arith.divsi %scan3A_57, %div3A_59 : i32
        %mul3A_61 = arith.constant 16 : i32
        %mul3A_62 = arith.muli %div3A_60, %mul3A_61 : i32
        %rem3A_63 = arith.constant 16 : i32
        %rem3A_64 = arith.remsi %scan3A_57, %rem3A_63 : i32
        %add3A_65 = arith.constant 0 : i32
        %add3A_66 = arith.addi %add3A_65, %mul3A_62 : i32
        %get3A = arith.index_cast %add3A_66 : i32 to index
        %get3A_67 = tpu.vector_load %arg27[%get3A] {strides = array<i32>} : memref<192xf32, #tpu.memory_space<vmem>>, vector<16xf32>,
        %eq3A_68 = vector.broadcast %rem3A_64 : i32 to vector<16xi32>
        %eq3A_69 = arith.cmpi eq, %iota3A, %eq3A_68 : vector<16xi32>
        %jit3A = arith.constant -3.000000e+38 : f32
        %broadcast_in_dim3A_70 = vector.broadcast %jit3A : f32 to vector<16xf32>
        %select_n3A = arith.select %eq3A_69, %get3A_67, %broadcast_in_dim3A_70 : vector<16xi1>, vector<16xf32>
        %reduce_max3A = arith.constant true
        %reduce_max3A_71 = vector.broadcast %reduce_max3A : i1 to vector<16xi1>
        %reduce_max3A_72 = tpu.scan <max>, %select_n3A masked %reduce_max3A_71 : vector<16xf32>, vector<16xi1> -> vector<16xf32>
        %reduce_max3A_73 = vector.extract %reduce_max3A_72[15] : f32 from vector<16xf32>
        %add3A_74 = arith.constant 0 : i32
        %add3A_75 = arith.addi %add3A_74, %mul3A_62 : i32
        %get3A_76 = arith.index_cast %add3A_75 : i32 to index
        %get3A_77 = tpu.vector_load %arg28[%get3A_76] {strides = array<i32>} : memref<192xf32, #tpu.memory_space<vmem>>, vector<16xf32>,
        %eq3A_78 = vector.broadcast %rem3A_64 : i32 to vector<16xi32>
        %eq3A_79 = arith.cmpi eq, %iota3A, %eq3A_78 : vector<16xi32>
        %jit3A_80 = arith.constant -3.000000e+38 : f32
        %broadcast_in_dim3A_81 = vector.broadcast %jit3A_80 : f32 to vector<16xf32>
        %select_n3A_82 = arith.select %eq3A_79, %get3A_77, %broadcast_in_dim3A_81 : vector<16xi1>, vector<16xf32>
        %reduce_max3A_83 = arith.constant true
        %reduce_max3A_84 = vector.broadcast %reduce_max3A_83 : i1 to vector<16xi1>
        %reduce_max3A_85 = tpu.scan <max>, %select_n3A_82 masked %reduce_max3A_84 : vector<16xf32>, vector<16xi1> -> vector<16xf32>
        %reduce_max3A_86 = vector.extract %reduce_max3A_85[15] : f32 from vector<16xf32>
        %gt3A_87 = arith.constant -3.000000e+38 : f32
        %gt3A_88 = arith.cmpf ogt, %reduce_max3A_73, %gt3A_87 : f32
        %jit3A_89 = arith.constant -3.000000e+38 : f32
        %select_n3A_90 = arith.select %gt3A_88, %reduce_max3A_73, %jit3A_89 : f32
        %jit3A_91 = arith.constant 0.000000e+00 : f32
        %select_n3A_92 = arith.select %gt3A_88, %reduce_max3A_86, %jit3A_91 : f32
        %add3A_93 = arith.constant 64 : i32
        %add3A_94 = arith.addi %add3A_93, %mul3A_62 : i32
        %get3A_95 = arith.index_cast %add3A_94 : i32 to index
        %get3A_96 = tpu.vector_load %arg27[%get3A_95] {strides = array<i32>} : memref<192xf32, #tpu.memory_space<vmem>>, vector<16xf32>,
        %eq3A_97 = vector.broadcast %rem3A_64 : i32 to vector<16xi32>
        %eq3A_98 = arith.cmpi eq, %iota3A, %eq3A_97 : vector<16xi32>
        %jit3A_99 = arith.constant -3.000000e+38 : f32
        %broadcast_in_dim3A_100 = vector.broadcast %jit3A_99 : f32 to vector<16xf32>
        %select_n3A_101 = arith.select %eq3A_98, %get3A_96, %broadcast_in_dim3A_100 : vector<16xi1>, vector<16xf32>
        %reduce_max3A_102 = arith.constant true
        %reduce_max3A_103 = vector.broadcast %reduce_max3A_102 : i1 to vector<16xi1>
        %reduce_max3A_104 = tpu.scan <max>, %select_n3A_101 masked %reduce_max3A_103 : vector<16xf32>, vector<16xi1> -> vector<16xf32>
        %reduce_max3A_105 = vector.extract %reduce_max3A_104[15] : f32 from vector<16xf32>
        %add3A_106 = arith.constant 64 : i32
        %add3A_107 = arith.addi %add3A_106, %mul3A_62 : i32
        %get3A_108 = arith.index_cast %add3A_107 : i32 to index
        %get3A_109 = tpu.vector_load %arg28[%get3A_108] {strides = array<i32>} : memref<192xf32, #tpu.memory_space<vmem>>, vector<16xf32>,
        %eq3A_110 = vector.broadcast %rem3A_64 : i32 to vector<16xi32>
        %eq3A_111 = arith.cmpi eq, %iota3A, %eq3A_110 : vector<16xi32>
        %jit3A_112 = arith.constant -3.000000e+38 : f32
        %broadcast_in_dim3A_113 = vector.broadcast %jit3A_112 : f32 to vector<16xf32>
        %select_n3A_114 = arith.select %eq3A_111, %get3A_109, %broadcast_in_dim3A_113 : vector<16xi1>, vector<16xf32>
        %reduce_max3A_115 = arith.constant true
        %reduce_max3A_116 = vector.broadcast %reduce_max3A_115 : i1 to vector<16xi1>
        %reduce_max3A_117 = tpu.scan <max>, %select_n3A_114 masked %reduce_max3A_116 : vector<16xf32>, vector<16xi1> -> vector<16xf32>
        %reduce_max3A_118 = vector.extract %reduce_max3A_117[15] : f32 from vector<16xf32>
        %gt3A_119 = arith.cmpf ogt, %reduce_max3A_105, %select_n3A_90 : f32
        %select_n3A_120 = arith.select %gt3A_119, %reduce_max3A_105, %select_n3A_90 : f32
        %select_n3A_121 = arith.select %gt3A_119, %reduce_max3A_118, %select_n3A_92 : f32
        %add3A_122 = arith.constant 128 : i32
        %add3A_123 = arith.addi %add3A_122, %mul3A_62 : i32
        %get3A_124 = arith.index_cast %add3A_123 : i32 to index
        %get3A_125 = tpu.vector_load %arg27[%get3A_124] {strides = array<i32>} : memref<192xf32, #tpu.memory_space<vmem>>, vector<16xf32>,
        %eq3A_126 = vector.broadcast %rem3A_64 : i32 to vector<16xi32>
        %eq3A_127 = arith.cmpi eq, %iota3A, %eq3A_126 : vector<16xi32>
        %jit3A_128 = arith.constant -3.000000e+38 : f32
        %broadcast_in_dim3A_129 = vector.broadcast %jit3A_128 : f32 to vector<16xf32>
        %select_n3A_130 = arith.select %eq3A_127, %get3A_125, %broadcast_in_dim3A_129 : vector<16xi1>, vector<16xf32>
        %reduce_max3A_131 = arith.constant true
        %reduce_max3A_132 = vector.broadcast %reduce_max3A_131 : i1 to vector<16xi1>
        %reduce_max3A_133 = tpu.scan <max>, %select_n3A_130 masked %reduce_max3A_132 : vector<16xf32>, vector<16xi1> -> vector<16xf32>
        %reduce_max3A_134 = vector.extract %reduce_max3A_133[15] : f32 from vector<16xf32>
        %add3A_135 = arith.constant 128 : i32
        %add3A_136 = arith.addi %add3A_135, %mul3A_62 : i32
        %get3A_137 = arith.index_cast %add3A_136 : i32 to index
        %get3A_138 = tpu.vector_load %arg28[%get3A_137] {strides = array<i32>} : memref<192xf32, #tpu.memory_space<vmem>>, vector<16xf32>,
        %eq3A_139 = vector.broadcast %rem3A_64 : i32 to vector<16xi32>
        %eq3A_140 = arith.cmpi eq, %iota3A, %eq3A_139 : vector<16xi32>
        %jit3A_141 = arith.constant -3.000000e+38 : f32
        %broadcast_in_dim3A_142 = vector.broadcast %jit3A_141 : f32 to vector<16xf32>
        %select_n3A_143 = arith.select %eq3A_140, %get3A_138, %broadcast_in_dim3A_142 : vector<16xi1>, vector<16xf32>
        %reduce_max3A_144 = arith.constant true
        %reduce_max3A_145 = vector.broadcast %reduce_max3A_144 : i1 to vector<16xi1>
        %reduce_max3A_146 = tpu.scan <max>, %select_n3A_143 masked %reduce_max3A_145 : vector<16xf32>, vector<16xi1> -> vector<16xf32>
        %reduce_max3A_147 = vector.extract %reduce_max3A_146[15] : f32 from vector<16xf32>
        %gt3A_148 = arith.cmpf ogt, %reduce_max3A_134, %select_n3A_120 : f32
        %select_n3A_149 = arith.select %gt3A_148, %reduce_max3A_134, %select_n3A_120 : f32
        %select_n3A_150 = arith.select %gt3A_148, %reduce_max3A_147, %select_n3A_121 : f32
        %convert_element_type3A_151 = arith.fptosi %select_n3A_150 : f32 to i32
        %broadcast_in_dim3A_152 = vector.broadcast %select_n3A_149 : f32 to vector<16xf32>
        %ge3A = arith.constant 2.000000e-01 : f32
        %ge3A_153 = vector.broadcast %ge3A : f32 to vector<16xf32>
        %ge3A_154 = arith.cmpf oge, %broadcast_in_dim3A_152, %ge3A_153 : vector<16xf32>
        %sub3A = arith.subi %convert_element_type3A_151, %mul3A_7 : i32
        %broadcast_in_dim3A_155 = vector.broadcast %sub3A : i32 to vector<16xi32>
        %ge3A_156 = arith.constant 0 : i32
        %ge3A_157 = vector.broadcast %ge3A_156 : i32 to vector<16xi32>
        %ge3A_158 = arith.cmpi sge, %broadcast_in_dim3A_155, %ge3A_157 : vector<16xi32>
        %and3A_159 = arith.andi %eq3A_9, %ge3A_158 : vector<16xi1>
        %lt3A_160 = arith.constant 6720 : i32
        %lt3A_161 = vector.broadcast %lt3A_160 : i32 to vector<16xi32>
        %lt3A_162 = arith.cmpi slt, %broadcast_in_dim3A_155, %lt3A_161 : vector<16xi32>
        %and3A_163 = arith.andi %and3A_159, %lt3A_162 : vector<16xi1>
        %broadcast_in_dim3A_164 = vector.broadcast %scan3A_57 : i32 to vector<16xi32>
        tpu.vector_store_idx %arg15[%broadcast_in_dim3A_155], %broadcast_in_dim3A_164 masked %and3A_163 : memref<6720xi32, #tpu.memory_space<vmem>>[vector<16xi32>], vector<16xi32>, vector<16xi1>
        %broadcast_in_dim3A_165 = arith.constant 2.000000e+00 : f32
        %broadcast_in_dim3A_166 = vector.broadcast %broadcast_in_dim3A_165 : f32 to vector<16xf32>
        %and3A_167 = arith.andi %and3A_163, %ge3A_154 : vector<16xi1>
        tpu.vector_store_idx %arg14[%broadcast_in_dim3A_155], %broadcast_in_dim3A_166 masked %and3A_167 : memref<6720xf32, #tpu.memory_space<vmem>>[vector<16xi32>], vector<16xf32>, vector<16xi1>
        %ge3A_168 = arith.constant 2.000000e-01 : f32
        %ge3A_169 = arith.cmpf oge, %select_n3A_149, %ge3A_168 : f32
        %jit3A_170 = arith.constant 1 : i32
        %jit3A_171 = arith.constant 0 : i32
        %select_n3A_172 = arith.select %ge3A_169, %jit3A_170, %jit3A_171 : i32
        %max3A = arith.maxsi %scan3A_58, %select_n3A_172 : i32
        scf.yield %max3A : i32
      }
      %scan3A_28 = arith.constant 50 : i32
      %broadcast_in_dim3A = vector.broadcast %scan3A_27 : i32 to vector<16xi32>
      %gt3A = arith.constant 0 : i32
      %gt3A_29 = vector.broadcast %gt3A : i32 to vector<16xi32>
      %gt3A_30 = arith.cmpi sgt, %broadcast_in_dim3A, %gt3A_29 : vector<16xi32>
      %broadcast_in_dim3A_31 = arith.constant 0.000000e+00 : f32
      %broadcast_in_dim3A_32 = vector.broadcast %broadcast_in_dim3A_31 : f32 to vector<16xf32>
      %broadcast_in_dim3A_33 = arith.constant 0 : i32
      %broadcast_in_dim3A_34 = vector.broadcast %broadcast_in_dim3A_33 : i32 to vector<16xi32>
      %scan3A_35 = arith.constant 0 : i32
      %scan3A_36 = arith.constant 3 : i32
      %scan3A_37 = arith.addi %scan3A_35, %scan3A_36 : i32
      %scan3A_38 = arith.constant 1 : i32
      %scan3A_39:3 = scf.for %scan3A_57 = %scan3A_35 to %scan3A_37 step %scan3A_38 iter_args(%scan3A_58 = %broadcast_in_dim3A_32, %scan3A_59 = %broadcast_in_dim3A_34, %scan3A_60 = %broadcast_in_dim3A_32) -> (vector<16xf32>, vector<16xi32>, vector<16xf32>)  : i32 {
        %mul3A_61 = arith.constant 4 : i32
        %mul3A_62 = arith.muli %add3A_4, %mul3A_61 : i32
        %mul3A_63 = arith.constant 20160 : i32
        %mul3A_64 = arith.muli %mul3A_62, %mul3A_63 : i32
        %add3A_65 = arith.addi %mul3A_64, %mul3A_7 : i32
        %mul3A_66 = arith.constant 2240 : i32
        %mul3A_67 = arith.muli %scan3A_57, %mul3A_66 : i32
        %add3A_68 = arith.addi %add3A_65, %mul3A_67 : i32
        "tpu.region"() ({
          %run_scoped3A = tpu.sem_alloc : memref<!tpu.dma_semaphore, #tpu.memory_space<semaphore_mem>>
          %dma_start3A = tpu.memref_slice %arg2[%add3A_68] : memref<1290240xf32, #tpu.memory_space<hbm>> -> memref<2240xf32, #tpu.memory_space<hbm>>
          %dma_start3A_88 = tpu.memref_slice %arg2[%add3A_68] : memref<1290240xf32, #tpu.memory_space<hbm>> -> memref<2240xf32, #tpu.memory_space<hbm>>
          tpu.enqueue_dma source(%dma_start3A_88 : memref<2240xf32, #tpu.memory_space<hbm>>) target(%arg18 : memref<2240xf32, #tpu.memory_space<vmem>>) target_semaphore(%run_scoped3A : memref<!tpu.dma_semaphore, #tpu.memory_space<semaphore_mem>>)
          %dma_wait3A = tpu.memref_slice %arg2[%add3A_68] : memref<1290240xf32, #tpu.memory_space<hbm>> -> memref<2240xf32, #tpu.memory_space<hbm>>
          %dma_wait3A_89 = tpu.memref_slice %arg2[%add3A_68] : memref<1290240xf32, #tpu.memory_space<hbm>> -> memref<2240xf32, #tpu.memory_space<hbm>>
          tpu.wait_dma2 semaphore(%run_scoped3A : memref<!tpu.dma_semaphore, #tpu.memory_space<semaphore_mem>>) src(%dma_wait3A_89 : memref<2240xf32, #tpu.memory_space<hbm>>) dst(%arg18 : memref<2240xf32, #tpu.memory_space<vmem>>)
          tpu.yield
        }) : () -> ()
        %add3A_69 = arith.constant 20160 : i32
        %add3A_70 = arith.addi %add3A_68, %add3A_69 : i32
        "tpu.region"() ({
          %run_scoped3A = tpu.sem_alloc : memref<!tpu.dma_semaphore, #tpu.memory_space<semaphore_mem>>
          %dma_start3A = tpu.memref_slice %arg2[%add3A_70] : memref<1290240xf32, #tpu.memory_space<hbm>> -> memref<2240xf32, #tpu.memory_space<hbm>>
          %dma_start3A_88 = tpu.memref_slice %arg2[%add3A_70] : memref<1290240xf32, #tpu.memory_space<hbm>> -> memref<2240xf32, #tpu.memory_space<hbm>>
          tpu.enqueue_dma source(%dma_start3A_88 : memref<2240xf32, #tpu.memory_space<hbm>>) target(%arg19 : memref<2240xf32, #tpu.memory_space<vmem>>) target_semaphore(%run_scoped3A : memref<!tpu.dma_semaphore, #tpu.memory_space<semaphore_mem>>)
          %dma_wait3A = tpu.memref_slice %arg2[%add3A_70] : memref<1290240xf32, #tpu.memory_space<hbm>> -> memref<2240xf32, #tpu.memory_space<hbm>>
          %dma_wait3A_89 = tpu.memref_slice %arg2[%add3A_70] : memref<1290240xf32, #tpu.memory_space<hbm>> -> memref<2240xf32, #tpu.memory_space<hbm>>
          tpu.wait_dma2 semaphore(%run_scoped3A : memref<!tpu.dma_semaphore, #tpu.memory_space<semaphore_mem>>) src(%dma_wait3A_89 : memref<2240xf32, #tpu.memory_space<hbm>>) dst(%arg19 : memref<2240xf32, #tpu.memory_space<vmem>>)
          tpu.yield
        }) : () -> ()
        %add3A_71 = arith.constant 40320 : i32
        %add3A_72 = arith.addi %add3A_68, %add3A_71 : i32
        "tpu.region"() ({
          %run_scoped3A = tpu.sem_alloc : memref<!tpu.dma_semaphore, #tpu.memory_space<semaphore_mem>>
          %dma_start3A = tpu.memref_slice %arg2[%add3A_72] : memref<1290240xf32, #tpu.memory_space<hbm>> -> memref<2240xf32, #tpu.memory_space<hbm>>
          %dma_start3A_88 = tpu.memref_slice %arg2[%add3A_72] : memref<1290240xf32, #tpu.memory_space<hbm>> -> memref<2240xf32, #tpu.memory_space<hbm>>
          tpu.enqueue_dma source(%dma_start3A_88 : memref<2240xf32, #tpu.memory_space<hbm>>) target(%arg20 : memref<2240xf32, #tpu.memory_space<vmem>>) target_semaphore(%run_scoped3A : memref<!tpu.dma_semaphore, #tpu.memory_space<semaphore_mem>>)
          %dma_wait3A = tpu.memref_slice %arg2[%add3A_72] : memref<1290240xf32, #tpu.memory_space<hbm>> -> memref<2240xf32, #tpu.memory_space<hbm>>
          %dma_wait3A_89 = tpu.memref_slice %arg2[%add3A_72] : memref<1290240xf32, #tpu.memory_space<hbm>> -> memref<2240xf32, #tpu.memory_space<hbm>>
          tpu.wait_dma2 semaphore(%run_scoped3A : memref<!tpu.dma_semaphore, #tpu.memory_space<semaphore_mem>>) src(%dma_wait3A_89 : memref<2240xf32, #tpu.memory_space<hbm>>) dst(%arg20 : memref<2240xf32, #tpu.memory_space<vmem>>)
          tpu.yield
        }) : () -> ()
        %add3A_73 = arith.constant 60480 : i32
        %add3A_74 = arith.addi %add3A_68, %add3A_73 : i32
        "tpu.region"() ({
          %run_scoped3A = tpu.sem_alloc : memref<!tpu.dma_semaphore, #tpu.memory_space<semaphore_mem>>
          %dma_start3A = tpu.memref_slice %arg2[%add3A_74] : memref<1290240xf32, #tpu.memory_space<hbm>> -> memref<2240xf32, #tpu.memory_space<hbm>>
          %dma_start3A_88 = tpu.memref_slice %arg2[%add3A_74] : memref<1290240xf32, #tpu.memory_space<hbm>> -> memref<2240xf32, #tpu.memory_space<hbm>>
          tpu.enqueue_dma source(%dma_start3A_88 : memref<2240xf32, #tpu.memory_space<hbm>>) target(%arg21 : memref<2240xf32, #tpu.memory_space<vmem>>) target_semaphore(%run_scoped3A : memref<!tpu.dma_semaphore, #tpu.memory_space<semaphore_mem>>)
          %dma_wait3A = tpu.memref_slice %arg2[%add3A_74] : memref<1290240xf32, #tpu.memory_space<hbm>> -> memref<2240xf32, #tpu.memory_space<hbm>>
          %dma_wait3A_89 = tpu.memref_slice %arg2[%add3A_74] : memref<1290240xf32, #tpu.memory_space<hbm>> -> memref<2240xf32, #tpu.memory_space<hbm>>
          tpu.wait_dma2 semaphore(%run_scoped3A : memref<!tpu.dma_semaphore, #tpu.memory_space<semaphore_mem>>) src(%dma_wait3A_89 : memref<2240xf32, #tpu.memory_space<hbm>>) dst(%arg21 : memref<2240xf32, #tpu.memory_space<vmem>>)
          tpu.yield
        }) : () -> ()
        %mul3A_75 = arith.constant 2 : i32
        %mul3A_76 = arith.muli %add3A_4, %mul3A_75 : i32
        %mul3A_77 = arith.constant 20160 : i32
        %mul3A_78 = arith.muli %mul3A_76, %mul3A_77 : i32
        %add3A_79 = arith.addi %mul3A_78, %mul3A_7 : i32
        %mul3A_80 = arith.constant 2240 : i32
        %mul3A_81 = arith.muli %scan3A_57, %mul3A_80 : i32
        %add3A_82 = arith.addi %add3A_79, %mul3A_81 : i32
        "tpu.region"() ({
          %run_scoped3A = tpu.sem_alloc : memref<!tpu.dma_semaphore, #tpu.memory_space<semaphore_mem>>
          %dma_start3A = tpu.memref_slice %arg3[%add3A_82] : memref<645120xf32, #tpu.memory_space<hbm>> -> memref<2240xf32, #tpu.memory_space<hbm>>
          %dma_start3A_88 = tpu.memref_slice %arg3[%add3A_82] : memref<645120xf32, #tpu.memory_space<hbm>> -> memref<2240xf32, #tpu.memory_space<hbm>>
          tpu.enqueue_dma source(%dma_start3A_88 : memref<2240xf32, #tpu.memory_space<hbm>>) target(%arg22 : memref<2240xf32, #tpu.memory_space<vmem>>) target_semaphore(%run_scoped3A : memref<!tpu.dma_semaphore, #tpu.memory_space<semaphore_mem>>)
          %dma_wait3A = tpu.memref_slice %arg3[%add3A_82] : memref<645120xf32, #tpu.memory_space<hbm>> -> memref<2240xf32, #tpu.memory_space<hbm>>
          %dma_wait3A_89 = tpu.memref_slice %arg3[%add3A_82] : memref<645120xf32, #tpu.memory_space<hbm>> -> memref<2240xf32, #tpu.memory_space<hbm>>
          tpu.wait_dma2 semaphore(%run_scoped3A : memref<!tpu.dma_semaphore, #tpu.memory_space<semaphore_mem>>) src(%dma_wait3A_89 : memref<2240xf32, #tpu.memory_space<hbm>>) dst(%arg22 : memref<2240xf32, #tpu.memory_space<vmem>>)
          tpu.yield
        }) : () -> ()
        %add3A_83 = arith.constant 20160 : i32
        %add3A_84 = arith.addi %add3A_82, %add3A_83 : i32
        "tpu.region"() ({
          %run_scoped3A = tpu.sem_alloc : memref<!tpu.dma_semaphore, #tpu.memory_space<semaphore_mem>>
          %dma_start3A = tpu.memref_slice %arg3[%add3A_84] : memref<645120xf32, #tpu.memory_space<hbm>> -> memref<2240xf32, #tpu.memory_space<hbm>>
          %dma_start3A_88 = tpu.memref_slice %arg3[%add3A_84] : memref<645120xf32, #tpu.memory_space<hbm>> -> memref<2240xf32, #tpu.memory_space<hbm>>
          tpu.enqueue_dma source(%dma_start3A_88 : memref<2240xf32, #tpu.memory_space<hbm>>) target(%arg23 : memref<2240xf32, #tpu.memory_space<vmem>>) target_semaphore(%run_scoped3A : memref<!tpu.dma_semaphore, #tpu.memory_space<semaphore_mem>>)
          %dma_wait3A = tpu.memref_slice %arg3[%add3A_84] : memref<645120xf32, #tpu.memory_space<hbm>> -> memref<2240xf32, #tpu.memory_space<hbm>>
          %dma_wait3A_89 = tpu.memref_slice %arg3[%add3A_84] : memref<645120xf32, #tpu.memory_space<hbm>> -> memref<2240xf32, #tpu.memory_space<hbm>>
          tpu.wait_dma2 semaphore(%run_scoped3A : memref<!tpu.dma_semaphore, #tpu.memory_space<semaphore_mem>>) src(%dma_wait3A_89 : memref<2240xf32, #tpu.memory_space<hbm>>) dst(%arg23 : memref<2240xf32, #tpu.memory_space<vmem>>)
          tpu.yield
        }) : () -> ()
        %parallel_loop3A = arith.constant 0 : i32
        %parallel_loop3A_85 = arith.constant 140 : i32
        %parallel_loop3A_86 = arith.constant 1 : i32
        %parallel_loop3A_87:3 = scf.for %parallel_loop3A_88 = %parallel_loop3A to %parallel_loop3A_85 step %parallel_loop3A_86 iter_args(%parallel_loop3A_89 = %scan3A_58, %parallel_loop3A_90 = %scan3A_59, %parallel_loop3A_91 = %scan3A_60) -> (vector<16xf32>, vector<16xi32>, vector<16xf32>)  : i32 {
          %parallel_loop3A_92 = arith.constant 2240 : i32
          %parallel_loop3A_93 = arith.muli %scan3A_57, %parallel_loop3A_92 : i32
          %parallel_loop3A_94 = arith.constant 16 : i32
          %parallel_loop3A_95 = arith.muli %parallel_loop3A_88, %parallel_loop3A_94 : i32
          %parallel_loop3A_96 = arith.addi %parallel_loop3A_93, %parallel_loop3A_95 : i32
          %parallel_loop3A_97 = arith.constant 16 : i32
          %parallel_loop3A_98 = arith.muli %parallel_loop3A_88, %parallel_loop3A_97 : i32
          %parallel_loop3A_99 = arith.index_cast %parallel_loop3A_96 : i32 to index
          %parallel_loop3A_100 = tpu.vector_load %arg15[%parallel_loop3A_99] {strides = array<i32>} : memref<6720xi32, #tpu.memory_space<vmem>>, vector<16xi32>,
          %parallel_loop3A_101 = arith.index_cast %parallel_loop3A_96 : i32 to index
          %parallel_loop3A_102 = tpu.vector_load %arg14[%parallel_loop3A_101] {strides = array<i32>} : memref<6720xf32, #tpu.memory_space<vmem>>, vector<16xf32>,
          %parallel_loop3A_103 = arith.constant 3.500000e-01 : f32
          %parallel_loop3A_104 = vector.broadcast %parallel_loop3A_103 : f32 to vector<16xf32>
          %parallel_loop3A_105 = arith.cmpf oge, %parallel_loop3A_102, %parallel_loop3A_104 : vector<16xf32>
          %parallel_loop3A_106 = arith.andi %parallel_loop3A_105, %gt3A_30 : vector<16xi1>
          %parallel_loop3A_107 = arith.index_cast %parallel_loop3A_96 : i32 to index
          %parallel_loop3A_108 = tpu.vector_load %arg9[%parallel_loop3A_107] {strides = array<i32>} : memref<6720xf32, #tpu.memory_space<vmem>>, vector<16xf32>,
          %parallel_loop3A_109 = arith.index_cast %parallel_loop3A_96 : i32 to index
          %parallel_loop3A_110 = tpu.vector_load %arg11[%parallel_loop3A_109] {strides = array<i32>} : memref<6720xf32, #tpu.memory_space<vmem>>, vector<16xf32>,
          %parallel_loop3A_111 = arith.index_cast %parallel_loop3A_96 : i32 to index
          %parallel_loop3A_112 = tpu.vector_load %arg10[%parallel_loop3A_111] {strides = array<i32>} : memref<6720xf32, #tpu.memory_space<vmem>>, vector<16xf32>,
          %parallel_loop3A_113 = arith.index_cast %parallel_loop3A_96 : i32 to index
          %parallel_loop3A_114 = tpu.vector_load %arg12[%parallel_loop3A_113] {strides = array<i32>} : memref<6720xf32, #tpu.memory_space<vmem>>, vector<16xf32>,
          %parallel_loop3A_115 = arith.subf %parallel_loop3A_110, %parallel_loop3A_108 : vector<16xf32>
          %parallel_loop3A_116 = arith.subf %parallel_loop3A_114, %parallel_loop3A_112 : vector<16xf32>
          %parallel_loop3A_117 = tpu.vector_load_idx %arg24[%parallel_loop3A_100] : memref<320xf32, #tpu.memory_space<vmem>>[vector<16xi32>], vector<16xf32>,
          %parallel_loop3A_118 = arith.constant 64 : i32
          %parallel_loop3A_119 = vector.broadcast %parallel_loop3A_118 : i32 to vector<16xi32>
          %parallel_loop3A_120 = arith.addi %parallel_loop3A_100, %parallel_loop3A_119 : vector<16xi32>
          %parallel_loop3A_121 = tpu.vector_load_idx %arg24[%parallel_loop3A_120] : memref<320xf32, #tpu.memory_space<vmem>>[vector<16xi32>], vector<16xf32>,
          %parallel_loop3A_122 = arith.constant 128 : i32
          %parallel_loop3A_123 = vector.broadcast %parallel_loop3A_122 : i32 to vector<16xi32>
          %parallel_loop3A_124 = arith.addi %parallel_loop3A_100, %parallel_loop3A_123 : vector<16xi32>
          %parallel_loop3A_125 = tpu.vector_load_idx %arg24[%parallel_loop3A_124] : memref<320xf32, #tpu.memory_space<vmem>>[vector<16xi32>], vector<16xf32>,
          %parallel_loop3A_126 = arith.constant 192 : i32
          %parallel_loop3A_127 = vector.broadcast %parallel_loop3A_126 : i32 to vector<16xi32>
          %parallel_loop3A_128 = arith.addi %parallel_loop3A_100, %parallel_loop3A_127 : vector<16xi32>
          %parallel_loop3A_129 = tpu.vector_load_idx %arg24[%parallel_loop3A_128] : memref<320xf32, #tpu.memory_space<vmem>>[vector<16xi32>], vector<16xf32>,
          %parallel_loop3A_130 = arith.addf %parallel_loop3A_117, %parallel_loop3A_125 : vector<16xf32>
          %parallel_loop3A_131 = arith.addf %parallel_loop3A_108, %parallel_loop3A_110 : vector<16xf32>
          %parallel_loop3A_132 = arith.subf %parallel_loop3A_130, %parallel_loop3A_131 : vector<16xf32>
          %parallel_loop3A_133 = arith.constant 5.000000e-01 : f32
          %parallel_loop3A_134 = vector.broadcast %parallel_loop3A_133 : f32 to vector<16xf32>
          %parallel_loop3A_135 = arith.mulf %parallel_loop3A_132, %parallel_loop3A_134 : vector<16xf32>
          %parallel_loop3A_136 = arith.constant 1.000000e-01 : f32
          %parallel_loop3A_137 = vector.broadcast %parallel_loop3A_136 : f32 to vector<16xf32>
          %parallel_loop3A_138 = arith.mulf %parallel_loop3A_137, %parallel_loop3A_115 : vector<16xf32>
          %parallel_loop3A_139 = arith.divf %parallel_loop3A_135, %parallel_loop3A_138 : vector<16xf32>
          %parallel_loop3A_140 = arith.addf %parallel_loop3A_121, %parallel_loop3A_129 : vector<16xf32>
          %parallel_loop3A_141 = arith.addf %parallel_loop3A_112, %parallel_loop3A_114 : vector<16xf32>
          %parallel_loop3A_142 = arith.subf %parallel_loop3A_140, %parallel_loop3A_141 : vector<16xf32>
          %parallel_loop3A_143 = arith.constant 5.000000e-01 : f32
          %parallel_loop3A_144 = vector.broadcast %parallel_loop3A_143 : f32 to vector<16xf32>
          %parallel_loop3A_145 = arith.mulf %parallel_loop3A_142, %parallel_loop3A_144 : vector<16xf32>
          %parallel_loop3A_146 = arith.constant 1.000000e-01 : f32
          %parallel_loop3A_147 = vector.broadcast %parallel_loop3A_146 : f32 to vector<16xf32>
          %parallel_loop3A_148 = arith.mulf %parallel_loop3A_147, %parallel_loop3A_116 : vector<16xf32>
          %parallel_loop3A_149 = arith.divf %parallel_loop3A_145, %parallel_loop3A_148 : vector<16xf32>
          %parallel_loop3A_150 = arith.subf %parallel_loop3A_125, %parallel_loop3A_117 : vector<16xf32>
          %parallel_loop3A_151 = arith.divf %parallel_loop3A_150, %parallel_loop3A_115 : vector<16xf32>
          %parallel_loop3A_152 = vector.bitcast %parallel_loop3A_151 : vector<16xf32> to vector<16xi32>
          %parallel_loop3A_153 = arith.constant 23 : i32
          %parallel_loop3A_154 = vector.broadcast %parallel_loop3A_153 : i32 to vector<16xi32>
          %parallel_loop3A_155 = arith.shrsi %parallel_loop3A_152, %parallel_loop3A_154 : vector<16xi32>
          %parallel_loop3A_156 = arith.constant 255 : i32
          %parallel_loop3A_157 = vector.broadcast %parallel_loop3A_156 : i32 to vector<16xi32>
          %parallel_loop3A_158 = arith.andi %parallel_loop3A_155, %parallel_loop3A_157 : vector<16xi32>
          %parallel_loop3A_159 = arith.constant 127 : i32
          %parallel_loop3A_160 = vector.broadcast %parallel_loop3A_159 : i32 to vector<16xi32>
          %parallel_loop3A_161 = arith.subi %parallel_loop3A_158, %parallel_loop3A_160 : vector<16xi32>
          %parallel_loop3A_162 = arith.constant 8388607 : i32
          %parallel_loop3A_163 = vector.broadcast %parallel_loop3A_162 : i32 to vector<16xi32>
          %parallel_loop3A_164 = arith.andi %parallel_loop3A_152, %parallel_loop3A_163 : vector<16xi32>
          %parallel_loop3A_165 = arith.constant 1065353216 : i32
          %parallel_loop3A_166 = vector.broadcast %parallel_loop3A_165 : i32 to vector<16xi32>
          %parallel_loop3A_167 = arith.ori %parallel_loop3A_164, %parallel_loop3A_166 : vector<16xi32>
          %parallel_loop3A_168 = vector.bitcast %parallel_loop3A_167 : vector<16xi32> to vector<16xf32>
          %parallel_loop3A_169 = arith.constant 1.000000e+00 : f32
          %parallel_loop3A_170 = vector.broadcast %parallel_loop3A_169 : f32 to vector<16xf32>
          %parallel_loop3A_171 = arith.subf %parallel_loop3A_168, %parallel_loop3A_170 : vector<16xf32>
          %parallel_loop3A_172 = arith.constant 1.000000e+00 : f32
          %parallel_loop3A_173 = vector.broadcast %parallel_loop3A_172 : f32 to vector<16xf32>
          %parallel_loop3A_174 = arith.addf %parallel_loop3A_168, %parallel_loop3A_173 : vector<16xf32>
          %parallel_loop3A_175 = arith.divf %parallel_loop3A_171, %parallel_loop3A_174 : vector<16xf32>
          %parallel_loop3A_176 = arith.mulf %parallel_loop3A_175, %parallel_loop3A_175 : vector<16xf32>
          %parallel_loop3A_177 = arith.constant 0.222222224 : f32
          %parallel_loop3A_178 = vector.broadcast %parallel_loop3A_177 : f32 to vector<16xf32>
          %parallel_loop3A_179 = arith.mulf %parallel_loop3A_176, %parallel_loop3A_178 : vector<16xf32>
          %parallel_loop3A_180 = arith.constant 0.285714298 : f32
          %parallel_loop3A_181 = vector.broadcast %parallel_loop3A_180 : f32 to vector<16xf32>
          %parallel_loop3A_182 = arith.addf %parallel_loop3A_181, %parallel_loop3A_179 : vector<16xf32>
          %parallel_loop3A_183 = arith.mulf %parallel_loop3A_176, %parallel_loop3A_182 : vector<16xf32>
          %parallel_loop3A_184 = arith.constant 4.000000e-01 : f32
          %parallel_loop3A_185 = vector.broadcast %parallel_loop3A_184 : f32 to vector<16xf32>
          %parallel_loop3A_186 = arith.addf %parallel_loop3A_185, %parallel_loop3A_183 : vector<16xf32>
          %parallel_loop3A_187 = arith.mulf %parallel_loop3A_176, %parallel_loop3A_186 : vector<16xf32>
          %parallel_loop3A_188 = arith.constant 0.666666686 : f32
          %parallel_loop3A_189 = vector.broadcast %parallel_loop3A_188 : f32 to vector<16xf32>
          %parallel_loop3A_190 = arith.addf %parallel_loop3A_189, %parallel_loop3A_187 : vector<16xf32>
          %parallel_loop3A_191 = arith.mulf %parallel_loop3A_176, %parallel_loop3A_190 : vector<16xf32>
          %parallel_loop3A_192 = arith.constant 2.000000e+00 : f32
          %parallel_loop3A_193 = vector.broadcast %parallel_loop3A_192 : f32 to vector<16xf32>
          %parallel_loop3A_194 = arith.addf %parallel_loop3A_193, %parallel_loop3A_191 : vector<16xf32>
          %parallel_loop3A_195 = arith.mulf %parallel_loop3A_175, %parallel_loop3A_194 : vector<16xf32>
          %parallel_loop3A_196 = arith.sitofp %parallel_loop3A_161 : vector<16xi32> to vector<16xf32>
          %parallel_loop3A_197 = arith.constant 0.693147182 : f32
          %parallel_loop3A_198 = vector.broadcast %parallel_loop3A_197 : f32 to vector<16xf32>
          %parallel_loop3A_199 = arith.mulf %parallel_loop3A_196, %parallel_loop3A_198 : vector<16xf32>
          %parallel_loop3A_200 = arith.addf %parallel_loop3A_199, %parallel_loop3A_195 : vector<16xf32>
          %parallel_loop3A_201 = arith.constant 2.000000e-01 : f32
          %parallel_loop3A_202 = vector.broadcast %parallel_loop3A_201 : f32 to vector<16xf32>
          %parallel_loop3A_203 = arith.divf %parallel_loop3A_200, %parallel_loop3A_202 : vector<16xf32>
          %parallel_loop3A_204 = arith.subf %parallel_loop3A_129, %parallel_loop3A_121 : vector<16xf32>
          %parallel_loop3A_205 = arith.divf %parallel_loop3A_204, %parallel_loop3A_116 : vector<16xf32>
          %parallel_loop3A_206 = vector.bitcast %parallel_loop3A_205 : vector<16xf32> to vector<16xi32>
          %parallel_loop3A_207 = arith.constant 23 : i32
          %parallel_loop3A_208 = vector.broadcast %parallel_loop3A_207 : i32 to vector<16xi32>
          %parallel_loop3A_209 = arith.shrsi %parallel_loop3A_206, %parallel_loop3A_208 : vector<16xi32>
          %parallel_loop3A_210 = arith.constant 255 : i32
          %parallel_loop3A_211 = vector.broadcast %parallel_loop3A_210 : i32 to vector<16xi32>
          %parallel_loop3A_212 = arith.andi %parallel_loop3A_209, %parallel_loop3A_211 : vector<16xi32>
          %parallel_loop3A_213 = arith.constant 127 : i32
          %parallel_loop3A_214 = vector.broadcast %parallel_loop3A_213 : i32 to vector<16xi32>
          %parallel_loop3A_215 = arith.subi %parallel_loop3A_212, %parallel_loop3A_214 : vector<16xi32>
          %parallel_loop3A_216 = arith.constant 8388607 : i32
          %parallel_loop3A_217 = vector.broadcast %parallel_loop3A_216 : i32 to vector<16xi32>
          %parallel_loop3A_218 = arith.andi %parallel_loop3A_206, %parallel_loop3A_217 : vector<16xi32>
          %parallel_loop3A_219 = arith.constant 1065353216 : i32
          %parallel_loop3A_220 = vector.broadcast %parallel_loop3A_219 : i32 to vector<16xi32>
          %parallel_loop3A_221 = arith.ori %parallel_loop3A_218, %parallel_loop3A_220 : vector<16xi32>
          %parallel_loop3A_222 = vector.bitcast %parallel_loop3A_221 : vector<16xi32> to vector<16xf32>
          %parallel_loop3A_223 = arith.constant 1.000000e+00 : f32
          %parallel_loop3A_224 = vector.broadcast %parallel_loop3A_223 : f32 to vector<16xf32>
          %parallel_loop3A_225 = arith.subf %parallel_loop3A_222, %parallel_loop3A_224 : vector<16xf32>
          %parallel_loop3A_226 = arith.constant 1.000000e+00 : f32
          %parallel_loop3A_227 = vector.broadcast %parallel_loop3A_226 : f32 to vector<16xf32>
          %parallel_loop3A_228 = arith.addf %parallel_loop3A_222, %parallel_loop3A_227 : vector<16xf32>
          %parallel_loop3A_229 = arith.divf %parallel_loop3A_225, %parallel_loop3A_228 : vector<16xf32>
          %parallel_loop3A_230 = arith.mulf %parallel_loop3A_229, %parallel_loop3A_229 : vector<16xf32>
          %parallel_loop3A_231 = arith.constant 0.222222224 : f32
          %parallel_loop3A_232 = vector.broadcast %parallel_loop3A_231 : f32 to vector<16xf32>
          %parallel_loop3A_233 = arith.mulf %parallel_loop3A_230, %parallel_loop3A_232 : vector<16xf32>
          %parallel_loop3A_234 = arith.constant 0.285714298 : f32
          %parallel_loop3A_235 = vector.broadcast %parallel_loop3A_234 : f32 to vector<16xf32>
          %parallel_loop3A_236 = arith.addf %parallel_loop3A_235, %parallel_loop3A_233 : vector<16xf32>
          %parallel_loop3A_237 = arith.mulf %parallel_loop3A_230, %parallel_loop3A_236 : vector<16xf32>
          %parallel_loop3A_238 = arith.constant 4.000000e-01 : f32
          %parallel_loop3A_239 = vector.broadcast %parallel_loop3A_238 : f32 to vector<16xf32>
          %parallel_loop3A_240 = arith.addf %parallel_loop3A_239, %parallel_loop3A_237 : vector<16xf32>
          %parallel_loop3A_241 = arith.mulf %parallel_loop3A_230, %parallel_loop3A_240 : vector<16xf32>
          %parallel_loop3A_242 = arith.constant 0.666666686 : f32
          %parallel_loop3A_243 = vector.broadcast %parallel_loop3A_242 : f32 to vector<16xf32>
          %parallel_loop3A_244 = arith.addf %parallel_loop3A_243, %parallel_loop3A_241 : vector<16xf32>
          %parallel_loop3A_245 = arith.mulf %parallel_loop3A_230, %parallel_loop3A_244 : vector<16xf32>
          %parallel_loop3A_246 = arith.constant 2.000000e+00 : f32
          %parallel_loop3A_247 = vector.broadcast %parallel_loop3A_246 : f32 to vector<16xf32>
          %parallel_loop3A_248 = arith.addf %parallel_loop3A_247, %parallel_loop3A_245 : vector<16xf32>
          %parallel_loop3A_249 = arith.mulf %parallel_loop3A_229, %parallel_loop3A_248 : vector<16xf32>
          %parallel_loop3A_250 = arith.sitofp %parallel_loop3A_215 : vector<16xi32> to vector<16xf32>
          %parallel_loop3A_251 = arith.constant 0.693147182 : f32
          %parallel_loop3A_252 = vector.broadcast %parallel_loop3A_251 : f32 to vector<16xf32>
          %parallel_loop3A_253 = arith.mulf %parallel_loop3A_250, %parallel_loop3A_252 : vector<16xf32>
          %parallel_loop3A_254 = arith.addf %parallel_loop3A_253, %parallel_loop3A_249 : vector<16xf32>
          %parallel_loop3A_255 = arith.constant 2.000000e-01 : f32
          %parallel_loop3A_256 = vector.broadcast %parallel_loop3A_255 : f32 to vector<16xf32>
          %parallel_loop3A_257 = arith.divf %parallel_loop3A_254, %parallel_loop3A_256 : vector<16xf32>
          %parallel_loop3A_258 = arith.index_cast %parallel_loop3A_98 : i32 to index
          %parallel_loop3A_259 = tpu.vector_load %arg18[%parallel_loop3A_258] {strides = array<i32>} : memref<2240xf32, #tpu.memory_space<vmem>>, vector<16xf32>,
          %parallel_loop3A_260 = arith.subf %parallel_loop3A_259, %parallel_loop3A_139 : vector<16xf32>
          %parallel_loop3A_261 = math.absf %parallel_loop3A_260 : vector<16xf32>
          %parallel_loop3A_262 = arith.constant 1.000000e+00 : f32
          %parallel_loop3A_263 = vector.broadcast %parallel_loop3A_262 : f32 to vector<16xf32>
          %parallel_loop3A_264 = arith.cmpf olt, %parallel_loop3A_261, %parallel_loop3A_263 : vector<16xf32>
          %parallel_loop3A_265 = arith.constant 5.000000e-01 : f32
          %parallel_loop3A_266 = vector.broadcast %parallel_loop3A_265 : f32 to vector<16xf32>
          %parallel_loop3A_267 = arith.mulf %parallel_loop3A_266, %parallel_loop3A_260 : vector<16xf32>
          %parallel_loop3A_268 = arith.mulf %parallel_loop3A_267, %parallel_loop3A_260 : vector<16xf32>
          %parallel_loop3A_269 = arith.constant 5.000000e-01 : f32
          %parallel_loop3A_270 = vector.broadcast %parallel_loop3A_269 : f32 to vector<16xf32>
          %parallel_loop3A_271 = arith.subf %parallel_loop3A_261, %parallel_loop3A_270 : vector<16xf32>
          %parallel_loop3A_272 = arith.select %parallel_loop3A_264, %parallel_loop3A_268, %parallel_loop3A_271 : vector<16xi1>, vector<16xf32>
          %parallel_loop3A_273 = arith.index_cast %parallel_loop3A_98 : i32 to index
          %parallel_loop3A_274 = tpu.vector_load %arg19[%parallel_loop3A_273] {strides = array<i32>} : memref<2240xf32, #tpu.memory_space<vmem>>, vector<16xf32>,
          %parallel_loop3A_275 = arith.subf %parallel_loop3A_274, %parallel_loop3A_149 : vector<16xf32>
          %parallel_loop3A_276 = math.absf %parallel_loop3A_275 : vector<16xf32>
          %parallel_loop3A_277 = arith.constant 1.000000e+00 : f32
          %parallel_loop3A_278 = vector.broadcast %parallel_loop3A_277 : f32 to vector<16xf32>
          %parallel_loop3A_279 = arith.cmpf olt, %parallel_loop3A_276, %parallel_loop3A_278 : vector<16xf32>
          %parallel_loop3A_280 = arith.constant 5.000000e-01 : f32
          %parallel_loop3A_281 = vector.broadcast %parallel_loop3A_280 : f32 to vector<16xf32>
          %parallel_loop3A_282 = arith.mulf %parallel_loop3A_281, %parallel_loop3A_275 : vector<16xf32>
          %parallel_loop3A_283 = arith.mulf %parallel_loop3A_282, %parallel_loop3A_275 : vector<16xf32>
          %parallel_loop3A_284 = arith.constant 5.000000e-01 : f32
          %parallel_loop3A_285 = vector.broadcast %parallel_loop3A_284 : f32 to vector<16xf32>
          %parallel_loop3A_286 = arith.subf %parallel_loop3A_276, %parallel_loop3A_285 : vector<16xf32>
          %parallel_loop3A_287 = arith.select %parallel_loop3A_279, %parallel_loop3A_283, %parallel_loop3A_286 : vector<16xi1>, vector<16xf32>
          %parallel_loop3A_288 = arith.addf %parallel_loop3A_272, %parallel_loop3A_287 : vector<16xf32>
          %parallel_loop3A_289 = arith.index_cast %parallel_loop3A_98 : i32 to index
          %parallel_loop3A_290 = tpu.vector_load %arg20[%parallel_loop3A_289] {strides = array<i32>} : memref<2240xf32, #tpu.memory_space<vmem>>, vector<16xf32>,
          %parallel_loop3A_291 = arith.subf %parallel_loop3A_290, %parallel_loop3A_203 : vector<16xf32>
          %parallel_loop3A_292 = math.absf %parallel_loop3A_291 : vector<16xf32>
          %parallel_loop3A_293 = arith.constant 1.000000e+00 : f32
          %parallel_loop3A_294 = vector.broadcast %parallel_loop3A_293 : f32 to vector<16xf32>
          %parallel_loop3A_295 = arith.cmpf olt, %parallel_loop3A_292, %parallel_loop3A_294 : vector<16xf32>
          %parallel_loop3A_296 = arith.constant 5.000000e-01 : f32
          %parallel_loop3A_297 = vector.broadcast %parallel_loop3A_296 : f32 to vector<16xf32>
          %parallel_loop3A_298 = arith.mulf %parallel_loop3A_297, %parallel_loop3A_291 : vector<16xf32>
          %parallel_loop3A_299 = arith.mulf %parallel_loop3A_298, %parallel_loop3A_291 : vector<16xf32>
          %parallel_loop3A_300 = arith.constant 5.000000e-01 : f32
          %parallel_loop3A_301 = vector.broadcast %parallel_loop3A_300 : f32 to vector<16xf32>
          %parallel_loop3A_302 = arith.subf %parallel_loop3A_292, %parallel_loop3A_301 : vector<16xf32>
          %parallel_loop3A_303 = arith.select %parallel_loop3A_295, %parallel_loop3A_299, %parallel_loop3A_302 : vector<16xi1>, vector<16xf32>
          %parallel_loop3A_304 = arith.addf %parallel_loop3A_288, %parallel_loop3A_303 : vector<16xf32>
          %parallel_loop3A_305 = arith.index_cast %parallel_loop3A_98 : i32 to index
          %parallel_loop3A_306 = tpu.vector_load %arg21[%parallel_loop3A_305] {strides = array<i32>} : memref<2240xf32, #tpu.memory_space<vmem>>, vector<16xf32>,
          %parallel_loop3A_307 = arith.subf %parallel_loop3A_306, %parallel_loop3A_257 : vector<16xf32>
          %parallel_loop3A_308 = math.absf %parallel_loop3A_307 : vector<16xf32>
          %parallel_loop3A_309 = arith.constant 1.000000e+00 : f32
          %parallel_loop3A_310 = vector.broadcast %parallel_loop3A_309 : f32 to vector<16xf32>
          %parallel_loop3A_311 = arith.cmpf olt, %parallel_loop3A_308, %parallel_loop3A_310 : vector<16xf32>
          %parallel_loop3A_312 = arith.constant 5.000000e-01 : f32
          %parallel_loop3A_313 = vector.broadcast %parallel_loop3A_312 : f32 to vector<16xf32>
          %parallel_loop3A_314 = arith.mulf %parallel_loop3A_313, %parallel_loop3A_307 : vector<16xf32>
          %parallel_loop3A_315 = arith.mulf %parallel_loop3A_314, %parallel_loop3A_307 : vector<16xf32>
          %parallel_loop3A_316 = arith.constant 5.000000e-01 : f32
          %parallel_loop3A_317 = vector.broadcast %parallel_loop3A_316 : f32 to vector<16xf32>
          %parallel_loop3A_318 = arith.subf %parallel_loop3A_308, %parallel_loop3A_317 : vector<16xf32>
          %parallel_loop3A_319 = arith.select %parallel_loop3A_311, %parallel_loop3A_315, %parallel_loop3A_318 : vector<16xi1>, vector<16xf32>
          %parallel_loop3A_320 = arith.addf %parallel_loop3A_304, %parallel_loop3A_319 : vector<16xf32>
          %parallel_loop3A_321 = arith.constant 0.000000e+00 : f32
          %parallel_loop3A_322 = vector.broadcast %parallel_loop3A_321 : f32 to vector<16xf32>
          %parallel_loop3A_323 = arith.select %parallel_loop3A_106, %parallel_loop3A_320, %parallel_loop3A_322 : vector<16xi1>, vector<16xf32>
          %parallel_loop3A_324 = arith.addf %parallel_loop3A_89, %parallel_loop3A_323 : vector<16xf32>
          %parallel_loop3A_325 = arith.constant 1 : i32
          %parallel_loop3A_326 = arith.constant 0 : i32
          %parallel_loop3A_327 = vector.broadcast %parallel_loop3A_325 : i32 to vector<16xi32>
          %parallel_loop3A_328 = vector.broadcast %parallel_loop3A_326 : i32 to vector<16xi32>
          %parallel_loop3A_329 = arith.select %parallel_loop3A_106, %parallel_loop3A_327, %parallel_loop3A_328 : vector<16xi1>, vector<16xi32>
          %parallel_loop3A_330 = arith.addi %parallel_loop3A_90, %parallel_loop3A_329 : vector<16xi32>
          %parallel_loop3A_331 = arith.index_cast %parallel_loop3A_98 : i32 to index
          %parallel_loop3A_332 = tpu.vector_load %arg22[%parallel_loop3A_331] {strides = array<i32>} : memref<2240xf32, #tpu.memory_space<vmem>>, vector<16xf32>,
          %parallel_loop3A_333 = arith.index_cast %parallel_loop3A_98 : i32 to index
          %parallel_loop3A_334 = tpu.vector_load %arg23[%parallel_loop3A_333] {strides = array<i32>} : memref<2240xf32, #tpu.memory_space<vmem>>, vector<16xf32>,
          %parallel_loop3A_335 = arith.maximumf %parallel_loop3A_332, %parallel_loop3A_334 : vector<16xf32>
          %parallel_loop3A_336 = arith.subf %parallel_loop3A_332, %parallel_loop3A_334 : vector<16xf32>
          %parallel_loop3A_337 = math.absf %parallel_loop3A_336 : vector<16xf32>
          %parallel_loop3A_338 = arith.constant 0.000000e+00 : f32
          %parallel_loop3A_339 = vector.broadcast %parallel_loop3A_338 : f32 to vector<16xf32>
          %parallel_loop3A_340 = arith.subf %parallel_loop3A_339, %parallel_loop3A_337 : vector<16xf32>
          %parallel_loop3A_341 = math.exp %parallel_loop3A_340 : vector<16xf32>
          %parallel_loop3A_342 = arith.constant 1.000000e+00 : f32
          %parallel_loop3A_343 = vector.broadcast %parallel_loop3A_342 : f32 to vector<16xf32>
          %parallel_loop3A_344 = arith.addf %parallel_loop3A_343, %parallel_loop3A_341 : vector<16xf32>
          %parallel_loop3A_345 = vector.bitcast %parallel_loop3A_344 : vector<16xf32> to vector<16xi32>
          %parallel_loop3A_346 = arith.constant 23 : i32
          %parallel_loop3A_347 = vector.broadcast %parallel_loop3A_346 : i32 to vector<16xi32>
          %parallel_loop3A_348 = arith.shrsi %parallel_loop3A_345, %parallel_loop3A_347 : vector<16xi32>
          %parallel_loop3A_349 = arith.constant 255 : i32
          %parallel_loop3A_350 = vector.broadcast %parallel_loop3A_349 : i32 to vector<16xi32>
          %parallel_loop3A_351 = arith.andi %parallel_loop3A_348, %parallel_loop3A_350 : vector<16xi32>
          %parallel_loop3A_352 = arith.constant 127 : i32
          %parallel_loop3A_353 = vector.broadcast %parallel_loop3A_352 : i32 to vector<16xi32>
          %parallel_loop3A_354 = arith.subi %parallel_loop3A_351, %parallel_loop3A_353 : vector<16xi32>
          %parallel_loop3A_355 = arith.constant 8388607 : i32
          %parallel_loop3A_356 = vector.broadcast %parallel_loop3A_355 : i32 to vector<16xi32>
          %parallel_loop3A_357 = arith.andi %parallel_loop3A_345, %parallel_loop3A_356 : vector<16xi32>
          %parallel_loop3A_358 = arith.constant 1065353216 : i32
          %parallel_loop3A_359 = vector.broadcast %parallel_loop3A_358 : i32 to vector<16xi32>
          %parallel_loop3A_360 = arith.ori %parallel_loop3A_357, %parallel_loop3A_359 : vector<16xi32>
          %parallel_loop3A_361 = vector.bitcast %parallel_loop3A_360 : vector<16xi32> to vector<16xf32>
          %parallel_loop3A_362 = arith.constant 1.000000e+00 : f32
          %parallel_loop3A_363 = vector.broadcast %parallel_loop3A_362 : f32 to vector<16xf32>
          %parallel_loop3A_364 = arith.subf %parallel_loop3A_361, %parallel_loop3A_363 : vector<16xf32>
          %parallel_loop3A_365 = arith.constant 1.000000e+00 : f32
          %parallel_loop3A_366 = vector.broadcast %parallel_loop3A_365 : f32 to vector<16xf32>
          %parallel_loop3A_367 = arith.addf %parallel_loop3A_361, %parallel_loop3A_366 : vector<16xf32>
          %parallel_loop3A_368 = arith.divf %parallel_loop3A_364, %parallel_loop3A_367 : vector<16xf32>
          %parallel_loop3A_369 = arith.mulf %parallel_loop3A_368, %parallel_loop3A_368 : vector<16xf32>
          %parallel_loop3A_370 = arith.constant 0.222222224 : f32
          %parallel_loop3A_371 = vector.broadcast %parallel_loop3A_370 : f32 to vector<16xf32>
          %parallel_loop3A_372 = arith.mulf %parallel_loop3A_369, %parallel_loop3A_371 : vector<16xf32>
          %parallel_loop3A_373 = arith.constant 0.285714298 : f32
          %parallel_loop3A_374 = vector.broadcast %parallel_loop3A_373 : f32 to vector<16xf32>
          %parallel_loop3A_375 = arith.addf %parallel_loop3A_374, %parallel_loop3A_372 : vector<16xf32>
          %parallel_loop3A_376 = arith.mulf %parallel_loop3A_369, %parallel_loop3A_375 : vector<16xf32>
          %parallel_loop3A_377 = arith.constant 4.000000e-01 : f32
          %parallel_loop3A_378 = vector.broadcast %parallel_loop3A_377 : f32 to vector<16xf32>
          %parallel_loop3A_379 = arith.addf %parallel_loop3A_378, %parallel_loop3A_376 : vector<16xf32>
          %parallel_loop3A_380 = arith.mulf %parallel_loop3A_369, %parallel_loop3A_379 : vector<16xf32>
          %parallel_loop3A_381 = arith.constant 0.666666686 : f32
          %parallel_loop3A_382 = vector.broadcast %parallel_loop3A_381 : f32 to vector<16xf32>
          %parallel_loop3A_383 = arith.addf %parallel_loop3A_382, %parallel_loop3A_380 : vector<16xf32>
          %parallel_loop3A_384 = arith.mulf %parallel_loop3A_369, %parallel_loop3A_383 : vector<16xf32>
          %parallel_loop3A_385 = arith.constant 2.000000e+00 : f32
          %parallel_loop3A_386 = vector.broadcast %parallel_loop3A_385 : f32 to vector<16xf32>
          %parallel_loop3A_387 = arith.addf %parallel_loop3A_386, %parallel_loop3A_384 : vector<16xf32>
          %parallel_loop3A_388 = arith.mulf %parallel_loop3A_368, %parallel_loop3A_387 : vector<16xf32>
          %parallel_loop3A_389 = arith.sitofp %parallel_loop3A_354 : vector<16xi32> to vector<16xf32>
          %parallel_loop3A_390 = arith.constant 0.693147182 : f32
          %parallel_loop3A_391 = vector.broadcast %parallel_loop3A_390 : f32 to vector<16xf32>
          %parallel_loop3A_392 = arith.mulf %parallel_loop3A_389, %parallel_loop3A_391 : vector<16xf32>
          %parallel_loop3A_393 = arith.addf %parallel_loop3A_392, %parallel_loop3A_388 : vector<16xf32>
          %parallel_loop3A_394 = arith.addf %parallel_loop3A_393, %parallel_loop3A_335 : vector<16xf32>
          %parallel_loop3A_395 = arith.select %parallel_loop3A_106, %parallel_loop3A_334, %parallel_loop3A_332 : vector<16xi1>, vector<16xf32>
          %parallel_loop3A_396 = arith.subf %parallel_loop3A_394, %parallel_loop3A_395 : vector<16xf32>
          %parallel_loop3A_397 = arith.constant 0.000000e+00 : f32
          %parallel_loop3A_398 = vector.broadcast %parallel_loop3A_397 : f32 to vector<16xf32>
          %parallel_loop3A_399 = arith.select %parallel_loop3A_106, %parallel_loop3A_396, %parallel_loop3A_398 : vector<16xi1>, vector<16xf32>
          %parallel_loop3A_400 = arith.addf %parallel_loop3A_91, %parallel_loop3A_399 : vector<16xf32>
          %parallel_loop3A_401 = arith.constant 2240 : i32
          %parallel_loop3A_402 = arith.muli %scan3A_57, %parallel_loop3A_401 : i32
          %parallel_loop3A_403 = arith.addi %mul3A_7, %parallel_loop3A_402 : i32
          %parallel_loop3A_404 = arith.constant 16 : i32
          %parallel_loop3A_405 = arith.muli %parallel_loop3A_88, %parallel_loop3A_404 : i32
          %parallel_loop3A_406 = arith.addi %parallel_loop3A_403, %parallel_loop3A_405 : i32
          %parallel_loop3A_407 = vector.broadcast %parallel_loop3A_406 : i32 to vector<16xi32>
          %parallel_loop3A_408 = arith.addi %parallel_loop3A_407, %iota3A : vector<16xi32>
          %parallel_loop3A_409 = arith.constant 20000 : i32
          %parallel_loop3A_410 = vector.broadcast %parallel_loop3A_409 : i32 to vector<16xi32>
          %parallel_loop3A_411 = arith.cmpi slt, %parallel_loop3A_408, %parallel_loop3A_410 : vector<16xi32>
          %parallel_loop3A_412 = arith.constant 0.000000e+00 : f32
          %parallel_loop3A_413 = vector.broadcast %parallel_loop3A_412 : f32 to vector<16xf32>
          %parallel_loop3A_414 = arith.select %parallel_loop3A_106, %parallel_loop3A_413, %parallel_loop3A_396 : vector<16xi1>, vector<16xf32>
          %parallel_loop3A_415 = arith.constant -1.000000e+00 : f32
          %parallel_loop3A_416 = vector.broadcast %parallel_loop3A_415 : f32 to vector<16xf32>
          %parallel_loop3A_417 = arith.select %parallel_loop3A_411, %parallel_loop3A_414, %parallel_loop3A_416 : vector<16xi1>, vector<16xf32>
          %parallel_loop3A_418 = arith.index_cast %parallel_loop3A_96 : i32 to index
          %parallel_loop3A_419 = tpu.vector_load %arg16[%parallel_loop3A_418] {strides = array<i32>} : memref<6720xf32, #tpu.memory_space<vmem>>, vector<16xf32>,
          tpu.vector_store %arg16[%parallel_loop3A_418], %parallel_loop3A_417 {strides = array<i32>} : memref<6720xf32, #tpu.memory_space<vmem>>, vector<16xf32>,
          scf.yield %parallel_loop3A_324, %parallel_loop3A_330, %parallel_loop3A_400 : vector<16xf32>, vector<16xi32>, vector<16xf32>
        } {sc.loop_unroll_factor = 2 : i64, sc.parallel_access}
        scf.yield %parallel_loop3A_87#0, %parallel_loop3A_87#1, %parallel_loop3A_87#2 : vector<16xf32>, vector<16xi32>, vector<16xf32>
      }
      %scan3A_40 = arith.constant 3 : i32
      %mul3A_41 = arith.constant 6960 : i32
      %mul3A_42 = arith.muli %arg1, %mul3A_41 : i32
      %add3A_43 = arith.constant 192 : i32
      %add3A_44 = arith.addi %mul3A_42, %add3A_43 : i32
      "tpu.region"() ({
        %run_scoped3A = tpu.sem_alloc : memref<!tpu.dma_semaphore, #tpu.memory_space<semaphore_mem>>
        %dma_start3A = tpu.memref_slice %arg29[%add3A_44] : memref<111360xf32, #tpu.memory_space<vmem_shared>> -> memref<6720xf32, #tpu.memory_space<vmem_shared>>
        %dma_start3A_57 = tpu.memref_slice %arg29[%add3A_44] : memref<111360xf32, #tpu.memory_space<vmem_shared>> -> memref<6720xf32, #tpu.memory_space<vmem_shared>>
        tpu.enqueue_dma source(%arg16 : memref<6720xf32, #tpu.memory_space<vmem>>) target(%dma_start3A_57 : memref<6720xf32, #tpu.memory_space<vmem_shared>>) target_semaphore(%run_scoped3A : memref<!tpu.dma_semaphore, #tpu.memory_space<semaphore_mem>>)
        %dma_wait3A = tpu.memref_slice %arg29[%add3A_44] : memref<111360xf32, #tpu.memory_space<vmem_shared>> -> memref<6720xf32, #tpu.memory_space<vmem_shared>>
        %dma_wait3A_58 = tpu.memref_slice %arg29[%add3A_44] : memref<111360xf32, #tpu.memory_space<vmem_shared>> -> memref<6720xf32, #tpu.memory_space<vmem_shared>>
        tpu.wait_dma2 semaphore(%run_scoped3A : memref<!tpu.dma_semaphore, #tpu.memory_space<semaphore_mem>>) src(%arg16 : memref<6720xf32, #tpu.memory_space<vmem>>) dst(%dma_wait3A_58 : memref<6720xf32, #tpu.memory_space<vmem_shared>>)
        tpu.yield
      }) : () -> ()
      %swap3A = arith.constant 0 : index
      %swap3A_45 = tpu.vector_load %arg30[%swap3A] {strides = array<i32>} : memref<48xf32, #tpu.memory_space<vmem>>, vector<16xf32>,
      tpu.vector_store %arg30[%swap3A], %scan3A_39#0 {strides = array<i32>} : memref<48xf32, #tpu.memory_space<vmem>>, vector<16xf32>,
      %convert_element_type3A_46 = arith.sitofp %scan3A_39#1 : vector<16xi32> to vector<16xf32>
      %swap3A_47 = arith.constant 16 : index
      %swap3A_48 = tpu.vector_load %arg30[%swap3A_47] {strides = array<i32>} : memref<48xf32, #tpu.memory_space<vmem>>, vector<16xf32>,
      tpu.vector_store %arg30[%swap3A_47], %convert_element_type3A_46 {strides = array<i32>} : memref<48xf32, #tpu.memory_space<vmem>>, vector<16xf32>,
      %swap3A_49 = arith.constant 32 : index
      %swap3A_50 = tpu.vector_load %arg30[%swap3A_49] {strides = array<i32>} : memref<48xf32, #tpu.memory_space<vmem>>, vector<16xf32>,
      tpu.vector_store %arg30[%swap3A_49], %scan3A_39#2 {strides = array<i32>} : memref<48xf32, #tpu.memory_space<vmem>>, vector<16xf32>,
      %mul3A_51 = arith.constant 6960 : i32
      %mul3A_52 = arith.muli %arg1, %mul3A_51 : i32
      %add3A_53 = arith.constant 192 : i32
      %add3A_54 = arith.addi %mul3A_52, %add3A_53 : i32
      %add3A_55 = arith.constant 6720 : i32
      %add3A_56 = arith.addi %add3A_54, %add3A_55 : i32
      "tpu.region"() ({
        %run_scoped3A = tpu.sem_alloc : memref<!tpu.dma_semaphore, #tpu.memory_space<semaphore_mem>>
        %dma_start3A = tpu.memref_slice %arg29[%add3A_56] : memref<111360xf32, #tpu.memory_space<vmem_shared>> -> memref<48xf32, #tpu.memory_space<vmem_shared>>
        %dma_start3A_57 = tpu.memref_slice %arg29[%add3A_56] : memref<111360xf32, #tpu.memory_space<vmem_shared>> -> memref<48xf32, #tpu.memory_space<vmem_shared>>
        tpu.enqueue_dma source(%arg30 : memref<48xf32, #tpu.memory_space<vmem>>) target(%dma_start3A_57 : memref<48xf32, #tpu.memory_space<vmem_shared>>) target_semaphore(%run_scoped3A : memref<!tpu.dma_semaphore, #tpu.memory_space<semaphore_mem>>)
        %dma_wait3A = tpu.memref_slice %arg29[%add3A_56] : memref<111360xf32, #tpu.memory_space<vmem_shared>> -> memref<48xf32, #tpu.memory_space<vmem_shared>>
        %dma_wait3A_58 = tpu.memref_slice %arg29[%add3A_56] : memref<111360xf32, #tpu.memory_space<vmem_shared>> -> memref<48xf32, #tpu.memory_space<vmem_shared>>
        tpu.wait_dma2 semaphore(%run_scoped3A : memref<!tpu.dma_semaphore, #tpu.memory_space<semaphore_mem>>) src(%arg30 : memref<48xf32, #tpu.memory_space<vmem>>) dst(%dma_wait3A_58 : memref<48xf32, #tpu.memory_space<vmem_shared>>)
        tpu.yield
      }) : () -> ()
    } else {
    }
    %barrier3A_17 = arith.constant 0 : index
    tpu.barrier barrier_id(%barrier3A_17)
    %eq3A_18 = arith.constant 0 : i32
    %eq3A_19 = arith.cmpi eq, %rem3A_5, %eq3A_18 : i32
    %and3A = arith.andi %lt3A_0, %eq3A_19 : i1
    %convert_element_type3A_20 = arith.extui %and3A : i1 to i32
    %cond3A_21 = arith.constant 0 : i32
    %cond3A_22 = arith.cmpi ne, %convert_element_type3A_20, %cond3A_21 : i32
    scf.if %cond3A_22 {
      %mul3A_23 = arith.constant 3 : i32
      %mul3A_24 = arith.muli %div3A_1, %mul3A_23 : i32
      %add3A_25 = arith.constant 1 : i32
      %add3A_26 = arith.addi %mul3A_24, %add3A_25 : i32
      %mul3A_27 = arith.constant 6960 : i32
      %mul3A_28 = arith.muli %add3A_26, %mul3A_27 : i32
      %add3A_29 = arith.constant 192 : i32
      %add3A_30 = arith.addi %mul3A_28, %add3A_29 : i32
      "tpu.region"() ({
        %run_scoped3A = tpu.sem_alloc : memref<!tpu.dma_semaphore, #tpu.memory_space<semaphore_mem>>
        %dma_start3A = arith.constant 0 : i32
        %dma_start3A_129 = tpu.memref_slice %arg17[%dma_start3A] : memref<13440xf32, #tpu.memory_space<vmem>> -> memref<6720xf32, #tpu.memory_space<vmem>>
        %dma_start3A_130 = tpu.memref_slice %arg29[%add3A_30] : memref<111360xf32, #tpu.memory_space<vmem_shared>> -> memref<6720xf32, #tpu.memory_space<vmem_shared>>
        %dma_start3A_131 = arith.constant 0 : i32
        %dma_start3A_132 = tpu.memref_slice %arg17[%dma_start3A_131] : memref<13440xf32, #tpu.memory_space<vmem>> -> memref<6720xf32, #tpu.memory_space<vmem>>
        %dma_start3A_133 = tpu.memref_slice %arg29[%add3A_30] : memref<111360xf32, #tpu.memory_space<vmem_shared>> -> memref<6720xf32, #tpu.memory_space<vmem_shared>>
        tpu.enqueue_dma source(%dma_start3A_133 : memref<6720xf32, #tpu.memory_space<vmem_shared>>) target(%dma_start3A_132 : memref<6720xf32, #tpu.memory_space<vmem>>) target_semaphore(%run_scoped3A : memref<!tpu.dma_semaphore, #tpu.memory_space<semaphore_mem>>)
        %dma_wait3A = arith.constant 0 : i32
        %dma_wait3A_134 = tpu.memref_slice %arg17[%dma_wait3A] : memref<13440xf32, #tpu.memory_space<vmem>> -> memref<6720xf32, #tpu.memory_space<vmem>>
        %dma_wait3A_135 = tpu.memref_slice %arg29[%add3A_30] : memref<111360xf32, #tpu.memory_space<vmem_shared>> -> memref<6720xf32, #tpu.memory_space<vmem_shared>>
        %dma_wait3A_136 = arith.constant 0 : i32
        %dma_wait3A_137 = tpu.memref_slice %arg17[%dma_wait3A_136] : memref<13440xf32, #tpu.memory_space<vmem>> -> memref<6720xf32, #tpu.memory_space<vmem>>
        %dma_wait3A_138 = tpu.memref_slice %arg29[%add3A_30] : memref<111360xf32, #tpu.memory_space<vmem_shared>> -> memref<6720xf32, #tpu.memory_space<vmem_shared>>
        tpu.wait_dma2 semaphore(%run_scoped3A : memref<!tpu.dma_semaphore, #tpu.memory_space<semaphore_mem>>) src(%dma_wait3A_138 : memref<6720xf32, #tpu.memory_space<vmem_shared>>) dst(%dma_wait3A_137 : memref<6720xf32, #tpu.memory_space<vmem>>)
        tpu.yield
      }) : () -> ()
      %add3A_31 = arith.constant 192 : i32
      %add3A_32 = arith.addi %mul3A_28, %add3A_31 : i32
      %add3A_33 = arith.constant 6720 : i32
      %add3A_34 = arith.addi %add3A_32, %add3A_33 : i32
      "tpu.region"() ({
        %run_scoped3A = tpu.sem_alloc : memref<!tpu.dma_semaphore, #tpu.memory_space<semaphore_mem>>
        %dma_start3A = arith.constant 0 : i32
        %dma_start3A_129 = tpu.memref_slice %arg27[%dma_start3A] : memref<192xf32, #tpu.memory_space<vmem>> -> memref<48xf32, #tpu.memory_space<vmem>>
        %dma_start3A_130 = tpu.memref_slice %arg29[%add3A_34] : memref<111360xf32, #tpu.memory_space<vmem_shared>> -> memref<48xf32, #tpu.memory_space<vmem_shared>>
        %dma_start3A_131 = arith.constant 0 : i32
        %dma_start3A_132 = tpu.memref_slice %arg27[%dma_start3A_131] : memref<192xf32, #tpu.memory_space<vmem>> -> memref<48xf32, #tpu.memory_space<vmem>>
        %dma_start3A_133 = tpu.memref_slice %arg29[%add3A_34] : memref<111360xf32, #tpu.memory_space<vmem_shared>> -> memref<48xf32, #tpu.memory_space<vmem_shared>>
        tpu.enqueue_dma source(%dma_start3A_133 : memref<48xf32, #tpu.memory_space<vmem_shared>>) target(%dma_start3A_132 : memref<48xf32, #tpu.memory_space<vmem>>) target_semaphore(%run_scoped3A : memref<!tpu.dma_semaphore, #tpu.memory_space<semaphore_mem>>)
        %dma_wait3A = arith.constant 0 : i32
        %dma_wait3A_134 = tpu.memref_slice %arg27[%dma_wait3A] : memref<192xf32, #tpu.memory_space<vmem>> -> memref<48xf32, #tpu.memory_space<vmem>>
        %dma_wait3A_135 = tpu.memref_slice %arg29[%add3A_34] : memref<111360xf32, #tpu.memory_space<vmem_shared>> -> memref<48xf32, #tpu.memory_space<vmem_shared>>
        %dma_wait3A_136 = arith.constant 0 : i32
        %dma_wait3A_137 = tpu.memref_slice %arg27[%dma_wait3A_136] : memref<192xf32, #tpu.memory_space<vmem>> -> memref<48xf32, #tpu.memory_space<vmem>>
        %dma_wait3A_138 = tpu.memref_slice %arg29[%add3A_34] : memref<111360xf32, #tpu.memory_space<vmem_shared>> -> memref<48xf32, #tpu.memory_space<vmem_shared>>
        tpu.wait_dma2 semaphore(%run_scoped3A : memref<!tpu.dma_semaphore, #tpu.memory_space<semaphore_mem>>) src(%dma_wait3A_138 : memref<48xf32, #tpu.memory_space<vmem_shared>>) dst(%dma_wait3A_137 : memref<48xf32, #tpu.memory_space<vmem>>)
        tpu.yield
      }) : () -> ()
      %mul3A_35 = arith.constant 3 : i32
      %mul3A_36 = arith.muli %div3A_1, %mul3A_35 : i32
      %add3A_37 = arith.constant 2 : i32
      %add3A_38 = arith.addi %mul3A_36, %add3A_37 : i32
      %mul3A_39 = arith.constant 6960 : i32
      %mul3A_40 = arith.muli %add3A_38, %mul3A_39 : i32
      %add3A_41 = arith.constant 192 : i32
      %add3A_42 = arith.addi %mul3A_40, %add3A_41 : i32
      "tpu.region"() ({
        %run_scoped3A = tpu.sem_alloc : memref<!tpu.dma_semaphore, #tpu.memory_space<semaphore_mem>>
        %dma_start3A = arith.constant 6720 : i32
        %dma_start3A_129 = tpu.memref_slice %arg17[%dma_start3A] : memref<13440xf32, #tpu.memory_space<vmem>> -> memref<6720xf32, #tpu.memory_space<vmem>>
        %dma_start3A_130 = tpu.memref_slice %arg29[%add3A_42] : memref<111360xf32, #tpu.memory_space<vmem_shared>> -> memref<6720xf32, #tpu.memory_space<vmem_shared>>
        %dma_start3A_131 = arith.constant 6720 : i32
        %dma_start3A_132 = tpu.memref_slice %arg17[%dma_start3A_131] : memref<13440xf32, #tpu.memory_space<vmem>> -> memref<6720xf32, #tpu.memory_space<vmem>>
        %dma_start3A_133 = tpu.memref_slice %arg29[%add3A_42] : memref<111360xf32, #tpu.memory_space<vmem_shared>> -> memref<6720xf32, #tpu.memory_space<vmem_shared>>
        tpu.enqueue_dma source(%dma_start3A_133 : memref<6720xf32, #tpu.memory_space<vmem_shared>>) target(%dma_start3A_132 : memref<6720xf32, #tpu.memory_space<vmem>>) target_semaphore(%run_scoped3A : memref<!tpu.dma_semaphore, #tpu.memory_space<semaphore_mem>>)
        %dma_wait3A = arith.constant 6720 : i32
        %dma_wait3A_134 = tpu.memref_slice %arg17[%dma_wait3A] : memref<13440xf32, #tpu.memory_space<vmem>> -> memref<6720xf32, #tpu.memory_space<vmem>>
        %dma_wait3A_135 = tpu.memref_slice %arg29[%add3A_42] : memref<111360xf32, #tpu.memory_space<vmem_shared>> -> memref<6720xf32, #tpu.memory_space<vmem_shared>>
        %dma_wait3A_136 = arith.constant 6720 : i32
        %dma_wait3A_137 = tpu.memref_slice %arg17[%dma_wait3A_136] : memref<13440xf32, #tpu.memory_space<vmem>> -> memref<6720xf32, #tpu.memory_space<vmem>>
        %dma_wait3A_138 = tpu.memref_slice %arg29[%add3A_42] : memref<111360xf32, #tpu.memory_space<vmem_shared>> -> memref<6720xf32, #tpu.memory_space<vmem_shared>>
        tpu.wait_dma2 semaphore(%run_scoped3A : memref<!tpu.dma_semaphore, #tpu.memory_space<semaphore_mem>>) src(%dma_wait3A_138 : memref<6720xf32, #tpu.memory_space<vmem_shared>>) dst(%dma_wait3A_137 : memref<6720xf32, #tpu.memory_space<vmem>>)
        tpu.yield
      }) : () -> ()
      %add3A_43 = arith.constant 192 : i32
      %add3A_44 = arith.addi %mul3A_40, %add3A_43 : i32
      %add3A_45 = arith.constant 6720 : i32
      %add3A_46 = arith.addi %add3A_44, %add3A_45 : i32
      "tpu.region"() ({
        %run_scoped3A = tpu.sem_alloc : memref<!tpu.dma_semaphore, #tpu.memory_space<semaphore_mem>>
        %dma_start3A = arith.constant 64 : i32
        %dma_start3A_129 = tpu.memref_slice %arg27[%dma_start3A] : memref<192xf32, #tpu.memory_space<vmem>> -> memref<48xf32, #tpu.memory_space<vmem>>
        %dma_start3A_130 = tpu.memref_slice %arg29[%add3A_46] : memref<111360xf32, #tpu.memory_space<vmem_shared>> -> memref<48xf32, #tpu.memory_space<vmem_shared>>
        %dma_start3A_131 = arith.constant 64 : i32
        %dma_start3A_132 = tpu.memref_slice %arg27[%dma_start3A_131] : memref<192xf32, #tpu.memory_space<vmem>> -> memref<48xf32, #tpu.memory_space<vmem>>
        %dma_start3A_133 = tpu.memref_slice %arg29[%add3A_46] : memref<111360xf32, #tpu.memory_space<vmem_shared>> -> memref<48xf32, #tpu.memory_space<vmem_shared>>
        tpu.enqueue_dma source(%dma_start3A_133 : memref<48xf32, #tpu.memory_space<vmem_shared>>) target(%dma_start3A_132 : memref<48xf32, #tpu.memory_space<vmem>>) target_semaphore(%run_scoped3A : memref<!tpu.dma_semaphore, #tpu.memory_space<semaphore_mem>>)
        %dma_wait3A = arith.constant 64 : i32
        %dma_wait3A_134 = tpu.memref_slice %arg27[%dma_wait3A] : memref<192xf32, #tpu.memory_space<vmem>> -> memref<48xf32, #tpu.memory_space<vmem>>
        %dma_wait3A_135 = tpu.memref_slice %arg29[%add3A_46] : memref<111360xf32, #tpu.memory_space<vmem_shared>> -> memref<48xf32, #tpu.memory_space<vmem_shared>>
        %dma_wait3A_136 = arith.constant 64 : i32
        %dma_wait3A_137 = tpu.memref_slice %arg27[%dma_wait3A_136] : memref<192xf32, #tpu.memory_space<vmem>> -> memref<48xf32, #tpu.memory_space<vmem>>
        %dma_wait3A_138 = tpu.memref_slice %arg29[%add3A_46] : memref<111360xf32, #tpu.memory_space<vmem_shared>> -> memref<48xf32, #tpu.memory_space<vmem_shared>>
        tpu.wait_dma2 semaphore(%run_scoped3A : memref<!tpu.dma_semaphore, #tpu.memory_space<semaphore_mem>>) src(%dma_wait3A_138 : memref<48xf32, #tpu.memory_space<vmem_shared>>) dst(%dma_wait3A_137 : memref<48xf32, #tpu.memory_space<vmem>>)
        tpu.yield
      }) : () -> ()
      %get3A = arith.constant 0 : index
      %get3A_47 = tpu.vector_load %arg30[%get3A] {strides = array<i32>} : memref<48xf32, #tpu.memory_space<vmem>>, vector<16xf32>,
      %get3A_48 = arith.constant 16 : index
      %get3A_49 = tpu.vector_load %arg30[%get3A_48] {strides = array<i32>} : memref<48xf32, #tpu.memory_space<vmem>>, vector<16xf32>,
      %get3A_50 = arith.constant 32 : index
      %get3A_51 = tpu.vector_load %arg30[%get3A_50] {strides = array<i32>} : memref<48xf32, #tpu.memory_space<vmem>>, vector<16xf32>,
      %get3A_52 = arith.constant 0 : index
      %get3A_53 = tpu.vector_load %arg27[%get3A_52] {strides = array<i32>} : memref<192xf32, #tpu.memory_space<vmem>>, vector<16xf32>,
      %add3A_54 = arith.addf %get3A_47, %get3A_53 : vector<16xf32>
      %get3A_55 = arith.constant 16 : index
      %get3A_56 = tpu.vector_load %arg27[%get3A_55] {strides = array<i32>} : memref<192xf32, #tpu.memory_space<vmem>>, vector<16xf32>,
      %add3A_57 = arith.addf %get3A_49, %get3A_56 : vector<16xf32>
      %get3A_58 = arith.constant 32 : index
      %get3A_59 = tpu.vector_load %arg27[%get3A_58] {strides = array<i32>} : memref<192xf32, #tpu.memory_space<vmem>>, vector<16xf32>,
      %add3A_60 = arith.addf %get3A_51, %get3A_59 : vector<16xf32>
      %get3A_61 = arith.constant 64 : index
      %get3A_62 = tpu.vector_load %arg27[%get3A_61] {strides = array<i32>} : memref<192xf32, #tpu.memory_space<vmem>>, vector<16xf32>,
      %add3A_63 = arith.addf %add3A_54, %get3A_62 : vector<16xf32>
      %get3A_64 = arith.constant 80 : index
      %get3A_65 = tpu.vector_load %arg27[%get3A_64] {strides = array<i32>} : memref<192xf32, #tpu.memory_space<vmem>>, vector<16xf32>,
      %add3A_66 = arith.addf %add3A_57, %get3A_65 : vector<16xf32>
      %get3A_67 = arith.constant 96 : index
      %get3A_68 = tpu.vector_load %arg27[%get3A_67] {strides = array<i32>} : memref<192xf32, #tpu.memory_space<vmem>>, vector<16xf32>,
      %add3A_69 = arith.addf %add3A_60, %get3A_68 : vector<16xf32>
      %reduce_sum3A = arith.constant true
      %reduce_sum3A_70 = vector.broadcast %reduce_sum3A : i1 to vector<16xi1>
      %reduce_sum3A_71 = tpu.scan <sum>, %add3A_66 masked %reduce_sum3A_70 : vector<16xf32>, vector<16xi1> -> vector<16xf32>
      %reduce_sum3A_72 = vector.extract %reduce_sum3A_71[15] : f32 from vector<16xf32>
      %convert_element_type3A_73 = arith.fptosi %reduce_sum3A_72 : f32 to i32
      %mul3A_74 = arith.constant 7 : i32
      %mul3A_75 = arith.muli %mul3A_74, %convert_element_type3A_73 : i32
      %min3A = arith.constant 19999 : i32
      %min3A_76 = arith.minsi %mul3A_75, %min3A : i32
      %scan3A = arith.constant 0 : i32
      %scan3A_77 = arith.constant 2147483647 : i32
      %scan3A_78 = arith.constant 0 : i32
      %scan3A_79 = arith.constant 31 : i32
      %scan3A_80 = arith.addi %scan3A_78, %scan3A_79 : i32
      %scan3A_81 = arith.constant 1 : i32
      %scan3A_82:2 = scf.for %scan3A_129 = %scan3A_78 to %scan3A_80 step %scan3A_81 iter_args(%scan3A_130 = %scan3A, %scan3A_131 = %scan3A_77) -> (i32, i32)  : i32 {
        %sub3A_132 = arith.subi %scan3A_131, %scan3A_130 : i32
        %div3A_133 = arith.constant 2 : i32
        %div3A_134 = arith.divsi %sub3A_132, %div3A_133 : i32
        %add3A_135 = arith.addi %scan3A_130, %div3A_134 : i32
        %broadcast_in_dim3A_136 = arith.constant 0 : i32
        %broadcast_in_dim3A_137 = vector.broadcast %broadcast_in_dim3A_136 : i32 to vector<16xi32>
        %parallel_loop3A_138 = arith.constant 0 : i32
        %parallel_loop3A_139 = arith.constant 420 : i32
        %parallel_loop3A_140 = arith.constant 1 : i32
        %parallel_loop3A_141 = scf.for %parallel_loop3A_152 = %parallel_loop3A_138 to %parallel_loop3A_139 step %parallel_loop3A_140 iter_args(%parallel_loop3A_153 = %broadcast_in_dim3A_137) -> (vector<16xi32>)  : i32 {
          %parallel_loop3A_154 = arith.constant 16 : i32
          %parallel_loop3A_155 = arith.muli %parallel_loop3A_152, %parallel_loop3A_154 : i32
          %parallel_loop3A_156 = arith.index_cast %parallel_loop3A_155 : i32 to index
          %parallel_loop3A_157 = tpu.vector_load %arg16[%parallel_loop3A_156] {strides = array<i32>} : memref<6720xf32, #tpu.memory_space<vmem>>, vector<16xf32>,
          %parallel_loop3A_158 = vector.bitcast %parallel_loop3A_157 : vector<16xf32> to vector<16xi32>
          %parallel_loop3A_159 = vector.broadcast %add3A_135 : i32 to vector<16xi32>
          %parallel_loop3A_160 = arith.cmpi sge, %parallel_loop3A_158, %parallel_loop3A_159 : vector<16xi32>
          %parallel_loop3A_161 = arith.constant 1 : i32
          %parallel_loop3A_162 = arith.constant 0 : i32
          %parallel_loop3A_163 = vector.broadcast %parallel_loop3A_161 : i32 to vector<16xi32>
          %parallel_loop3A_164 = vector.broadcast %parallel_loop3A_162 : i32 to vector<16xi32>
          %parallel_loop3A_165 = arith.select %parallel_loop3A_160, %parallel_loop3A_163, %parallel_loop3A_164 : vector<16xi1>, vector<16xi32>
          %parallel_loop3A_166 = arith.addi %parallel_loop3A_153, %parallel_loop3A_165 : vector<16xi32>
          scf.yield %parallel_loop3A_166 : vector<16xi32>
        } {sc.loop_unroll_factor = 8 : i64, sc.parallel_access}
        %parallel_loop3A_142 = arith.constant 0 : i32
        %parallel_loop3A_143 = arith.constant 840 : i32
        %parallel_loop3A_144 = arith.constant 1 : i32
        %parallel_loop3A_145 = scf.for %parallel_loop3A_152 = %parallel_loop3A_142 to %parallel_loop3A_143 step %parallel_loop3A_144 iter_args(%parallel_loop3A_153 = %parallel_loop3A_141) -> (vector<16xi32>)  : i32 {
          %parallel_loop3A_154 = arith.constant 16 : i32
          %parallel_loop3A_155 = arith.muli %parallel_loop3A_152, %parallel_loop3A_154 : i32
          %parallel_loop3A_156 = arith.index_cast %parallel_loop3A_155 : i32 to index
          %parallel_loop3A_157 = tpu.vector_load %arg17[%parallel_loop3A_156] {strides = array<i32>} : memref<13440xf32, #tpu.memory_space<vmem>>, vector<16xf32>,
          %parallel_loop3A_158 = vector.bitcast %parallel_loop3A_157 : vector<16xf32> to vector<16xi32>
          %parallel_loop3A_159 = vector.broadcast %add3A_135 : i32 to vector<16xi32>
          %parallel_loop3A_160 = arith.cmpi sge, %parallel_loop3A_158, %parallel_loop3A_159 : vector<16xi32>
          %parallel_loop3A_161 = arith.constant 1 : i32
          %parallel_loop3A_162 = arith.constant 0 : i32
          %parallel_loop3A_163 = vector.broadcast %parallel_loop3A_161 : i32 to vector<16xi32>
          %parallel_loop3A_164 = vector.broadcast %parallel_loop3A_162 : i32 to vector<16xi32>
          %parallel_loop3A_165 = arith.select %parallel_loop3A_160, %parallel_loop3A_163, %parallel_loop3A_164 : vector<16xi1>, vector<16xi32>
          %parallel_loop3A_166 = arith.addi %parallel_loop3A_153, %parallel_loop3A_165 : vector<16xi32>
          scf.yield %parallel_loop3A_166 : vector<16xi32>
        } {sc.loop_unroll_factor = 8 : i64, sc.parallel_access}
        %reduce_sum3A_146 = arith.constant true
        %reduce_sum3A_147 = vector.broadcast %reduce_sum3A_146 : i1 to vector<16xi1>
        %reduce_sum3A_148 = tpu.scan <sum>, %parallel_loop3A_145 masked %reduce_sum3A_147 : vector<16xi32>, vector<16xi1> -> vector<16xi32>
        %reduce_sum3A_149 = vector.extract %reduce_sum3A_148[15] : i32 from vector<16xi32>
        %ge3A = arith.cmpi sge, %reduce_sum3A_149, %min3A_76 : i32
        %select_n3A_150 = arith.select %ge3A, %add3A_135, %scan3A_130 : i32
        %select_n3A_151 = arith.select %ge3A, %scan3A_131, %add3A_135 : i32
        scf.yield %select_n3A_150, %select_n3A_151 : i32, i32
      }
      %scan3A_83 = arith.constant 31 : i32
      %broadcast_in_dim3A = arith.constant 0.000000e+00 : f32
      %broadcast_in_dim3A_84 = vector.broadcast %broadcast_in_dim3A : f32 to vector<16xf32>
      %broadcast_in_dim3A_85 = arith.constant 0 : i32
      %broadcast_in_dim3A_86 = vector.broadcast %broadcast_in_dim3A_85 : i32 to vector<16xi32>
      %broadcast_in_dim3A_87 = arith.constant -3.000000e+38 : f32
      %broadcast_in_dim3A_88 = vector.broadcast %broadcast_in_dim3A_87 : f32 to vector<16xf32>
      %parallel_loop3A = arith.constant 0 : i32
      %parallel_loop3A_89 = arith.constant 420 : i32
      %parallel_loop3A_90 = arith.constant 1 : i32
      %parallel_loop3A_91:3 = scf.for %parallel_loop3A_129 = %parallel_loop3A to %parallel_loop3A_89 step %parallel_loop3A_90 iter_args(%parallel_loop3A_130 = %broadcast_in_dim3A_84, %parallel_loop3A_131 = %broadcast_in_dim3A_86, %parallel_loop3A_132 = %broadcast_in_dim3A_88) -> (vector<16xf32>, vector<16xi32>, vector<16xf32>)  : i32 {
        %parallel_loop3A_133 = arith.constant 16 : i32
        %parallel_loop3A_134 = arith.muli %parallel_loop3A_129, %parallel_loop3A_133 : i32
        %parallel_loop3A_135 = arith.index_cast %parallel_loop3A_134 : i32 to index
        %parallel_loop3A_136 = tpu.vector_load %arg16[%parallel_loop3A_135] {strides = array<i32>} : memref<6720xf32, #tpu.memory_space<vmem>>, vector<16xf32>,
        %parallel_loop3A_137 = vector.bitcast %parallel_loop3A_136 : vector<16xf32> to vector<16xi32>
        %parallel_loop3A_138 = vector.broadcast %scan3A_82#0 : i32 to vector<16xi32>
        %parallel_loop3A_139 = arith.cmpi sgt, %parallel_loop3A_137, %parallel_loop3A_138 : vector<16xi32>
        %parallel_loop3A_140 = arith.constant 0.000000e+00 : f32
        %parallel_loop3A_141 = vector.broadcast %parallel_loop3A_140 : f32 to vector<16xf32>
        %parallel_loop3A_142 = arith.select %parallel_loop3A_139, %parallel_loop3A_136, %parallel_loop3A_141 : vector<16xi1>, vector<16xf32>
        %parallel_loop3A_143 = arith.addf %parallel_loop3A_130, %parallel_loop3A_142 : vector<16xf32>
        %parallel_loop3A_144 = arith.constant 1 : i32
        %parallel_loop3A_145 = arith.constant 0 : i32
        %parallel_loop3A_146 = vector.broadcast %parallel_loop3A_144 : i32 to vector<16xi32>
        %parallel_loop3A_147 = vector.broadcast %parallel_loop3A_145 : i32 to vector<16xi32>
        %parallel_loop3A_148 = arith.select %parallel_loop3A_139, %parallel_loop3A_146, %parallel_loop3A_147 : vector<16xi1>, vector<16xi32>
        %parallel_loop3A_149 = arith.addi %parallel_loop3A_131, %parallel_loop3A_148 : vector<16xi32>
        %parallel_loop3A_150 = vector.broadcast %scan3A_82#0 : i32 to vector<16xi32>
        %parallel_loop3A_151 = arith.cmpi eq, %parallel_loop3A_137, %parallel_loop3A_150 : vector<16xi32>
        %parallel_loop3A_152 = arith.constant -3.000000e+38 : f32
        %parallel_loop3A_153 = vector.broadcast %parallel_loop3A_152 : f32 to vector<16xf32>
        %parallel_loop3A_154 = arith.select %parallel_loop3A_151, %parallel_loop3A_136, %parallel_loop3A_153 : vector<16xi1>, vector<16xf32>
        %parallel_loop3A_155 = arith.maximumf %parallel_loop3A_132, %parallel_loop3A_154 : vector<16xf32>
        scf.yield %parallel_loop3A_143, %parallel_loop3A_149, %parallel_loop3A_155 : vector<16xf32>, vector<16xi32>, vector<16xf32>
      } {sc.loop_unroll_factor = 4 : i64, sc.parallel_access}
      %parallel_loop3A_92 = arith.constant 0 : i32
      %parallel_loop3A_93 = arith.constant 840 : i32
      %parallel_loop3A_94 = arith.constant 1 : i32
      %parallel_loop3A_95:3 = scf.for %parallel_loop3A_129 = %parallel_loop3A_92 to %parallel_loop3A_93 step %parallel_loop3A_94 iter_args(%parallel_loop3A_130 = %parallel_loop3A_91#0, %parallel_loop3A_131 = %parallel_loop3A_91#1, %parallel_loop3A_132 = %parallel_loop3A_91#2) -> (vector<16xf32>, vector<16xi32>, vector<16xf32>)  : i32 {
        %parallel_loop3A_133 = arith.constant 16 : i32
        %parallel_loop3A_134 = arith.muli %parallel_loop3A_129, %parallel_loop3A_133 : i32
        %parallel_loop3A_135 = arith.index_cast %parallel_loop3A_134 : i32 to index
        %parallel_loop3A_136 = tpu.vector_load %arg17[%parallel_loop3A_135] {strides = array<i32>} : memref<13440xf32, #tpu.memory_space<vmem>>, vector<16xf32>,
        %parallel_loop3A_137 = vector.bitcast %parallel_loop3A_136 : vector<16xf32> to vector<16xi32>
        %parallel_loop3A_138 = vector.broadcast %scan3A_82#0 : i32 to vector<16xi32>
        %parallel_loop3A_139 = arith.cmpi sgt, %parallel_loop3A_137, %parallel_loop3A_138 : vector<16xi32>
        %parallel_loop3A_140 = arith.constant 0.000000e+00 : f32
        %parallel_loop3A_141 = vector.broadcast %parallel_loop3A_140 : f32 to vector<16xf32>
        %parallel_loop3A_142 = arith.select %parallel_loop3A_139, %parallel_loop3A_136, %parallel_loop3A_141 : vector<16xi1>, vector<16xf32>
        %parallel_loop3A_143 = arith.addf %parallel_loop3A_130, %parallel_loop3A_142 : vector<16xf32>
        %parallel_loop3A_144 = arith.constant 1 : i32
        %parallel_loop3A_145 = arith.constant 0 : i32
        %parallel_loop3A_146 = vector.broadcast %parallel_loop3A_144 : i32 to vector<16xi32>
        %parallel_loop3A_147 = vector.broadcast %parallel_loop3A_145 : i32 to vector<16xi32>
        %parallel_loop3A_148 = arith.select %parallel_loop3A_139, %parallel_loop3A_146, %parallel_loop3A_147 : vector<16xi1>, vector<16xi32>
        %parallel_loop3A_149 = arith.addi %parallel_loop3A_131, %parallel_loop3A_148 : vector<16xi32>
        %parallel_loop3A_150 = vector.broadcast %scan3A_82#0 : i32 to vector<16xi32>
        %parallel_loop3A_151 = arith.cmpi eq, %parallel_loop3A_137, %parallel_loop3A_150 : vector<16xi32>
        %parallel_loop3A_152 = arith.constant -3.000000e+38 : f32
        %parallel_loop3A_153 = vector.broadcast %parallel_loop3A_152 : f32 to vector<16xf32>
        %parallel_loop3A_154 = arith.select %parallel_loop3A_151, %parallel_loop3A_136, %parallel_loop3A_153 : vector<16xi1>, vector<16xf32>
        %parallel_loop3A_155 = arith.maximumf %parallel_loop3A_132, %parallel_loop3A_154 : vector<16xf32>
        scf.yield %parallel_loop3A_143, %parallel_loop3A_149, %parallel_loop3A_155 : vector<16xf32>, vector<16xi32>, vector<16xf32>
      } {sc.loop_unroll_factor = 4 : i64, sc.parallel_access}
      %reduce_sum3A_96 = arith.constant true
      %reduce_sum3A_97 = vector.broadcast %reduce_sum3A_96 : i1 to vector<16xi1>
      %reduce_sum3A_98 = tpu.scan <sum>, %parallel_loop3A_95#0 masked %reduce_sum3A_97 : vector<16xf32>, vector<16xi1> -> vector<16xf32>
      %reduce_sum3A_99 = vector.extract %reduce_sum3A_98[15] : f32 from vector<16xf32>
      %reduce_sum3A_100 = arith.constant true
      %reduce_sum3A_101 = vector.broadcast %reduce_sum3A_100 : i1 to vector<16xi1>
      %reduce_sum3A_102 = tpu.scan <sum>, %parallel_loop3A_95#1 masked %reduce_sum3A_101 : vector<16xi32>, vector<16xi1> -> vector<16xi32>
      %reduce_sum3A_103 = vector.extract %reduce_sum3A_102[15] : i32 from vector<16xi32>
      %sub3A = arith.subi %min3A_76, %reduce_sum3A_103 : i32
      %convert_element_type3A_104 = arith.sitofp %sub3A : i32 to f32
      %reduce_max3A = arith.constant true
      %reduce_max3A_105 = vector.broadcast %reduce_max3A : i1 to vector<16xi1>
      %reduce_max3A_106 = tpu.scan <max>, %parallel_loop3A_95#2 masked %reduce_max3A_105 : vector<16xf32>, vector<16xi1> -> vector<16xf32>
      %reduce_max3A_107 = vector.extract %reduce_max3A_106[15] : f32 from vector<16xf32>
      %mul3A_108 = arith.mulf %convert_element_type3A_104, %reduce_max3A_107 : f32
      %add3A_109 = arith.addf %reduce_sum3A_99, %mul3A_108 : f32
      %gt3A = arith.constant 0 : i32
      %gt3A_110 = arith.cmpi sgt, %min3A_76, %gt3A : i32
      %jit3A = arith.constant 0.000000e+00 : f32
      %select_n3A = arith.select %gt3A_110, %add3A_109, %jit3A : f32
      %sub3A_111 = arith.constant 6 : i32
      %sub3A_112 = arith.subi %add3A_4, %sub3A_111 : i32
      %swap3A = arith.constant 0 : index
      %swap3A_113 = tpu.vector_load %arg30[%swap3A] {strides = array<i32>} : memref<48xf32, #tpu.memory_space<vmem>>, vector<16xf32>,
      tpu.vector_store %arg30[%swap3A], %add3A_63 {strides = array<i32>} : memref<48xf32, #tpu.memory_space<vmem>>, vector<16xf32>,
      %swap3A_114 = arith.constant 16 : index
      %swap3A_115 = tpu.vector_load %arg30[%swap3A_114] {strides = array<i32>} : memref<48xf32, #tpu.memory_space<vmem>>, vector<16xf32>,
      tpu.vector_store %arg30[%swap3A_114], %add3A_66 {strides = array<i32>} : memref<48xf32, #tpu.memory_space<vmem>>, vector<16xf32>,
      %jit3A_116 = arith.constant 0.000000e+00 : f32
      %broadcast_in_dim3A_117 = vector.broadcast %select_n3A : f32 to vector<16xf32>
      %broadcast_in_dim3A_118 = vector.broadcast %jit3A_116 : f32 to vector<16xf32>
      %select_n3A_119 = arith.select %eq3A_9, %broadcast_in_dim3A_117, %broadcast_in_dim3A_118 : vector<16xi1>, vector<16xf32>
      %add3A_120 = arith.addf %add3A_69, %select_n3A_119 : vector<16xf32>
      %swap3A_121 = arith.constant 32 : index
      %swap3A_122 = tpu.vector_load %arg30[%swap3A_121] {strides = array<i32>} : memref<48xf32, #tpu.memory_space<vmem>>, vector<16xf32>,
      tpu.vector_store %arg30[%swap3A_121], %add3A_120 {strides = array<i32>} : memref<48xf32, #tpu.memory_space<vmem>>, vector<16xf32>,
      %mul3A_123 = arith.constant 16 : i32
      %mul3A_124 = arith.muli %sub3A_112, %mul3A_123 : i32
      "tpu.region"() ({
        %run_scoped3A = tpu.sem_alloc : memref<!tpu.dma_semaphore, #tpu.memory_space<semaphore_mem>>
        %dma_start3A = arith.constant 0 : i32
        %dma_start3A_129 = tpu.memref_slice %arg30[%dma_start3A] : memref<48xf32, #tpu.memory_space<vmem>> -> memref<16xf32, #tpu.memory_space<vmem>>
        %dma_start3A_130 = tpu.memref_slice %arg6[%mul3A_124] : memref<160xf32, #tpu.memory_space<hbm>> -> memref<16xf32, #tpu.memory_space<hbm>>
        %dma_start3A_131 = tpu.memref_slice %arg6[%mul3A_124] : memref<160xf32, #tpu.memory_space<hbm>> -> memref<16xf32, #tpu.memory_space<hbm>>
        %dma_start3A_132 = arith.constant 0 : i32
        %dma_start3A_133 = tpu.memref_slice %arg30[%dma_start3A_132] : memref<48xf32, #tpu.memory_space<vmem>> -> memref<16xf32, #tpu.memory_space<vmem>>
        tpu.enqueue_dma source(%dma_start3A_133 : memref<16xf32, #tpu.memory_space<vmem>>) target(%dma_start3A_131 : memref<16xf32, #tpu.memory_space<hbm>>) target_semaphore(%run_scoped3A : memref<!tpu.dma_semaphore, #tpu.memory_space<semaphore_mem>>)
        %dma_wait3A = arith.constant 0 : i32
        %dma_wait3A_134 = tpu.memref_slice %arg30[%dma_wait3A] : memref<48xf32, #tpu.memory_space<vmem>> -> memref<16xf32, #tpu.memory_space<vmem>>
        %dma_wait3A_135 = tpu.memref_slice %arg6[%mul3A_124] : memref<160xf32, #tpu.memory_space<hbm>> -> memref<16xf32, #tpu.memory_space<hbm>>
        %dma_wait3A_136 = tpu.memref_slice %arg6[%mul3A_124] : memref<160xf32, #tpu.memory_space<hbm>> -> memref<16xf32, #tpu.memory_space<hbm>>
        %dma_wait3A_137 = arith.constant 0 : i32
        %dma_wait3A_138 = tpu.memref_slice %arg30[%dma_wait3A_137] : memref<48xf32, #tpu.memory_space<vmem>> -> memref<16xf32, #tpu.memory_space<vmem>>
        tpu.wait_dma2 semaphore(%run_scoped3A : memref<!tpu.dma_semaphore, #tpu.memory_space<semaphore_mem>>) src(%dma_wait3A_138 : memref<16xf32, #tpu.memory_space<vmem>>) dst(%dma_wait3A_136 : memref<16xf32, #tpu.memory_space<hbm>>)
        tpu.yield
      }) : () -> ()
      %mul3A_125 = arith.constant 16 : i32
      %mul3A_126 = arith.muli %sub3A_112, %mul3A_125 : i32
      "tpu.region"() ({
        %run_scoped3A = tpu.sem_alloc : memref<!tpu.dma_semaphore, #tpu.memory_space<semaphore_mem>>
        %dma_start3A = arith.constant 16 : i32
        %dma_start3A_129 = tpu.memref_slice %arg30[%dma_start3A] : memref<48xf32, #tpu.memory_space<vmem>> -> memref<16xf32, #tpu.memory_space<vmem>>
        %dma_start3A_130 = tpu.memref_slice %arg8[%mul3A_126] : memref<160xf32, #tpu.memory_space<hbm>> -> memref<16xf32, #tpu.memory_space<hbm>>
        %dma_start3A_131 = tpu.memref_slice %arg8[%mul3A_126] : memref<160xf32, #tpu.memory_space<hbm>> -> memref<16xf32, #tpu.memory_space<hbm>>
        %dma_start3A_132 = arith.constant 16 : i32
        %dma_start3A_133 = tpu.memref_slice %arg30[%dma_start3A_132] : memref<48xf32, #tpu.memory_space<vmem>> -> memref<16xf32, #tpu.memory_space<vmem>>
        tpu.enqueue_dma source(%dma_start3A_133 : memref<16xf32, #tpu.memory_space<vmem>>) target(%dma_start3A_131 : memref<16xf32, #tpu.memory_space<hbm>>) target_semaphore(%run_scoped3A : memref<!tpu.dma_semaphore, #tpu.memory_space<semaphore_mem>>)
        %dma_wait3A = arith.constant 16 : i32
        %dma_wait3A_134 = tpu.memref_slice %arg30[%dma_wait3A] : memref<48xf32, #tpu.memory_space<vmem>> -> memref<16xf32, #tpu.memory_space<vmem>>
        %dma_wait3A_135 = tpu.memref_slice %arg8[%mul3A_126] : memref<160xf32, #tpu.memory_space<hbm>> -> memref<16xf32, #tpu.memory_space<hbm>>
        %dma_wait3A_136 = tpu.memref_slice %arg8[%mul3A_126] : memref<160xf32, #tpu.memory_space<hbm>> -> memref<16xf32, #tpu.memory_space<hbm>>
        %dma_wait3A_137 = arith.constant 16 : i32
        %dma_wait3A_138 = tpu.memref_slice %arg30[%dma_wait3A_137] : memref<48xf32, #tpu.memory_space<vmem>> -> memref<16xf32, #tpu.memory_space<vmem>>
        tpu.wait_dma2 semaphore(%run_scoped3A : memref<!tpu.dma_semaphore, #tpu.memory_space<semaphore_mem>>) src(%dma_wait3A_138 : memref<16xf32, #tpu.memory_space<vmem>>) dst(%dma_wait3A_136 : memref<16xf32, #tpu.memory_space<hbm>>)
        tpu.yield
      }) : () -> ()
      %mul3A_127 = arith.constant 16 : i32
      %mul3A_128 = arith.muli %sub3A_112, %mul3A_127 : i32
      "tpu.region"() ({
        %run_scoped3A = tpu.sem_alloc : memref<!tpu.dma_semaphore, #tpu.memory_space<semaphore_mem>>
        %dma_start3A = arith.constant 32 : i32
        %dma_start3A_129 = tpu.memref_slice %arg30[%dma_start3A] : memref<48xf32, #tpu.memory_space<vmem>> -> memref<16xf32, #tpu.memory_space<vmem>>
        %dma_start3A_130 = tpu.memref_slice %arg7[%mul3A_128] : memref<160xf32, #tpu.memory_space<hbm>> -> memref<16xf32, #tpu.memory_space<hbm>>
        %dma_start3A_131 = tpu.memref_slice %arg7[%mul3A_128] : memref<160xf32, #tpu.memory_space<hbm>> -> memref<16xf32, #tpu.memory_space<hbm>>
        %dma_start3A_132 = arith.constant 32 : i32
        %dma_start3A_133 = tpu.memref_slice %arg30[%dma_start3A_132] : memref<48xf32, #tpu.memory_space<vmem>> -> memref<16xf32, #tpu.memory_space<vmem>>
        tpu.enqueue_dma source(%dma_start3A_133 : memref<16xf32, #tpu.memory_space<vmem>>) target(%dma_start3A_131 : memref<16xf32, #tpu.memory_space<hbm>>) target_semaphore(%run_scoped3A : memref<!tpu.dma_semaphore, #tpu.memory_space<semaphore_mem>>)
        %dma_wait3A = arith.constant 32 : i32
        %dma_wait3A_134 = tpu.memref_slice %arg30[%dma_wait3A] : memref<48xf32, #tpu.memory_space<vmem>> -> memref<16xf32, #tpu.memory_space<vmem>>
        %dma_wait3A_135 = tpu.memref_slice %arg7[%mul3A_128] : memref<160xf32, #tpu.memory_space<hbm>> -> memref<16xf32, #tpu.memory_space<hbm>>
        %dma_wait3A_136 = tpu.memref_slice %arg7[%mul3A_128] : memref<160xf32, #tpu.memory_space<hbm>> -> memref<16xf32, #tpu.memory_space<hbm>>
        %dma_wait3A_137 = arith.constant 32 : i32
        %dma_wait3A_138 = tpu.memref_slice %arg30[%dma_wait3A_137] : memref<48xf32, #tpu.memory_space<vmem>> -> memref<16xf32, #tpu.memory_space<vmem>>
        tpu.wait_dma2 semaphore(%run_scoped3A : memref<!tpu.dma_semaphore, #tpu.memory_space<semaphore_mem>>) src(%dma_wait3A_138 : memref<16xf32, #tpu.memory_space<vmem>>) dst(%dma_wait3A_136 : memref<16xf32, #tpu.memory_space<hbm>>)
        tpu.yield
      }) : () -> ()
    } else {
    }
    return
  }
}

module attributes {stable_mosaic.version = 14 : i64} {
  func.func @_row_kernel(%arg0: i32, %arg1: memref<1x50x5xf32, #tpu.memory_space<smem>>, %arg2: memref<1x4x160x128xf32, #tpu.memory_space<vmem>>, %arg3: memref<1x2x160x128xf32, #tpu.memory_space<vmem>>, %arg4: memref<4x160x128xf32, #tpu.memory_space<vmem>>, %arg5: memref<1xf32, #tpu.memory_space<smem>>, %arg6: memref<1xf32, #tpu.memory_space<smem>>, %arg7: memref<1xf32, #tpu.memory_space<smem>>, %arg8: memref<160x128xf32, #tpu.memory_space<vmem>>, %arg9: memref<160x128xi32, #tpu.memory_space<vmem>>, %arg10: memref<50xf32, #tpu.memory_space<smem>>, %arg11: memref<50xi32, #tpu.memory_space<smem>>) attributes {dimension_semantics = [#tpu.dimension_semantics<arbitrary>], iteration_bounds = array<i64: 6>, scalar_prefetch = 0 : i64, scratch_operands = 4 : i64, tpu.core_type = #tpu.core_type<tc>, window_params = [{transform_indices = @transform_0, window_bounds = array<i64: 1, 50, 5>}, {transform_indices = @transform_1, window_bounds = array<i64: 1, 4, 160, 128>}, {transform_indices = @transform_2, window_bounds = array<i64: 1, 2, 160, 128>}, {pipeline_mode = #tpu.pipeline_mode<synchronous>, transform_indices = @transform_3, window_bounds = array<i64: 4, 160, 128>}, {transform_indices = @transform_4, window_bounds = array<i64: 1>}, {transform_indices = @transform_5, window_bounds = array<i64: 1>}, {transform_indices = @transform_6, window_bounds = array<i64: 1>}]} {
    %eq3A = arith.constant 0 : i32
    %eq3A_0 = arith.cmpi eq, %arg0, %eq3A : i32
    %convert_element_type3A = arith.extui %eq3A_0 : i1 to i32
    %cond3A = arith.constant 0 : i32
    %cond3A_1 = arith.cmpi ne, %convert_element_type3A, %cond3A : i32
    scf.if %cond3A_1 {
      %swap3A_558 = arith.constant 0.000000e+00 : f32
      %swap3A_559 = arith.constant 0 : index
      %swap3A_560 = memref.load %arg5[%swap3A_559] : memref<1xf32, #tpu.memory_space<smem>>
      memref.store %swap3A_558, %arg5[%swap3A_559] : memref<1xf32, #tpu.memory_space<smem>>
      %swap3A_561 = arith.constant 0.000000e+00 : f32
      %swap3A_562 = arith.constant 0 : index
      %swap3A_563 = memref.load %arg6[%swap3A_562] : memref<1xf32, #tpu.memory_space<smem>>
      memref.store %swap3A_561, %arg6[%swap3A_562] : memref<1xf32, #tpu.memory_space<smem>>
      %swap3A_564 = arith.constant 0.000000e+00 : f32
      %swap3A_565 = arith.constant 0 : index
      %swap3A_566 = memref.load %arg7[%swap3A_565] : memref<1xf32, #tpu.memory_space<smem>>
      memref.store %swap3A_564, %arg7[%swap3A_565] : memref<1xf32, #tpu.memory_space<smem>>
    } else {
    }
    %get3A = arith.constant 0 : index
    %get3A_2 = arith.constant 0 : index
    %get3A_3 = arith.constant 0 : index
    %get3A_4 = vector.load %arg4[%get3A, %get3A_2, %get3A_3] : memref<4x160x128xf32, #tpu.memory_space<vmem>>, vector<1x160x128xf32>
    %get3A_5 = vector.shape_cast %get3A_4 : vector<1x160x128xf32> to vector<160x128xf32>
    %get3A_6 = arith.constant 1 : index
    %get3A_7 = arith.constant 0 : index
    %get3A_8 = arith.constant 0 : index
    %get3A_9 = vector.load %arg4[%get3A_6, %get3A_7, %get3A_8] : memref<4x160x128xf32, #tpu.memory_space<vmem>>, vector<1x160x128xf32>
    %get3A_10 = vector.shape_cast %get3A_9 : vector<1x160x128xf32> to vector<160x128xf32>
    %get3A_11 = arith.constant 2 : index
    %get3A_12 = arith.constant 0 : index
    %get3A_13 = arith.constant 0 : index
    %get3A_14 = vector.load %arg4[%get3A_11, %get3A_12, %get3A_13] : memref<4x160x128xf32, #tpu.memory_space<vmem>>, vector<1x160x128xf32>
    %get3A_15 = vector.shape_cast %get3A_14 : vector<1x160x128xf32> to vector<160x128xf32>
    %get3A_16 = arith.constant 3 : index
    %get3A_17 = arith.constant 0 : index
    %get3A_18 = arith.constant 0 : index
    %get3A_19 = vector.load %arg4[%get3A_16, %get3A_17, %get3A_18] : memref<4x160x128xf32, #tpu.memory_space<vmem>>, vector<1x160x128xf32>
    %get3A_20 = vector.shape_cast %get3A_19 : vector<1x160x128xf32> to vector<160x128xf32>
    %mul3A = arith.constant 5.000000e-01 : f32
    %mul3A_21 = vector.broadcast %mul3A : f32 to vector<160x128xf32>
    %mul3A_22 = arith.mulf %get3A_15, %mul3A_21 : vector<160x128xf32>
    %sub3A = arith.subf %get3A_5, %mul3A_22 : vector<160x128xf32>
    %mul3A_23 = arith.constant 5.000000e-01 : f32
    %mul3A_24 = vector.broadcast %mul3A_23 : f32 to vector<160x128xf32>
    %mul3A_25 = arith.mulf %get3A_20, %mul3A_24 : vector<160x128xf32>
    %sub3A_26 = arith.subf %get3A_10, %mul3A_25 : vector<160x128xf32>
    %mul3A_27 = arith.constant 5.000000e-01 : f32
    %mul3A_28 = vector.broadcast %mul3A_27 : f32 to vector<160x128xf32>
    %mul3A_29 = arith.mulf %get3A_15, %mul3A_28 : vector<160x128xf32>
    %add3A = arith.addf %get3A_5, %mul3A_29 : vector<160x128xf32>
    %mul3A_30 = arith.constant 5.000000e-01 : f32
    %mul3A_31 = vector.broadcast %mul3A_30 : f32 to vector<160x128xf32>
    %mul3A_32 = arith.mulf %get3A_20, %mul3A_31 : vector<160x128xf32>
    %add3A_33 = arith.addf %get3A_10, %mul3A_32 : vector<160x128xf32>
    %mul3A_34 = arith.mulf %get3A_15, %get3A_20 : vector<160x128xf32>
    %iota3A = tpu.iota {dimensions = array<i32: 0>} : vector<160x128xi32>
    %mul3A_35 = arith.constant 128 : i32
    %mul3A_36 = vector.broadcast %mul3A_35 : i32 to vector<160x128xi32>
    %mul3A_37 = arith.muli %iota3A, %mul3A_36 : vector<160x128xi32>
    %iota3A_38 = tpu.iota {dimensions = array<i32: 1>} : vector<160x128xi32>
    %add3A_39 = arith.addi %mul3A_37, %iota3A_38 : vector<160x128xi32>
    %broadcast_in_dim3A = arith.constant 0xFF800000 : f32
    %broadcast_in_dim3A_40 = vector.broadcast %broadcast_in_dim3A : f32 to vector<160x128xf32>
    %swap3A = arith.constant 0 : index
    %swap3A_41 = arith.constant 0 : index
    %swap3A_42 = vector.load %arg8[%swap3A, %swap3A_41] : memref<160x128xf32, #tpu.memory_space<vmem>>, vector<160x128xf32>
    tpu.vector_store %arg8[%swap3A, %swap3A_41], %broadcast_in_dim3A_40 {strides = array<i32>} : memref<160x128xf32, #tpu.memory_space<vmem>>, vector<160x128xf32>,
    %broadcast_in_dim3A_43 = arith.constant 0 : i32
    %broadcast_in_dim3A_44 = vector.broadcast %broadcast_in_dim3A_43 : i32 to vector<160x128xi32>
    %swap3A_45 = arith.constant 0 : index
    %swap3A_46 = arith.constant 0 : index
    %swap3A_47 = vector.load %arg9[%swap3A_45, %swap3A_46] : memref<160x128xi32, #tpu.memory_space<vmem>>, vector<160x128xi32>
    tpu.vector_store %arg9[%swap3A_45, %swap3A_46], %broadcast_in_dim3A_44 {strides = array<i32>} : memref<160x128xi32, #tpu.memory_space<vmem>>, vector<160x128xi32>,
    %scan3A = arith.constant 0xFF800000 : f32
    %scan3A_48 = arith.constant 0 : i32
    %scan3A_49 = arith.constant 48 : i32
    %scan3A_50 = arith.addi %scan3A_48, %scan3A_49 : i32
    %scan3A_51 = arith.constant 4 : i32
    %scan3A_52 = scf.for %scan3A_558 = %scan3A_48 to %scan3A_50 step %scan3A_51 iter_args(%scan3A_559 = %scan3A) -> (f32)  : i32 {
      %get3A_560 = arith.constant 0 : index
      %get3A_561 = arith.index_cast %scan3A_558 : i32 to index
      %get3A_562 = arith.constant 0 : index
      %get3A_563 = memref.load %arg1[%get3A_560, %get3A_561, %get3A_562] : memref<1x50x5xf32, #tpu.memory_space<smem>>
      %get3A_564 = arith.constant 0 : index
      %get3A_565 = arith.index_cast %scan3A_558 : i32 to index
      %get3A_566 = arith.constant 1 : index
      %get3A_567 = memref.load %arg1[%get3A_564, %get3A_565, %get3A_566] : memref<1x50x5xf32, #tpu.memory_space<smem>>
      %get3A_568 = arith.constant 0 : index
      %get3A_569 = arith.index_cast %scan3A_558 : i32 to index
      %get3A_570 = arith.constant 2 : index
      %get3A_571 = memref.load %arg1[%get3A_568, %get3A_569, %get3A_570] : memref<1x50x5xf32, #tpu.memory_space<smem>>
      %get3A_572 = arith.constant 0 : index
      %get3A_573 = arith.index_cast %scan3A_558 : i32 to index
      %get3A_574 = arith.constant 3 : index
      %get3A_575 = memref.load %arg1[%get3A_572, %get3A_573, %get3A_574] : memref<1x50x5xf32, #tpu.memory_space<smem>>
      %min3A_576 = vector.broadcast %get3A_571 : f32 to vector<160x128xf32>
      %min3A_577 = arith.minimumf %min3A_576, %add3A : vector<160x128xf32>
      %max3A_578 = vector.broadcast %get3A_563 : f32 to vector<160x128xf32>
      %max3A_579 = arith.maximumf %max3A_578, %sub3A : vector<160x128xf32>
      %sub3A_580 = arith.subf %min3A_577, %max3A_579 : vector<160x128xf32>
      %max3A_581 = arith.constant 0.000000e+00 : f32
      %max3A_582 = vector.broadcast %max3A_581 : f32 to vector<160x128xf32>
      %max3A_583 = arith.maximumf %sub3A_580, %max3A_582 : vector<160x128xf32>
      %min3A_584 = vector.broadcast %get3A_575 : f32 to vector<160x128xf32>
      %min3A_585 = arith.minimumf %min3A_584, %add3A_33 : vector<160x128xf32>
      %max3A_586 = vector.broadcast %get3A_567 : f32 to vector<160x128xf32>
      %max3A_587 = arith.maximumf %max3A_586, %sub3A_26 : vector<160x128xf32>
      %sub3A_588 = arith.subf %min3A_585, %max3A_587 : vector<160x128xf32>
      %max3A_589 = arith.constant 0.000000e+00 : f32
      %max3A_590 = vector.broadcast %max3A_589 : f32 to vector<160x128xf32>
      %max3A_591 = arith.maximumf %sub3A_588, %max3A_590 : vector<160x128xf32>
      %mul3A_592 = arith.mulf %max3A_583, %max3A_591 : vector<160x128xf32>
      %sub3A_593 = arith.subf %get3A_571, %get3A_563 : f32
      %sub3A_594 = arith.subf %get3A_575, %get3A_567 : f32
      %mul3A_595 = arith.mulf %sub3A_593, %sub3A_594 : f32
      %add3A_596 = vector.broadcast %mul3A_595 : f32 to vector<160x128xf32>
      %add3A_597 = arith.addf %add3A_596, %mul3A_34 : vector<160x128xf32>
      %sub3A_598 = arith.subf %add3A_597, %mul3A_592 : vector<160x128xf32>
      %div3A_599 = arith.divf %mul3A_592, %sub3A_598 : vector<160x128xf32>
      %get3A_600 = arith.constant 0 : index
      %get3A_601 = arith.constant 0 : index
      %get3A_602 = vector.load %arg8[%get3A_600, %get3A_601] : memref<160x128xf32, #tpu.memory_space<vmem>>, vector<160x128xf32>
      %gt3A_603 = arith.cmpf ogt, %div3A_599, %get3A_602 : vector<160x128xf32>
      %select_n3A_604 = arith.select %gt3A_603, %div3A_599, %get3A_602 : vector<160x128xi1>, vector<160x128xf32>
      %swap3A_605 = arith.constant 0 : index
      %swap3A_606 = arith.constant 0 : index
      %swap3A_607 = vector.load %arg8[%swap3A_605, %swap3A_606] : memref<160x128xf32, #tpu.memory_space<vmem>>, vector<160x128xf32>
      tpu.vector_store %arg8[%swap3A_605, %swap3A_606], %select_n3A_604 {strides = array<i32>} : memref<160x128xf32, #tpu.memory_space<vmem>>, vector<160x128xf32>,
      %get3A_608 = arith.constant 0 : index
      %get3A_609 = arith.constant 0 : index
      %get3A_610 = vector.load %arg9[%get3A_608, %get3A_609] : memref<160x128xi32, #tpu.memory_space<vmem>>, vector<160x128xi32>
      %broadcast_in_dim3A_611 = vector.broadcast %scan3A_558 : i32 to vector<160x128xi32>
      %select_n3A_612 = arith.select %gt3A_603, %broadcast_in_dim3A_611, %get3A_610 : vector<160x128xi1>, vector<160x128xi32>
      %swap3A_613 = arith.constant 0 : index
      %swap3A_614 = arith.constant 0 : index
      %swap3A_615 = vector.load %arg9[%swap3A_613, %swap3A_614] : memref<160x128xi32, #tpu.memory_space<vmem>>, vector<160x128xi32>
      tpu.vector_store %arg9[%swap3A_613, %swap3A_614], %select_n3A_612 {strides = array<i32>} : memref<160x128xi32, #tpu.memory_space<vmem>>, vector<160x128xi32>,
      %reduce_max3A_616 = vector.shape_cast %div3A_599 : vector<160x128xf32> to vector<1x160x128xf32>
      %reduce_max3A_617 = arith.constant dense<0xFF800000> : vector<1xf32>
      %reduce_max3A_618 = vector.multi_reduction <maximumf>, %reduce_max3A_616, %reduce_max3A_617 [1, 2] : vector<1x160x128xf32> to vector<1xf32>
      %reduce_max3A_619 = vector.shape_cast %reduce_max3A_618 : vector<1xf32> to vector<1x1x1xf32>
      %reduce_max3A_620 = vector.extract %reduce_max3A_619[0, 0, 0] : f32 from vector<1x1x1xf32>
      %swap3A_621 = arith.index_cast %scan3A_558 : i32 to index
      %swap3A_622 = memref.load %arg10[%swap3A_621] : memref<50xf32, #tpu.memory_space<smem>>
      memref.store %reduce_max3A_620, %arg10[%swap3A_621] : memref<50xf32, #tpu.memory_space<smem>>
      %eq3A_623 = vector.broadcast %reduce_max3A_620 : f32 to vector<160x128xf32>
      %eq3A_624 = arith.cmpf oeq, %div3A_599, %eq3A_623 : vector<160x128xf32>
      %jit3A_625 = arith.constant 1073741824 : i32
      %broadcast_in_dim3A_626 = vector.broadcast %jit3A_625 : i32 to vector<160x128xi32>
      %select_n3A_627 = arith.select %eq3A_624, %add3A_39, %broadcast_in_dim3A_626 : vector<160x128xi1>, vector<160x128xi32>
      %reduce_min3A_628 = vector.shape_cast %select_n3A_627 : vector<160x128xi32> to vector<1x160x128xi32>
      %reduce_min3A_629 = arith.constant dense<2147483647> : vector<1xi32>
      %reduce_min3A_630 = vector.multi_reduction <minsi>, %reduce_min3A_628, %reduce_min3A_629 [1, 2] : vector<1x160x128xi32> to vector<1xi32>
      %reduce_min3A_631 = vector.shape_cast %reduce_min3A_630 : vector<1xi32> to vector<1x1x1xi32>
      %reduce_min3A_632 = vector.extract %reduce_min3A_631[0, 0, 0] : i32 from vector<1x1x1xi32>
      %swap3A_633 = arith.index_cast %scan3A_558 : i32 to index
      %swap3A_634 = memref.load %arg11[%swap3A_633] : memref<50xi32, #tpu.memory_space<smem>>
      memref.store %reduce_min3A_632, %arg11[%swap3A_633] : memref<50xi32, #tpu.memory_space<smem>>
      %max3A_635 = arith.maximumf %scan3A_559, %reduce_max3A_620 : f32
      %scan3A_636 = arith.constant 1 : i32
      %scan3A_637 = arith.addi %scan3A_558, %scan3A_636 : i32
      %get3A_638 = arith.constant 0 : index
      %get3A_639 = arith.index_cast %scan3A_637 : i32 to index
      %get3A_640 = arith.constant 0 : index
      %get3A_641 = memref.load %arg1[%get3A_638, %get3A_639, %get3A_640] : memref<1x50x5xf32, #tpu.memory_space<smem>>
      %get3A_642 = arith.constant 0 : index
      %get3A_643 = arith.index_cast %scan3A_637 : i32 to index
      %get3A_644 = arith.constant 1 : index
      %get3A_645 = memref.load %arg1[%get3A_642, %get3A_643, %get3A_644] : memref<1x50x5xf32, #tpu.memory_space<smem>>
      %get3A_646 = arith.constant 0 : index
      %get3A_647 = arith.index_cast %scan3A_637 : i32 to index
      %get3A_648 = arith.constant 2 : index
      %get3A_649 = memref.load %arg1[%get3A_646, %get3A_647, %get3A_648] : memref<1x50x5xf32, #tpu.memory_space<smem>>
      %get3A_650 = arith.constant 0 : index
      %get3A_651 = arith.index_cast %scan3A_637 : i32 to index
      %get3A_652 = arith.constant 3 : index
      %get3A_653 = memref.load %arg1[%get3A_650, %get3A_651, %get3A_652] : memref<1x50x5xf32, #tpu.memory_space<smem>>
      %min3A_654 = vector.broadcast %get3A_649 : f32 to vector<160x128xf32>
      %min3A_655 = arith.minimumf %min3A_654, %add3A : vector<160x128xf32>
      %max3A_656 = vector.broadcast %get3A_641 : f32 to vector<160x128xf32>
      %max3A_657 = arith.maximumf %max3A_656, %sub3A : vector<160x128xf32>
      %sub3A_658 = arith.subf %min3A_655, %max3A_657 : vector<160x128xf32>
      %max3A_659 = arith.constant 0.000000e+00 : f32
      %max3A_660 = vector.broadcast %max3A_659 : f32 to vector<160x128xf32>
      %max3A_661 = arith.maximumf %sub3A_658, %max3A_660 : vector<160x128xf32>
      %min3A_662 = vector.broadcast %get3A_653 : f32 to vector<160x128xf32>
      %min3A_663 = arith.minimumf %min3A_662, %add3A_33 : vector<160x128xf32>
      %max3A_664 = vector.broadcast %get3A_645 : f32 to vector<160x128xf32>
      %max3A_665 = arith.maximumf %max3A_664, %sub3A_26 : vector<160x128xf32>
      %sub3A_666 = arith.subf %min3A_663, %max3A_665 : vector<160x128xf32>
      %max3A_667 = arith.constant 0.000000e+00 : f32
      %max3A_668 = vector.broadcast %max3A_667 : f32 to vector<160x128xf32>
      %max3A_669 = arith.maximumf %sub3A_666, %max3A_668 : vector<160x128xf32>
      %mul3A_670 = arith.mulf %max3A_661, %max3A_669 : vector<160x128xf32>
      %sub3A_671 = arith.subf %get3A_649, %get3A_641 : f32
      %sub3A_672 = arith.subf %get3A_653, %get3A_645 : f32
      %mul3A_673 = arith.mulf %sub3A_671, %sub3A_672 : f32
      %add3A_674 = vector.broadcast %mul3A_673 : f32 to vector<160x128xf32>
      %add3A_675 = arith.addf %add3A_674, %mul3A_34 : vector<160x128xf32>
      %sub3A_676 = arith.subf %add3A_675, %mul3A_670 : vector<160x128xf32>
      %div3A_677 = arith.divf %mul3A_670, %sub3A_676 : vector<160x128xf32>
      %get3A_678 = arith.constant 0 : index
      %get3A_679 = arith.constant 0 : index
      %get3A_680 = vector.load %arg8[%get3A_678, %get3A_679] : memref<160x128xf32, #tpu.memory_space<vmem>>, vector<160x128xf32>
      %gt3A_681 = arith.cmpf ogt, %div3A_677, %get3A_680 : vector<160x128xf32>
      %select_n3A_682 = arith.select %gt3A_681, %div3A_677, %get3A_680 : vector<160x128xi1>, vector<160x128xf32>
      %swap3A_683 = arith.constant 0 : index
      %swap3A_684 = arith.constant 0 : index
      %swap3A_685 = vector.load %arg8[%swap3A_683, %swap3A_684] : memref<160x128xf32, #tpu.memory_space<vmem>>, vector<160x128xf32>
      tpu.vector_store %arg8[%swap3A_683, %swap3A_684], %select_n3A_682 {strides = array<i32>} : memref<160x128xf32, #tpu.memory_space<vmem>>, vector<160x128xf32>,
      %get3A_686 = arith.constant 0 : index
      %get3A_687 = arith.constant 0 : index
      %get3A_688 = vector.load %arg9[%get3A_686, %get3A_687] : memref<160x128xi32, #tpu.memory_space<vmem>>, vector<160x128xi32>
      %broadcast_in_dim3A_689 = vector.broadcast %scan3A_637 : i32 to vector<160x128xi32>
      %select_n3A_690 = arith.select %gt3A_681, %broadcast_in_dim3A_689, %get3A_688 : vector<160x128xi1>, vector<160x128xi32>
      %swap3A_691 = arith.constant 0 : index
      %swap3A_692 = arith.constant 0 : index
      %swap3A_693 = vector.load %arg9[%swap3A_691, %swap3A_692] : memref<160x128xi32, #tpu.memory_space<vmem>>, vector<160x128xi32>
      tpu.vector_store %arg9[%swap3A_691, %swap3A_692], %select_n3A_690 {strides = array<i32>} : memref<160x128xi32, #tpu.memory_space<vmem>>, vector<160x128xi32>,
      %reduce_max3A_694 = vector.shape_cast %div3A_677 : vector<160x128xf32> to vector<1x160x128xf32>
      %reduce_max3A_695 = arith.constant dense<0xFF800000> : vector<1xf32>
      %reduce_max3A_696 = vector.multi_reduction <maximumf>, %reduce_max3A_694, %reduce_max3A_695 [1, 2] : vector<1x160x128xf32> to vector<1xf32>
      %reduce_max3A_697 = vector.shape_cast %reduce_max3A_696 : vector<1xf32> to vector<1x1x1xf32>
      %reduce_max3A_698 = vector.extract %reduce_max3A_697[0, 0, 0] : f32 from vector<1x1x1xf32>
      %swap3A_699 = arith.index_cast %scan3A_637 : i32 to index
      %swap3A_700 = memref.load %arg10[%swap3A_699] : memref<50xf32, #tpu.memory_space<smem>>
      memref.store %reduce_max3A_698, %arg10[%swap3A_699] : memref<50xf32, #tpu.memory_space<smem>>
      %eq3A_701 = vector.broadcast %reduce_max3A_698 : f32 to vector<160x128xf32>
      %eq3A_702 = arith.cmpf oeq, %div3A_677, %eq3A_701 : vector<160x128xf32>
      %jit3A_703 = arith.constant 1073741824 : i32
      %broadcast_in_dim3A_704 = vector.broadcast %jit3A_703 : i32 to vector<160x128xi32>
      %select_n3A_705 = arith.select %eq3A_702, %add3A_39, %broadcast_in_dim3A_704 : vector<160x128xi1>, vector<160x128xi32>
      %reduce_min3A_706 = vector.shape_cast %select_n3A_705 : vector<160x128xi32> to vector<1x160x128xi32>
      %reduce_min3A_707 = arith.constant dense<2147483647> : vector<1xi32>
      %reduce_min3A_708 = vector.multi_reduction <minsi>, %reduce_min3A_706, %reduce_min3A_707 [1, 2] : vector<1x160x128xi32> to vector<1xi32>
      %reduce_min3A_709 = vector.shape_cast %reduce_min3A_708 : vector<1xi32> to vector<1x1x1xi32>
      %reduce_min3A_710 = vector.extract %reduce_min3A_709[0, 0, 0] : i32 from vector<1x1x1xi32>
      %swap3A_711 = arith.index_cast %scan3A_637 : i32 to index
      %swap3A_712 = memref.load %arg11[%swap3A_711] : memref<50xi32, #tpu.memory_space<smem>>
      memref.store %reduce_min3A_710, %arg11[%swap3A_711] : memref<50xi32, #tpu.memory_space<smem>>
      %max3A_713 = arith.maximumf %max3A_635, %reduce_max3A_698 : f32
      %scan3A_714 = arith.constant 2 : i32
      %scan3A_715 = arith.addi %scan3A_558, %scan3A_714 : i32
      %get3A_716 = arith.constant 0 : index
      %get3A_717 = arith.index_cast %scan3A_715 : i32 to index
      %get3A_718 = arith.constant 0 : index
      %get3A_719 = memref.load %arg1[%get3A_716, %get3A_717, %get3A_718] : memref<1x50x5xf32, #tpu.memory_space<smem>>
      %get3A_720 = arith.constant 0 : index
      %get3A_721 = arith.index_cast %scan3A_715 : i32 to index
      %get3A_722 = arith.constant 1 : index
      %get3A_723 = memref.load %arg1[%get3A_720, %get3A_721, %get3A_722] : memref<1x50x5xf32, #tpu.memory_space<smem>>
      %get3A_724 = arith.constant 0 : index
      %get3A_725 = arith.index_cast %scan3A_715 : i32 to index
      %get3A_726 = arith.constant 2 : index
      %get3A_727 = memref.load %arg1[%get3A_724, %get3A_725, %get3A_726] : memref<1x50x5xf32, #tpu.memory_space<smem>>
      %get3A_728 = arith.constant 0 : index
      %get3A_729 = arith.index_cast %scan3A_715 : i32 to index
      %get3A_730 = arith.constant 3 : index
      %get3A_731 = memref.load %arg1[%get3A_728, %get3A_729, %get3A_730] : memref<1x50x5xf32, #tpu.memory_space<smem>>
      %min3A_732 = vector.broadcast %get3A_727 : f32 to vector<160x128xf32>
      %min3A_733 = arith.minimumf %min3A_732, %add3A : vector<160x128xf32>
      %max3A_734 = vector.broadcast %get3A_719 : f32 to vector<160x128xf32>
      %max3A_735 = arith.maximumf %max3A_734, %sub3A : vector<160x128xf32>
      %sub3A_736 = arith.subf %min3A_733, %max3A_735 : vector<160x128xf32>
      %max3A_737 = arith.constant 0.000000e+00 : f32
      %max3A_738 = vector.broadcast %max3A_737 : f32 to vector<160x128xf32>
      %max3A_739 = arith.maximumf %sub3A_736, %max3A_738 : vector<160x128xf32>
      %min3A_740 = vector.broadcast %get3A_731 : f32 to vector<160x128xf32>
      %min3A_741 = arith.minimumf %min3A_740, %add3A_33 : vector<160x128xf32>
      %max3A_742 = vector.broadcast %get3A_723 : f32 to vector<160x128xf32>
      %max3A_743 = arith.maximumf %max3A_742, %sub3A_26 : vector<160x128xf32>
      %sub3A_744 = arith.subf %min3A_741, %max3A_743 : vector<160x128xf32>
      %max3A_745 = arith.constant 0.000000e+00 : f32
      %max3A_746 = vector.broadcast %max3A_745 : f32 to vector<160x128xf32>
      %max3A_747 = arith.maximumf %sub3A_744, %max3A_746 : vector<160x128xf32>
      %mul3A_748 = arith.mulf %max3A_739, %max3A_747 : vector<160x128xf32>
      %sub3A_749 = arith.subf %get3A_727, %get3A_719 : f32
      %sub3A_750 = arith.subf %get3A_731, %get3A_723 : f32
      %mul3A_751 = arith.mulf %sub3A_749, %sub3A_750 : f32
      %add3A_752 = vector.broadcast %mul3A_751 : f32 to vector<160x128xf32>
      %add3A_753 = arith.addf %add3A_752, %mul3A_34 : vector<160x128xf32>
      %sub3A_754 = arith.subf %add3A_753, %mul3A_748 : vector<160x128xf32>
      %div3A_755 = arith.divf %mul3A_748, %sub3A_754 : vector<160x128xf32>
      %get3A_756 = arith.constant 0 : index
      %get3A_757 = arith.constant 0 : index
      %get3A_758 = vector.load %arg8[%get3A_756, %get3A_757] : memref<160x128xf32, #tpu.memory_space<vmem>>, vector<160x128xf32>
      %gt3A_759 = arith.cmpf ogt, %div3A_755, %get3A_758 : vector<160x128xf32>
      %select_n3A_760 = arith.select %gt3A_759, %div3A_755, %get3A_758 : vector<160x128xi1>, vector<160x128xf32>
      %swap3A_761 = arith.constant 0 : index
      %swap3A_762 = arith.constant 0 : index
      %swap3A_763 = vector.load %arg8[%swap3A_761, %swap3A_762] : memref<160x128xf32, #tpu.memory_space<vmem>>, vector<160x128xf32>
      tpu.vector_store %arg8[%swap3A_761, %swap3A_762], %select_n3A_760 {strides = array<i32>} : memref<160x128xf32, #tpu.memory_space<vmem>>, vector<160x128xf32>,
      %get3A_764 = arith.constant 0 : index
      %get3A_765 = arith.constant 0 : index
      %get3A_766 = vector.load %arg9[%get3A_764, %get3A_765] : memref<160x128xi32, #tpu.memory_space<vmem>>, vector<160x128xi32>
      %broadcast_in_dim3A_767 = vector.broadcast %scan3A_715 : i32 to vector<160x128xi32>
      %select_n3A_768 = arith.select %gt3A_759, %broadcast_in_dim3A_767, %get3A_766 : vector<160x128xi1>, vector<160x128xi32>
      %swap3A_769 = arith.constant 0 : index
      %swap3A_770 = arith.constant 0 : index
      %swap3A_771 = vector.load %arg9[%swap3A_769, %swap3A_770] : memref<160x128xi32, #tpu.memory_space<vmem>>, vector<160x128xi32>
      tpu.vector_store %arg9[%swap3A_769, %swap3A_770], %select_n3A_768 {strides = array<i32>} : memref<160x128xi32, #tpu.memory_space<vmem>>, vector<160x128xi32>,
      %reduce_max3A_772 = vector.shape_cast %div3A_755 : vector<160x128xf32> to vector<1x160x128xf32>
      %reduce_max3A_773 = arith.constant dense<0xFF800000> : vector<1xf32>
      %reduce_max3A_774 = vector.multi_reduction <maximumf>, %reduce_max3A_772, %reduce_max3A_773 [1, 2] : vector<1x160x128xf32> to vector<1xf32>
      %reduce_max3A_775 = vector.shape_cast %reduce_max3A_774 : vector<1xf32> to vector<1x1x1xf32>
      %reduce_max3A_776 = vector.extract %reduce_max3A_775[0, 0, 0] : f32 from vector<1x1x1xf32>
      %swap3A_777 = arith.index_cast %scan3A_715 : i32 to index
      %swap3A_778 = memref.load %arg10[%swap3A_777] : memref<50xf32, #tpu.memory_space<smem>>
      memref.store %reduce_max3A_776, %arg10[%swap3A_777] : memref<50xf32, #tpu.memory_space<smem>>
      %eq3A_779 = vector.broadcast %reduce_max3A_776 : f32 to vector<160x128xf32>
      %eq3A_780 = arith.cmpf oeq, %div3A_755, %eq3A_779 : vector<160x128xf32>
      %jit3A_781 = arith.constant 1073741824 : i32
      %broadcast_in_dim3A_782 = vector.broadcast %jit3A_781 : i32 to vector<160x128xi32>
      %select_n3A_783 = arith.select %eq3A_780, %add3A_39, %broadcast_in_dim3A_782 : vector<160x128xi1>, vector<160x128xi32>
      %reduce_min3A_784 = vector.shape_cast %select_n3A_783 : vector<160x128xi32> to vector<1x160x128xi32>
      %reduce_min3A_785 = arith.constant dense<2147483647> : vector<1xi32>
      %reduce_min3A_786 = vector.multi_reduction <minsi>, %reduce_min3A_784, %reduce_min3A_785 [1, 2] : vector<1x160x128xi32> to vector<1xi32>
      %reduce_min3A_787 = vector.shape_cast %reduce_min3A_786 : vector<1xi32> to vector<1x1x1xi32>
      %reduce_min3A_788 = vector.extract %reduce_min3A_787[0, 0, 0] : i32 from vector<1x1x1xi32>
      %swap3A_789 = arith.index_cast %scan3A_715 : i32 to index
      %swap3A_790 = memref.load %arg11[%swap3A_789] : memref<50xi32, #tpu.memory_space<smem>>
      memref.store %reduce_min3A_788, %arg11[%swap3A_789] : memref<50xi32, #tpu.memory_space<smem>>
      %max3A_791 = arith.maximumf %max3A_713, %reduce_max3A_776 : f32
      %scan3A_792 = arith.constant 3 : i32
      %scan3A_793 = arith.addi %scan3A_558, %scan3A_792 : i32
      %get3A_794 = arith.constant 0 : index
      %get3A_795 = arith.index_cast %scan3A_793 : i32 to index
      %get3A_796 = arith.constant 0 : index
      %get3A_797 = memref.load %arg1[%get3A_794, %get3A_795, %get3A_796] : memref<1x50x5xf32, #tpu.memory_space<smem>>
      %get3A_798 = arith.constant 0 : index
      %get3A_799 = arith.index_cast %scan3A_793 : i32 to index
      %get3A_800 = arith.constant 1 : index
      %get3A_801 = memref.load %arg1[%get3A_798, %get3A_799, %get3A_800] : memref<1x50x5xf32, #tpu.memory_space<smem>>
      %get3A_802 = arith.constant 0 : index
      %get3A_803 = arith.index_cast %scan3A_793 : i32 to index
      %get3A_804 = arith.constant 2 : index
      %get3A_805 = memref.load %arg1[%get3A_802, %get3A_803, %get3A_804] : memref<1x50x5xf32, #tpu.memory_space<smem>>
      %get3A_806 = arith.constant 0 : index
      %get3A_807 = arith.index_cast %scan3A_793 : i32 to index
      %get3A_808 = arith.constant 3 : index
      %get3A_809 = memref.load %arg1[%get3A_806, %get3A_807, %get3A_808] : memref<1x50x5xf32, #tpu.memory_space<smem>>
      %min3A_810 = vector.broadcast %get3A_805 : f32 to vector<160x128xf32>
      %min3A_811 = arith.minimumf %min3A_810, %add3A : vector<160x128xf32>
      %max3A_812 = vector.broadcast %get3A_797 : f32 to vector<160x128xf32>
      %max3A_813 = arith.maximumf %max3A_812, %sub3A : vector<160x128xf32>
      %sub3A_814 = arith.subf %min3A_811, %max3A_813 : vector<160x128xf32>
      %max3A_815 = arith.constant 0.000000e+00 : f32
      %max3A_816 = vector.broadcast %max3A_815 : f32 to vector<160x128xf32>
      %max3A_817 = arith.maximumf %sub3A_814, %max3A_816 : vector<160x128xf32>
      %min3A_818 = vector.broadcast %get3A_809 : f32 to vector<160x128xf32>
      %min3A_819 = arith.minimumf %min3A_818, %add3A_33 : vector<160x128xf32>
      %max3A_820 = vector.broadcast %get3A_801 : f32 to vector<160x128xf32>
      %max3A_821 = arith.maximumf %max3A_820, %sub3A_26 : vector<160x128xf32>
      %sub3A_822 = arith.subf %min3A_819, %max3A_821 : vector<160x128xf32>
      %max3A_823 = arith.constant 0.000000e+00 : f32
      %max3A_824 = vector.broadcast %max3A_823 : f32 to vector<160x128xf32>
      %max3A_825 = arith.maximumf %sub3A_822, %max3A_824 : vector<160x128xf32>
      %mul3A_826 = arith.mulf %max3A_817, %max3A_825 : vector<160x128xf32>
      %sub3A_827 = arith.subf %get3A_805, %get3A_797 : f32
      %sub3A_828 = arith.subf %get3A_809, %get3A_801 : f32
      %mul3A_829 = arith.mulf %sub3A_827, %sub3A_828 : f32
      %add3A_830 = vector.broadcast %mul3A_829 : f32 to vector<160x128xf32>
      %add3A_831 = arith.addf %add3A_830, %mul3A_34 : vector<160x128xf32>
      %sub3A_832 = arith.subf %add3A_831, %mul3A_826 : vector<160x128xf32>
      %div3A_833 = arith.divf %mul3A_826, %sub3A_832 : vector<160x128xf32>
      %get3A_834 = arith.constant 0 : index
      %get3A_835 = arith.constant 0 : index
      %get3A_836 = vector.load %arg8[%get3A_834, %get3A_835] : memref<160x128xf32, #tpu.memory_space<vmem>>, vector<160x128xf32>
      %gt3A_837 = arith.cmpf ogt, %div3A_833, %get3A_836 : vector<160x128xf32>
      %select_n3A_838 = arith.select %gt3A_837, %div3A_833, %get3A_836 : vector<160x128xi1>, vector<160x128xf32>
      %swap3A_839 = arith.constant 0 : index
      %swap3A_840 = arith.constant 0 : index
      %swap3A_841 = vector.load %arg8[%swap3A_839, %swap3A_840] : memref<160x128xf32, #tpu.memory_space<vmem>>, vector<160x128xf32>
      tpu.vector_store %arg8[%swap3A_839, %swap3A_840], %select_n3A_838 {strides = array<i32>} : memref<160x128xf32, #tpu.memory_space<vmem>>, vector<160x128xf32>,
      %get3A_842 = arith.constant 0 : index
      %get3A_843 = arith.constant 0 : index
      %get3A_844 = vector.load %arg9[%get3A_842, %get3A_843] : memref<160x128xi32, #tpu.memory_space<vmem>>, vector<160x128xi32>
      %broadcast_in_dim3A_845 = vector.broadcast %scan3A_793 : i32 to vector<160x128xi32>
      %select_n3A_846 = arith.select %gt3A_837, %broadcast_in_dim3A_845, %get3A_844 : vector<160x128xi1>, vector<160x128xi32>
      %swap3A_847 = arith.constant 0 : index
      %swap3A_848 = arith.constant 0 : index
      %swap3A_849 = vector.load %arg9[%swap3A_847, %swap3A_848] : memref<160x128xi32, #tpu.memory_space<vmem>>, vector<160x128xi32>
      tpu.vector_store %arg9[%swap3A_847, %swap3A_848], %select_n3A_846 {strides = array<i32>} : memref<160x128xi32, #tpu.memory_space<vmem>>, vector<160x128xi32>,
      %reduce_max3A_850 = vector.shape_cast %div3A_833 : vector<160x128xf32> to vector<1x160x128xf32>
      %reduce_max3A_851 = arith.constant dense<0xFF800000> : vector<1xf32>
      %reduce_max3A_852 = vector.multi_reduction <maximumf>, %reduce_max3A_850, %reduce_max3A_851 [1, 2] : vector<1x160x128xf32> to vector<1xf32>
      %reduce_max3A_853 = vector.shape_cast %reduce_max3A_852 : vector<1xf32> to vector<1x1x1xf32>
      %reduce_max3A_854 = vector.extract %reduce_max3A_853[0, 0, 0] : f32 from vector<1x1x1xf32>
      %swap3A_855 = arith.index_cast %scan3A_793 : i32 to index
      %swap3A_856 = memref.load %arg10[%swap3A_855] : memref<50xf32, #tpu.memory_space<smem>>
      memref.store %reduce_max3A_854, %arg10[%swap3A_855] : memref<50xf32, #tpu.memory_space<smem>>
      %eq3A_857 = vector.broadcast %reduce_max3A_854 : f32 to vector<160x128xf32>
      %eq3A_858 = arith.cmpf oeq, %div3A_833, %eq3A_857 : vector<160x128xf32>
      %jit3A_859 = arith.constant 1073741824 : i32
      %broadcast_in_dim3A_860 = vector.broadcast %jit3A_859 : i32 to vector<160x128xi32>
      %select_n3A_861 = arith.select %eq3A_858, %add3A_39, %broadcast_in_dim3A_860 : vector<160x128xi1>, vector<160x128xi32>
      %reduce_min3A_862 = vector.shape_cast %select_n3A_861 : vector<160x128xi32> to vector<1x160x128xi32>
      %reduce_min3A_863 = arith.constant dense<2147483647> : vector<1xi32>
      %reduce_min3A_864 = vector.multi_reduction <minsi>, %reduce_min3A_862, %reduce_min3A_863 [1, 2] : vector<1x160x128xi32> to vector<1xi32>
      %reduce_min3A_865 = vector.shape_cast %reduce_min3A_864 : vector<1xi32> to vector<1x1x1xi32>
      %reduce_min3A_866 = vector.extract %reduce_min3A_865[0, 0, 0] : i32 from vector<1x1x1xi32>
      %swap3A_867 = arith.index_cast %scan3A_793 : i32 to index
      %swap3A_868 = memref.load %arg11[%swap3A_867] : memref<50xi32, #tpu.memory_space<smem>>
      memref.store %reduce_min3A_866, %arg11[%swap3A_867] : memref<50xi32, #tpu.memory_space<smem>>
      %max3A_869 = arith.maximumf %max3A_791, %reduce_max3A_854 : f32
      scf.yield %max3A_869 : f32
    }
    %scan3A_53 = arith.constant 48 : i32
    %scan3A_54 = arith.addi %scan3A_48, %scan3A_53 : i32
    %get3A_55 = arith.constant 0 : index
    %get3A_56 = arith.index_cast %scan3A_54 : i32 to index
    %get3A_57 = arith.constant 0 : index
    %get3A_58 = memref.load %arg1[%get3A_55, %get3A_56, %get3A_57] : memref<1x50x5xf32, #tpu.memory_space<smem>>
    %get3A_59 = arith.constant 0 : index
    %get3A_60 = arith.index_cast %scan3A_54 : i32 to index
    %get3A_61 = arith.constant 1 : index
    %get3A_62 = memref.load %arg1[%get3A_59, %get3A_60, %get3A_61] : memref<1x50x5xf32, #tpu.memory_space<smem>>
    %get3A_63 = arith.constant 0 : index
    %get3A_64 = arith.index_cast %scan3A_54 : i32 to index
    %get3A_65 = arith.constant 2 : index
    %get3A_66 = memref.load %arg1[%get3A_63, %get3A_64, %get3A_65] : memref<1x50x5xf32, #tpu.memory_space<smem>>
    %get3A_67 = arith.constant 0 : index
    %get3A_68 = arith.index_cast %scan3A_54 : i32 to index
    %get3A_69 = arith.constant 3 : index
    %get3A_70 = memref.load %arg1[%get3A_67, %get3A_68, %get3A_69] : memref<1x50x5xf32, #tpu.memory_space<smem>>
    %min3A = vector.broadcast %get3A_66 : f32 to vector<160x128xf32>
    %min3A_71 = arith.minimumf %min3A, %add3A : vector<160x128xf32>
    %max3A = vector.broadcast %get3A_58 : f32 to vector<160x128xf32>
    %max3A_72 = arith.maximumf %max3A, %sub3A : vector<160x128xf32>
    %sub3A_73 = arith.subf %min3A_71, %max3A_72 : vector<160x128xf32>
    %max3A_74 = arith.constant 0.000000e+00 : f32
    %max3A_75 = vector.broadcast %max3A_74 : f32 to vector<160x128xf32>
    %max3A_76 = arith.maximumf %sub3A_73, %max3A_75 : vector<160x128xf32>
    %min3A_77 = vector.broadcast %get3A_70 : f32 to vector<160x128xf32>
    %min3A_78 = arith.minimumf %min3A_77, %add3A_33 : vector<160x128xf32>
    %max3A_79 = vector.broadcast %get3A_62 : f32 to vector<160x128xf32>
    %max3A_80 = arith.maximumf %max3A_79, %sub3A_26 : vector<160x128xf32>
    %sub3A_81 = arith.subf %min3A_78, %max3A_80 : vector<160x128xf32>
    %max3A_82 = arith.constant 0.000000e+00 : f32
    %max3A_83 = vector.broadcast %max3A_82 : f32 to vector<160x128xf32>
    %max3A_84 = arith.maximumf %sub3A_81, %max3A_83 : vector<160x128xf32>
    %mul3A_85 = arith.mulf %max3A_76, %max3A_84 : vector<160x128xf32>
    %sub3A_86 = arith.subf %get3A_66, %get3A_58 : f32
    %sub3A_87 = arith.subf %get3A_70, %get3A_62 : f32
    %mul3A_88 = arith.mulf %sub3A_86, %sub3A_87 : f32
    %add3A_89 = vector.broadcast %mul3A_88 : f32 to vector<160x128xf32>
    %add3A_90 = arith.addf %add3A_89, %mul3A_34 : vector<160x128xf32>
    %sub3A_91 = arith.subf %add3A_90, %mul3A_85 : vector<160x128xf32>
    %div3A = arith.divf %mul3A_85, %sub3A_91 : vector<160x128xf32>
    %get3A_92 = arith.constant 0 : index
    %get3A_93 = arith.constant 0 : index
    %get3A_94 = vector.load %arg8[%get3A_92, %get3A_93] : memref<160x128xf32, #tpu.memory_space<vmem>>, vector<160x128xf32>
    %gt3A = arith.cmpf ogt, %div3A, %get3A_94 : vector<160x128xf32>
    %select_n3A = arith.select %gt3A, %div3A, %get3A_94 : vector<160x128xi1>, vector<160x128xf32>
    %swap3A_95 = arith.constant 0 : index
    %swap3A_96 = arith.constant 0 : index
    %swap3A_97 = vector.load %arg8[%swap3A_95, %swap3A_96] : memref<160x128xf32, #tpu.memory_space<vmem>>, vector<160x128xf32>
    tpu.vector_store %arg8[%swap3A_95, %swap3A_96], %select_n3A {strides = array<i32>} : memref<160x128xf32, #tpu.memory_space<vmem>>, vector<160x128xf32>,
    %get3A_98 = arith.constant 0 : index
    %get3A_99 = arith.constant 0 : index
    %get3A_100 = vector.load %arg9[%get3A_98, %get3A_99] : memref<160x128xi32, #tpu.memory_space<vmem>>, vector<160x128xi32>
    %broadcast_in_dim3A_101 = vector.broadcast %scan3A_54 : i32 to vector<160x128xi32>
    %select_n3A_102 = arith.select %gt3A, %broadcast_in_dim3A_101, %get3A_100 : vector<160x128xi1>, vector<160x128xi32>
    %swap3A_103 = arith.constant 0 : index
    %swap3A_104 = arith.constant 0 : index
    %swap3A_105 = vector.load %arg9[%swap3A_103, %swap3A_104] : memref<160x128xi32, #tpu.memory_space<vmem>>, vector<160x128xi32>
    tpu.vector_store %arg9[%swap3A_103, %swap3A_104], %select_n3A_102 {strides = array<i32>} : memref<160x128xi32, #tpu.memory_space<vmem>>, vector<160x128xi32>,
    %reduce_max3A = vector.shape_cast %div3A : vector<160x128xf32> to vector<1x160x128xf32>
    %reduce_max3A_106 = arith.constant dense<0xFF800000> : vector<1xf32>
    %reduce_max3A_107 = vector.multi_reduction <maximumf>, %reduce_max3A, %reduce_max3A_106 [1, 2] : vector<1x160x128xf32> to vector<1xf32>
    %reduce_max3A_108 = vector.shape_cast %reduce_max3A_107 : vector<1xf32> to vector<1x1x1xf32>
    %reduce_max3A_109 = vector.extract %reduce_max3A_108[0, 0, 0] : f32 from vector<1x1x1xf32>
    %swap3A_110 = arith.index_cast %scan3A_54 : i32 to index
    %swap3A_111 = memref.load %arg10[%swap3A_110] : memref<50xf32, #tpu.memory_space<smem>>
    memref.store %reduce_max3A_109, %arg10[%swap3A_110] : memref<50xf32, #tpu.memory_space<smem>>
    %eq3A_112 = vector.broadcast %reduce_max3A_109 : f32 to vector<160x128xf32>
    %eq3A_113 = arith.cmpf oeq, %div3A, %eq3A_112 : vector<160x128xf32>
    %jit3A = arith.constant 1073741824 : i32
    %broadcast_in_dim3A_114 = vector.broadcast %jit3A : i32 to vector<160x128xi32>
    %select_n3A_115 = arith.select %eq3A_113, %add3A_39, %broadcast_in_dim3A_114 : vector<160x128xi1>, vector<160x128xi32>
    %reduce_min3A = vector.shape_cast %select_n3A_115 : vector<160x128xi32> to vector<1x160x128xi32>
    %reduce_min3A_116 = arith.constant dense<2147483647> : vector<1xi32>
    %reduce_min3A_117 = vector.multi_reduction <minsi>, %reduce_min3A, %reduce_min3A_116 [1, 2] : vector<1x160x128xi32> to vector<1xi32>
    %reduce_min3A_118 = vector.shape_cast %reduce_min3A_117 : vector<1xi32> to vector<1x1x1xi32>
    %reduce_min3A_119 = vector.extract %reduce_min3A_118[0, 0, 0] : i32 from vector<1x1x1xi32>
    %swap3A_120 = arith.index_cast %scan3A_54 : i32 to index
    %swap3A_121 = memref.load %arg11[%swap3A_120] : memref<50xi32, #tpu.memory_space<smem>>
    memref.store %reduce_min3A_119, %arg11[%swap3A_120] : memref<50xi32, #tpu.memory_space<smem>>
    %max3A_122 = arith.maximumf %scan3A_52, %reduce_max3A_109 : f32
    %scan3A_123 = arith.constant 49 : i32
    %scan3A_124 = arith.addi %scan3A_48, %scan3A_123 : i32
    %get3A_125 = arith.constant 0 : index
    %get3A_126 = arith.index_cast %scan3A_124 : i32 to index
    %get3A_127 = arith.constant 0 : index
    %get3A_128 = memref.load %arg1[%get3A_125, %get3A_126, %get3A_127] : memref<1x50x5xf32, #tpu.memory_space<smem>>
    %get3A_129 = arith.constant 0 : index
    %get3A_130 = arith.index_cast %scan3A_124 : i32 to index
    %get3A_131 = arith.constant 1 : index
    %get3A_132 = memref.load %arg1[%get3A_129, %get3A_130, %get3A_131] : memref<1x50x5xf32, #tpu.memory_space<smem>>
    %get3A_133 = arith.constant 0 : index
    %get3A_134 = arith.index_cast %scan3A_124 : i32 to index
    %get3A_135 = arith.constant 2 : index
    %get3A_136 = memref.load %arg1[%get3A_133, %get3A_134, %get3A_135] : memref<1x50x5xf32, #tpu.memory_space<smem>>
    %get3A_137 = arith.constant 0 : index
    %get3A_138 = arith.index_cast %scan3A_124 : i32 to index
    %get3A_139 = arith.constant 3 : index
    %get3A_140 = memref.load %arg1[%get3A_137, %get3A_138, %get3A_139] : memref<1x50x5xf32, #tpu.memory_space<smem>>
    %min3A_141 = vector.broadcast %get3A_136 : f32 to vector<160x128xf32>
    %min3A_142 = arith.minimumf %min3A_141, %add3A : vector<160x128xf32>
    %max3A_143 = vector.broadcast %get3A_128 : f32 to vector<160x128xf32>
    %max3A_144 = arith.maximumf %max3A_143, %sub3A : vector<160x128xf32>
    %sub3A_145 = arith.subf %min3A_142, %max3A_144 : vector<160x128xf32>
    %max3A_146 = arith.constant 0.000000e+00 : f32
    %max3A_147 = vector.broadcast %max3A_146 : f32 to vector<160x128xf32>
    %max3A_148 = arith.maximumf %sub3A_145, %max3A_147 : vector<160x128xf32>
    %min3A_149 = vector.broadcast %get3A_140 : f32 to vector<160x128xf32>
    %min3A_150 = arith.minimumf %min3A_149, %add3A_33 : vector<160x128xf32>
    %max3A_151 = vector.broadcast %get3A_132 : f32 to vector<160x128xf32>
    %max3A_152 = arith.maximumf %max3A_151, %sub3A_26 : vector<160x128xf32>
    %sub3A_153 = arith.subf %min3A_150, %max3A_152 : vector<160x128xf32>
    %max3A_154 = arith.constant 0.000000e+00 : f32
    %max3A_155 = vector.broadcast %max3A_154 : f32 to vector<160x128xf32>
    %max3A_156 = arith.maximumf %sub3A_153, %max3A_155 : vector<160x128xf32>
    %mul3A_157 = arith.mulf %max3A_148, %max3A_156 : vector<160x128xf32>
    %sub3A_158 = arith.subf %get3A_136, %get3A_128 : f32
    %sub3A_159 = arith.subf %get3A_140, %get3A_132 : f32
    %mul3A_160 = arith.mulf %sub3A_158, %sub3A_159 : f32
    %add3A_161 = vector.broadcast %mul3A_160 : f32 to vector<160x128xf32>
    %add3A_162 = arith.addf %add3A_161, %mul3A_34 : vector<160x128xf32>
    %sub3A_163 = arith.subf %add3A_162, %mul3A_157 : vector<160x128xf32>
    %div3A_164 = arith.divf %mul3A_157, %sub3A_163 : vector<160x128xf32>
    %get3A_165 = arith.constant 0 : index
    %get3A_166 = arith.constant 0 : index
    %get3A_167 = vector.load %arg8[%get3A_165, %get3A_166] : memref<160x128xf32, #tpu.memory_space<vmem>>, vector<160x128xf32>
    %gt3A_168 = arith.cmpf ogt, %div3A_164, %get3A_167 : vector<160x128xf32>
    %select_n3A_169 = arith.select %gt3A_168, %div3A_164, %get3A_167 : vector<160x128xi1>, vector<160x128xf32>
    %swap3A_170 = arith.constant 0 : index
    %swap3A_171 = arith.constant 0 : index
    %swap3A_172 = vector.load %arg8[%swap3A_170, %swap3A_171] : memref<160x128xf32, #tpu.memory_space<vmem>>, vector<160x128xf32>
    tpu.vector_store %arg8[%swap3A_170, %swap3A_171], %select_n3A_169 {strides = array<i32>} : memref<160x128xf32, #tpu.memory_space<vmem>>, vector<160x128xf32>,
    %get3A_173 = arith.constant 0 : index
    %get3A_174 = arith.constant 0 : index
    %get3A_175 = vector.load %arg9[%get3A_173, %get3A_174] : memref<160x128xi32, #tpu.memory_space<vmem>>, vector<160x128xi32>
    %broadcast_in_dim3A_176 = vector.broadcast %scan3A_124 : i32 to vector<160x128xi32>
    %select_n3A_177 = arith.select %gt3A_168, %broadcast_in_dim3A_176, %get3A_175 : vector<160x128xi1>, vector<160x128xi32>
    %swap3A_178 = arith.constant 0 : index
    %swap3A_179 = arith.constant 0 : index
    %swap3A_180 = vector.load %arg9[%swap3A_178, %swap3A_179] : memref<160x128xi32, #tpu.memory_space<vmem>>, vector<160x128xi32>
    tpu.vector_store %arg9[%swap3A_178, %swap3A_179], %select_n3A_177 {strides = array<i32>} : memref<160x128xi32, #tpu.memory_space<vmem>>, vector<160x128xi32>,
    %reduce_max3A_181 = vector.shape_cast %div3A_164 : vector<160x128xf32> to vector<1x160x128xf32>
    %reduce_max3A_182 = arith.constant dense<0xFF800000> : vector<1xf32>
    %reduce_max3A_183 = vector.multi_reduction <maximumf>, %reduce_max3A_181, %reduce_max3A_182 [1, 2] : vector<1x160x128xf32> to vector<1xf32>
    %reduce_max3A_184 = vector.shape_cast %reduce_max3A_183 : vector<1xf32> to vector<1x1x1xf32>
    %reduce_max3A_185 = vector.extract %reduce_max3A_184[0, 0, 0] : f32 from vector<1x1x1xf32>
    %swap3A_186 = arith.index_cast %scan3A_124 : i32 to index
    %swap3A_187 = memref.load %arg10[%swap3A_186] : memref<50xf32, #tpu.memory_space<smem>>
    memref.store %reduce_max3A_185, %arg10[%swap3A_186] : memref<50xf32, #tpu.memory_space<smem>>
    %eq3A_188 = vector.broadcast %reduce_max3A_185 : f32 to vector<160x128xf32>
    %eq3A_189 = arith.cmpf oeq, %div3A_164, %eq3A_188 : vector<160x128xf32>
    %jit3A_190 = arith.constant 1073741824 : i32
    %broadcast_in_dim3A_191 = vector.broadcast %jit3A_190 : i32 to vector<160x128xi32>
    %select_n3A_192 = arith.select %eq3A_189, %add3A_39, %broadcast_in_dim3A_191 : vector<160x128xi1>, vector<160x128xi32>
    %reduce_min3A_193 = vector.shape_cast %select_n3A_192 : vector<160x128xi32> to vector<1x160x128xi32>
    %reduce_min3A_194 = arith.constant dense<2147483647> : vector<1xi32>
    %reduce_min3A_195 = vector.multi_reduction <minsi>, %reduce_min3A_193, %reduce_min3A_194 [1, 2] : vector<1x160x128xi32> to vector<1xi32>
    %reduce_min3A_196 = vector.shape_cast %reduce_min3A_195 : vector<1xi32> to vector<1x1x1xi32>
    %reduce_min3A_197 = vector.extract %reduce_min3A_196[0, 0, 0] : i32 from vector<1x1x1xi32>
    %swap3A_198 = arith.index_cast %scan3A_124 : i32 to index
    %swap3A_199 = memref.load %arg11[%swap3A_198] : memref<50xi32, #tpu.memory_space<smem>>
    memref.store %reduce_min3A_197, %arg11[%swap3A_198] : memref<50xi32, #tpu.memory_space<smem>>
    %max3A_200 = arith.maximumf %max3A_122, %reduce_max3A_185 : f32
    %scan3A_201 = arith.constant 50 : i32
    %broadcast_in_dim3A_202 = arith.constant -1 : i32
    %broadcast_in_dim3A_203 = vector.broadcast %broadcast_in_dim3A_202 : i32 to vector<160x128xi32>
    %broadcast_in_dim3A_204 = arith.constant 0 : i32
    %broadcast_in_dim3A_205 = vector.broadcast %broadcast_in_dim3A_204 : i32 to vector<160x128xi32>
    %scan3A_206 = arith.constant 0 : i32
    %scan3A_207 = arith.constant 48 : i32
    %scan3A_208 = arith.addi %scan3A_206, %scan3A_207 : i32
    %scan3A_209 = arith.constant 4 : i32
    %scan3A_210:2 = scf.for %scan3A_558 = %scan3A_206 to %scan3A_208 step %scan3A_209 iter_args(%scan3A_559 = %broadcast_in_dim3A_203, %scan3A_560 = %broadcast_in_dim3A_205) -> (vector<160x128xi32>, vector<160x128xi32>)  : i32 {
      %get3A_561 = arith.index_cast %scan3A_558 : i32 to index
      %get3A_562 = memref.load %arg11[%get3A_561] : memref<50xi32, #tpu.memory_space<smem>>
      %eq3A_563 = vector.broadcast %get3A_562 : i32 to vector<160x128xi32>
      %eq3A_564 = arith.cmpi eq, %add3A_39, %eq3A_563 : vector<160x128xi32>
      %broadcast_in_dim3A_565 = vector.broadcast %scan3A_558 : i32 to vector<160x128xi32>
      %select_n3A_566 = arith.select %eq3A_564, %broadcast_in_dim3A_565, %scan3A_559 : vector<160x128xi1>, vector<160x128xi32>
      %get3A_567 = arith.index_cast %scan3A_558 : i32 to index
      %get3A_568 = memref.load %arg10[%get3A_567] : memref<50xf32, #tpu.memory_space<smem>>
      %ge3A_569 = arith.constant 2.000000e-01 : f32
      %ge3A_570 = arith.cmpf oge, %get3A_568, %ge3A_569 : f32
      %and3A_571 = vector.broadcast %ge3A_570 : i1 to vector<160x128xi1>
      %and3A_572 = arith.andi %eq3A_564, %and3A_571 : vector<160x128xi1>
      %convert_element_type3A_573 = arith.extui %and3A_572 : vector<160x128xi1> to vector<160x128xi32>
      %max3A_574 = arith.maxsi %scan3A_560, %convert_element_type3A_573 : vector<160x128xi32>
      %scan3A_575 = arith.constant 1 : i32
      %scan3A_576 = arith.addi %scan3A_558, %scan3A_575 : i32
      %get3A_577 = arith.index_cast %scan3A_576 : i32 to index
      %get3A_578 = memref.load %arg11[%get3A_577] : memref<50xi32, #tpu.memory_space<smem>>
      %eq3A_579 = vector.broadcast %get3A_578 : i32 to vector<160x128xi32>
      %eq3A_580 = arith.cmpi eq, %add3A_39, %eq3A_579 : vector<160x128xi32>
      %broadcast_in_dim3A_581 = vector.broadcast %scan3A_576 : i32 to vector<160x128xi32>
      %select_n3A_582 = arith.select %eq3A_580, %broadcast_in_dim3A_581, %select_n3A_566 : vector<160x128xi1>, vector<160x128xi32>
      %get3A_583 = arith.index_cast %scan3A_576 : i32 to index
      %get3A_584 = memref.load %arg10[%get3A_583] : memref<50xf32, #tpu.memory_space<smem>>
      %ge3A_585 = arith.constant 2.000000e-01 : f32
      %ge3A_586 = arith.cmpf oge, %get3A_584, %ge3A_585 : f32
      %and3A_587 = vector.broadcast %ge3A_586 : i1 to vector<160x128xi1>
      %and3A_588 = arith.andi %eq3A_580, %and3A_587 : vector<160x128xi1>
      %convert_element_type3A_589 = arith.extui %and3A_588 : vector<160x128xi1> to vector<160x128xi32>
      %max3A_590 = arith.maxsi %max3A_574, %convert_element_type3A_589 : vector<160x128xi32>
      %scan3A_591 = arith.constant 2 : i32
      %scan3A_592 = arith.addi %scan3A_558, %scan3A_591 : i32
      %get3A_593 = arith.index_cast %scan3A_592 : i32 to index
      %get3A_594 = memref.load %arg11[%get3A_593] : memref<50xi32, #tpu.memory_space<smem>>
      %eq3A_595 = vector.broadcast %get3A_594 : i32 to vector<160x128xi32>
      %eq3A_596 = arith.cmpi eq, %add3A_39, %eq3A_595 : vector<160x128xi32>
      %broadcast_in_dim3A_597 = vector.broadcast %scan3A_592 : i32 to vector<160x128xi32>
      %select_n3A_598 = arith.select %eq3A_596, %broadcast_in_dim3A_597, %select_n3A_582 : vector<160x128xi1>, vector<160x128xi32>
      %get3A_599 = arith.index_cast %scan3A_592 : i32 to index
      %get3A_600 = memref.load %arg10[%get3A_599] : memref<50xf32, #tpu.memory_space<smem>>
      %ge3A_601 = arith.constant 2.000000e-01 : f32
      %ge3A_602 = arith.cmpf oge, %get3A_600, %ge3A_601 : f32
      %and3A_603 = vector.broadcast %ge3A_602 : i1 to vector<160x128xi1>
      %and3A_604 = arith.andi %eq3A_596, %and3A_603 : vector<160x128xi1>
      %convert_element_type3A_605 = arith.extui %and3A_604 : vector<160x128xi1> to vector<160x128xi32>
      %max3A_606 = arith.maxsi %max3A_590, %convert_element_type3A_605 : vector<160x128xi32>
      %scan3A_607 = arith.constant 3 : i32
      %scan3A_608 = arith.addi %scan3A_558, %scan3A_607 : i32
      %get3A_609 = arith.index_cast %scan3A_608 : i32 to index
      %get3A_610 = memref.load %arg11[%get3A_609] : memref<50xi32, #tpu.memory_space<smem>>
      %eq3A_611 = vector.broadcast %get3A_610 : i32 to vector<160x128xi32>
      %eq3A_612 = arith.cmpi eq, %add3A_39, %eq3A_611 : vector<160x128xi32>
      %broadcast_in_dim3A_613 = vector.broadcast %scan3A_608 : i32 to vector<160x128xi32>
      %select_n3A_614 = arith.select %eq3A_612, %broadcast_in_dim3A_613, %select_n3A_598 : vector<160x128xi1>, vector<160x128xi32>
      %get3A_615 = arith.index_cast %scan3A_608 : i32 to index
      %get3A_616 = memref.load %arg10[%get3A_615] : memref<50xf32, #tpu.memory_space<smem>>
      %ge3A_617 = arith.constant 2.000000e-01 : f32
      %ge3A_618 = arith.cmpf oge, %get3A_616, %ge3A_617 : f32
      %and3A_619 = vector.broadcast %ge3A_618 : i1 to vector<160x128xi1>
      %and3A_620 = arith.andi %eq3A_612, %and3A_619 : vector<160x128xi1>
      %convert_element_type3A_621 = arith.extui %and3A_620 : vector<160x128xi1> to vector<160x128xi32>
      %max3A_622 = arith.maxsi %max3A_606, %convert_element_type3A_621 : vector<160x128xi32>
      scf.yield %select_n3A_614, %max3A_622 : vector<160x128xi32>, vector<160x128xi32>
    }
    %scan3A_211 = arith.constant 48 : i32
    %scan3A_212 = arith.addi %scan3A_206, %scan3A_211 : i32
    %get3A_213 = arith.index_cast %scan3A_212 : i32 to index
    %get3A_214 = memref.load %arg11[%get3A_213] : memref<50xi32, #tpu.memory_space<smem>>
    %eq3A_215 = vector.broadcast %get3A_214 : i32 to vector<160x128xi32>
    %eq3A_216 = arith.cmpi eq, %add3A_39, %eq3A_215 : vector<160x128xi32>
    %broadcast_in_dim3A_217 = vector.broadcast %scan3A_212 : i32 to vector<160x128xi32>
    %select_n3A_218 = arith.select %eq3A_216, %broadcast_in_dim3A_217, %scan3A_210#0 : vector<160x128xi1>, vector<160x128xi32>
    %get3A_219 = arith.index_cast %scan3A_212 : i32 to index
    %get3A_220 = memref.load %arg10[%get3A_219] : memref<50xf32, #tpu.memory_space<smem>>
    %ge3A = arith.constant 2.000000e-01 : f32
    %ge3A_221 = arith.cmpf oge, %get3A_220, %ge3A : f32
    %and3A = vector.broadcast %ge3A_221 : i1 to vector<160x128xi1>
    %and3A_222 = arith.andi %eq3A_216, %and3A : vector<160x128xi1>
    %convert_element_type3A_223 = arith.extui %and3A_222 : vector<160x128xi1> to vector<160x128xi32>
    %max3A_224 = arith.maxsi %scan3A_210#1, %convert_element_type3A_223 : vector<160x128xi32>
    %scan3A_225 = arith.constant 49 : i32
    %scan3A_226 = arith.addi %scan3A_206, %scan3A_225 : i32
    %get3A_227 = arith.index_cast %scan3A_226 : i32 to index
    %get3A_228 = memref.load %arg11[%get3A_227] : memref<50xi32, #tpu.memory_space<smem>>
    %eq3A_229 = vector.broadcast %get3A_228 : i32 to vector<160x128xi32>
    %eq3A_230 = arith.cmpi eq, %add3A_39, %eq3A_229 : vector<160x128xi32>
    %broadcast_in_dim3A_231 = vector.broadcast %scan3A_226 : i32 to vector<160x128xi32>
    %select_n3A_232 = arith.select %eq3A_230, %broadcast_in_dim3A_231, %select_n3A_218 : vector<160x128xi1>, vector<160x128xi32>
    %get3A_233 = arith.index_cast %scan3A_226 : i32 to index
    %get3A_234 = memref.load %arg10[%get3A_233] : memref<50xf32, #tpu.memory_space<smem>>
    %ge3A_235 = arith.constant 2.000000e-01 : f32
    %ge3A_236 = arith.cmpf oge, %get3A_234, %ge3A_235 : f32
    %and3A_237 = vector.broadcast %ge3A_236 : i1 to vector<160x128xi1>
    %and3A_238 = arith.andi %eq3A_230, %and3A_237 : vector<160x128xi1>
    %convert_element_type3A_239 = arith.extui %and3A_238 : vector<160x128xi1> to vector<160x128xi32>
    %max3A_240 = arith.maxsi %max3A_224, %convert_element_type3A_239 : vector<160x128xi32>
    %scan3A_241 = arith.constant 50 : i32
    %ge3A_242 = arith.constant 0 : i32
    %ge3A_243 = vector.broadcast %ge3A_242 : i32 to vector<160x128xi32>
    %ge3A_244 = arith.cmpi sge, %select_n3A_232, %ge3A_243 : vector<160x128xi32>
    %get3A_245 = arith.constant 0 : index
    %get3A_246 = arith.constant 0 : index
    %get3A_247 = vector.load %arg9[%get3A_245, %get3A_246] : memref<160x128xi32, #tpu.memory_space<vmem>>, vector<160x128xi32>
    %select_n3A_248 = arith.select %ge3A_244, %select_n3A_232, %get3A_247 : vector<160x128xi1>, vector<160x128xi32>
    %gt3A_249 = arith.constant 0 : i32
    %gt3A_250 = vector.broadcast %gt3A_249 : i32 to vector<160x128xi32>
    %gt3A_251 = arith.cmpi sgt, %max3A_240, %gt3A_250 : vector<160x128xi32>
    %get3A_252 = arith.constant 0 : index
    %get3A_253 = arith.constant 0 : index
    %get3A_254 = vector.load %arg8[%get3A_252, %get3A_253] : memref<160x128xf32, #tpu.memory_space<vmem>>, vector<160x128xf32>
    %jit3A_255 = arith.constant 2.000000e+00 : f32
    %broadcast_in_dim3A_256 = vector.broadcast %jit3A_255 : f32 to vector<160x128xf32>
    %select_n3A_257 = arith.select %gt3A_251, %broadcast_in_dim3A_256, %get3A_254 : vector<160x128xi1>, vector<160x128xf32>
    %ge3A_258 = arith.constant 2.000000e-01 : f32
    %ge3A_259 = arith.cmpf oge, %max3A_200, %ge3A_258 : f32
    %lt3A = arith.constant 20000 : i32
    %lt3A_260 = vector.broadcast %lt3A : i32 to vector<160x128xi32>
    %lt3A_261 = arith.cmpi slt, %add3A_39, %lt3A_260 : vector<160x128xi32>
    %ge3A_262 = arith.constant 3.500000e-01 : f32
    %ge3A_263 = vector.broadcast %ge3A_262 : f32 to vector<160x128xf32>
    %ge3A_264 = arith.cmpf oge, %select_n3A_257, %ge3A_263 : vector<160x128xf32>
    %and3A_265 = vector.broadcast %ge3A_259 : i1 to vector<160x128xi1>
    %and3A_266 = arith.andi %ge3A_264, %and3A_265 : vector<160x128xi1>
    %and3A_267 = arith.andi %and3A_266, %lt3A_261 : vector<160x128xi1>
    %broadcast_in_dim3A_268 = arith.constant 0.000000e+00 : f32
    %broadcast_in_dim3A_269 = vector.broadcast %broadcast_in_dim3A_268 : f32 to vector<160x128xf32>
    %scan3A_270 = arith.constant 0 : i32
    %scan3A_271 = arith.constant 48 : i32
    %scan3A_272 = arith.addi %scan3A_270, %scan3A_271 : i32
    %scan3A_273 = arith.constant 4 : i32
    %scan3A_274:4 = scf.for %scan3A_558 = %scan3A_270 to %scan3A_272 step %scan3A_273 iter_args(%scan3A_559 = %broadcast_in_dim3A_269, %scan3A_560 = %broadcast_in_dim3A_269, %scan3A_561 = %broadcast_in_dim3A_269, %scan3A_562 = %broadcast_in_dim3A_269) -> (vector<160x128xf32>, vector<160x128xf32>, vector<160x128xf32>, vector<160x128xf32>)  : i32 {
      %eq3A_563 = vector.broadcast %scan3A_558 : i32 to vector<160x128xi32>
      %eq3A_564 = arith.cmpi eq, %select_n3A_248, %eq3A_563 : vector<160x128xi32>
      %get3A_565 = arith.constant 0 : index
      %get3A_566 = arith.index_cast %scan3A_558 : i32 to index
      %get3A_567 = arith.constant 0 : index
      %get3A_568 = memref.load %arg1[%get3A_565, %get3A_566, %get3A_567] : memref<1x50x5xf32, #tpu.memory_space<smem>>
      %broadcast_in_dim3A_569 = vector.broadcast %get3A_568 : f32 to vector<160x128xf32>
      %select_n3A_570 = arith.select %eq3A_564, %broadcast_in_dim3A_569, %scan3A_559 : vector<160x128xi1>, vector<160x128xf32>
      %get3A_571 = arith.constant 0 : index
      %get3A_572 = arith.index_cast %scan3A_558 : i32 to index
      %get3A_573 = arith.constant 1 : index
      %get3A_574 = memref.load %arg1[%get3A_571, %get3A_572, %get3A_573] : memref<1x50x5xf32, #tpu.memory_space<smem>>
      %broadcast_in_dim3A_575 = vector.broadcast %get3A_574 : f32 to vector<160x128xf32>
      %select_n3A_576 = arith.select %eq3A_564, %broadcast_in_dim3A_575, %scan3A_560 : vector<160x128xi1>, vector<160x128xf32>
      %get3A_577 = arith.constant 0 : index
      %get3A_578 = arith.index_cast %scan3A_558 : i32 to index
      %get3A_579 = arith.constant 2 : index
      %get3A_580 = memref.load %arg1[%get3A_577, %get3A_578, %get3A_579] : memref<1x50x5xf32, #tpu.memory_space<smem>>
      %broadcast_in_dim3A_581 = vector.broadcast %get3A_580 : f32 to vector<160x128xf32>
      %select_n3A_582 = arith.select %eq3A_564, %broadcast_in_dim3A_581, %scan3A_561 : vector<160x128xi1>, vector<160x128xf32>
      %get3A_583 = arith.constant 0 : index
      %get3A_584 = arith.index_cast %scan3A_558 : i32 to index
      %get3A_585 = arith.constant 3 : index
      %get3A_586 = memref.load %arg1[%get3A_583, %get3A_584, %get3A_585] : memref<1x50x5xf32, #tpu.memory_space<smem>>
      %broadcast_in_dim3A_587 = vector.broadcast %get3A_586 : f32 to vector<160x128xf32>
      %select_n3A_588 = arith.select %eq3A_564, %broadcast_in_dim3A_587, %scan3A_562 : vector<160x128xi1>, vector<160x128xf32>
      %scan3A_589 = arith.constant 1 : i32
      %scan3A_590 = arith.addi %scan3A_558, %scan3A_589 : i32
      %eq3A_591 = vector.broadcast %scan3A_590 : i32 to vector<160x128xi32>
      %eq3A_592 = arith.cmpi eq, %select_n3A_248, %eq3A_591 : vector<160x128xi32>
      %get3A_593 = arith.constant 0 : index
      %get3A_594 = arith.index_cast %scan3A_590 : i32 to index
      %get3A_595 = arith.constant 0 : index
      %get3A_596 = memref.load %arg1[%get3A_593, %get3A_594, %get3A_595] : memref<1x50x5xf32, #tpu.memory_space<smem>>
      %broadcast_in_dim3A_597 = vector.broadcast %get3A_596 : f32 to vector<160x128xf32>
      %select_n3A_598 = arith.select %eq3A_592, %broadcast_in_dim3A_597, %select_n3A_570 : vector<160x128xi1>, vector<160x128xf32>
      %get3A_599 = arith.constant 0 : index
      %get3A_600 = arith.index_cast %scan3A_590 : i32 to index
      %get3A_601 = arith.constant 1 : index
      %get3A_602 = memref.load %arg1[%get3A_599, %get3A_600, %get3A_601] : memref<1x50x5xf32, #tpu.memory_space<smem>>
      %broadcast_in_dim3A_603 = vector.broadcast %get3A_602 : f32 to vector<160x128xf32>
      %select_n3A_604 = arith.select %eq3A_592, %broadcast_in_dim3A_603, %select_n3A_576 : vector<160x128xi1>, vector<160x128xf32>
      %get3A_605 = arith.constant 0 : index
      %get3A_606 = arith.index_cast %scan3A_590 : i32 to index
      %get3A_607 = arith.constant 2 : index
      %get3A_608 = memref.load %arg1[%get3A_605, %get3A_606, %get3A_607] : memref<1x50x5xf32, #tpu.memory_space<smem>>
      %broadcast_in_dim3A_609 = vector.broadcast %get3A_608 : f32 to vector<160x128xf32>
      %select_n3A_610 = arith.select %eq3A_592, %broadcast_in_dim3A_609, %select_n3A_582 : vector<160x128xi1>, vector<160x128xf32>
      %get3A_611 = arith.constant 0 : index
      %get3A_612 = arith.index_cast %scan3A_590 : i32 to index
      %get3A_613 = arith.constant 3 : index
      %get3A_614 = memref.load %arg1[%get3A_611, %get3A_612, %get3A_613] : memref<1x50x5xf32, #tpu.memory_space<smem>>
      %broadcast_in_dim3A_615 = vector.broadcast %get3A_614 : f32 to vector<160x128xf32>
      %select_n3A_616 = arith.select %eq3A_592, %broadcast_in_dim3A_615, %select_n3A_588 : vector<160x128xi1>, vector<160x128xf32>
      %scan3A_617 = arith.constant 2 : i32
      %scan3A_618 = arith.addi %scan3A_558, %scan3A_617 : i32
      %eq3A_619 = vector.broadcast %scan3A_618 : i32 to vector<160x128xi32>
      %eq3A_620 = arith.cmpi eq, %select_n3A_248, %eq3A_619 : vector<160x128xi32>
      %get3A_621 = arith.constant 0 : index
      %get3A_622 = arith.index_cast %scan3A_618 : i32 to index
      %get3A_623 = arith.constant 0 : index
      %get3A_624 = memref.load %arg1[%get3A_621, %get3A_622, %get3A_623] : memref<1x50x5xf32, #tpu.memory_space<smem>>
      %broadcast_in_dim3A_625 = vector.broadcast %get3A_624 : f32 to vector<160x128xf32>
      %select_n3A_626 = arith.select %eq3A_620, %broadcast_in_dim3A_625, %select_n3A_598 : vector<160x128xi1>, vector<160x128xf32>
      %get3A_627 = arith.constant 0 : index
      %get3A_628 = arith.index_cast %scan3A_618 : i32 to index
      %get3A_629 = arith.constant 1 : index
      %get3A_630 = memref.load %arg1[%get3A_627, %get3A_628, %get3A_629] : memref<1x50x5xf32, #tpu.memory_space<smem>>
      %broadcast_in_dim3A_631 = vector.broadcast %get3A_630 : f32 to vector<160x128xf32>
      %select_n3A_632 = arith.select %eq3A_620, %broadcast_in_dim3A_631, %select_n3A_604 : vector<160x128xi1>, vector<160x128xf32>
      %get3A_633 = arith.constant 0 : index
      %get3A_634 = arith.index_cast %scan3A_618 : i32 to index
      %get3A_635 = arith.constant 2 : index
      %get3A_636 = memref.load %arg1[%get3A_633, %get3A_634, %get3A_635] : memref<1x50x5xf32, #tpu.memory_space<smem>>
      %broadcast_in_dim3A_637 = vector.broadcast %get3A_636 : f32 to vector<160x128xf32>
      %select_n3A_638 = arith.select %eq3A_620, %broadcast_in_dim3A_637, %select_n3A_610 : vector<160x128xi1>, vector<160x128xf32>
      %get3A_639 = arith.constant 0 : index
      %get3A_640 = arith.index_cast %scan3A_618 : i32 to index
      %get3A_641 = arith.constant 3 : index
      %get3A_642 = memref.load %arg1[%get3A_639, %get3A_640, %get3A_641] : memref<1x50x5xf32, #tpu.memory_space<smem>>
      %broadcast_in_dim3A_643 = vector.broadcast %get3A_642 : f32 to vector<160x128xf32>
      %select_n3A_644 = arith.select %eq3A_620, %broadcast_in_dim3A_643, %select_n3A_616 : vector<160x128xi1>, vector<160x128xf32>
      %scan3A_645 = arith.constant 3 : i32
      %scan3A_646 = arith.addi %scan3A_558, %scan3A_645 : i32
      %eq3A_647 = vector.broadcast %scan3A_646 : i32 to vector<160x128xi32>
      %eq3A_648 = arith.cmpi eq, %select_n3A_248, %eq3A_647 : vector<160x128xi32>
      %get3A_649 = arith.constant 0 : index
      %get3A_650 = arith.index_cast %scan3A_646 : i32 to index
      %get3A_651 = arith.constant 0 : index
      %get3A_652 = memref.load %arg1[%get3A_649, %get3A_650, %get3A_651] : memref<1x50x5xf32, #tpu.memory_space<smem>>
      %broadcast_in_dim3A_653 = vector.broadcast %get3A_652 : f32 to vector<160x128xf32>
      %select_n3A_654 = arith.select %eq3A_648, %broadcast_in_dim3A_653, %select_n3A_626 : vector<160x128xi1>, vector<160x128xf32>
      %get3A_655 = arith.constant 0 : index
      %get3A_656 = arith.index_cast %scan3A_646 : i32 to index
      %get3A_657 = arith.constant 1 : index
      %get3A_658 = memref.load %arg1[%get3A_655, %get3A_656, %get3A_657] : memref<1x50x5xf32, #tpu.memory_space<smem>>
      %broadcast_in_dim3A_659 = vector.broadcast %get3A_658 : f32 to vector<160x128xf32>
      %select_n3A_660 = arith.select %eq3A_648, %broadcast_in_dim3A_659, %select_n3A_632 : vector<160x128xi1>, vector<160x128xf32>
      %get3A_661 = arith.constant 0 : index
      %get3A_662 = arith.index_cast %scan3A_646 : i32 to index
      %get3A_663 = arith.constant 2 : index
      %get3A_664 = memref.load %arg1[%get3A_661, %get3A_662, %get3A_663] : memref<1x50x5xf32, #tpu.memory_space<smem>>
      %broadcast_in_dim3A_665 = vector.broadcast %get3A_664 : f32 to vector<160x128xf32>
      %select_n3A_666 = arith.select %eq3A_648, %broadcast_in_dim3A_665, %select_n3A_638 : vector<160x128xi1>, vector<160x128xf32>
      %get3A_667 = arith.constant 0 : index
      %get3A_668 = arith.index_cast %scan3A_646 : i32 to index
      %get3A_669 = arith.constant 3 : index
      %get3A_670 = memref.load %arg1[%get3A_667, %get3A_668, %get3A_669] : memref<1x50x5xf32, #tpu.memory_space<smem>>
      %broadcast_in_dim3A_671 = vector.broadcast %get3A_670 : f32 to vector<160x128xf32>
      %select_n3A_672 = arith.select %eq3A_648, %broadcast_in_dim3A_671, %select_n3A_644 : vector<160x128xi1>, vector<160x128xf32>
      scf.yield %select_n3A_654, %select_n3A_660, %select_n3A_666, %select_n3A_672 : vector<160x128xf32>, vector<160x128xf32>, vector<160x128xf32>, vector<160x128xf32>
    }
    %scan3A_275 = arith.constant 48 : i32
    %scan3A_276 = arith.addi %scan3A_270, %scan3A_275 : i32
    %eq3A_277 = vector.broadcast %scan3A_276 : i32 to vector<160x128xi32>
    %eq3A_278 = arith.cmpi eq, %select_n3A_248, %eq3A_277 : vector<160x128xi32>
    %get3A_279 = arith.constant 0 : index
    %get3A_280 = arith.index_cast %scan3A_276 : i32 to index
    %get3A_281 = arith.constant 0 : index
    %get3A_282 = memref.load %arg1[%get3A_279, %get3A_280, %get3A_281] : memref<1x50x5xf32, #tpu.memory_space<smem>>
    %broadcast_in_dim3A_283 = vector.broadcast %get3A_282 : f32 to vector<160x128xf32>
    %select_n3A_284 = arith.select %eq3A_278, %broadcast_in_dim3A_283, %scan3A_274#0 : vector<160x128xi1>, vector<160x128xf32>
    %get3A_285 = arith.constant 0 : index
    %get3A_286 = arith.index_cast %scan3A_276 : i32 to index
    %get3A_287 = arith.constant 1 : index
    %get3A_288 = memref.load %arg1[%get3A_285, %get3A_286, %get3A_287] : memref<1x50x5xf32, #tpu.memory_space<smem>>
    %broadcast_in_dim3A_289 = vector.broadcast %get3A_288 : f32 to vector<160x128xf32>
    %select_n3A_290 = arith.select %eq3A_278, %broadcast_in_dim3A_289, %scan3A_274#1 : vector<160x128xi1>, vector<160x128xf32>
    %get3A_291 = arith.constant 0 : index
    %get3A_292 = arith.index_cast %scan3A_276 : i32 to index
    %get3A_293 = arith.constant 2 : index
    %get3A_294 = memref.load %arg1[%get3A_291, %get3A_292, %get3A_293] : memref<1x50x5xf32, #tpu.memory_space<smem>>
    %broadcast_in_dim3A_295 = vector.broadcast %get3A_294 : f32 to vector<160x128xf32>
    %select_n3A_296 = arith.select %eq3A_278, %broadcast_in_dim3A_295, %scan3A_274#2 : vector<160x128xi1>, vector<160x128xf32>
    %get3A_297 = arith.constant 0 : index
    %get3A_298 = arith.index_cast %scan3A_276 : i32 to index
    %get3A_299 = arith.constant 3 : index
    %get3A_300 = memref.load %arg1[%get3A_297, %get3A_298, %get3A_299] : memref<1x50x5xf32, #tpu.memory_space<smem>>
    %broadcast_in_dim3A_301 = vector.broadcast %get3A_300 : f32 to vector<160x128xf32>
    %select_n3A_302 = arith.select %eq3A_278, %broadcast_in_dim3A_301, %scan3A_274#3 : vector<160x128xi1>, vector<160x128xf32>
    %scan3A_303 = arith.constant 49 : i32
    %scan3A_304 = arith.addi %scan3A_270, %scan3A_303 : i32
    %eq3A_305 = vector.broadcast %scan3A_304 : i32 to vector<160x128xi32>
    %eq3A_306 = arith.cmpi eq, %select_n3A_248, %eq3A_305 : vector<160x128xi32>
    %get3A_307 = arith.constant 0 : index
    %get3A_308 = arith.index_cast %scan3A_304 : i32 to index
    %get3A_309 = arith.constant 0 : index
    %get3A_310 = memref.load %arg1[%get3A_307, %get3A_308, %get3A_309] : memref<1x50x5xf32, #tpu.memory_space<smem>>
    %broadcast_in_dim3A_311 = vector.broadcast %get3A_310 : f32 to vector<160x128xf32>
    %select_n3A_312 = arith.select %eq3A_306, %broadcast_in_dim3A_311, %select_n3A_284 : vector<160x128xi1>, vector<160x128xf32>
    %get3A_313 = arith.constant 0 : index
    %get3A_314 = arith.index_cast %scan3A_304 : i32 to index
    %get3A_315 = arith.constant 1 : index
    %get3A_316 = memref.load %arg1[%get3A_313, %get3A_314, %get3A_315] : memref<1x50x5xf32, #tpu.memory_space<smem>>
    %broadcast_in_dim3A_317 = vector.broadcast %get3A_316 : f32 to vector<160x128xf32>
    %select_n3A_318 = arith.select %eq3A_306, %broadcast_in_dim3A_317, %select_n3A_290 : vector<160x128xi1>, vector<160x128xf32>
    %get3A_319 = arith.constant 0 : index
    %get3A_320 = arith.index_cast %scan3A_304 : i32 to index
    %get3A_321 = arith.constant 2 : index
    %get3A_322 = memref.load %arg1[%get3A_319, %get3A_320, %get3A_321] : memref<1x50x5xf32, #tpu.memory_space<smem>>
    %broadcast_in_dim3A_323 = vector.broadcast %get3A_322 : f32 to vector<160x128xf32>
    %select_n3A_324 = arith.select %eq3A_306, %broadcast_in_dim3A_323, %select_n3A_296 : vector<160x128xi1>, vector<160x128xf32>
    %get3A_325 = arith.constant 0 : index
    %get3A_326 = arith.index_cast %scan3A_304 : i32 to index
    %get3A_327 = arith.constant 3 : index
    %get3A_328 = memref.load %arg1[%get3A_325, %get3A_326, %get3A_327] : memref<1x50x5xf32, #tpu.memory_space<smem>>
    %broadcast_in_dim3A_329 = vector.broadcast %get3A_328 : f32 to vector<160x128xf32>
    %select_n3A_330 = arith.select %eq3A_306, %broadcast_in_dim3A_329, %select_n3A_302 : vector<160x128xi1>, vector<160x128xf32>
    %scan3A_331 = arith.constant 50 : i32
    %add3A_332 = arith.addf %select_n3A_312, %select_n3A_324 : vector<160x128xf32>
    %mul3A_333 = arith.constant 5.000000e-01 : f32
    %mul3A_334 = vector.broadcast %mul3A_333 : f32 to vector<160x128xf32>
    %mul3A_335 = arith.mulf %add3A_332, %mul3A_334 : vector<160x128xf32>
    %sub3A_336 = arith.subf %mul3A_335, %get3A_5 : vector<160x128xf32>
    %mul3A_337 = arith.constant 1.000000e-01 : f32
    %mul3A_338 = vector.broadcast %mul3A_337 : f32 to vector<160x128xf32>
    %mul3A_339 = arith.mulf %mul3A_338, %get3A_15 : vector<160x128xf32>
    %div3A_340 = arith.divf %sub3A_336, %mul3A_339 : vector<160x128xf32>
    %add3A_341 = arith.addf %select_n3A_318, %select_n3A_330 : vector<160x128xf32>
    %mul3A_342 = arith.constant 5.000000e-01 : f32
    %mul3A_343 = vector.broadcast %mul3A_342 : f32 to vector<160x128xf32>
    %mul3A_344 = arith.mulf %add3A_341, %mul3A_343 : vector<160x128xf32>
    %sub3A_345 = arith.subf %mul3A_344, %get3A_10 : vector<160x128xf32>
    %mul3A_346 = arith.constant 1.000000e-01 : f32
    %mul3A_347 = vector.broadcast %mul3A_346 : f32 to vector<160x128xf32>
    %mul3A_348 = arith.mulf %mul3A_347, %get3A_20 : vector<160x128xf32>
    %div3A_349 = arith.divf %sub3A_345, %mul3A_348 : vector<160x128xf32>
    %sub3A_350 = arith.subf %select_n3A_324, %select_n3A_312 : vector<160x128xf32>
    %max3A_351 = arith.constant 1.000000e-30 : f32
    %max3A_352 = vector.broadcast %max3A_351 : f32 to vector<160x128xf32>
    %max3A_353 = arith.maximumf %sub3A_350, %max3A_352 : vector<160x128xf32>
    %div3A_354 = arith.divf %max3A_353, %get3A_15 : vector<160x128xf32>
    %log3A = math.log %div3A_354 : vector<160x128xf32>
    %div3A_355 = arith.constant 2.000000e-01 : f32
    %div3A_356 = vector.broadcast %div3A_355 : f32 to vector<160x128xf32>
    %div3A_357 = arith.divf %log3A, %div3A_356 : vector<160x128xf32>
    %sub3A_358 = arith.subf %select_n3A_330, %select_n3A_318 : vector<160x128xf32>
    %max3A_359 = arith.constant 1.000000e-30 : f32
    %max3A_360 = vector.broadcast %max3A_359 : f32 to vector<160x128xf32>
    %max3A_361 = arith.maximumf %sub3A_358, %max3A_360 : vector<160x128xf32>
    %div3A_362 = arith.divf %max3A_361, %get3A_20 : vector<160x128xf32>
    %log3A_363 = math.log %div3A_362 : vector<160x128xf32>
    %div3A_364 = arith.constant 2.000000e-01 : f32
    %div3A_365 = vector.broadcast %div3A_364 : f32 to vector<160x128xf32>
    %div3A_366 = arith.divf %log3A_363, %div3A_365 : vector<160x128xf32>
    %convert_element_type3A_367 = arith.extui %and3A_267 : vector<160x128xi1> to vector<160x128xi32>
    %convert_element_type3A_368 = arith.sitofp %convert_element_type3A_367 : vector<160x128xi32> to vector<160x128xf32>
    %get3A_369 = arith.constant 0 : index
    %get3A_370 = arith.constant 0 : index
    %get3A_371 = arith.constant 0 : index
    %get3A_372 = arith.constant 0 : index
    %get3A_373 = vector.load %arg2[%get3A_369, %get3A_370, %get3A_371, %get3A_372] : memref<1x4x160x128xf32, #tpu.memory_space<vmem>>, vector<1x1x160x128xf32>
    %get3A_374 = vector.shape_cast %get3A_373 : vector<1x1x160x128xf32> to vector<160x128xf32>
    %sub3A_375 = arith.subf %get3A_374, %div3A_340 : vector<160x128xf32>
    %abs3A = math.absf %sub3A_375 : vector<160x128xf32>
    %lt3A_376 = arith.constant 1.000000e+00 : f32
    %lt3A_377 = vector.broadcast %lt3A_376 : f32 to vector<160x128xf32>
    %lt3A_378 = arith.cmpf olt, %abs3A, %lt3A_377 : vector<160x128xf32>
    %mul3A_379 = arith.constant 5.000000e-01 : f32
    %mul3A_380 = vector.broadcast %mul3A_379 : f32 to vector<160x128xf32>
    %mul3A_381 = arith.mulf %mul3A_380, %sub3A_375 : vector<160x128xf32>
    %mul3A_382 = arith.mulf %mul3A_381, %sub3A_375 : vector<160x128xf32>
    %sub3A_383 = arith.constant 5.000000e-01 : f32
    %sub3A_384 = vector.broadcast %sub3A_383 : f32 to vector<160x128xf32>
    %sub3A_385 = arith.subf %abs3A, %sub3A_384 : vector<160x128xf32>
    %select_n3A_386 = arith.select %lt3A_378, %mul3A_382, %sub3A_385 : vector<160x128xi1>, vector<160x128xf32>
    %get3A_387 = arith.constant 0 : index
    %get3A_388 = arith.constant 1 : index
    %get3A_389 = arith.constant 0 : index
    %get3A_390 = arith.constant 0 : index
    %get3A_391 = vector.load %arg2[%get3A_387, %get3A_388, %get3A_389, %get3A_390] : memref<1x4x160x128xf32, #tpu.memory_space<vmem>>, vector<1x1x160x128xf32>
    %get3A_392 = vector.shape_cast %get3A_391 : vector<1x1x160x128xf32> to vector<160x128xf32>
    %sub3A_393 = arith.subf %get3A_392, %div3A_349 : vector<160x128xf32>
    %abs3A_394 = math.absf %sub3A_393 : vector<160x128xf32>
    %lt3A_395 = arith.constant 1.000000e+00 : f32
    %lt3A_396 = vector.broadcast %lt3A_395 : f32 to vector<160x128xf32>
    %lt3A_397 = arith.cmpf olt, %abs3A_394, %lt3A_396 : vector<160x128xf32>
    %mul3A_398 = arith.constant 5.000000e-01 : f32
    %mul3A_399 = vector.broadcast %mul3A_398 : f32 to vector<160x128xf32>
    %mul3A_400 = arith.mulf %mul3A_399, %sub3A_393 : vector<160x128xf32>
    %mul3A_401 = arith.mulf %mul3A_400, %sub3A_393 : vector<160x128xf32>
    %sub3A_402 = arith.constant 5.000000e-01 : f32
    %sub3A_403 = vector.broadcast %sub3A_402 : f32 to vector<160x128xf32>
    %sub3A_404 = arith.subf %abs3A_394, %sub3A_403 : vector<160x128xf32>
    %select_n3A_405 = arith.select %lt3A_397, %mul3A_401, %sub3A_404 : vector<160x128xi1>, vector<160x128xf32>
    %add3A_406 = arith.addf %select_n3A_386, %select_n3A_405 : vector<160x128xf32>
    %get3A_407 = arith.constant 0 : index
    %get3A_408 = arith.constant 2 : index
    %get3A_409 = arith.constant 0 : index
    %get3A_410 = arith.constant 0 : index
    %get3A_411 = vector.load %arg2[%get3A_407, %get3A_408, %get3A_409, %get3A_410] : memref<1x4x160x128xf32, #tpu.memory_space<vmem>>, vector<1x1x160x128xf32>
    %get3A_412 = vector.shape_cast %get3A_411 : vector<1x1x160x128xf32> to vector<160x128xf32>
    %sub3A_413 = arith.subf %get3A_412, %div3A_357 : vector<160x128xf32>
    %abs3A_414 = math.absf %sub3A_413 : vector<160x128xf32>
    %lt3A_415 = arith.constant 1.000000e+00 : f32
    %lt3A_416 = vector.broadcast %lt3A_415 : f32 to vector<160x128xf32>
    %lt3A_417 = arith.cmpf olt, %abs3A_414, %lt3A_416 : vector<160x128xf32>
    %mul3A_418 = arith.constant 5.000000e-01 : f32
    %mul3A_419 = vector.broadcast %mul3A_418 : f32 to vector<160x128xf32>
    %mul3A_420 = arith.mulf %mul3A_419, %sub3A_413 : vector<160x128xf32>
    %mul3A_421 = arith.mulf %mul3A_420, %sub3A_413 : vector<160x128xf32>
    %sub3A_422 = arith.constant 5.000000e-01 : f32
    %sub3A_423 = vector.broadcast %sub3A_422 : f32 to vector<160x128xf32>
    %sub3A_424 = arith.subf %abs3A_414, %sub3A_423 : vector<160x128xf32>
    %select_n3A_425 = arith.select %lt3A_417, %mul3A_421, %sub3A_424 : vector<160x128xi1>, vector<160x128xf32>
    %add3A_426 = arith.addf %add3A_406, %select_n3A_425 : vector<160x128xf32>
    %get3A_427 = arith.constant 0 : index
    %get3A_428 = arith.constant 3 : index
    %get3A_429 = arith.constant 0 : index
    %get3A_430 = arith.constant 0 : index
    %get3A_431 = vector.load %arg2[%get3A_427, %get3A_428, %get3A_429, %get3A_430] : memref<1x4x160x128xf32, #tpu.memory_space<vmem>>, vector<1x1x160x128xf32>
    %get3A_432 = vector.shape_cast %get3A_431 : vector<1x1x160x128xf32> to vector<160x128xf32>
    %sub3A_433 = arith.subf %get3A_432, %div3A_366 : vector<160x128xf32>
    %abs3A_434 = math.absf %sub3A_433 : vector<160x128xf32>
    %lt3A_435 = arith.constant 1.000000e+00 : f32
    %lt3A_436 = vector.broadcast %lt3A_435 : f32 to vector<160x128xf32>
    %lt3A_437 = arith.cmpf olt, %abs3A_434, %lt3A_436 : vector<160x128xf32>
    %mul3A_438 = arith.constant 5.000000e-01 : f32
    %mul3A_439 = vector.broadcast %mul3A_438 : f32 to vector<160x128xf32>
    %mul3A_440 = arith.mulf %mul3A_439, %sub3A_433 : vector<160x128xf32>
    %mul3A_441 = arith.mulf %mul3A_440, %sub3A_433 : vector<160x128xf32>
    %sub3A_442 = arith.constant 5.000000e-01 : f32
    %sub3A_443 = vector.broadcast %sub3A_442 : f32 to vector<160x128xf32>
    %sub3A_444 = arith.subf %abs3A_434, %sub3A_443 : vector<160x128xf32>
    %select_n3A_445 = arith.select %lt3A_437, %mul3A_441, %sub3A_444 : vector<160x128xi1>, vector<160x128xf32>
    %add3A_446 = arith.addf %add3A_426, %select_n3A_445 : vector<160x128xf32>
    %jit3A_447 = arith.constant 0.000000e+00 : f32
    %broadcast_in_dim3A_448 = vector.broadcast %jit3A_447 : f32 to vector<160x128xf32>
    %select_n3A_449 = arith.select %and3A_267, %add3A_446, %broadcast_in_dim3A_448 : vector<160x128xi1>, vector<160x128xf32>
    %reduce_sum3A = vector.shape_cast %select_n3A_449 : vector<160x128xf32> to vector<1x160x128xf32>
    %reduce_sum3A_450 = arith.constant dense<0.000000e+00> : vector<1xf32>
    %reduce_sum3A_451 = vector.multi_reduction <add>, %reduce_sum3A, %reduce_sum3A_450 [1, 2] : vector<1x160x128xf32> to vector<1xf32>
    %reduce_sum3A_452 = vector.shape_cast %reduce_sum3A_451 : vector<1xf32> to vector<1x1x1xf32>
    %reduce_sum3A_453 = vector.extract %reduce_sum3A_452[0, 0, 0] : f32 from vector<1x1x1xf32>
    %reduce_sum3A_454 = vector.shape_cast %convert_element_type3A_368 : vector<160x128xf32> to vector<1x160x128xf32>
    %reduce_sum3A_455 = arith.constant dense<0.000000e+00> : vector<1xf32>
    %reduce_sum3A_456 = vector.multi_reduction <add>, %reduce_sum3A_454, %reduce_sum3A_455 [1, 2] : vector<1x160x128xf32> to vector<1xf32>
    %reduce_sum3A_457 = vector.shape_cast %reduce_sum3A_456 : vector<1xf32> to vector<1x1x1xf32>
    %reduce_sum3A_458 = vector.extract %reduce_sum3A_457[0, 0, 0] : f32 from vector<1x1x1xf32>
    %get3A_459 = arith.constant 0 : index
    %get3A_460 = arith.constant 0 : index
    %get3A_461 = arith.constant 0 : index
    %get3A_462 = arith.constant 0 : index
    %get3A_463 = vector.load %arg3[%get3A_459, %get3A_460, %get3A_461, %get3A_462] : memref<1x2x160x128xf32, #tpu.memory_space<vmem>>, vector<1x1x160x128xf32>
    %get3A_464 = vector.shape_cast %get3A_463 : vector<1x1x160x128xf32> to vector<160x128xf32>
    %get3A_465 = arith.constant 0 : index
    %get3A_466 = arith.constant 1 : index
    %get3A_467 = arith.constant 0 : index
    %get3A_468 = arith.constant 0 : index
    %get3A_469 = vector.load %arg3[%get3A_465, %get3A_466, %get3A_467, %get3A_468] : memref<1x2x160x128xf32, #tpu.memory_space<vmem>>, vector<1x1x160x128xf32>
    %get3A_470 = vector.shape_cast %get3A_469 : vector<1x1x160x128xf32> to vector<160x128xf32>
    %max3A_471 = arith.maximumf %get3A_464, %get3A_470 : vector<160x128xf32>
    %sub3A_472 = arith.subf %get3A_464, %max3A_471 : vector<160x128xf32>
    %exp3A = math.exp %sub3A_472 : vector<160x128xf32>
    %sub3A_473 = arith.subf %get3A_470, %max3A_471 : vector<160x128xf32>
    %exp3A_474 = math.exp %sub3A_473 : vector<160x128xf32>
    %add3A_475 = arith.addf %exp3A, %exp3A_474 : vector<160x128xf32>
    %log3A_476 = math.log %add3A_475 : vector<160x128xf32>
    %add3A_477 = arith.addf %log3A_476, %max3A_471 : vector<160x128xf32>
    %select_n3A_478 = arith.select %and3A_267, %get3A_470, %get3A_464 : vector<160x128xi1>, vector<160x128xf32>
    %sub3A_479 = arith.subf %add3A_477, %select_n3A_478 : vector<160x128xf32>
    %jit3A_480 = arith.constant 0.000000e+00 : f32
    %broadcast_in_dim3A_481 = vector.broadcast %jit3A_480 : f32 to vector<160x128xf32>
    %select_n3A_482 = arith.select %and3A_267, %sub3A_479, %broadcast_in_dim3A_481 : vector<160x128xi1>, vector<160x128xf32>
    %reduce_sum3A_483 = vector.shape_cast %select_n3A_482 : vector<160x128xf32> to vector<1x160x128xf32>
    %reduce_sum3A_484 = arith.constant dense<0.000000e+00> : vector<1xf32>
    %reduce_sum3A_485 = vector.multi_reduction <add>, %reduce_sum3A_483, %reduce_sum3A_484 [1, 2] : vector<1x160x128xf32> to vector<1xf32>
    %reduce_sum3A_486 = vector.shape_cast %reduce_sum3A_485 : vector<1xf32> to vector<1x1x1xf32>
    %reduce_sum3A_487 = vector.extract %reduce_sum3A_486[0, 0, 0] : f32 from vector<1x1x1xf32>
    %jit3A_488 = arith.constant 0.000000e+00 : f32
    %broadcast_in_dim3A_489 = vector.broadcast %jit3A_488 : f32 to vector<160x128xf32>
    %select_n3A_490 = arith.select %and3A_267, %broadcast_in_dim3A_489, %sub3A_479 : vector<160x128xi1>, vector<160x128xf32>
    %jit3A_491 = arith.constant -1.000000e+00 : f32
    %broadcast_in_dim3A_492 = vector.broadcast %jit3A_491 : f32 to vector<160x128xf32>
    %select_n3A_493 = arith.select %lt3A_261, %select_n3A_490, %broadcast_in_dim3A_492 : vector<160x128xi1>, vector<160x128xf32>
    %bitcast_convert_type3A = tpu.bitcast %select_n3A_493 : vector<160x128xf32> -> vector<160x128xi32>
    %mul3A_494 = arith.constant 7.000000e+00 : f32
    %mul3A_495 = arith.mulf %mul3A_494, %reduce_sum3A_458 : f32
    %convert_element_type3A_496 = arith.fptosi %mul3A_495 : f32 to i32
    %min3A_497 = arith.constant 19999 : i32
    %min3A_498 = arith.minsi %convert_element_type3A_496, %min3A_497 : i32
    %scan3A_499 = arith.constant 0 : i32
    %scan3A_500 = arith.constant 2147483647 : i32
    %scan3A_501 = arith.constant 0 : i32
    %scan3A_502 = arith.constant 31 : i32
    %scan3A_503 = arith.addi %scan3A_501, %scan3A_502 : i32
    %scan3A_504 = arith.constant 1 : i32
    %scan3A_505:2 = scf.for %scan3A_558 = %scan3A_501 to %scan3A_503 step %scan3A_504 iter_args(%scan3A_559 = %scan3A_499, %scan3A_560 = %scan3A_500) -> (i32, i32)  : i32 {
      %sub3A_561 = arith.subi %scan3A_560, %scan3A_559 : i32
      %div3A_562 = arith.constant 2 : i32
      %div3A_563 = arith.divsi %sub3A_561, %div3A_562 : i32
      %add3A_564 = arith.addi %scan3A_559, %div3A_563 : i32
      %ge3A_565 = vector.broadcast %add3A_564 : i32 to vector<160x128xi32>
      %ge3A_566 = arith.cmpi sge, %bitcast_convert_type3A, %ge3A_565 : vector<160x128xi32>
      %convert_element_type3A_567 = arith.extui %ge3A_566 : vector<160x128xi1> to vector<160x128xi32>
      %reduce_sum3A_568 = vector.shape_cast %convert_element_type3A_567 : vector<160x128xi32> to vector<1x160x128xi32>
      %reduce_sum3A_569 = arith.constant dense<0> : vector<1xi32>
      %reduce_sum3A_570 = vector.multi_reduction <add>, %reduce_sum3A_568, %reduce_sum3A_569 [1, 2] : vector<1x160x128xi32> to vector<1xi32>
      %reduce_sum3A_571 = vector.shape_cast %reduce_sum3A_570 : vector<1xi32> to vector<1x1x1xi32>
      %reduce_sum3A_572 = vector.extract %reduce_sum3A_571[0, 0, 0] : i32 from vector<1x1x1xi32>
      %ge3A_573 = arith.cmpi sge, %reduce_sum3A_572, %min3A_498 : i32
      %select_n3A_574 = arith.select %ge3A_573, %add3A_564, %scan3A_559 : i32
      %select_n3A_575 = arith.select %ge3A_573, %scan3A_560, %add3A_564 : i32
      scf.yield %select_n3A_574, %select_n3A_575 : i32, i32
    }
    %eq3A_506 = vector.broadcast %scan3A_505#0 : i32 to vector<160x128xi32>
    %eq3A_507 = arith.cmpi eq, %bitcast_convert_type3A, %eq3A_506 : vector<160x128xi32>
    %jit3A_508 = arith.constant -1.000000e+00 : f32
    %broadcast_in_dim3A_509 = vector.broadcast %jit3A_508 : f32 to vector<160x128xf32>
    %select_n3A_510 = arith.select %eq3A_507, %select_n3A_493, %broadcast_in_dim3A_509 : vector<160x128xi1>, vector<160x128xf32>
    %reduce_max3A_511 = vector.shape_cast %select_n3A_510 : vector<160x128xf32> to vector<1x160x128xf32>
    %reduce_max3A_512 = arith.constant dense<0xFF800000> : vector<1xf32>
    %reduce_max3A_513 = vector.multi_reduction <maximumf>, %reduce_max3A_511, %reduce_max3A_512 [1, 2] : vector<1x160x128xf32> to vector<1xf32>
    %reduce_max3A_514 = vector.shape_cast %reduce_max3A_513 : vector<1xf32> to vector<1x1x1xf32>
    %reduce_max3A_515 = vector.extract %reduce_max3A_514[0, 0, 0] : f32 from vector<1x1x1xf32>
    %gt3A_516 = vector.broadcast %scan3A_505#0 : i32 to vector<160x128xi32>
    %gt3A_517 = arith.cmpi sgt, %bitcast_convert_type3A, %gt3A_516 : vector<160x128xi32>
    %convert_element_type3A_518 = arith.extui %gt3A_517 : vector<160x128xi1> to vector<160x128xi32>
    %reduce_sum3A_519 = vector.shape_cast %convert_element_type3A_518 : vector<160x128xi32> to vector<1x160x128xi32>
    %reduce_sum3A_520 = arith.constant dense<0> : vector<1xi32>
    %reduce_sum3A_521 = vector.multi_reduction <add>, %reduce_sum3A_519, %reduce_sum3A_520 [1, 2] : vector<1x160x128xi32> to vector<1xi32>
    %reduce_sum3A_522 = vector.shape_cast %reduce_sum3A_521 : vector<1xi32> to vector<1x1x1xi32>
    %reduce_sum3A_523 = vector.extract %reduce_sum3A_522[0, 0, 0] : i32 from vector<1x1x1xi32>
    %gt3A_524 = vector.broadcast %scan3A_505#0 : i32 to vector<160x128xi32>
    %gt3A_525 = arith.cmpi sgt, %bitcast_convert_type3A, %gt3A_524 : vector<160x128xi32>
    %jit3A_526 = arith.constant 0.000000e+00 : f32
    %broadcast_in_dim3A_527 = vector.broadcast %jit3A_526 : f32 to vector<160x128xf32>
    %select_n3A_528 = arith.select %gt3A_525, %select_n3A_493, %broadcast_in_dim3A_527 : vector<160x128xi1>, vector<160x128xf32>
    %reduce_sum3A_529 = vector.shape_cast %select_n3A_528 : vector<160x128xf32> to vector<1x160x128xf32>
    %reduce_sum3A_530 = arith.constant dense<0.000000e+00> : vector<1xf32>
    %reduce_sum3A_531 = vector.multi_reduction <add>, %reduce_sum3A_529, %reduce_sum3A_530 [1, 2] : vector<1x160x128xf32> to vector<1xf32>
    %reduce_sum3A_532 = vector.shape_cast %reduce_sum3A_531 : vector<1xf32> to vector<1x1x1xf32>
    %reduce_sum3A_533 = vector.extract %reduce_sum3A_532[0, 0, 0] : f32 from vector<1x1x1xf32>
    %sub3A_534 = arith.subi %min3A_498, %reduce_sum3A_523 : i32
    %convert_element_type3A_535 = arith.sitofp %sub3A_534 : i32 to f32
    %mul3A_536 = arith.mulf %convert_element_type3A_535, %reduce_max3A_515 : f32
    %add3A_537 = arith.addf %reduce_sum3A_533, %mul3A_536 : f32
    %gt3A_538 = arith.constant 0 : i32
    %gt3A_539 = arith.cmpi sgt, %min3A_498, %gt3A_538 : i32
    %jit3A_540 = arith.constant 0.000000e+00 : f32
    %select_n3A_541 = arith.select %gt3A_539, %add3A_537, %jit3A_540 : f32
    %get3A_542 = arith.constant 0 : index
    %get3A_543 = memref.load %arg5[%get3A_542] : memref<1xf32, #tpu.memory_space<smem>>
    %add3A_544 = arith.addf %get3A_543, %reduce_sum3A_453 : f32
    %swap3A_545 = arith.constant 0 : index
    %swap3A_546 = memref.load %arg5[%swap3A_545] : memref<1xf32, #tpu.memory_space<smem>>
    memref.store %add3A_544, %arg5[%swap3A_545] : memref<1xf32, #tpu.memory_space<smem>>
    %get3A_547 = arith.constant 0 : index
    %get3A_548 = memref.load %arg6[%get3A_547] : memref<1xf32, #tpu.memory_space<smem>>
    %add3A_549 = arith.addf %reduce_sum3A_487, %select_n3A_541 : f32
    %add3A_550 = arith.addf %get3A_548, %add3A_549 : f32
    %swap3A_551 = arith.constant 0 : index
    %swap3A_552 = memref.load %arg6[%swap3A_551] : memref<1xf32, #tpu.memory_space<smem>>
    memref.store %add3A_550, %arg6[%swap3A_551] : memref<1xf32, #tpu.memory_space<smem>>
    %get3A_553 = arith.constant 0 : index
    %get3A_554 = memref.load %arg7[%get3A_553] : memref<1xf32, #tpu.memory_space<smem>>
    %add3A_555 = arith.addf %get3A_554, %reduce_sum3A_458 : f32
    %swap3A_556 = arith.constant 0 : index
    %swap3A_557 = memref.load %arg7[%swap3A_556] : memref<1xf32, #tpu.memory_space<smem>>
    memref.store %add3A_555, %arg7[%swap3A_556] : memref<1xf32, #tpu.memory_space<smem>>
    return
  }
  func.func @transform_0(%arg0: i32) -> (i32, i32, i32) {
    %c0_i32 = arith.constant 0 : i32
    %c0_i32_0 = arith.constant 0 : i32
    %c0_i32_1 = arith.constant 0 : i32
    return %arg0, %c0_i32, %c0_i32_0 : i32, i32, i32
  }
  func.func @transform_1(%arg0: i32) -> (i32, i32, i32, i32) {
    %c0_i32 = arith.constant 0 : i32
    %c0_i32_0 = arith.constant 0 : i32
    %c0_i32_1 = arith.constant 0 : i32
    %c0_i32_2 = arith.constant 0 : i32
    return %arg0, %c0_i32, %c0_i32_0, %c0_i32_1 : i32, i32, i32, i32
  }
  func.func @transform_2(%arg0: i32) -> (i32, i32, i32, i32) {
    %c0_i32 = arith.constant 0 : i32
    %c0_i32_0 = arith.constant 0 : i32
    %c0_i32_1 = arith.constant 0 : i32
    %c0_i32_2 = arith.constant 0 : i32
    return %arg0, %c0_i32, %c0_i32_0, %c0_i32_1 : i32, i32, i32, i32
  }
  func.func @transform_3(%arg0: i32) -> (i32, i32, i32) {
    %c0_i32 = arith.constant 0 : i32
    %c0_i32_0 = arith.constant 0 : i32
    %c0_i32_1 = arith.constant 0 : i32
    %c0_i32_2 = arith.constant 0 : i32
    return %c0_i32, %c0_i32_0, %c0_i32_1 : i32, i32, i32
  }
  func.func @transform_4(%arg0: i32) -> i32 {
    %c0_i32 = arith.constant 0 : i32
    %c0_i32_0 = arith.constant 0 : i32
    return %c0_i32 : i32
  }
  func.func @transform_5(%arg0: i32) -> i32 {
    %c0_i32 = arith.constant 0 : i32
    %c0_i32_0 = arith.constant 0 : i32
    return %c0_i32 : i32
  }
  func.func @transform_6(%arg0: i32) -> i32 {
    %c0_i32 = arith.constant 0 : i32
    %c0_i32_0 = arith.constant 0 : i32
    return %c0_i32 : i32
  }
}

</mosaic_0001>

<sc_bundles>
// kernel: kernel.4.cloned.1.call-start
scs
__scs_entry_jumppad:
0x0: {  	(pc) =	sbr.rel $0x88, $3  }
0x1: {  	(tag) =	ssettag $0x0;
	lr =	simm.s32 $0x1  }
0x2: {  	[smem:$0x3F9D] =	sst lr;
	_ =	strace $0xD0000000  }
0x3: {  	_ = 	snop  }
0x4: {  	_ = 	snop  }
0x5: {  	_ = 	snop  }
0x6: {  	_ = 	snop  }
0x7: {  	_ = 	snop  }
__scs_overlays_trampoline_lowered:
0x8: {  	[smem:$0x3FAC] =	sst s0  }
0x9: {  	[smem:$0x3FAD] =	sst s1  }
0xa: {  	[smem:$0x3FAE] =	sst s2  }
0xb: {  	[smem:$0x3FAF] =	sst s3  }
0xc: {  	[smem:$0x3FB0] =	sst s4  }
0xd: {  	[smem:$0x3FB1] =	sst s5  }
0xe: {  	[smem:$0x3FB2] =	sst s6  }
0xf: {  	[smem:$0x3FB3] =	sst s7  }
0x10: {  	[smem:$0x3FB4] =	sst s8  }
0x11: {  	[smem:$0x3FB5] =	sst s9;
	s0 =	simm.s32 @!p0 $0x0  }
0x12: {  	s1 =	sld [smem:$0x3F9B];
	s0 =	simm.s32 @p0 $0x1  }
0x13: {  	[smem:$0x3FB6] =	sst s0;
	s0 =	simm.s32 @!p1 $0x0  }
0x14: {  	s2 =	sld [smem:$0x3F9A];
	s0 =	simm.s32 @p1 $0x1  }
0x15: {  	[smem:$0x3FB7] =	sst s0;
	s0 =	simm.s32 @!p2 $0x0  }
0x16: {  	s3 =	sld [smem:$0x3FDB];
	s0 =	simm.s32 @p2 $0x1  }
0x17: {  	s4 =	simm.s32 $0x1BF5;
	[smem:$0x3FB9] =	sst s0  }
0x18: {  	s0 =	sld [smem:$0x3F9C];
	_ =	swait.ge [sflag:s4], $0x0  }
0x19: {  	s7 =	sld [smem:$0x3F9D]  }
0x1a: {  	s8 =	sadd.s32 $0xFFFFE003, lr  }
0x1b: {  	s9 =	sadd.s32 $0xFFFFFEF7, lr;
	s5 =	simm.s32 $0xFFFFFFFF;
	p2 =	slt.u32 s8, $0xFFFFF086  }
0x1c: {  	p1 =	slt.u32 s9, $0xF7A;
	s5 =	simm.s32 @!p2 $0x0  }
0x1d: {  	s5 =	simm.s32 @p1 $0x1;
	p0 =	seq.s32 s7, s2  }
0x1e: {  	s7 =	smul.u32 @!p0 $0xF7A, s2;
	p2 =	seq.s32 @!p0 s5, $0x0  }
0x1f: {  	s9 =	smul.u32 $0xF7A, s1;
	s8 =	simm.s32 @!p0 $0x1BF5;
	p2 =	por !p2, p0  }
0x20: {  	[sflag:s8] =	ssyncset.s32 @!p0 $0xFFFFF086;
	s6 =	sadd.s32 @!p0 s3, s7;
	s7 =	simm.s32 @!p0 $0x108  }
0x21: {  	s3 =	sadd.s32 s3, s9;
	s6 =	sadd.s32 @!p0 $0x88, s6;
	s7 =	simm.s32 @p2 $0x1082  }
0x22: {  	[simem:s7], [sflag:s8] =	dma.local @!p0 [hbm:s6], $0xF7A  }
0x23: {  	s9 =	sor.u32 $0xD0000000, s2;
	s6 =	simm.s32 $0x108;
	_ =	swait.ge @!p0 [sflag:s8], $0x0  }
0x24: {  	s3 =	sadd.s32 $0x88, s3;
	s6 =	simm.s32 @!p1 $0x1082;
	[sflag:s4] =	ssyncset.s32 $0xFFFFF086  }
0x25: {  	[simem:s6], [sflag:s4] =	dma.local [hbm:s3], $0xF7A  }
0x26: {  	[smem:$0x3F9D] =	sst s1;
	(tag) =	ssettag s2;
	_ =	strace s9  }
0x27: {  	s1 =	sld [smem:$0x3FAD]  }
0x28: {  	s2 =	sld [smem:$0x3FAE]  }
0x29: {  	s4 =	sld [smem:$0x3FB0]  }
0x2a: {  	p0 =	seq.s32 s5, $0x0;
	s5 =	sld [smem:$0x3FB1]  }
0x2b: {  	s6 =	sld [smem:$0x3FB2]  }
0x2c: {  	s7 =	sld [smem:$0x3FB3]  }
0x2d: {  	s3 =	simm.s32 $0x108;
	s8 =	sld [smem:$0x3FB4]  }
0x2e: {  	s3 =	simm.s32 @!p0 $0x1082;
	s9 =	sld [smem:$0x3FB5]  }
0x2f: {  	lr =	sadd.s32 s0, s3;
	s0 =	sld [smem:$0x3FAC]  }
0x30: {  	s3 =	sld [smem:$0x3FAF]  }
0x31: {  	[smem:$0x3FB8] =	sst s10  }
0x32: {  	s10 =	sld [smem:$0x3FB6];
	_ =	sdelay $0x3  }
0x33: {  	p0 =	seq.s32 s10, $0x1;
	s10 =	sld [smem:$0x3FB8];
	_ =	sdelay $0x3  }
0x34: {  	[smem:$0x3FB8] =	sst s10  }
0x35: {  	s10 =	sld [smem:$0x3FB7];
	_ =	sdelay $0x3  }
0x36: {  	p1 =	seq.s32 s10, $0x1;
	s10 =	sld [smem:$0x3FB8];
	_ =	sdelay $0x3  }
0x37: {  	[smem:$0x3FB8] =	sst s10  }
0x38: {  	s10 =	sld [smem:$0x3FB9]  }
0x39: {  	_ = 	snop;
	(pc) =	sbr.ind lr, $3  }
0x3a: {  	_ = 	snop  }
0x3b: {  	_ = 	snop  }
0x3c: {  	p2 =	seq.s32 s10, $0x1;
	s10 =	sld [smem:$0x3FB8]  }
0x3d: {  	_ =	shalt  }
0x3e: {  	_ =	shalt  }
0x3f: {  	_ =	shalt  }
0x40: {  	_ =	shalt  }
0x41: {  	_ =	shalt  }
0x42: {  	_ =	shalt  }
0x43: {  	_ =	shalt  }
0x44: {  	_ =	shalt  }
0x45: {  	_ =	shalt  }
0x46: {  	_ =	shalt  }
0x47: {  	_ =	shalt  }
0x48: {  	_ =	shalt  }
0x49: {  	_ =	shalt  }
0x4a: {  	_ =	shalt  }
0x4b: {  	_ =	shalt  }
0x4c: {  	_ =	shalt  }
0x4d: {  	_ =	shalt  }
0x4e: {  	_ =	shalt  }
0x4f: {  	_ =	shalt  }
0x50: {  	_ =	shalt  }
0x51: {  	_ =	shalt  }
0x52: {  	_ =	shalt  }
0x53: {  	_ =	shalt  }
0x54: {  	_ =	shalt  }
0x55: {  	_ =	shalt  }
0x56: {  	_ =	shalt  }
0x57: {  	_ =	shalt  }
0x58: {  	_ =	shalt  }
0x59: {  	_ =	shalt  }
0x5a: {  	_ =	shalt  }
0x5b: {  	_ =	shalt  }
0x5c: {  	_ =	shalt  }
0x5d: {  	_ =	shalt  }
0x5e: {  	_ =	shalt  }
0x5f: {  	_ =	shalt  }
0x60: {  	_ =	shalt  }
0x61: {  	_ =	shalt  }
0x62: {  	_ =	shalt  }
0x63: {  	_ =	shalt  }
0x64: {  	_ =	shalt  }
0x65: {  	_ =	shalt  }
0x66: {  	_ =	shalt  }
0x67: {  	_ =	shalt  }
0x68: {  	_ =	shalt  }
0x69: {  	_ =	shalt  }
0x6a: {  	_ =	shalt  }
0x6b: {  	_ =	shalt  }
0x6c: {  	_ =	shalt  }
0x6d: {  	_ =	shalt  }
0x6e: {  	_ =	shalt  }
0x6f: {  	_ =	shalt  }
0x70: {  	_ =	shalt  }
0x71: {  	_ =	shalt  }
0x72: {  	_ =	shalt  }
0x73: {  	_ =	shalt  }
0x74: {  	_ =	shalt  }
0x75: {  	_ =	shalt  }
0x76: {  	_ =	shalt  }
0x77: {  	_ =	shalt  }
0x78: {  	_ =	shalt  }
0x79: {  	_ =	shalt  }
0x7a: {  	_ =	shalt  }
0x7b: {  	_ =	shalt  }
0x7c: {  	_ =	shalt  }
0x7d: {  	_ =	shalt  }
0x7e: {  	_ =	shalt  }
0x7f: {  	_ =	shalt  }
0x80: {  	_ =	shalt  }
0x81: {  	_ =	shalt  }
0x82: {  	_ =	shalt  }
0x83: {  	_ =	shalt  }
0x84: {  	_ =	shalt  }
0x85: {  	_ =	shalt  }
0x86: {  	_ =	shalt  }
0x87: {  	_ =	shalt  }
.Lfunc_end0:
.L_simem_size_0:
called_computation_lowered:
.L_overlay_start_0:
0x88: {  	s2 =	sld [smem:$0x3FD9]  }
0x89: {  	s3 =	sld [smem:$0x3FFE];
	_ =	sdelay $0x1  }
0x8a: {  	s1 =	srdreg.scid  }
0x8b: {  	s0 =	sand.u32 $0x1, s1  }
0x8c: {  	s16 =	sshll.u32 s0, $0xA;
	s2 =	sadd.s32 s3, s2  }
0x8d: {  	s2 =	sadd.s32 s2, s16  }
0x8e: {  	[smem:$0x3FC4] =	sst s2  }
0x8f: {  	_ = 	snop  }
0x90: {  	(tm) =	ssettm $0x1  }
0x91: {  	s17 =	sld [smem:$0x3FFB];
	_ =	sdelay $0x3  }
0x92: {  	_ =	strace s17  }
0x93: {  	s2 =	sld [smem:$0x3FFC];
	_ =	sdelay $0x3  }
0x94: {  	_ =	strace s2  }
0x95: {  	s2 =	sld [smem:$0x3FFD];
	_ =	sdelay $0x3  }
0x96: {  	_ =	strace s2  }
0x97: {  	_ =	strace $0x8FFFFFFF  }
0x98: {  	s18 =	sld [smem:$0x3FDB];
	_ =	sdelay $0x1  }
0x99: {  	s19 =	simm.s32 $_scs_section_size  }
0x9a: {  	s4 =	simm.s32 $_size__tile_overlayer_lowered;
	s5 =	simm.s32 $_tile_overlayer_lowered  }
0x9b: {  	s22 =	simm.s32 $0x1BFF;
	s21 =	sshll.u32 s5, $0x1;
	s2 =	sadd.s32 s19, s18  }
0x9c: {  	s6 =	simm.s32 $0x0;
	s20 =	sshll.u32 s4, $0x1;
	s4 =	sadd.s32 s21, s2  }
0x9d: {  	[timem:s6], [sflag:s22] =	dma.local [hbm:s4], s20  }
0x9e: {  	_ =	swait.ge [sflag:s22], s20  }
0x9f: {  	s3 =	ssub.s32 $0x0, s20;
	[sflag:s22] =	ssyncset.done $0x0  }
0xa0: {  	[sflag:s22] =	ssyncadd.s32 s3;
	_ =	sdelay $0x1  }
0xa1: {  	s23 =	simm.s32 $0x1B8B  }
0xa2: {  	_ =	swait.ge [sflag:s23], $0x1  }
0xa3: {  	[sflag:s23] =	ssyncset.done $0x0  }
0xa4: {  	s25 =	simm.s32 $0x1B8E;
	s24 =	sld [smem:$0x3FFE];
	[sflag:s23] =	ssyncadd.s32 $0xFFFFFFFF  }
0xa5: {  	s26 =	simm.s32 $execute0_lowered;
	[smem:$0x3FD2] =	sst s25  }
0xa6: {  	s4 =	sshll.u32 s26, $0x1;
	_ =	strace $0x80000046;
	[dreg:$0x1] =	wrdreg $0xFFFFFFFF  }
0xa7: {  	s28 =	simm.s32 $_size_execute0_lowered;
	s2 =	sadd.s32 s2, s4;
	[dreg:$0x0] =	wrdreg $0x0  }
0xa8: {  	s4 =	sshll.u32 s28, $0x1;
	[dreg:$0x2] =	wrdreg s2  }
0xa9: {  	[dreg:$0x3] =	wrdreg s4  }
0xaa: {  	[dreg:$0x4] =	wrdreg $0xC0  }
0xab: {  	_ =	task [dreg:s6], $0x5FFFF  }
0xac: {  	[dreg:$0x1] =	wrdreg $0xFFFFFFFF  }
0xad: {  	[dreg:$0x0] =	wrdreg $0x60  }
0xae: {  	[dreg:$0x2] =	wrdreg s24  }
0xaf: {  	[dreg:$0x3] =	wrdreg $0x143000  }
0xb0: {  	[dreg:$0x4] =	wrdreg $0x9  }
0xb1: {  	_ =	task.clear_ibuf [dreg:s6], $0x5FFFF;
	_ =	strace $0x90000046  }
0xb2: {  	s29 =	simm.s32 $0x9;
	_ =	strace $0x80000048  }
0xb3: {  	_ =	swait.ge [sflag:s29], $0x1  }
0xb4: {  	[sflag:s29] =	ssyncadd.s32 $0xFFFFFFFF  }
0xb5: {  	_ =	strace $0x90000048  }
0xb6: {  	_ =	sfence  }
0xb7: {  	s30 =	sld [smem:$0x0];
	_ =	sdelay $0x2  }
0xb8: {  	s31 =	sshll.u32 s1, $0xD;
	s1 =	sshrl.u32 s1, $0x2  }
0xb9: {  	s3 =	sand.u32 $0x4000, s31;
	s1 =	sadd.s32 s1, s30  }
0xba: {  	s0 =	sor.u32 s3, s0;
	s1 =	sshll.u32 s1, $0x11  }
0xbb: {  	s0 =	sor.u32 s1, s0  }
0xbc: {  	s0 =	sadd.s32 $0x8F2B, s0  }
0xbd: {  	[sflag:s0] =	ssyncadd.remote.s32 $0x1  }
0xbe: {  	_ =	sfence.sel $0xFFFF  }
0xbf: {  	[dreg:$0x0] =	wrdreg $0xFFFFFFFF;
	(pc) =	sbr.abs _section_cstart, $3  }
0xc0: {  	[dreg:$0x1] =	wrdreg $0xFFFFFFFF  }
0xc1: {  	_ =	task.clear_ibuf [dreg:s6], $0x2FFFF;
	_ =	strace $0x9FFFFFFF  }
0xc2: {  	(tm) =	ssettm $0x7FFFFFFF  }
0xc3: {  	_ =	shalt  }
tec
execute0_lowered:
.L_overlay_start_1:
0x0: {  	(tag) =	ssettag $0x1  }
0x1: {  	s13 =	stileid.u32  }
0x2: {  	s0 =	smul.u32 $0x56, s13  }
0x3: {  	s2 =	rddreg [dreg:$0x0]  }
0x4: {  	s6 =	rddreg [dreg:$0x1];
	s4 =	srdreg.scid;
	s0 =	sshrl.u32 s0, $0x8  }
0x5: {  	s5 =	simm.s32 $0x0;
	s7 =	sand.u32 $0x1, s4;
	s1 =	smul.u32 $0x3, s0  }
0x6: {  	s28 =	simm.s32 $0x8480;
	s29 =	simm.s32 $0x9F00;
	s8 =	smul.u32 $0x5, s7  }
0x7: {  	s30 =	simm.s32 $0x14000;
	s31 =	simm.s32 $0x14080;
	s1 =	ssub.s32 s13, s1  }
0x8: {  	[smem:$0x7FF] =	sst s5;
	s8 =	sadd.s32 s0, s8;
	s3 =	sand.u32 $0xFF, s1  }
0x9: {  	s4 =	sadd.s32 $0x200, s2;
	s10 =	sshll.u32 s8, $0x1;
	s3 =	smul.u32 $0x1A40, s3  }
0xa: {  	s5 =	sadd.s32 $0x27800, s2;
	s20 =	smul.u32 $0x6CC0, s13;
	s10 =	sadd.s32 s10, s2  }
0xb: {  	_ =	strace $0x80000047;
	s17 =	sadd.s32 $0x3E000, s10;
	s9 =	sshrl.u32 s3, $0x3  }
0xc: {  	s18 =	sadd.s32 $0x3E200, s10;
	[dreg:$0x11] =	wrdreg s17;
	s9 =	sadd.s32 s9, s2  }
0xd: {  	p1 =	seq.s32 s13, $0xF;
	[dreg:$0x12] =	wrdreg s18;
	s12 =	sadd.s32 $0x3B400, s9  }
0xe: {  	s19 =	smul.u32 $0x28, s8;
	s14 =	sadd.s32 $0x3BDD8, s9;
	[dreg:$0x3] =	wrdreg s12  }
0xf: {  	s7 =	ssub.s32 $0x2, s7;
	s21 =	sadd.s32 $0x3C7B0, s9;
	[dreg:$0x4] =	wrdreg s14  }
0x10: {  	s2 =	sadd.s32 s2, s19;
	s9 =	sadd.s32 $0x3D188, s9;
	[dreg:$0x5] =	wrdreg s21  }
0x11: {  	s0 =	smul.u32 $0x14640, s0;
	s2 =	sadd.s32 $0x3DCF0, s2;
	[dreg:$0x6] =	wrdreg s9  }
0x12: {  	s22 =	sshrl.u32 s20, $0x2;
	[dreg:$0x7] =	wrdreg s2;
	s21 =	sadd.s32 $0x3E400, s10  }
0x13: {  	s0 =	sshrl.u32 s0, $0x2;
	s9 =	sadd.s32 s22, s6;
	[dreg:$0x13] =	wrdreg s21  }
0x14: {  	s11 =	sshrl.u32 s7, $0x1;
	s6 =	sadd.s32 s0, s6;
	[dreg:$0x8] =	wrdreg s9  }
0x15: {  	s7 =	ssub.s32 s7, s11;
	s23 =	sadd.s32 $0x40, s9;
	[dreg:$0xa] =	wrdreg s6  }
0x16: {  	s8 =	sadd.s32 $0x6, s8;
	s25 =	sadd.s32 $0x40, s6;
	[dreg:$0x9] =	wrdreg s23  }
0x17: {  	s24 =	smul.u32 $0x13B00, s8;
	s26 =	sadd.s32 $0x1B30, s6;
	[dreg:$0xb] =	wrdreg s25  }
0x18: {  	v0 =	vimm.f32 $2.000000030e-01;
	s11 =	smul.u32 $0x9D80, s8;
	s12 =	sadd.s32 $0x1B70, s6;
	[dreg:$0xc] =	wrdreg s26  }
0x19: {  	(erf) = vrcp.f32 v0;
	s8 =	simm.s32 $0x13580;
	s14 =	sadd.s32 $0x3660, s6;
	[dreg:$0xd] =	wrdreg s12  }
0x1a: {  	p0 =	sne.s32 s1, $0x0;
	s15 =	sadd.s32 $0x36A0, s6;
	[dreg:$0xe] =	wrdreg s14  }
0x1b: {  	s1 =	simm.s32 $0x1;
	s16 =	sadd.s32 $0xC0, s9;
	[dreg:$0xf] =	wrdreg s15  }
0x1c: {  	s17 =	simm.s32 $0x0;
	s22 =	sadd.s32 $0x1B00, s9;
	[dreg:$0x10] =	wrdreg s16  }
0x1d: {  	s19 =	sadd.s32 s24, s3;
	s24 =	sadd.s32 $0x3630, s6;
	[dreg:$0x15] =	wrdreg s22  }
.Ltmp0:
0x1e: {  	s23 =	sadd.s32 $0x1BF0, s6;
	[dreg:$0x17] =	wrdreg s24;
	(pc) =	sbr.rel .LBB2_1-.Ltmp0, $4  }
0x1f: {  	s20 =	sadd.s32 s11, s3;
	s25 =	sadd.s32 $0x3720, s6;
	[dreg:$0x16] =	wrdreg s23  }
0x20: {  	v1 =	vimm.s32 $0x0;
	s16 =	smax.u32 s7, $0x1;
	s26 =	sadd.s32 $0x5160, s6;
	[dreg:$0x18] =	wrdreg s25  }
0x21: {  	v2 =	vlaneseq.u32;
	vm0 =	vmmov $0x1;
	v4 =	vimm.f32 $2.000000000e+00;
	s24 =	simm.s32 $0x13E80;
	s6 =	simm.s32 $0x12380;
	[dreg:$0x19] =	wrdreg s26  }
0x22: {  	vm1 =	vmxor vm1, vm1;
	vm2 =	vcmask $0x300;
	v0 =	vimm.f32 $-3.000000010e+38;
	v3 =	vpop (erf);
	s7 =	simm.s32 $0x12C80;
	s23 =	simm.s32 $0x11A80;
	[dreg:$0x14] =	wrdreg s16  }
.LBB2_30:
0x23: {  	[bflag:$0x0] =	sbarrier.arrive $0xFFFF  }
0x24: {  	[bflag:$0x0] =	sbarrier.arrive $0xFFFF  }
.LBB2_28:
0x25: {  	s17 =	sadd.s32 $0x1, s17  }
0x26: {  	p2 =	sne.s32 s17, s16  }
.Ltmp1:
0x27: {  	_ = 	snop;
	(pc) =	sbr.rel @!p2 .LBB2_29-.Ltmp1, $1  }
0x28: {  	_ =	sdelay $0x3  }
.LBB2_1:
.Ltmp2:
0x29: {  	(pc) =	sbr.rel @p1 .LBB2_30-.Ltmp2, $1  }
0x2a: {  	_ =	sdelay $0x3  }
0x2b: {  	[dreg:$0x1a] =	wrdreg s17  }
0x2c: {  	s0 =	simm.s32 $0x0;
	s2 =	rddreg [dreg:$0x3]  }
0x2d: {  	[tilespmem:s0], [sflag:$0x1] =	stream.linear.gather [hbm4b:s2+s0], $0x1A40, $0x38;
	[tilespmem:$0x15EB0] =	vst v63  }
0x2e: {  	_ =	swait.ge [sflag:s1], $0x1A40  }
0x2f: {  	[sflag:s1] =	ssyncset.done $0x0  }
0x30: {  	s9 =	simm.s32 $0x1A80;
	s17 =	rddreg [dreg:$0x4];
	[sflag:s1] =	ssyncadd.s32 $0xFFFFE5C0  }
0x31: {  	[tilespmem:s9], [sflag:$0x1] =	stream.linear.gather [hbm4b:s17+s0], $0x1A40, $0x38;
	[tilespmem:$0x15EB0] =	vst v63  }
0x32: {  	_ =	swait.ge [sflag:s1], $0x1A40  }
0x33: {  	[sflag:s1] =	ssyncset.done $0x0  }
0x34: {  	s21 =	simm.s32 $0x3500;
	s18 =	rddreg [dreg:$0x5];
	[sflag:s1] =	ssyncadd.s32 $0xFFFFE5C0  }
0x35: {  	[tilespmem:s21], [sflag:$0x1] =	stream.linear.gather [hbm4b:s18+s0], $0x1A40, $0x38;
	[tilespmem:$0x15EB0] =	vst v63  }
0x36: {  	_ =	swait.ge [sflag:s1], $0x1A40  }
0x37: {  	[sflag:s1] =	ssyncset.done $0x0  }
0x38: {  	s25 =	simm.s32 $0x4F80;
	s22 =	rddreg [dreg:$0x6];
	[sflag:s1] =	ssyncadd.s32 $0xFFFFE5C0  }
0x39: {  	[tilespmem:s25], [sflag:$0x1] =	stream.linear.gather [hbm4b:s22+s0], $0x1A40, $0x38;
	[tilespmem:$0x15EB0] =	vst v63  }
0x3a: {  	_ =	swait.ge [sflag:s1], $0x1A40  }
0x3b: {  	[sflag:s1] =	ssyncset.done $0x0  }
0x3c: {  	s26 =	rddreg [dreg:$0x7];
	[sflag:s1] =	ssyncadd.s32 $0xFFFFE5C0  }
0x3d: {  	[tilespmem:s24], [sflag:$0x1] =	stream.linear.gather [hbm4b:s26+s0], $0x140, $0x38;
	[tilespmem:$0x15EB0] =	vst v63  }
0x3e: {  	_ =	swait.ge [sflag:s1], $0x140  }
0x3f: {  	[sflag:s1] =	ssyncset.done $0x0  }
0x40: {  	s2 =	simm.s32 $0x3520;
	[sflag:s1] =	ssyncadd.s32 $0xFFFFFEC0  }
0x41: {  	s9 =	simm.s32 $0x20;
	v5 =	vld [tilespmem:s2+$0x10]  }
0x42: {  	s11 =	simm.s32 $0x4FA0;
	v6 =	vld [tilespmem:s9+$0x10]  }
0x43: {  	v7 =	vld [tilespmem:s11+$0x10]  }
0x44: {  	s12 =	simm.s32 $0x1AA0  }
0x45: {  	v8 =	vld [tilespmem:s12+$0x10]  }
0x46: {  	v9 =	vmul.f32 $5.000000000e-01, v5;
	_ =	sdelay $0x1  }
0x47: {  	v10 =	vld [tilespmem:s2+$0xFFFFFFF0];
	v12 =	vmul.f32 $5.000000000e-01, v7;
	v11 =	vsub.f32 v6, v9  }
0x48: {  	v13 =	vld [tilespmem:s11+$0xFFFFFFF0];
	v6 =	vadd.f32 v9, v6  }
0x49: {  	v9 =	vsub.f32 v8, v12;
	[tilespmem:s9+$0x10] =	vst v11;
	v11 =	vld [tilespmem:s9+$0xFFFFFFF0]  }
0x4a: {  	v14 =	vld [tilespmem:s2+$0xFFFFFFE0];
	[tilespmem:s2+$0x10] =	vst v6;
	v6 =	vadd.f32 v12, v8  }
0x4b: {  	v5 =	vmul.f32 v7, v5;
	v7 =	vld [tilespmem:s12+$0xFFFFFFF0];
	[tilespmem:s12+$0x10] =	vst v9  }
0x4c: {  	s13 =	simm.s32 $0x6A20;
	v8 =	vld [tilespmem:s11+$0xFFFFFFE0];
	v9 =	vmul.f32 $5.000000000e-01, v10;
	[tilespmem:s11+$0x10] =	vst v6  }
0x4d: {  	s14 =	simm.s32 $0x84A0;
	[tilespmem:s13+$0x10] =	vst v5;
	v5 =	vld [tilespmem:s9+$0xFFFFFFE0]  }
0x4e: {  	s15 =	simm.s32 $0x9F20;
	v6 =	vmul.f32 $5.000000000e-01, v13;
	[tilespmem:s14+$0x10] =	vst v0;
	v60 =	vsub.f32 v11, v9  }
0x4f: {  	v15 =	vld [tilespmem:s12+$0xFFFFFFE0];
	v9 =	vadd.f32 v9, v11;
	[tilespmem:s15+$0x10] =	vst v1  }
0x50: {  	v11 =	vmul.f32 $5.000000000e-01, v14;
	v16 =	vsub.f32 v7, v6;
	[tilespmem:s9+$0xFFFFFFF0] =	vst v60  }
0x51: {  	v61 =	vld [tilespmem:s2+$0x0];
	v6 =	vadd.f32 v6, v7;
	[tilespmem:s2+$0xFFFFFFF0] =	vst v9  }
0x52: {  	v7 =	vld [tilespmem:s11+$0x0];
	v9 =	vmul.f32 $5.000000000e-01, v8;
	v17 =	vsub.f32 v5, v11;
	[tilespmem:s12+$0xFFFFFFF0] =	vst v16  }
0x53: {  	v62 =	vld [tilespmem:s9+$0x0];
	v5 =	vadd.f32 v11, v5;
	[tilespmem:s11+$0xFFFFFFF0] =	vst v6  }
0x54: {  	v11 =	vld [tilespmem:s12+$0x0];
	v6 =	vsub.f32 v15, v9;
	[tilespmem:s9+$0xFFFFFFE0] =	vst v17  }
0x55: {  	v9 =	vadd.f32 v9, v15;
	[tilespmem:s2+$0xFFFFFFE0] =	vst v5  }
0x56: {  	v5 =	vmul.f32 v8, v14;
	v8 =	vmul.f32 $5.000000000e-01, v61;
	[tilespmem:s12+$0xFFFFFFE0] =	vst v6  }
0x57: {  	s16 =	simm.s32 $0x0;
	v63 =	vmul.f32 $5.000000000e-01, v7;
	[tilespmem:s11+$0xFFFFFFE0] =	vst v9  }
0x58: {  	s17 =	simm.s32 $0x1AA0;
	s18 =	simm.s32 $0x20;
	s21 =	simm.s32 $0x84A0;
	v6 =	vmul.f32 v13, v10;
	v10 =	vsub.f32 v62, v8;
	v8 =	vadd.f32 v8, v62;
	[tilespmem:s13+$0xFFFFFFE0] =	vst v5  }
0x59: {  	s22 =	simm.s32 $0x3560;
	s25 =	simm.s32 $0x9F20;
	s26 =	simm.s32 $0x4FA0;
	v9 =	vsub.f32 v11, v63;
	v5 =	vmul.f32 v7, v61;
	v7 =	vadd.f32 v63, v11;
	[tilespmem:s14+$0xFFFFFFE0] =	vst v0  }
.LBB2_3:
0x5a: {  	v11 =	vld [tilespmem:s22+$0x10];
	[tilespmem:s15+$0xFFFFFFE0] =	vst v1;
	s9 =	sadd.s32 $0x40, s9  }
0x5b: {  	s11 =	sadd.s32 $0x40, s11;
	v12 =	vld [tilespmem:s9+$0x10];
	[tilespmem:s13+$0xFFFFFFF0] =	vst v6  }
0x5c: {  	v6 =	vld [tilespmem:s11+$0x10];
	[tilespmem:s14+$0xFFFFFFF0] =	vst v0  }
0x5d: {  	s12 =	sadd.s32 $0x40, s12;
	v13 =	vld [tilespmem:s22+$0xFFFFFFE0];
	[tilespmem:s15+$0xFFFFFFF0] =	vst v1  }
0x5e: {  	v14 =	vld [tilespmem:s12+$0x10];
	[tilespmem:s18+$0x0] =	vst v10;
	s18 =	smov.u32 s9  }
0x5f: {  	v10 =	vld [tilespmem:s11+$0xFFFFFFE0];
	v15 =	vmul.f32 $5.000000000e-01, v11;
	[tilespmem:s2+$0x0] =	vst v8;
	s2 =	smov.u32 s22  }
0x60: {  	s16 =	sadd.s32 $0x4, s16;
	v8 =	vld [tilespmem:s22+$0xFFFFFFF0];
	[tilespmem:s17+$0x0] =	vst v9;
	s17 =	smov.u32 s12  }
0x61: {  	p2 =	slt.u32 s16, $0x1A0;
	v9 =	vld [tilespmem:s11+$0xFFFFFFF0];
	v16 =	vsub.f32 v12, v15;
	v17 =	vmul.f32 $5.000000000e-01, v6;
	[tilespmem:s26+$0x0] =	vst v7;
	s26 =	smov.u32 s11  }
0x62: {  	v12 =	vadd.f32 v15, v12;
	v18 =	vmul.f32 $5.000000000e-01, v13;
	v7 =	vld [tilespmem:s22+$0x0];
	[tilespmem:s13+$0x0] =	vst v5  }
0x63: {  	v5 =	vld [tilespmem:s11+$0x0];
	[tilespmem:s9+$0x10] =	vst v16;
	v15 =	vsub.f32 v14, v17  }
0x64: {  	v16 =	vld [tilespmem:s12+$0xFFFFFFE0];
	v19 =	vmul.f32 $5.000000000e-01, v10;
	v13 =	vmul.f32 v10, v13;
	[tilespmem:s22+$0x10] =	vst v12;
	v10 =	vadd.f32 v17, v14  }
0x65: {  	v11 =	vmul.f32 v6, v11;
	v12 =	vld [tilespmem:s9+$0xFFFFFFF0];
	v14 =	vmul.f32 $5.000000000e-01, v8;
	[tilespmem:s12+$0x10] =	vst v15  }
0x66: {  	s13 =	sadd.s32 $0x40, s13;
	v15 =	vld [tilespmem:s12+$0xFFFFFFF0];
	v17 =	vmul.f32 $5.000000000e-01, v9;
	v6 =	vmul.f32 v9, v8;
	[tilespmem:s11+$0x10] =	vst v10  }
0x67: {  	s14 =	sadd.s32 $0x40, s14;
	v8 =	vld [tilespmem:s9+$0x0];
	v9 =	vmul.f32 $5.000000000e-01, v7;
	[tilespmem:s13+$0x10] =	vst v11  }
0x68: {  	s15 =	sadd.s32 $0x40, s15;
	v11 =	vld [tilespmem:s12+$0x0];
	v20 =	vmul.f32 $5.000000000e-01, v5;
	v5 =	vmul.f32 v5, v7;
	[tilespmem:s14+$0x10] =	vst v0  }
0x69: {  	s10 =	simm.s32 $0x0;
	v21 =	vld [tilespmem:s9+$0xFFFFFFE0];
	v22 =	vsub.f32 v16, v19;
	v16 =	vadd.f32 v19, v16;
	[tilespmem:s15+$0x10] =	vst v1  }
0x6a: {  	v7 =	vsub.f32 v12, v14;
	v12 =	vadd.f32 v14, v12;
	[tilespmem:s21+$0x0] =	vst v0;
	s21 =	smov.u32 s14  }
0x6b: {  	v14 =	vsub.f32 v15, v17;
	v15 =	vadd.f32 v17, v15;
	[tilespmem:s25+$0x0] =	vst v1;
	s25 =	smov.u32 s15  }
0x6c: {  	[tilespmem:s9+$0xFFFFFFF0] =	vst v7;
	v10 =	vsub.f32 v8, v9;
	v8 =	vadd.f32 v9, v8  }
0x6d: {  	[tilespmem:s22+$0xFFFFFFF0] =	vst v12;
	v9 =	vsub.f32 v11, v20;
	v7 =	vadd.f32 v20, v11  }
0x6e: {  	v11 =	vsub.f32 v21, v18;
	v12 =	vadd.f32 v18, v21;
	[tilespmem:s12+$0xFFFFFFF0] =	vst v14  }
0x6f: {  	[tilespmem:s11+$0xFFFFFFF0] =	vst v15  }
0x70: {  	[tilespmem:s9+$0xFFFFFFE0] =	vst v11  }
.Ltmp3:
0x71: {  	[tilespmem:s22+$0xFFFFFFE0] =	vst v12;
	(pc) =	sbr.rel @p2 .LBB2_3-.Ltmp3, $4  }
0x72: {  	[tilespmem:s12+$0xFFFFFFE0] =	vst v22  }
0x73: {  	[tilespmem:s11+$0xFFFFFFE0] =	vst v16  }
0x74: {  	[tilespmem:s13+$0xFFFFFFE0] =	vst v13  }
0x75: {  	s22 =	sadd.s32 $0x40, s22;
	[tilespmem:s14+$0xFFFFFFE0] =	vst v0  }
0x76: {  	[tilespmem:s15+$0xFFFFFFE0] =	vst v1  }
0x77: {  	[tilespmem:s13+$0xFFFFFFF0] =	vst v6  }
0x78: {  	[tilespmem:s18+$0x0] =	vst v10  }
0x79: {  	[tilespmem:s14+$0xFFFFFFF0] =	vst v0  }
0x7a: {  	[tilespmem:s2+$0x0] =	vst v8  }
0x7b: {  	[tilespmem:s15+$0xFFFFFFF0] =	vst v1  }
0x7c: {  	[tilespmem:s17+$0x0] =	vst v9  }
0x7d: {  	[tilespmem:s26+$0x0] =	vst v7  }
0x7e: {  	[tilespmem:s13+$0x0] =	vst v5  }
0x7f: {  	[tilespmem:s21+$0x0] =	vst v0  }
0x80: {  	s11 =	simm.s32 $0x0;
	[tilespmem:s25+$0x0] =	vst v1  }
.LBB2_5:
0x81: {  	s2 =	simm.s32 $0x0  }
0x82: {  	v11 =	vld [tilespmem:s2+$0x6A10]  }
0x83: {  	v12 =	vld [tilespmem:s2+$0x6A20]  }
0x84: {  	v13 =	vld [tilespmem:s2+$0x6A00]  }
0x85: {  	v14 =	vld [tilespmem:s2+$0x3510]  }
0x86: {  	v15 =	vld [tilespmem:s2+$0x10]  }
0x87: {  	v16 =	vld [tilespmem:s2+$0x4F90]  }
0x88: {  	v17 =	vld [tilespmem:s2+$0x1A90]  }
0x89: {  	v18 =	vld [tilespmem:s2+$0x3520]  }
0x8a: {  	v19 =	vld [tilespmem:s2+$0x20]  }
0x8b: {  	v20 =	vld [tilespmem:s2+$0x4FA0]  }
0x8c: {  	v21 =	vld [tilespmem:s2+$0x1AA0]  }
0x8d: {  	v22 =	vld [tilespmem:s2+$0x3530]  }
0x8e: {  	v25 =	vld [tilespmem:s2+$0x30]  }
0x8f: {  	v5 =	vmov s11;
	v28 =	vld [tilespmem:s2+$0x4FB0]  }
0x90: {  	v6 =	vor.u32 $0x40, v5;
	v29 =	vld [tilespmem:s2+$0x3500]  }
0x91: {  	v7 =	vor.u32 $0x80, v5;
	v30 =	vld [tilespmem:s2+$0x0]  }
0x92: {  	s9 =	simm.s32 $0x40;
	v9 =	vor.u32 $0xC0, v5;
	v31 =	vld [tilespmem:s2+$0x4F80]  }
0x93: {  	v41 =	vld [tilespmem:s9+$0x0]  }
0x94: {  	v8 =	vld.idx.msk [tilespmem:v5+s24+$0x0], $0xffff  }
0x95: {  	v6 =	vld.idx.msk [tilespmem:v6+s24+$0x0], $0xffff  }
0x96: {  	v10 =	vld.idx.msk [tilespmem:v7+s24+$0x0], $0xffff  }
0x97: {  	v9 =	vld.idx.msk [tilespmem:v9+s24+$0x0], $0xffff  }
0x98: {  	v32 =	vld [tilespmem:s2+$0x1A80]  }
0x99: {  	v61 =	vimm.f32 $-3.000000010e+38;
	v24 =	vld [tilespmem:s2+$0x8490]  }
0x9a: {  	v37 =	vimm.s32 $0x0;
	v27 =	vld [tilespmem:s2+$0x84A0];
	v15 =	vmax.f32 v8, v15;
	v19 =	vmax.f32 v8, v19  }
0x9b: {  	v36 =	vld [tilespmem:s9+$0x3530];
	v30 =	vmax.f32 v8, v30;
	v25 =	vmax.f32 v8, v25;
	v55 =	vmax.f32 v8, v41  }
0x9c: {  	v39 =	vld [tilespmem:s9+$0x4FB0];
	v7 =	vsub.f32 v10, v8;
	v23 =	vsub.f32 v9, v6;
	v14 =	vmin.f32 v10, v14  }
0x9d: {  	v34 =	vld [tilespmem:s2+$0x1AB0];
	v16 =	vmin.f32 v9, v16;
	v17 =	vmax.f32 v6, v17;
	v18 =	vmin.f32 v10, v18  }
0x9e: {  	v33 =	vld [tilespmem:s9+$0x6A10];
	v20 =	vmin.f32 v9, v20;
	v21 =	vmax.f32 v6, v21;
	v29 =	vmin.f32 v10, v29  }
0x9f: {  	v35 =	vld [tilespmem:s9+$0x6A20];
	v31 =	vmin.f32 v9, v31;
	v32 =	vmax.f32 v6, v32;
	v22 =	vmin.f32 v10, v22  }
0xa0: {  	v60 =	vld [tilespmem:s9+$0x10];
	v28 =	vmin.f32 v9, v28;
	v36 =	vmin.f32 v10, v36;
	v29 =	vsub.f32 v29, v30  }
0xa1: {  	v40 =	vld [tilespmem:s9+$0x3500];
	v62 =	vmin.f32 v9, v39;
	v30 =	vsub.f32 v31, v32;
	v14 =	vsub.f32 v14, v15  }
0xa2: {  	v45 =	vld [tilespmem:s9+$0x1A80];
	v16 =	vsub.f32 v16, v17;
	v18 =	vsub.f32 v18, v19;
	v19 =	vmax.f32 v6, v34  }
0xa3: {  	v31 =	vld [tilespmem:s2+$0x6A30];
	v20 =	vsub.f32 v20, v21;
	v7 =	vmul.f32 v23, v7;
	v19 =	vsub.f32 v28, v19  }
0xa4: {  	v15 =	vld [tilespmem:s9+$0x6A00];
	v29 =	vmax.f32 v29, $0.0e+00;
	v30 =	vmax.f32 v30, $0.0e+00;
	v14 =	vmax.f32 v14, $0.0e+00  }
0xa5: {  	v17 =	vld [tilespmem:s9+$0x3510];
	v16 =	vmax.f32 v16, $0.0e+00;
	v18 =	vmax.f32 v18, $0.0e+00;
	v11 =	vadd.f32 v11, v7  }
0xa6: {  	v21 =	vld [tilespmem:s9+$0x1A90];
	v20 =	vmax.f32 v20, $0.0e+00;
	v13 =	vadd.f32 v13, v7;
	v12 =	vadd.f32 v12, v7  }
0xa7: {  	v28 =	vld [tilespmem:s9+$0x1AA0];
	v29 =	vmul.f32 v30, v29;
	v16 =	vmul.f32 v16, v14;
	v14 =	vsub.f32 v22, v25  }
0xa8: {  	v30 =	vld [tilespmem:s9+$0x4F90];
	v18 =	vmul.f32 v20, v18;
	v33 =	vadd.f32 v33, v7;
	v35 =	vadd.f32 v35, v7  }
0xa9: {  	v45 =	vmax.f32 v6, v45;
	v22 =	vld [tilespmem:s9+$0x3520];
	v13 =	vsub.f32 v13, v29;
	v11 =	vsub.f32 v11, v16  }
0xaa: {  	v32 =	vmax.f32 v8, v60;
	v25 =	vld [tilespmem:s9+$0x20];
	v12 =	vsub.f32 v12, v18;
	v42 =	vadd.f32 v15, v7  }
0xab: {  	v20 =	vld [tilespmem:s9+$0x4FA0];
	v43 =	vmin.f32 v10, v17;
	v44 =	vmax.f32 v6, v21;
	(erf) = vrcp.f32 v13  }
0xac: {  	v57 =	vld [tilespmem:s9+$0x1AB0];
	v28 =	vmax.f32 v6, v28;
	v32 =	vsub.f32 v43, v32;
	(erf) = vrcp.f32 v11  }
0xad: {  	s21 =	simm.s32 $0x10;
	s12 =	simm.s32 $0x20;
	v26 =	vld [tilespmem:s2+$0x84B0];
	v13 =	vmax.f32 v14, $0.0e+00;
	v14 =	vmax.f32 v19, $0.0e+00;
	v19 =	vadd.f32 v31, v7  }
0xae: {  	s22 =	simm.s32 $0x30;
	v23 =	vld [tilespmem:s2+$0x8480];
	s2 =	simm.s32 $0x80;
	v31 =	vmul.f32 v14, v13;
	v11 =	vor.u32 s21, v2;
	v14 =	vor.u32 s12, v2  }
0xaf: {  	v50 =	vld [tilespmem:s2+$0x3510];
	v13 =	vor.u32 s22, v2;
	v30 =	vmin.f32 v9, v30;
	(erf) = vrcp.f32 v12  }
0xb0: {  	v38 =	vld [tilespmem:s9+$0x30];
	v46 =	vmin.f32 v10, v22;
	v47 =	vmax.f32 v8, v25;
	v48 =	vmin.f32 v9, v20  }
0xb1: {  	v15 =	vld [tilespmem:s9+$0x4F80];
	v20 =	vmin.f32 v10, v40;
	v40 =	vmax.f32 v6, v57;
	v30 =	vsub.f32 v30, v44  }
0xb2: {  	v41 =	vld [tilespmem:s2+$0x6A10];
	v32 =	vmax.f32 v32, $0.0e+00;
	v12 =	vor.u32 s10, v2;
	v39 =	vsub.f32 v20, v55  }
0xb3: {  	v28 =	vsub.f32 v48, v28;
	v55 =	vld [tilespmem:s2+$0x4FB0];
	v19 =	vsub.f32 v19, v31;
	v30 =	vmax.f32 v30, $0.0e+00  }
0xb4: {  	v59 =	vld [tilespmem:s9+$0x6A30];
	v62 =	vsub.f32 v62, v40;
	v48 =	vmin.f32 v10, v50;
	v54 =	vmul.f32 v30, v32;
	v17 =	vpop (erf)  }
0xb5: {  	v49 =	vld [tilespmem:s2+$0x6A20];
	v39 =	vmax.f32 v39, $0.0e+00;
	v28 =	vmax.f32 v28, $0.0e+00;
	(erf) = vrcp.f32 v19;
	v25 =	vpop (erf)  }
0xb6: {  	v52 =	vld [tilespmem:s2+$0x3520];
	v60 =	vsub.f32 v33, v54;
	v16 =	vmul.f32 v25, v16;
	v25 =	vmin.f32 v9, v15  }
0xb7: {  	v53 =	vld [tilespmem:s2+$0x30];
	v17 =	vmul.f32 v17, v29;
	v29 =	vmax.f32 v8, v38;
	v25 =	vsub.f32 v25, v45  }
0xb8: {  	v21 =	vld [tilespmem:s9+$0x8490];
	v56 =	vpop (erf);
	v29 =	vsub.f32 v36, v29;
	v36 =	vadd.f32 v41, v7;
	v41 =	vmin.f32 v9, v55  }
0xb9: {  	s13 =	simm.s32 $0x60;
	v22 =	vld [tilespmem:s9+$0x84A0];
	vm3 =	vgt.f32 v17, v61;
	v18 =	vmul.f32 v56, v18;
	v45 =	vmax.f32 v25, $0.0e+00  }
0xba: {  	v19 =	vld [tilespmem:s9+$0x8480];
	vm6 =	vgt.f32 v17, v23;
	v23 =	vor.u32 s13, v2;
	v45 =	vmul.f32 v45, v39  }
0xbb: {  	v15 =	vld [tilespmem:s9+$0x84B0];
	v34 =	vsel vm3, v17, v61;
	v37 =	vsel vm3, v12, v37;
	v61 =	vsub.f32 v46, v47  }
0xbc: {  	v56 =	vld [tilespmem:s2+$0x3500];
	v29 =	vmax.f32 v29, $0.0e+00;
	vm3 =	vgt.f32 v16, v34;
	v42 =	vsub.f32 v42, v45  }
0xbd: {  	v46 =	vld [tilespmem:s2+$0x4F90];
	vm5 =	vgt.f32 v16, v24;
	v34 =	vsel vm3, v16, v34;
	v30 =	vmax.f32 v61, $0.0e+00  }
0xbe: {  	v47 =	vld [tilespmem:s2+$0x1A90];
	v37 =	vsel vm3, v11, v37;
	v32 =	vmul.f32 v28, v30;
	(erf) = vrcp.f32 v42  }
0xbf: {  	v61 =	vadd.f32 v59, v7;
	vm3 =	vgt.f32 v18, v34;
	v28 =	vld [tilespmem:s2+$0x4FA0];
	v30 =	vmax.f32 v62, $0.0e+00  }
0xc0: {  	v58 =	vpop (erf);
	v62 =	vld [tilespmem:s2+$0x1AA0];
	v33 =	vmul.f32 v30, v29;
	v35 =	vsub.f32 v35, v32;
	(erf) = vrcp.f32 v60  }
0xc1: {  	vm4 =	vgt.f32 v18, v27;
	v20 =	vmul.f32 v58, v31;
	v63 =	vsel vm3, v14, v37;
	v37 =	vld [tilespmem:s2+$0x6A00]  }
0xc2: {  	s26 =	simm.s32 $0x70;
	s9 =	simm.s32 $0x40;
	v31 =	vsel vm3, v18, v34;
	v34 =	vld [tilespmem:s2+$0x10];
	v27 =	vsub.f32 v61, v33;
	(erf) = vrcp.f32 v35  }
0xc3: {  	v24 =	vor.u32 s26, v2;
	v29 =	vld [tilespmem:s2+$0x3530];
	v30 =	vor.u32 s9, v2;
	vm3 =	vgt.f32 v20, v31  }
0xc4: {  	v46 =	vmin.f32 v9, v46;
	v25 =	vsel vm3, v13, v63;
	v63 =	vld [tilespmem:s2+$0x20];
	(erf) = vrcp.f32 v27  }
0xc5: {  	s25 =	simm.s32 $0x50;
	v57 =	vld [tilespmem:s2+$0x0];
	v47 =	vmax.f32 v6, v47;
	v31 =	vsel vm3, v20, v31;
	vm3 =	vgt.f32 v20, v26  }
0xc6: {  	v50 =	vld [tilespmem:s2+$0x4F80];
	v26 =	vor.u32 s25, v2;
	v42 =	vmin.f32 v10, v52;
	v52 =	vmin.f32 v10, v56  }
0xc7: {  	v51 =	vld [tilespmem:s2+$0x1A80];
	v35 =	vadd.f32 v49, v7;
	v40 =	vmin.f32 v9, v28;
	v43 =	vmax.f32 v6, v62;
	v28 =	vpop (erf)  }
0xc8: {  	v38 =	vadd.f32 v37, v7;
	v49 =	vmax.f32 v8, v34;
	v27 =	vld [tilespmem:s2+$0x8480];
	v34 =	vmul.f32 v28, v45  }
0xc9: {  	v39 =	vmin.f32 v10, v29;
	v29 =	vld [tilespmem:s2+$0x84A0];
	v44 =	vmax.f32 v8, v63;
	v45 =	vmax.f32 v8, v53;
	v63 =	vpop (erf)  }
0xca: {  	s12 =	simm.s32 $0x8;
	s13 =	simm.s32 $0x300;
	v28 =	vld [tilespmem:s2+$0x8490];
	v53 =	vmax.f32 v8, v57;
	v37 =	vmul.f32 v63, v54;
	vm7 =	vgt.f32 v34, v31  }
.LBB2_6:
0xcb: {  	s14 =	sshra.s32 s13, $0x2;
	v50 =	vmin.f32 v9, v50;
	v54 =	vld [tilespmem:s2+$0x84B0];
	v31 =	vsel vm7, v34, v31;
	v25 =	vsel vm7, v30, v25;
	v55 =	vpop (erf)  }
0xcc: {  	v56 =	vld [tilespmem:s14+$0x6A10];
	v51 =	vmax.f32 v6, v51;
	vm7 =	vgt.f32 v37, v31;
	v55 =	vmul.f32 v55, v32  }
0xcd: {  	v32 =	vsub.f32 v48, v49;
	v48 =	vld [tilespmem:s2+$0x1AB0];
	v31 =	vsel vm7, v37, v31;
	v25 =	vsel vm7, v26, v25;
	v49 =	vpop (erf)  }
0xce: {  	v52 =	vsub.f32 v52, v53;
	v57 =	vld [tilespmem:s14+$0x6A20];
	vm7 =	vgt.f32 v55, v31;
	v49 =	vmul.f32 v49, v33  }
0xcf: {  	v33 =	vsub.f32 v50, v51;
	v50 =	vld [tilespmem:s2+$0x6A30];
	v31 =	vsel vm7, v55, v31;
	v25 =	vsel vm7, v23, v25;
	s2 =	smov.u32 s14  }
0xd0: {  	v46 =	vsub.f32 v46, v47;
	v52 =	vmax.f32 v52, $0.0e+00;
	v51 =	vld [tilespmem:s2+$0x6A00];
	vm7 =	vgt.f32 v49, v31;
	[tilespmem:v12+s28+$0x0] =	vst.idx.msk vm6, v17  }
0xd1: {  	v58 =	vmax.f32 v33, $0.0e+00;
	v47 =	vld [tilespmem:s2+$0x3510];
	v31 =	vsel vm7, v49, v31;
	v25 =	vsel vm7, v24, v25;
	[tilespmem:v12+s29+$0x0] =	vst.idx.msk vm6, v5  }
0xd2: {  	v33 =	vsub.f32 v42, v44;
	v52 =	vmul.f32 v58, v52;
	v12 =	vmovc v30;
	v53 =	vld [tilespmem:s2+$0x10];
	v42 =	vmax.f32 v6, v48  }
0xd3: {  	v40 =	vsub.f32 v40, v43;
	v17 =	vmovc v34;
	v30 =	vmax.f32 v32, $0.0e+00;
	v32 =	vmax.f32 v46, $0.0e+00;
	v44 =	vld [tilespmem:s2+$0x4F90];
	[tilespmem:v11+s28+$0x0] =	vst.idx.msk vm5, v16  }
0xd4: {  	v58 =	vmul.f32 v32, v30;
	v30 =	vsub.f32 v39, v45;
	v38 =	vsub.f32 v38, v52;
	v16 =	vmovc v37;
	v34 =	vld [tilespmem:s2+$0x1A90]  }
0xd5: {  	v32 =	vmax.f32 v33, $0.0e+00;
	v33 =	vmax.f32 v40, $0.0e+00;
	v39 =	vsub.f32 v41, v42;
	v37 =	vld [tilespmem:s2+$0x3520];
	[tilespmem:v11+s29+$0x0] =	vst.idx.msk vm5, v5;
	v11 =	vmovc v26  }
0xd6: {  	v32 =	vmul.f32 v33, v32;
	v26 =	vsub.f32 v36, v58;
	v40 =	vld [tilespmem:s2+$0x20];
	(erf) = vrcp.f32 v38;
	[tilespmem:v14+s28+$0x0] =	vst.idx.msk vm4, v18  }
0xd7: {  	v30 =	vmax.f32 v30, $0.0e+00;
	v33 =	vmax.f32 v39, $0.0e+00;
	v36 =	vadd.f32 v50, v7;
	v18 =	vmovc v55;
	v41 =	vld [tilespmem:s2+$0x4FA0];
	[tilespmem:v14+s29+$0x0] =	vst.idx.msk vm4, v5  }
0xd8: {  	v35 =	vsub.f32 v35, v32;
	v33 =	vmul.f32 v33, v30;
	v39 =	vld [tilespmem:s2+$0x1AA0];
	(erf) = vrcp.f32 v26;
	[tilespmem:v13+s28+$0x0] =	vst.idx.msk vm3, v20  }
0xd9: {  	s9 =	sadd.s32 $0x40, s9;
	vm6 =	vgt.f32 v17, v19;
	vm5 =	vgt.f32 v16, v21;
	vm4 =	vgt.f32 v18, v22;
	v20 =	vmovc v49;
	v45 =	vld [tilespmem:s2+$0x3530]  }
0xda: {  	s15 =	sadd.s32 $0x20, s9;
	s14 =	sadd.s32 $0x10, s9;
	v22 =	vsub.f32 v36, v33;
	v55 =	vld [tilespmem:s2+$0x30];
	(erf) = vrcp.f32 v35;
	[tilespmem:v13+s29+$0x0] =	vst.idx.msk vm3, v5;
	vm3 =	vgt.f32 v20, v15  }
0xdb: {  	v30 =	vor.u32 s9, v2;
	v14 =	vmovc v23;
	v23 =	vor.u32 s15, v2;
	v26 =	vor.u32 s14, v2;
	s14 =	sadd.s32 $0x30, s9;
	v15 =	vmovc v54;
	v59 =	vld [tilespmem:s2+$0x4FB0]  }
0xdc: {  	s12 =	sadd.s32 $0x4, s12;
	v19 =	vmovc v27;
	v36 =	vadd.f32 v56, v7;
	v13 =	vmovc v24;
	v24 =	vor.u32 s14, v2;
	v54 =	vld [tilespmem:s2+$0x3500];
	(erf) = vrcp.f32 v22  }
0xdd: {  	p2 =	slt.u32 s12, $0x1A0;
	v21 =	vmovc v28;
	v38 =	vadd.f32 v51, v7;
	v48 =	vmin.f32 v10, v47;
	v35 =	vadd.f32 v57, v7;
	v56 =	vld [tilespmem:s2+$0x0]  }
.Ltmp4:
0xde: {  	v49 =	vmax.f32 v8, v53;
	v46 =	vmin.f32 v9, v44;
	v47 =	vmax.f32 v6, v34;
	v22 =	vmovc v29;
	v50 =	vld [tilespmem:s2+$0x4F80];
	(pc) =	sbr.rel @p2 .LBB2_6-.Ltmp4, $4  }
0xdf: {  	v42 =	vmin.f32 v10, v37;
	v44 =	vmax.f32 v8, v40;
	v40 =	vmin.f32 v9, v41;
	v51 =	vld [tilespmem:s2+$0x1A80];
	v28 =	vpop (erf)  }
0xe0: {  	v43 =	vmax.f32 v6, v39;
	v39 =	vmin.f32 v10, v45;
	v27 =	vld [tilespmem:s2+$0x8480];
	v34 =	vmul.f32 v28, v52  }
0xe1: {  	v45 =	vmax.f32 v8, v55;
	v41 =	vmin.f32 v9, v59;
	v52 =	vmin.f32 v10, v54;
	v28 =	vld [tilespmem:s2+$0x8490];
	v37 =	vpop (erf)  }
0xe2: {  	s13 =	sadd.s32 $0x100, s13;
	v53 =	vmax.f32 v8, v56;
	v29 =	vld [tilespmem:s2+$0x84A0];
	vm7 =	vgt.f32 v34, v31;
	v37 =	vmul.f32 v37, v58  }
0xe3: {  	v9 =	vmin.f32 v9, v50  }
0xe4: {  	v8 =	vld [tilespmem:s2+$0x1AB0];
	v60 =	vsub.f32 v52, v53;
	v61 =	vsub.f32 v48, v49;
	v10 =	vmax.f32 v6, v51  }
0xe5: {  	v46 =	vsub.f32 v46, v47;
	v9 =	vsub.f32 v9, v10  }
0xe6: {  	v42 =	vsub.f32 v42, v44;
	v40 =	vsub.f32 v40, v43  }
0xe7: {  	v49 =	vsub.f32 v39, v45;
	v62 =	vmax.f32 v60, $0.0e+00;
	v9 =	vmax.f32 v9, $0.0e+00  }
0xe8: {  	v63 =	vld [tilespmem:s2+$0x6A30];
	v44 =	vmax.f32 v61, $0.0e+00;
	v48 =	vmax.f32 v46, $0.0e+00;
	v9 =	vmul.f32 v9, v62  }
0xe9: {  	v50 =	vmax.f32 v42, $0.0e+00;
	v40 =	vmax.f32 v40, $0.0e+00;
	v6 =	vmax.f32 v6, v8  }
0xea: {  	v8 =	vmul.f32 v48, v44;
	v6 =	vsub.f32 v41, v6;
	v38 =	vsub.f32 v38, v9  }
0xeb: {  	v10 =	vmax.f32 v49, $0.0e+00;
	v39 =	vmul.f32 v40, v50  }
0xec: {  	v36 =	vsub.f32 v36, v8;
	v6 =	vmax.f32 v6, $0.0e+00;
	(erf) = vrcp.f32 v38  }
0xed: {  	v7 =	vadd.f32 v63, v7;
	v6 =	vmul.f32 v6, v10  }
0xee: {  	v35 =	vsub.f32 v35, v39;
	(erf) = vrcp.f32 v36  }
0xef: {  	v7 =	vsub.f32 v7, v6  }
0xf0: {  	(erf) = vrcp.f32 v35  }
0xf1: {  	v52 =	vpop (erf);
	v51 =	vsel vm7, v34, v31  }
0xf2: {  	v31 =	vmul.f32 v52, v32;
	vm8 =	vgt.f32 v37, v51;
	(erf) = vrcp.f32 v7  }
0xf3: {  	v10 =	vsel vm8, v37, v51;
	v7 =	vpop (erf)  }
0xf4: {  	vm9 =	vgt.f32 v31, v10;
	v7 =	vmul.f32 v7, v33  }
0xf5: {  	v10 =	vsel vm9, v31, v10;
	v53 =	vpop (erf)  }
0xf6: {  	vm10 =	vgt.f32 v7, v10;
	v9 =	vmul.f32 v53, v9  }
0xf7: {  	v10 =	vsel vm10, v7, v10;
	v54 =	vpop (erf)  }
0xf8: {  	v8 =	vmul.f32 v54, v8;
	vm11 =	vgt.f32 v9, v10  }
0xf9: {  	v55 =	vpop (erf);
	v10 =	vsel vm11, v9, v10  }
0xfa: {  	v32 =	vmul.f32 v55, v39;
	vm12 =	vgt.f32 v8, v10  }
0xfb: {  	v56 =	vpop (erf);
	v10 =	vsel vm12, v8, v10  }
0xfc: {  	v6 =	vmul.f32 v56, v6;
	vm13 =	vgt.f32 v32, v10  }
0xfd: {  	v10 =	vsel vm13, v32, v10  }
0xfe: {  	vm14 =	vgt.f32 v6, v10  }
0xff: {  	v10 =	vsel vm14, v6, v10  }
0x100: {  	(xrf0) =	vmax.scan.msk.f32 $0xffff, v10  }
0x101: {  	v25 =	vsel vm7, v30, v25  }
0x102: {  	v25 =	vsel vm8, v26, v25  }
0x103: {  	s9 =	sadd.s32 $0x40, s9;
	v25 =	vsel vm9, v23, v25  }
0x104: {  	s12 =	sadd.s32 $0x10, s9;
	v57 =	vor.u32 s9, v2;
	v25 =	vsel vm10, v24, v25  }
0x105: {  	s25 =	sadd.s32 $0x20, s9;
	v58 =	vor.u32 s12, v2;
	v25 =	vsel vm11, v57, v25  }
0x106: {  	s9 =	sadd.s32 $0x30, s9;
	v59 =	vor.u32 s25, v2;
	v25 =	vsel vm12, v58, v25;
	v60, _, _ =	vpop (xrf0)  }
0x107: {  	v61 =	vor.u32 s9, v2;
	v25 =	vsel vm13, v59, v25;
	v38 =	vbroadcast v60, $0xF  }
0x108: {  	v25 =	vsel vm14, v61, v25  }
0x109: {  	v62 =	vxor.u32 $0x80000000, v25;
	vm9 =	veq.f32 v10, v38  }
0x10a: {  	v10 =	vnsel vm9, $0xC0000000, v62  }
0x10b: {  	(xrf0) =	vmin.scan.msk.u32 $0xffff, v10;
	_ =	sdelay $0x2  }
0x10c: {  	[tilespmem:v12+s28+$0x0] =	vst.idx.msk vm6, v17  }
0x10d: {  	[tilespmem:v13+s28+$0x0] =	vst.idx.msk vm3, v20  }
0x10e: {  	[tilespmem:v13+s29+$0x0] =	vst.idx.msk vm3, v5;
	vm3 =	vgt.f32 v7, v15  }
0x10f: {  	[tilespmem:v11+s28+$0x0] =	vst.idx.msk vm5, v16;
	vm10 =	vgt.f32 v34, v19;
	v10, _, _ =	vpop (xrf0)  }
0x110: {  	[tilespmem:v14+s28+$0x0] =	vst.idx.msk vm4, v18;
	(v2sf) =	vpush v10, $0xF  }
0x111: {  	[tilespmem:v12+s29+$0x0] =	vst.idx.msk vm6, v5  }
0x112: {  	[tilespmem:v11+s29+$0x0] =	vst.idx.msk vm5, v5;
	vm11 =	vgt.f32 v37, v21  }
0x113: {  	[tilespmem:v14+s29+$0x0] =	vst.idx.msk vm4, v5;
	v63 =	vld [tilespmem:s2+$0x84B0]  }
0x114: {  	vm15 =	vgt.f32 v32, v29;
	[tilespmem:v24+s28+$0x0] =	vst.idx.msk vm3, v7  }
0x115: {  	vm12 =	vgt.f32 v31, v22;
	[tilespmem:v30+s28+$0x0] =	vst.idx.msk vm10, v34  }
0x116: {  	[tilespmem:v24+s29+$0x0] =	vst.idx.msk vm3, v5  }
0x117: {  	[tilespmem:v30+s29+$0x0] =	vst.idx.msk vm10, v5  }
0x118: {  	vm3 =	vgt.f32 v6, v63;
	[tilespmem:v26+s28+$0x0] =	vst.idx.msk vm11, v37  }
0x119: {  	vm13 =	vgt.f32 v9, v27;
	[tilespmem:v26+s29+$0x0] =	vst.idx.msk vm11, v5  }
0x11a: {  	[tilespmem:v59+s28+$0x0] =	vst.idx.msk vm15, v32  }
0x11b: {  	[tilespmem:v23+s28+$0x0] =	vst.idx.msk vm12, v31  }
0x11c: {  	vm14 =	vgt.f32 v8, v28;
	[tilespmem:v59+s29+$0x0] =	vst.idx.msk vm15, v5  }
0x11d: {  	[tilespmem:v23+s29+$0x0] =	vst.idx.msk vm12, v5  }
0x11e: {  	[tilespmem:v61+s28+$0x0] =	vst.idx.msk vm3, v6  }
0x11f: {  	s11 =	sadd.s32 $0x1, s11;
	[tilespmem:v57+s28+$0x0] =	vst.idx.msk vm13, v9;
	s26 =	spop (v2sf)  }
0x120: {  	p2 =	sne.s32 s11, $0x32;
	[tilespmem:v61+s29+$0x0] =	vst.idx.msk vm3, v5;
	s2 =	sadd.s32 s26, s3  }
.Ltmp5:
0x121: {  	[tilespmem:v57+s29+$0x0] =	vst.idx.msk vm13, v5;
	s2 =	sadd.s32 $0x80000000, s2;
	(pc) =	sbr.rel @p2 .LBB2_5-.Ltmp5, $4  }
0x122: {  	[tilespmem:v58+s28+$0x0] =	vst.idx.msk vm14, v8;
	s2 =	scvt.s32.f32 s2  }
0x123: {  	[tilespmem:v58+s29+$0x0] =	vst.idx.msk vm14, v5  }
0x124: {  	[tilespmem:v5+s30+$0x0] =	vst.idx.msk $0x1, v38;
	v6 =	vmov s2  }
0x125: {  	[tilespmem:v5+s31+$0x0] =	vst.idx.msk $0x1, v6  }
0x126: {  	s0 =	rddreg [dreg:$0x8]  }
0x127: {  	[spmem:s0] =	stream.linear.scatter [tilespmem:s30], [sflag:$0x1], $0x40, $0x38;
	[tilespmem:$0x15EB0] =	vst v63  }
0x128: {  	_ =	swait.ge [sflag:s1], $0x40  }
0x129: {  	[sflag:s1] =	ssyncset.done $0x0  }
0x12a: {  	s11 =	rddreg [dreg:$0x9];
	[sflag:s1] =	ssyncadd.s32 $0xFFFFFFC0  }
0x12b: {  	[spmem:s11] =	stream.linear.scatter [tilespmem:s31], [sflag:$0x1], $0x40, $0x38;
	[tilespmem:$0x15EB0] =	vst v63  }
0x12c: {  	_ =	swait.ge [sflag:s1], $0x40  }
0x12d: {  	[sflag:s1] =	ssyncset.done $0x0  }
0x12e: {  	[sflag:s1] =	ssyncadd.s32 $0xFFFFFFC0  }
0x12f: {  	[bflag:$0x0] =	sbarrier.arrive $0xFFFF  }
0x130: {  	s2 =	simm.s32 $0x14100;
	s12 =	rddreg [dreg:$0xa]  }
0x131: {  	[tilespmem:s2], [sflag:$0x1] =	stream.linear.gather [spmem:s12], $0x40, $0x38;
	[tilespmem:$0x15EB0] =	vst v63  }
0x132: {  	_ =	swait.ge [sflag:s1], $0x40  }
0x133: {  	[sflag:s1] =	ssyncset.done $0x0  }
0x134: {  	s14 =	simm.s32 $0x14200;
	s13 =	rddreg [dreg:$0xb];
	[sflag:s1] =	ssyncadd.s32 $0xFFFFFFC0  }
0x135: {  	[tilespmem:s14], [sflag:$0x1] =	stream.linear.gather [spmem:s13], $0x40, $0x38;
	[tilespmem:$0x15EB0] =	vst v63  }
0x136: {  	_ =	swait.ge [sflag:s1], $0x40  }
0x137: {  	[sflag:s1] =	ssyncset.done $0x0  }
0x138: {  	s16 =	simm.s32 $0x14140;
	s15 =	rddreg [dreg:$0xc];
	[sflag:s1] =	ssyncadd.s32 $0xFFFFFFC0  }
0x139: {  	[tilespmem:s16], [sflag:$0x1] =	stream.linear.gather [spmem:s15], $0x40, $0x38;
	[tilespmem:$0x15EB0] =	vst v63  }
0x13a: {  	_ =	swait.ge [sflag:s1], $0x40  }
0x13b: {  	[sflag:s1] =	ssyncset.done $0x0  }
0x13c: {  	s18 =	simm.s32 $0x14240;
	s17 =	rddreg [dreg:$0xd];
	[sflag:s1] =	ssyncadd.s32 $0xFFFFFFC0  }
0x13d: {  	[tilespmem:s18], [sflag:$0x1] =	stream.linear.gather [spmem:s17], $0x40, $0x38;
	[tilespmem:$0x15EB0] =	vst v63  }
0x13e: {  	_ =	swait.ge [sflag:s1], $0x40  }
0x13f: {  	[sflag:s1] =	ssyncset.done $0x0  }
0x140: {  	s22 =	simm.s32 $0x14180;
	s21 =	rddreg [dreg:$0xe];
	[sflag:s1] =	ssyncadd.s32 $0xFFFFFFC0  }
0x141: {  	[tilespmem:s22], [sflag:$0x1] =	stream.linear.gather [spmem:s21], $0x40, $0x38;
	[tilespmem:$0x15EB0] =	vst v63  }
0x142: {  	_ =	swait.ge [sflag:s1], $0x40  }
0x143: {  	[sflag:s1] =	ssyncset.done $0x0  }
0x144: {  	s26 =	simm.s32 $0x14280;
	s25 =	rddreg [dreg:$0xf];
	[sflag:s1] =	ssyncadd.s32 $0xFFFFFFC0  }
0x145: {  	[tilespmem:s26], [sflag:$0x1] =	stream.linear.gather [spmem:s25], $0x40, $0x38;
	[tilespmem:$0x15EB0] =	vst v63  }
0x146: {  	_ =	swait.ge [sflag:s1], $0x40  }
0x147: {  	s9 =	simm.s32 $0x1;
	s11 =	simm.s32 $0x0;
	[sflag:s1] =	ssyncset.done $0x0  }
0x148: {  	s12 =	sand.u32 $0x30, s11;
	s2 =	simm.s32 $0x0;
	[sflag:s1] =	ssyncadd.s32 $0xFFFFFFC0  }
.LBB2_9:
0x149: {  	s10 =	smov.u32 s11  }
0x14a: {  	p2 =	sne.s32 s9, $0x31;
	v5 =	vld [tilespmem:s12+$0x14100];
	_ =	sdelay $0x1  }
0x14b: {  	s11 =	sand.u32 $0xF, s2  }
0x14c: {  	v6 =	vmov s11;
	v7 =	vld [tilespmem:s12+$0x14140]  }
0x14d: {  	vm3 =	veq.s32 v6, v2  }
0x14e: {  	v5 =	vnsel vm3, $0xFF61B1E6, v5;
	v6 =	vld [tilespmem:s12+$0x14280]  }
0x14f: {  	v8 =	vld [tilespmem:s12+$0x14180];
	(xrf0) =	vmax.scan.msk.f32 $0xffff, v5  }
0x150: {  	v5 =	vld [tilespmem:s12+$0x14200]  }
0x151: {  	v7 =	vnsel vm3, $0xFF61B1E6, v7;
	v9 =	vld [tilespmem:s12+$0x14240]  }
0x152: {  	(xrf0) =	vmax.scan.msk.f32 $0xffff, v7  }
0x153: {  	v10 =	vnsel vm3, $0xFF61B1E6, v6  }
0x154: {  	v7 =	vnsel vm3, $0xFF61B1E6, v8;
	(xrf0) =	vmax.scan.msk.f32 $0xffff, v10  }
0x155: {  	v5 =	vnsel vm3, $0xFF61B1E6, v5;
	v6, _, _ =	vpop (xrf0);
	(xrf0) =	vmax.scan.msk.f32 $0xffff, v7  }
0x156: {  	v7 =	vnsel vm3, $0xFF61B1E6, v9;
	(v2sf) =	vpush v6, $0xF;
	(xrf0) =	vmax.scan.msk.f32 $0xffff, v5  }
0x157: {  	(xrf0) =	vmax.scan.msk.f32 $0xffff, v7  }
0x158: {  	v5, _, _ =	vpop (xrf0)  }
0x159: {  	(v2sf) =	vpush v5, $0xF  }
0x15a: {  	v5, _, _ =	vpop (xrf0)  }
0x15b: {  	v6, _, _ =	vpop (xrf0);
	(v2sf) =	vpush v5, $0xF  }
0x15c: {  	v5, _, _ =	vpop (xrf0);
	(v2sf) =	vpush v6, $0xF  }
0x15d: {  	(v2sf) =	vpush v5, $0xF;
	v5, _, _ =	vpop (xrf0)  }
0x15e: {  	(v2sf) =	vpush v5, $0xF;
	_ =	sdelay $0x6  }
0x15f: {  	s11 =	spop (v2sf)  }
0x160: {  	p3 =	sgt.f32 s11, $-3.000000010e+38;
	_ =	sdelay $0x1  }
0x161: {  	s11 =	simm.s32 @!p3 $0xFF61B1E6;
	s12 =	spop (v2sf)  }
0x162: {  	p4 =	sgt.f32 s12, s11  }
0x163: {  	s13 =	spop (v2sf)  }
0x164: {  	s11 =	smov.u32 @p4 s12;
	s12 =	spop (v2sf)  }
0x165: {  	p5 =	sgt.f32 s12, s11;
	s14 =	spop (v2sf)  }
0x166: {  	s14 =	simm.s32 @!p3 $0x0;
	s15 =	spop (v2sf)  }
0x167: {  	s14 =	smov.u32 @p4 s15;
	s11 =	smov.u32 @p5 s12  }
0x168: {  	s14 =	smov.u32 @p5 s13;
	v5 =	vmov s11;
	p3 =	sge.f32 s11, $2.000000030e-01  }
0x169: {  	s11 =	simm.s32 $0x1;
	s12 =	scvt.f32.s32 s14;
	vm3 =	vge.f32 v5, $2.000000030e-01  }
0x16a: {  	v5 =	vsel vm3, $0x1, v1;
	s11 =	simm.s32 @!p3 $0x0  }
0x16b: {  	v5 =	vbroadcast v5, $0x0;
	s12 =	ssub.s32 s12, s3;
	p3 =	sgt.s32 s10, s11  }
0x16c: {  	v6 =	vmov s12;
	s11 =	smov.u32 @p3 s10  }
0x16d: {  	v5 =	vand.u32 $0x1, v5;
	vm3 =	vlt.u32 v6, $0x1A40  }
0x16e: {  	vm4 =	veq.s32 v5, $0x1;
	vm3 =	vmand vm3, vm0  }
0x16f: {  	vm4 =	vmand vm4, vm3;
	_ =	sdelay $0x1  }
.Ltmp6:
0x170: {  	(pc) =	sbr.rel @p2 .LBB2_9-.Ltmp6, $4  }
0x171: {  	_ = 	snop  }
0x172: {  	v5 =	vmov s2;
	s2 =	smov.u32 s9  }
0x173: {  	[tilespmem:v6+s29+$0x0] =	vst.idx.msk vm3, v5  }
0x174: {  	s9 =	sadd.s32 $0x1, s9;
	s12 =	sand.u32 $0x30, s2;
	[tilespmem:v6+s28+$0x0] =	vst.idx.msk vm4, v4  }
0x175: {  	v5 =	vld [tilespmem:s12+$0x14100];
	_ =	sdelay $0x1  }
0x176: {  	s9 =	sand.u32 $0xF, s2  }
0x177: {  	v7 =	vld [tilespmem:s12+$0x14140];
	v6 =	vmov s9  }
0x178: {  	vm3 =	veq.s32 v6, v2;
	v6 =	vld [tilespmem:s12+$0x14280]  }
0x179: {  	v5 =	vnsel vm3, $0xFF61B1E6, v5  }
0x17a: {  	v8 =	vld [tilespmem:s12+$0x14180];
	(xrf0) =	vmax.scan.msk.f32 $0xffff, v5  }
0x17b: {  	v5 =	vld [tilespmem:s12+$0x14200]  }
0x17c: {  	v9 =	vld [tilespmem:s12+$0x14240];
	v7 =	vnsel vm3, $0xFF61B1E6, v7  }
0x17d: {  	(xrf0) =	vmax.scan.msk.f32 $0xffff, v7;
	v6 =	vnsel vm3, $0xFF61B1E6, v6;
	_ =	sdelay $0x1  }
0x17e: {  	v7 =	vnsel vm3, $0xFF61B1E6, v8;
	(xrf0) =	vmax.scan.msk.f32 $0xffff, v6  }
0x17f: {  	v5 =	vnsel vm3, $0xFF61B1E6, v5;
	v6, _, _ =	vpop (xrf0);
	(xrf0) =	vmax.scan.msk.f32 $0xffff, v7  }
0x180: {  	v7 =	vnsel vm3, $0xFF61B1E6, v9;
	(v2sf) =	vpush v6, $0xF;
	(xrf0) =	vmax.scan.msk.f32 $0xffff, v5  }
0x181: {  	(xrf0) =	vmax.scan.msk.f32 $0xffff, v7  }
0x182: {  	v5, _, _ =	vpop (xrf0)  }
0x183: {  	(v2sf) =	vpush v5, $0xF  }
0x184: {  	v5, _, _ =	vpop (xrf0)  }
0x185: {  	(v2sf) =	vpush v5, $0xF;
	v6, _, _ =	vpop (xrf0)  }
0x186: {  	v5, _, _ =	vpop (xrf0);
	(v2sf) =	vpush v6, $0xF  }
0x187: {  	(v2sf) =	vpush v5, $0xF;
	v5, _, _ =	vpop (xrf0)  }
0x188: {  	(v2sf) =	vpush v5, $0xF;
	_ =	sdelay $0x6  }
0x189: {  	s9 =	spop (v2sf)  }
0x18a: {  	p2 =	sgt.f32 s9, $-3.000000010e+38;
	_ =	sdelay $0x1  }
0x18b: {  	s10 =	spop (v2sf);
	s9 =	simm.s32 @!p2 $0xFF61B1E6  }
0x18c: {  	p3 =	sgt.f32 s10, s9  }
0x18d: {  	s12 =	spop (v2sf)  }
0x18e: {  	s9 =	smov.u32 @p3 s10;
	s10 =	spop (v2sf)  }
0x18f: {  	p4 =	sgt.f32 s10, s9;
	s13 =	spop (v2sf)  }
0x190: {  	s13 =	simm.s32 @!p2 $0x0;
	s14 =	spop (v2sf)  }
0x191: {  	s13 =	smov.u32 @p3 s14;
	s9 =	smov.u32 @p4 s10  }
0x192: {  	s13 =	smov.u32 @p4 s12;
	v5 =	vmov s9  }
0x193: {  	s26 =	scvt.f32.s32 s13;
	vm3 =	vge.f32 v5, $2.000000030e-01  }
0x194: {  	v5 =	vsel vm3, $0x1, v1  }
0x195: {  	v5 =	vbroadcast v5, $0x0;
	s10 =	ssub.s32 s26, s3  }
0x196: {  	v6 =	vmov s10  }
0x197: {  	v5 =	vand.u32 $0x1, v5;
	vm3 =	vlt.u32 v6, $0x1A40  }
0x198: {  	vm4 =	veq.s32 v5, $0x1;
	vm5 =	vmand vm3, vm0  }
0x199: {  	p2 =	sge.f32 s9, $2.000000030e-01;
	vm4 =	vmand vm4, vm5  }
0x19a: {  	s9 =	simm.s32 $0x1  }
0x19b: {  	s15 =	simm.s32 $0x10;
	s9 =	simm.s32 @!p2 $0x0  }
0x19c: {  	s16 =	simm.s32 $0x3510;
	s17 =	simm.s32 $0x1A90;
	p2 =	sgt.s32 s11, s9  }
0x19d: {  	s18 =	simm.s32 $0x4F90;
	s21 =	simm.s32 $0xB990;
	s9 =	smov.u32 @p2 s11;
	v5 =	vmov s2  }
0x19e: {  	v12 =	vimm.s32 $0x0;
	s14 =	simm.s32 $0x8490;
	s12 =	simm.s32 $0x9F10;
	p2 =	sgt.s32 s9, $0x0;
	vm3 =	vmmov vm1;
	[tilespmem:v6+s29+$0x0] =	vst.idx.msk vm5, v5  }
0x19f: {  	v13 =	vimm.f32 $0.0e+00;
	v14 =	vimm.f32 $0.0e+00;
	s26 =	smov.u32 s3;
	s10 =	simm.s32 $0x0;
	s11 =	simm.s32 $0x0;
	vm3 =	vmneg @p2 vm3;
	[tilespmem:v6+s28+$0x0] =	vst.idx.msk vm4, v4  }
.LBB2_11:
0x1a0: {  	s2 =	smul.u32 $0x8C0, s11;
	_ =	sdelay $0x1  }
0x1a1: {  	s9 =	sadd.s32 s19, s2  }
0x1a2: {  	s9 =	sshrl.u32 s9, $0x3  }
0x1a3: {  	s0 =	simm.s32 $0x10880;
	s9 =	sadd.s32 s4, s9  }
0x1a4: {  	[tilespmem:s0], [sflag:$0x1] =	stream.linear.gather [hbm4b:s9+s10], $0x8C0, $0x38;
	[tilespmem:$0x15EB0] =	vst v63  }
0x1a5: {  	_ =	swait.ge [sflag:s1], $0x8C0  }
0x1a6: {  	[sflag:s1] =	ssyncset.done $0x0  }
0x1a7: {  	s25 =	simm.s32 $0x11180;
	s13 =	sadd.s32 $0x9D8, s9;
	[sflag:s1] =	ssyncadd.s32 $0xFFFFF740  }
0x1a8: {  	[tilespmem:s25], [sflag:$0x1] =	stream.linear.gather [hbm4b:s13+s10], $0x8C0, $0x38;
	[tilespmem:$0x15EB0] =	vst v63  }
0x1a9: {  	_ =	swait.ge [sflag:s1], $0x8C0  }
0x1aa: {  	[sflag:s1] =	ssyncset.done $0x0  }
0x1ab: {  	s0 =	sadd.s32 $0x13B0, s9;
	[sflag:s1] =	ssyncadd.s32 $0xFFFFF740  }
0x1ac: {  	[tilespmem:s23], [sflag:$0x1] =	stream.linear.gather [hbm4b:s0+s10], $0x8C0, $0x38;
	[tilespmem:$0x15EB0] =	vst v63  }
0x1ad: {  	_ =	swait.ge [sflag:s1], $0x8C0  }
0x1ae: {  	[sflag:s1] =	ssyncset.done $0x0  }
0x1af: {  	s9 =	sadd.s32 $0x1D88, s9;
	[sflag:s1] =	ssyncadd.s32 $0xFFFFF740  }
0x1b0: {  	[tilespmem:s6], [sflag:$0x1] =	stream.linear.gather [hbm4b:s9+s10], $0x8C0, $0x38;
	[tilespmem:$0x15EB0] =	vst v63  }
0x1b1: {  	s2 =	sadd.s32 s20, s2;
	_ =	swait.ge [sflag:s1], $0x8C0  }
0x1b2: {  	s2 =	sshrl.u32 s2, $0x3;
	[sflag:s1] =	ssyncset.done $0x0  }
0x1b3: {  	s2 =	sadd.s32 s5, s2;
	[sflag:s1] =	ssyncadd.s32 $0xFFFFF740  }
0x1b4: {  	[tilespmem:s7], [sflag:$0x1] =	stream.linear.gather [hbm4b:s2+s10], $0x8C0, $0x38;
	[tilespmem:$0x15EB0] =	vst v63  }
0x1b5: {  	_ =	swait.ge [sflag:s1], $0x8C0  }
0x1b6: {  	[sflag:s1] =	ssyncset.done $0x0  }
0x1b7: {  	v6 =	vmov s14;
	s2 =	sadd.s32 $0x9D8, s2;
	[sflag:s1] =	ssyncadd.s32 $0xFFFFF740  }
0x1b8: {  	[tilespmem:s8], [sflag:$0x1] =	stream.linear.gather [hbm4b:s2+s10], $0x8C0, $0x38;
	[tilespmem:$0x15EB0] =	vst v63  }
0x1b9: {  	_ =	swait.ge [sflag:s1], $0x8C0  }
0x1ba: {  	[sflag:s1] =	ssyncset.done $0x0  }
0x1bb: {  	s25 =	simm.s32 $0x0;
	[sflag:s1] =	ssyncadd.s32 $0xFFFFF740  }
0x1bc: {  	v7 =	vmov s17;
	v22 =	vld.idx.msk [tilespmem:v6+s25+$0xFFFFFFF0 ss:$0x1], $0xffff  }
0x1bd: {  	v8 =	vmov s12;
	v15 =	vld [tilespmem:s25+$0x12C90]  }
0x1be: {  	v9 =	vmov s18;
	v17 =	vld [tilespmem:s25+$0x13590]  }
0x1bf: {  	v16 =	vld [tilespmem:s25+$0x12C80]  }
0x1c0: {  	v18 =	vld [tilespmem:s25+$0x13580]  }
0x1c1: {  	v23 =	vld.idx.msk [tilespmem:v7+s25+$0x0 ss:$0x1], $0xffff  }
0x1c2: {  	v10 =	vmov s15;
	v19 =	vld.idx.msk [tilespmem:v8+s25+$0x0 ss:$0x1], $0xffff  }
0x1c3: {  	v11 =	vmov s16;
	v24 =	vld.idx.msk [tilespmem:v9+s25+$0x0 ss:$0x1], $0xffff  }
0x1c4: {  	v20 =	vld.idx.msk [tilespmem:v8+s25+$0xFFFFFFF0 ss:$0x1], $0xffff  }
0x1c5: {  	v25 =	vld.idx.msk [tilespmem:v7+s25+$0xFFFFFFF0 ss:$0x1], $0xffff  }
0x1c6: {  	v26 =	vld.idx.msk [tilespmem:v9+s25+$0xFFFFFFF0 ss:$0x1], $0xffff  }
0x1c7: {  	v27 =	vld.idx.msk [tilespmem:v10+s25+$0x0 ss:$0x1], $0xffff  }
0x1c8: {  	v28 =	vld.idx.msk [tilespmem:v11+s25+$0x0 ss:$0x1], $0xffff  }
0x1c9: {  	v30 =	vld.idx.msk [tilespmem:v10+s25+$0xFFFFFFF0 ss:$0x1], $0xffff  }
0x1ca: {  	v32 =	vld.idx.msk [tilespmem:v11+s25+$0xFFFFFFF0 ss:$0x1], $0xffff;
	v29 =	vadd.s32 $0x40, v19  }
0x1cb: {  	v5 =	vmov s21;
	v21 =	vld.idx.msk [tilespmem:v6+s25+$0x0 ss:$0x1], $0xffff;
	v31 =	vadd.s32 $0xC0, v19  }
0x1cc: {  	v33 =	vadd.s32 $0x40, v20;
	v36 =	vadd.s32 $0x80, v19;
	v39 =	vsub.f32 v15, v17  }
0x1cd: {  	v38 =	vadd.s32 $0x80, v20;
	v40 =	vsub.f32 v16, v18;
	v41 =	vsub.f32 v24, v23;
	v35 =	vld.idx.msk [tilespmem:v19+s24+$0x0], $0xffff  }
0x1ce: {  	vm5 =	vge.f32 v22, $3.499999940e-01;
	v22 =	vsub.f32 v26, v25;
	v60 =	vsub.f32 v28, v27;
	v37 =	vld.idx.msk [tilespmem:v20+s24+$0x0], $0xffff  }
0x1cf: {  	v34 =	vadd.s32 $0xC0, v20;
	v27 =	vadd.f32 v28, v27;
	v61 =	vsub.f32 v32, v30;
	v29 =	vld.idx.msk [tilespmem:v29+s24+$0x0], $0xffff  }
0x1d0: {  	vm4 =	vge.f32 v21, $3.499999940e-01;
	v23 =	vadd.f32 v24, v23;
	v30 =	vadd.f32 v32, v30;
	v31 =	vld.idx.msk [tilespmem:v31+s24+$0x0], $0xffff  }
0x1d1: {  	v25 =	vadd.f32 v26, v25;
	vm4 =	vmand vm3, vm4;
	(erf) = vrcp.f32 v41;
	v21 =	vld.idx.msk [tilespmem:v33+s24+$0x0], $0xffff  }
0x1d2: {  	vm5 =	vmand vm3, vm5;
	v62 =	vmul.f32 $1.000000010e-01, v60;
	(erf) = vrcp.f32 v22;
	v24 =	vld.idx.msk [tilespmem:v36+s24+$0x0], $0xffff  }
0x1d3: {  	v26 =	vmul.f32 $1.000000010e-01, v41;
	v42 =	vand.u32 $0x7FFFFFFF, v39;
	(erf) = vrcp.f32 v60;
	v63 =	vld.idx.msk [tilespmem:v38+s24+$0x0], $0xffff  }
0x1d4: {  	v43 =	vand.u32 $0x7FFFFFFF, v40;
	v19 =	vmax.f32 v15, v17;
	v28 =	vld.idx.msk [tilespmem:v34+s24+$0x0], $0xffff;
	(erf) = vrcp.f32 v61  }
0x1d5: {  	v22 =	vmul.f32 $1.000000010e-01, v22;
	v36 =	vsub.f32 $0.0e+00, v42;
	(erf) = vrcp.f32 v62  }
0x1d6: {  	v20 =	vmax.f32 v16, v18;
	v34 =	vmul.f32 $1.000000010e-01, v61;
	(erf) = vrcp.f32 v26  }
0x1d7: {  	v26 =	vsub.f32 $0.0e+00, v43;
	v36 =	vmul.f32 $1.442695020e+00, v36;
	v44 =	vadd.f32 v24, v35  }
0x1d8: {  	(erf) = vrcp.f32 v34;
	v45 =	vadd.f32 v31, v29;
	v38 =	vadd.f32 v63, v37  }
0x1d9: {  	v26 =	vmul.f32 $1.442695020e+00, v26;
	v46 =	vadd.f32 v28, v21;
	v21 =	vsub.f32 v28, v21  }
0x1da: {  	v28 =	vsub.f32 v31, v29;
	v24 =	vsub.f32 v24, v35;
	v29 =	vpop (erf);
	(erf) = vpow2.f32 v36  }
0x1db: {  	v47 =	vpop (erf);
	(erf) = vpow2.f32 v26;
	v26 =	vsub.f32 v44, v27;
	v23 =	vsub.f32 v45, v23  }
0x1dc: {  	v27 =	vsub.f32 v38, v30;
	v28 =	vmul.f32 v28, v29;
	(erf) = vrcp.f32 v22;
	v22 =	vpop (erf)  }
0x1dd: {  	v25 =	vsub.f32 v46, v25;
	v21 =	vmul.f32 v21, v47;
	v22 =	vmul.f32 v24, v22  }
0x1de: {  	v31 =	vsub.f32 v63, v37;
	v24 =	vmul.f32 $5.000000000e-01, v26;
	v23 =	vmul.f32 $5.000000000e-01, v23  }
0x1df: {  	v16 =	vsel vm5, v18, v16;
	v29 =	vpop (erf);
	v27 =	vmul.f32 $5.000000000e-01, v27;
	v25 =	vmul.f32 $5.000000000e-01, v25  }
0x1e0: {  	v30 =	vshrl.u32 v28, $0x17;
	v28 =	vand.u32 $0x7FFFFF, v28;
	v29 =	vmul.f32 v31, v29  }
0x1e1: {  	v33 =	vshrl.u32 v21, $0x17;
	v21 =	vand.u32 $0x7FFFFF, v21;
	v30 =	vand.u32 $0xFF, v30  }
0x1e2: {  	v28 =	vor.u32 $0x3F800000, v28;
	v49 =	vshrl.u32 v22, $0x17;
	v22 =	vand.u32 $0x7FFFFF, v22  }
0x1e3: {  	v33 =	vand.u32 $0xFF, v33;
	v21 =	vor.u32 $0x3F800000, v21;
	v30 =	vadd.s32 $0xFFFFFF81, v30  }
0x1e4: {  	v26 =	vpop (erf);
	v48 =	vshrl.u32 v29, $0x17;
	v29 =	vand.u32 $0x7FFFFF, v29;
	v34 =	vand.u32 $0xFF, v49  }
0x1e5: {  	v31 =	vpop (erf);
	v24 =	vmul.f32 v24, v26;
	v22 =	vor.u32 $0x3F800000, v22;
	v33 =	vadd.s32 $0xFFFFFF81, v33  }
0x1e6: {  	v54 =	vld [tilespmem:s25+$0x10890];
	v30 =	vcvt.s32.f32 v30;
	v32 =	vand.u32 $0xFF, v48;
	v23 =	vmul.f32 v23, v31  }
0x1e7: {  	v55 =	vld [tilespmem:s25+$0x11190];
	v31 =	vadd.f32 $-1.000000000e+00, v28;
	v38 =	vadd.f32 $-1.000000000e+00, v22;
	v34 =	vadd.s32 $0xFFFFFF81, v34  }
0x1e8: {  	v56 =	vld [tilespmem:s25+$0x10880];
	v50 =	vpop (erf);
	v28 =	vadd.f32 $1.000000000e+00, v28;
	v22 =	vadd.f32 $1.000000000e+00, v22;
	v33 =	vcvt.s32.f32 v33  }
0x1e9: {  	v26 =	vmul.f32 v27, v50;
	v27 =	vor.u32 $0x3F800000, v29;
	v29 =	vadd.f32 $-1.000000000e+00, v21  }
0x1ea: {  	v21 =	vadd.f32 $1.000000000e+00, v21;
	v32 =	vadd.s32 $0xFFFFFF81, v32;
	v34 =	vcvt.s32.f32 v34  }
0x1eb: {  	v24 =	vsub.f32 v54, v24;
	v30 =	vmul.f32 $6.931471820e-01, v30;
	v53 =	vadd.f32 $-1.000000000e+00, v27  }
0x1ec: {  	v36 =	vpop (erf);
	v27 =	vadd.f32 $1.000000000e+00, v27;
	v32 =	vcvt.s32.f32 v32;
	v23 =	vsub.f32 v55, v23  }
0x1ed: {  	(erf) = vrcp.f32 v28;
	v36 =	vadd.f32 $1.000000000e+00, v36;
	v26 =	vsub.f32 v56, v26  }
0x1ee: {  	v51 =	vpop (erf);
	(erf) = vrcp.f32 v21;
	v34 =	vmul.f32 $6.931471820e-01, v34;
	v60 =	vand.u32 $0x7FFFFFFF, v24  }
0x1ef: {  	v61 =	vmul.f32 $5.000000000e-01, v24;
	v37 =	vadd.f32 $1.000000000e+00, v51;
	(erf) = vrcp.f32 v22  }
0x1f0: {  	v52 =	vpop (erf);
	v32 =	vmul.f32 $6.931471820e-01, v32;
	v62 =	vmul.f32 $5.000000000e-01, v23;
	v63 =	vand.u32 $0x7FFFFFFF, v23  }
0x1f1: {  	v42 =	vld [tilespmem:s25+$0x11180];
	vm6 =	vlt.f32 v60, $1.000000000e+00;
	v39 =	vadd.f32 $-5.000000000e-01, v60;
	v25 =	vmul.f32 v25, v52  }
0x1f2: {  	v43 =	vshrl.u32 v36, $0x17;
	v36 =	vand.u32 $0x7FFFFF, v36;
	(erf) = vrcp.f32 v27  }
0x1f3: {  	v27 =	vmul.f32 $6.931471820e-01, v33;
	vm7 =	vlt.f32 v63, $1.000000000e+00;
	v24 =	vmul.f32 v61, v24  }
0x1f4: {  	v50 =	vadd.f32 $-5.000000000e-01, v63;
	v44 =	vshrl.u32 v37, $0x17;
	v37 =	vand.u32 $0x7FFFFF, v37  }
0x1f5: {  	v57 =	vand.u32 $0xFF, v43;
	v23 =	vmul.f32 v62, v23;
	v28 =	vand.u32 $0xFF, v44  }
0x1f6: {  	v21 =	vsub.f32 v42, v25;
	v25 =	vor.u32 $0x3F800000, v36;
	v22 =	vor.u32 $0x3F800000, v37  }
0x1f7: {  	v58 =	vadd.s32 $0xFFFFFF81, v57;
	v28 =	vadd.s32 $0xFFFFFF81, v28;
	v33 =	vadd.f32 $-1.000000000e+00, v22  }
0x1f8: {  	v59 =	vadd.f32 $-1.000000000e+00, v25;
	v25 =	vadd.f32 $1.000000000e+00, v25;
	v36 =	vcvt.s32.f32 v58  }
0x1f9: {  	v22 =	vadd.f32 $1.000000000e+00, v22;
	v28 =	vcvt.s32.f32 v28;
	v49 =	vmul.f32 $5.000000000e-01, v21  }
0x1fa: {  	v24 =	vsel vm6, v24, v39;
	(erf) = vrcp.f32 v25;
	v36 =	vmul.f32 $6.931471820e-01, v36  }
0x1fb: {  	v23 =	vsel vm7, v23, v50;
	(erf) = vrcp.f32 v22;
	v22 =	vmul.f32 $5.000000000e-01, v26;
	v45 =	vpop (erf)  }
0x1fc: {  	v48 =	vand.u32 $0x7FFFFFFF, v21;
	v21 =	vmul.f32 v49, v21;
	v51 =	vpop (erf);
	v31 =	vmul.f32 v45, v31  }
0x1fd: {  	v23 =	vadd.f32 v23, v24;
	v52 =	vpop (erf);
	v22 =	vmul.f32 v22, v26;
	v29 =	vmul.f32 v51, v29  }
0x1fe: {  	v25 =	vand.u32 $0x7FFFFFFF, v26;
	v26 =	vpop (erf);
	v38 =	vmul.f32 v52, v38;
	v54 =	vmul.f32 v31, v31  }
0x1ff: {  	vm9 =	vlt.f32 v48, $1.000000000e+00;
	v26 =	vmul.f32 v26, v53;
	v41 =	vmul.f32 v29, v29  }
0x200: {  	vm8 =	vlt.f32 v25, $1.000000000e+00;
	v57 =	vmul.f32 v38, v38;
	v61 =	vmul.f32 $2.222222240e-01, v54  }
0x201: {  	v25 =	vadd.f32 $-5.000000000e-01, v25;
	v56 =	vmul.f32 v26, v26;
	v60 =	vmul.f32 $2.222222240e-01, v41  }
0x202: {  	v53 =	vadd.f32 $-5.000000000e-01, v48;
	v62 =	vmul.f32 $2.222222240e-01, v57;
	v35 =	vadd.f32 $2.857142980e-01, v61  }
0x203: {  	v22 =	vsel vm8, v22, v25;
	v55 =	vpop (erf);
	v63 =	vmul.f32 $2.222222240e-01, v56;
	v37 =	vadd.f32 $2.857142980e-01, v60  }
0x204: {  	v58 =	vpop (erf);
	v59 =	vmul.f32 v55, v59;
	v39 =	vadd.f32 $2.857142980e-01, v62;
	v35 =	vmul.f32 v35, v54  }
0x205: {  	v25 =	vmul.f32 v58, v33;
	v40 =	vadd.f32 $2.857142980e-01, v63;
	v37 =	vmul.f32 v37, v41  }
0x206: {  	v21 =	vsel vm9, v21, v53;
	v24 =	vmul.f32 v59, v59;
	v39 =	vmul.f32 v39, v57  }
0x207: {  	v35 =	vadd.f32 $4.000000060e-01, v35;
	v48 =	vmul.f32 v25, v25;
	v40 =	vmul.f32 v40, v56  }
0x208: {  	v37 =	vadd.f32 $4.000000060e-01, v37;
	v46 =	vmul.f32 $2.222222240e-01, v24;
	v39 =	vadd.f32 $4.000000060e-01, v39  }
0x209: {  	v35 =	vmul.f32 v35, v54;
	v47 =	vmul.f32 $2.222222240e-01, v48;
	v40 =	vadd.f32 $4.000000060e-01, v40  }
0x20a: {  	v37 =	vmul.f32 v37, v41;
	v46 =	vadd.f32 $2.857142980e-01, v46;
	v39 =	vmul.f32 v39, v57  }
0x20b: {  	v35 =	vadd.f32 $6.666666860e-01, v35;
	v47 =	vadd.f32 $2.857142980e-01, v47;
	v40 =	vmul.f32 v40, v56  }
0x20c: {  	v37 =	vadd.f32 $6.666666860e-01, v37;
	v46 =	vmul.f32 v46, v24;
	v39 =	vadd.f32 $6.666666860e-01, v39  }
0x20d: {  	v35 =	vmul.f32 v35, v54;
	v47 =	vmul.f32 v47, v48;
	v40 =	vadd.f32 $6.666666860e-01, v40  }
0x20e: {  	v37 =	vmul.f32 v37, v41;
	v46 =	vadd.f32 $4.000000060e-01, v46;
	v39 =	vmul.f32 v39, v57  }
0x20f: {  	v35 =	vadd.f32 $2.000000000e+00, v35;
	v47 =	vadd.f32 $4.000000060e-01, v47;
	v40 =	vmul.f32 v40, v56  }
0x210: {  	v37 =	vadd.f32 $2.000000000e+00, v37;
	v46 =	vmul.f32 v46, v24;
	v39 =	vadd.f32 $2.000000000e+00, v39  }
0x211: {  	v31 =	vmul.f32 v35, v31;
	v47 =	vmul.f32 v47, v48;
	v40 =	vadd.f32 $2.000000000e+00, v40  }
0x212: {  	v53 =	vld [tilespmem:s25+$0x12380];
	v29 =	vmul.f32 v37, v29;
	v49 =	vadd.f32 $6.666666860e-01, v46;
	v38 =	vmul.f32 v39, v38  }
0x213: {  	v30 =	vadd.f32 v31, v30;
	v31 =	vld [tilespmem:s25+$0x11A90];
	v50 =	vadd.f32 $6.666666860e-01, v47;
	v26 =	vmul.f32 v40, v26  }
0x214: {  	v28 =	vmul.f32 $6.931471820e-01, v28;
	v27 =	vadd.f32 v29, v27;
	v29 =	vld [tilespmem:s25+$0x11A80];
	v24 =	vmul.f32 v49, v24  }
0x215: {  	v34 =	vadd.f32 v38, v34;
	v51 =	vmul.f32 v50, v48;
	v26 =	vadd.f32 v26, v32  }
0x216: {  	v21 =	vadd.f32 v21, v22;
	v27 =	vmul.f32 v27, v3;
	v24 =	vadd.f32 $2.000000000e+00, v24  }
0x217: {  	v52 =	vld [tilespmem:s25+$0x12390];
	v22 =	vmul.f32 v34, v3;
	v54 =	vadd.f32 $2.000000000e+00, v51;
	v26 =	vmul.f32 v26, v3  }
0x218: {  	v30 =	vmul.f32 v30, v3;
	v27 =	vsub.f32 v53, v27;
	v24 =	vmul.f32 v24, v59  }
0x219: {  	v22 =	vsub.f32 v31, v22;
	v25 =	vmul.f32 v54, v25;
	v26 =	vsub.f32 v29, v26  }
0x21a: {  	v29 =	vsel vm4, v17, v15;
	v18 =	vmul.f32 $5.000000000e-01, v27;
	v24 =	vadd.f32 v24, v36  }
0x21b: {  	v31 =	vand.u32 $0x7FFFFFFF, v22;
	v58 =	vmul.f32 $5.000000000e-01, v22;
	v25 =	vadd.f32 v25, v28  }
0x21c: {  	s13 =	simm.s32 $0x20;
	v28 =	vsub.f32 v52, v30;
	v17 =	vmul.f32 $5.000000000e-01, v26;
	v56 =	vand.u32 $0x7FFFFFFF, v26  }
0x21d: {  	v55 =	vld.idx.msk [tilespmem:v6+s13+$0xFFFFFFF0 ss:$0x1], $0xffff;
	v62 =	vadd.f32 $-5.000000000e-01, v31;
	vm7 =	vlt.f32 v31, $1.000000000e+00;
	v19 =	vadd.f32 v24, v19  }
0x21e: {  	v63 =	vld.idx.msk [tilespmem:v10+s13+$0xFFFFFFF0 ss:$0x1], $0xffff;
	v59 =	vadd.f32 $-5.000000000e-01, v56;
	vm6 =	vlt.f32 v56, $1.000000000e+00;
	v22 =	vmul.f32 v58, v22  }
0x21f: {  	v15 =	vadd.f32 v25, v20;
	v20 =	vand.u32 $0x7FFFFFFF, v27;
	v26 =	vmul.f32 v17, v26;
	v17 =	vld [tilespmem:s13+$0x12C80]  }
0x220: {  	v24 =	vand.u32 $0x7FFFFFFF, v28;
	v25 =	vmul.f32 $5.000000000e-01, v28;
	v27 =	vmul.f32 v18, v27;
	v18 =	vld [tilespmem:s13+$0x13580]  }
0x221: {  	v61 =	vadd.f32 $-5.000000000e-01, v20;
	v57 =	vsub.f32 v15, v16;
	v15 =	vld [tilespmem:s13+$0x12C90];
	v26 =	vsel vm6, v26, v59  }
0x222: {  	v60 =	vadd.f32 $-5.000000000e-01, v24;
	v16 =	vld [tilespmem:s13+$0x13590];
	vm6 =	vlt.f32 v20, $1.000000000e+00;
	v21 =	vadd.f32 v26, v21  }
0x223: {  	v46 =	vld.idx.msk [tilespmem:v11+s13+$0xFFFFFFF0 ss:$0x1], $0xffff;
	v22 =	vsel vm7, v22, v62;
	v25 =	vmul.f32 v25, v28;
	v20 =	vsel vm6, v27, v61  }
0x224: {  	v27 =	vld.idx.msk [tilespmem:v8+s13+$0x0 ss:$0x1], $0xffff;
	vm6 =	vlt.f32 v24, $1.000000000e+00;
	v20 =	vadd.f32 v20, v21;
	v21 =	vadd.f32 v22, v23  }
0x225: {  	v30 =	vld.idx.msk [tilespmem:v6+s13+$0x0 ss:$0x1], $0xffff;
	v19 =	vsub.f32 v19, v29;
	v24 =	vsel vm4, $0x1, v1;
	v23 =	vsel vm6, v25, v60  }
0x226: {  	v28 =	vnsel vm5, $0x0, v57;
	v25 =	vld.idx.msk [tilespmem:v8+s13+$0xFFFFFFF0 ss:$0x1], $0xffff;
	v53 =	vsub.f32 v17, v18;
	v21 =	vadd.f32 v23, v21  }
0x227: {  	v31 =	vld.idx.msk [tilespmem:v10+s13+$0x0 ss:$0x1], $0xffff;
	v20 =	vnsel vm5, $0x0, v20;
	v23 =	vadd.f32 v28, v13;
	v51 =	vsub.f32 v15, v16  }
0x228: {  	v26 =	vld.idx.msk [tilespmem:v7+s13+$0x0 ss:$0x1], $0xffff;
	v61 =	vand.u32 $0x7FFFFFFF, v53;
	v14 =	vadd.f32 v20, v14;
	v20 =	vsel vm5, $0x1, v1  }
0x229: {  	v22 =	vld.idx.msk [tilespmem:v9+s13+$0x0 ss:$0x1], $0xffff;
	v45 =	vadd.s32 $0xC0, v27;
	v62 =	vsub.f32 $0.0e+00, v61;
	v12 =	vadd.s32 v20, v12  }
0x22a: {  	v29 =	vld.idx.msk [tilespmem:v7+s13+$0xFFFFFFF0 ss:$0x1], $0xffff;
	v13 =	vnsel vm4, $0x0, v21;
	v20 =	vnsel vm4, $0x0, v19;
	v21 =	vadd.s32 $0x40, v27  }
0x22b: {  	v28 =	vld.idx.msk [tilespmem:v9+s13+$0xFFFFFFF0 ss:$0x1], $0xffff;
	v19 =	vsel vm4, $0x0, v19;
	vm4 =	vge.f32 v30, $3.499999940e-01;
	v60 =	vand.u32 $0x7FFFFFFF, v51  }
0x22c: {  	v13 =	vadd.f32 v13, v14;
	v12 =	vadd.s32 v24, v12;
	v24 =	vld.idx.msk [tilespmem:v11+s13+$0x0 ss:$0x1], $0xffff;
	v47 =	vadd.s32 $0x40, v25  }
0x22d: {  	v14 =	vadd.f32 v20, v23;
	v20 =	vsel vm5, $0x0, v57;
	v48 =	vadd.s32 $0xC0, v25;
	v49 =	vld.idx.msk [tilespmem:v27+s24+$0x0], $0xffff  }
0x22e: {  	v54 =	vsub.f32 v22, v26;
	v57 =	vsub.f32 v46, v63;
	v27 =	vadd.s32 $0x80, v27;
	v50 =	vld.idx.msk [tilespmem:v25+s24+$0x0], $0xffff  }
0x22f: {  	vm5 =	vge.f32 v55, $3.499999940e-01;
	v22 =	vadd.f32 v22, v26;
	v36 =	vsub.f32 $0.0e+00, v60;
	v34 =	vld.idx.msk [tilespmem:v45+s24+$0x0], $0xffff  }
0x230: {  	v32 =	vmul.f32 $1.442695020e+00, v62;
	vm4 =	vmand vm3, vm4;
	(erf) = vrcp.f32 v54;
	v52 =	vld.idx.msk [tilespmem:v21+s24+$0x0], $0xffff  }
0x231: {  	v55 =	vsub.f32 v28, v29;
	v28 =	vadd.f32 v28, v29;
	v25 =	vadd.s32 $0x80, v25;
	v30 =	vld.idx.msk [tilespmem:v47+s24+$0x0], $0xffff  }
0x232: {  	s22 =	sadd.s32 $0x10, s26;
	p2 =	slt.u32 s26, $0x4E20;
	v29 =	vmul.f32 $1.000000010e-01, v54;
	v56 =	vsub.f32 v24, v31;
	v24 =	vadd.f32 v24, v31;
	v31 =	vld.idx.msk [tilespmem:v48+s24+$0x0], $0xffff  }
0x233: {  	p3 =	slt.u32 s22, $0x4E20;
	v23 =	vpsel !p2, $0xBF800000, v20;
	v59 =	vmul.f32 $1.000000010e-01, v57;
	(erf) = vrcp.f32 v55;
	v26 =	vld.idx.msk [tilespmem:v27+s24+$0x0], $0xffff  }
0x234: {  	v20 =	vpsel !p3, $0xBF800000, v19;
	v58 =	vmul.f32 $1.000000010e-01, v56;
	(erf) = vrcp.f32 v56  }
0x235: {  	v19 =	vmax.f32 v15, v16;
	v36 =	vmul.f32 $1.442695020e+00, v36;
	(erf) = vrcp.f32 v57  }
0x236: {  	v27 =	vadd.f32 v46, v63;
	v25 =	vld.idx.msk [tilespmem:v25+s24+$0x0], $0xffff;
	(erf) = vrcp.f32 v58;
	v44 =	vadd.f32 v34, v52  }
0x237: {  	(erf) = vrcp.f32 v29;
	v46 =	vadd.f32 v31, v30;
	v30 =	vsub.f32 v31, v30  }
0x238: {  	v29 =	vmul.f32 $1.000000010e-01, v55;
	v31 =	vsub.f32 v34, v52;
	v63 =	vadd.f32 v26, v49  }
0x239: {  	(erf) = vrcp.f32 v59;
	v47 =	vpop (erf);
	v26 =	vsub.f32 v26, v49;
	v22 =	vsub.f32 v44, v22  }
0x23a: {  	(erf) = vpow2.f32 v36;
	v31 =	vmul.f32 v31, v47;
	v28 =	vsub.f32 v46, v28  }
0x23b: {  	v45 =	vadd.f32 v25, v50;
	v25 =	vsub.f32 v25, v50;
	(erf) = vpow2.f32 v32  }
0x23c: {  	v48 =	vpop (erf);
	v24 =	vsub.f32 v63, v24;
	v22 =	vmul.f32 $5.000000000e-01, v22;
	(erf) = vrcp.f32 v29  }
0x23d: {  	v30 =	vmul.f32 v30, v48;
	v28 =	vmul.f32 $5.000000000e-01, v28;
	v50 =	vshrl.u32 v31, $0x17  }
0x23e: {  	v31 =	vand.u32 $0x7FFFFF, v31;
	v27 =	vsub.f32 v45, v27;
	v24 =	vmul.f32 $5.000000000e-01, v24  }
0x23f: {  	v32 =	vand.u32 $0xFF, v50;
	v31 =	vor.u32 $0x3F800000, v31;
	v53 =	vshrl.u32 v30, $0x17  }
0x240: {  	v29 =	vpop (erf);
	v30 =	vand.u32 $0x7FFFFF, v30;
	v32 =	vadd.s32 $0xFFFFFF81, v32;
	v59 =	vadd.f32 $-1.000000000e+00, v31  }
0x241: {  	v31 =	vadd.f32 $1.000000000e+00, v31;
	v26 =	vmul.f32 v26, v29;
	v27 =	vmul.f32 $5.000000000e-01, v27  }
0x242: {  	v49 =	vpop (erf);
	v35 =	vand.u32 $0xFF, v53;
	v30 =	vor.u32 $0x3F800000, v30;
	v32 =	vcvt.s32.f32 v32  }
0x243: {  	v25 =	vmul.f32 v25, v49;
	v29 =	vpop (erf);
	v35 =	vadd.s32 $0xFFFFFF81, v35;
	v54 =	vshrl.u32 v26, $0x17  }
0x244: {  	v26 =	vand.u32 $0x7FFFFF, v26;
	v24 =	vmul.f32 v24, v29;
	v29 =	vadd.f32 $-1.000000000e+00, v30  }
0x245: {  	v60 =	vld [tilespmem:s13+$0x10890];
	v30 =	vadd.f32 $1.000000000e+00, v30;
	v35 =	vcvt.s32.f32 v35;
	v32 =	vmul.f32 $6.931471820e-01, v32  }
0x246: {  	v51 =	vpop (erf);
	v52 =	vshrl.u32 v25, $0x17;
	v25 =	vand.u32 $0x7FFFFF, v25;
	v36 =	vand.u32 $0xFF, v54  }
0x247: {  	v61 =	vld [tilespmem:s13+$0x11190];
	v55 =	vpop (erf);
	v22 =	vmul.f32 v22, v51;
	v26 =	vor.u32 $0x3F800000, v26;
	v34 =	vand.u32 $0xFF, v52  }
0x248: {  	v62 =	vld [tilespmem:s13+$0x10880];
	v27 =	vmul.f32 v27, v55;
	v25 =	vor.u32 $0x3F800000, v25;
	v40 =	vadd.f32 $-1.000000000e+00, v26  }
0x249: {  	v56 =	vpop (erf);
	v36 =	vadd.s32 $0xFFFFFF81, v36;
	v26 =	vadd.f32 $1.000000000e+00, v26;
	(erf) = vrcp.f32 v31  }
0x24a: {  	v24 =	vsub.f32 v60, v24;
	v35 =	vmul.f32 $6.931471820e-01, v35;
	v38 =	vadd.f32 $1.000000000e+00, v56  }
0x24b: {  	v37 =	vadd.f32 $-1.000000000e+00, v25;
	v34 =	vadd.s32 $0xFFFFFF81, v34;
	v25 =	vadd.f32 $1.000000000e+00, v25  }
0x24c: {  	v57 =	vpop (erf);
	(erf) = vrcp.f32 v30;
	v36 =	vcvt.s32.f32 v36;
	v22 =	vsub.f32 v61, v22  }
0x24d: {  	v39 =	vadd.f32 $1.000000000e+00, v57;
	v34 =	vcvt.s32.f32 v34;
	v27 =	vsub.f32 v62, v27  }
0x24e: {  	(erf) = vrcp.f32 v26;
	v41 =	vmul.f32 $5.000000000e-01, v24;
	v48 =	vand.u32 $0x7FFFFFFF, v24  }
0x24f: {  	v31 =	vshrl.u32 v38, $0x17;
	v30 =	vshrl.u32 v39, $0x17;
	v39 =	vand.u32 $0x7FFFFF, v39  }
0x250: {  	v38 =	vand.u32 $0x7FFFFF, v38;
	(erf) = vrcp.f32 v25;
	v26 =	vor.u32 $0x3F800000, v39  }
0x251: {  	v58 =	vpop (erf);
	v38 =	vor.u32 $0x3F800000, v38;
	v25 =	vadd.f32 $-1.000000000e+00, v26;
	v26 =	vadd.f32 $1.000000000e+00, v26  }
0x252: {  	v28 =	vmul.f32 v28, v58;
	v42 =	vmul.f32 $5.000000000e-01, v22;
	v47 =	vadd.f32 $1.000000000e+00, v38  }
0x253: {  	v63 =	vld [tilespmem:s13+$0x11180];
	v49 =	vand.u32 $0x7FFFFFFF, v22;
	vm6 =	vlt.f32 v48, $1.000000000e+00;
	v36 =	vmul.f32 $6.931471820e-01, v36  }
0x254: {  	v31 =	vand.u32 $0xFF, v31;
	v50 =	vmul.f32 $5.000000000e-01, v27;
	(erf) = vrcp.f32 v47  }
0x255: {  	v52 =	vand.u32 $0x7FFFFFFF, v27;
	v24 =	vmul.f32 v41, v24;
	(erf) = vrcp.f32 v26;
	v26 =	vpop (erf)  }
0x256: {  	vm7 =	vlt.f32 v49, $1.000000000e+00;
	v43 =	vadd.f32 $-5.000000000e-01, v49;
	v51 =	vpop (erf);
	v26 =	vmul.f32 v26, v59  }
0x257: {  	v34 =	vmul.f32 $6.931471820e-01, v34;
	v30 =	vand.u32 $0xFF, v30;
	v29 =	vmul.f32 v51, v29  }
0x258: {  	v28 =	vsub.f32 v63, v28;
	v38 =	vadd.f32 $-1.000000000e+00, v38;
	v55 =	vmul.f32 v26, v26  }
0x259: {  	v22 =	vmul.f32 v42, v22;
	v39 =	vadd.f32 $-5.000000000e-01, v48;
	v56 =	vmul.f32 v29, v29  }
0x25a: {  	v33 =	vadd.f32 $-5.000000000e-01, v52;
	v27 =	vmul.f32 v50, v27;
	v57 =	vmul.f32 $2.222222240e-01, v55  }
0x25b: {  	v53 =	vmul.f32 $5.000000000e-01, v28;
	v54 =	vand.u32 $0x7FFFFFFF, v28;
	v58 =	vpop (erf);
	v59 =	vmul.f32 $2.222222240e-01, v56  }
0x25c: {  	v24 =	vsel vm6, v24, v39;
	vm6 =	vlt.f32 v52, $1.000000000e+00;
	v60 =	vpop (erf);
	v44 =	vadd.f32 $2.857142980e-01, v57  }
0x25d: {  	v22 =	vsel vm7, v22, v43;
	v37 =	vmul.f32 v60, v37;
	v61 =	vadd.f32 $2.857142980e-01, v59  }
0x25e: {  	vm15 =	vlt.f32 v54, $1.000000000e+00;
	v40 =	vmul.f32 v58, v40;
	v44 =	vmul.f32 v44, v55  }
0x25f: {  	v45 =	vadd.f32 $-5.000000000e-01, v54;
	v63 =	vmul.f32 v37, v37;
	v39 =	vmul.f32 v61, v56  }
0x260: {  	v22 =	vadd.f32 v22, v24;
	v28 =	vmul.f32 v53, v28;
	v44 =	vadd.f32 $4.000000060e-01, v44  }
0x261: {  	v49 =	vmul.f32 v40, v40;
	v62 =	vpop (erf);
	v53 =	vmul.f32 $2.222222240e-01, v63;
	v39 =	vadd.f32 $4.000000060e-01, v39  }
0x262: {  	v28 =	vsel vm15, v28, v45;
	v48 =	vpop (erf);
	v50 =	vmul.f32 v62, v38;
	v51 =	vmul.f32 v44, v55  }
0x263: {  	v25 =	vmul.f32 v48, v25;
	v45 =	vadd.f32 $2.857142980e-01, v53;
	v39 =	vmul.f32 v39, v56  }
0x264: {  	v52 =	vmul.f32 $2.222222240e-01, v49;
	v24 =	vmul.f32 v50, v50;
	v38 =	vadd.f32 $6.666666860e-01, v51  }
0x265: {  	v54 =	vmul.f32 v25, v25;
	v45 =	vmul.f32 v45, v63;
	v39 =	vadd.f32 $6.666666860e-01, v39  }
0x266: {  	v44 =	vadd.f32 $2.857142980e-01, v52;
	v38 =	vmul.f32 v38, v55;
	v55 =	vmul.f32 $2.222222240e-01, v24  }
0x267: {  	v31 =	vadd.s32 $0xFFFFFF81, v31;
	v39 =	vmul.f32 v39, v56;
	v56 =	vmul.f32 $2.222222240e-01, v54  }
0x268: {  	v30 =	vadd.s32 $0xFFFFFF81, v30;
	v45 =	vadd.f32 $4.000000060e-01, v45;
	v44 =	vmul.f32 v44, v49  }
0x269: {  	v31 =	vcvt.s32.f32 v31;
	v41 =	vadd.f32 $2.857142980e-01, v55;
	v42 =	vadd.f32 $2.857142980e-01, v56  }
0x26a: {  	v30 =	vcvt.s32.f32 v30;
	v45 =	vmul.f32 v45, v63;
	v44 =	vadd.f32 $4.000000060e-01, v44  }
0x26b: {  	vm5 =	vmand vm3, vm5;
	v41 =	vmul.f32 v41, v24;
	v42 =	vmul.f32 v42, v54  }
0x26c: {  	v27 =	vsel vm6, v27, v33;
	v45 =	vadd.f32 $6.666666860e-01, v45;
	v44 =	vmul.f32 v44, v49  }
0x26d: {  	v31 =	vmul.f32 $6.931471820e-01, v31;
	v41 =	vadd.f32 $4.000000060e-01, v41;
	v42 =	vadd.f32 $4.000000060e-01, v42  }
0x26e: {  	v38 =	vadd.f32 $2.000000000e+00, v38;
	v43 =	vmul.f32 v45, v63;
	v44 =	vadd.f32 $6.666666860e-01, v44  }
0x26f: {  	v39 =	vadd.f32 $2.000000000e+00, v39;
	v41 =	vmul.f32 v41, v24;
	v42 =	vmul.f32 v42, v54  }
0x270: {  	v26 =	vmul.f32 v38, v26;
	v57 =	vadd.f32 $2.000000000e+00, v43;
	v44 =	vmul.f32 v44, v49  }
0x271: {  	v29 =	vmul.f32 v39, v29;
	v41 =	vadd.f32 $6.666666860e-01, v41;
	v42 =	vadd.f32 $6.666666860e-01, v42  }
0x272: {  	[tilespmem:v5+s25+$0xFFFFFFF0 ss:$0x1] =	vst.idx.msk $0xffff, v23;
	v59 =	vld [tilespmem:s13+$0x12380];
	v26 =	vadd.f32 v26, v32;
	v23 =	vmul.f32 v57, v37;
	v44 =	vadd.f32 $2.000000000e+00, v44  }
0x273: {  	v62 =	vld [tilespmem:s13+$0x11A80];
	v29 =	vadd.f32 v29, v35;
	v24 =	vmul.f32 v41, v24;
	v42 =	vmul.f32 v42, v54  }
0x274: {  	v58 =	vld [tilespmem:s13+$0x12390];
	v63 =	vmul.f32 v26, v3;
	v23 =	vadd.f32 v23, v34;
	v40 =	vmul.f32 v44, v40  }
0x275: {  	v61 =	vld [tilespmem:s13+$0x11A90];
	v26 =	vmul.f32 v29, v3;
	v24 =	vadd.f32 $2.000000000e+00, v24;
	v60 =	vadd.f32 $2.000000000e+00, v42  }
0x276: {  	[tilespmem:v5+s25+$0x0 ss:$0x1] =	vst.idx.msk $0xffff, v20;
	v30 =	vmul.f32 $6.931471820e-01, v30;
	v23 =	vmul.f32 v23, v3;
	v36 =	vadd.f32 v40, v36  }
0x277: {  	v26 =	vsub.f32 v59, v26;
	v33 =	vmul.f32 v24, v50;
	v25 =	vmul.f32 v60, v25  }
0x278: {  	v24 =	vadd.f32 v28, v27;
	v27 =	vmul.f32 v36, v3;
	v28 =	vsub.f32 v62, v23  }
0x279: {  	v21 =	vmax.f32 v17, v18;
	v29 =	vadd.f32 v25, v30;
	v30 =	vadd.f32 v33, v31  }
0x27a: {  	v23 =	vsel vm4, v16, v15;
	v27 =	vsub.f32 v61, v27;
	v25 =	vsub.f32 v58, v63  }
0x27b: {  	s9 =	simm.s32 $0x100;
	s2 =	simm.s32 $0x2;
	s25 =	smov.u32 s26;
	v16 =	vsel vm5, v18, v17;
	v15 =	vadd.f32 v29, v21;
	v19 =	vadd.f32 v30, v19  }
.LBB2_12:
0x27c: {  	s22 =	sshra.s32 s9, $0x2;
	v20 =	vand.u32 $0x7FFFFFFF, v26;
	v21 =	vand.u32 $0x7FFFFFFF, v25;
	v29 =	vmul.f32 $5.000000000e-01, v25  }
0x27d: {  	v17 =	vmul.f32 $5.000000000e-01, v28;
	v18 =	vmul.f32 $5.000000000e-01, v26;
	v31 =	vand.u32 $0x7FFFFFFF, v27;
	v30 =	vld.idx.msk [tilespmem:v6+s22+$0x0 ss:$0x1], $0xffff  }
0x27e: {  	v33 =	vand.u32 $0x7FFFFFFF, v28;
	v35 =	vmul.f32 $5.000000000e-01, v27;
	v34 =	vsub.f32 v15, v16;
	v32 =	vld.idx.msk [tilespmem:v6+s22+$0xFFFFFFF0 ss:$0x1], $0xffff  }
0x27f: {  	v36 =	vadd.f32 $-5.000000000e-01, v33;
	v37 =	vadd.f32 $-5.000000000e-01, v21;
	v28 =	vmul.f32 v17, v28;
	v15 =	vld [tilespmem:s22+$0x12C90]  }
0x280: {  	vm6 =	vlt.f32 v33, $1.000000000e+00;
	v33 =	vadd.f32 $-5.000000000e-01, v20;
	v38 =	vadd.f32 $-5.000000000e-01, v31;
	v16 =	vld [tilespmem:s22+$0x13590]  }
0x281: {  	v26 =	vmul.f32 v18, v26;
	v27 =	vmul.f32 v35, v27;
	v28 =	vsel vm6, v28, v36;
	v17 =	vld [tilespmem:s22+$0x12C80]  }
0x282: {  	vm7 =	vlt.f32 v31, $1.000000000e+00;
	vm6 =	vlt.f32 v20, $1.000000000e+00;
	v24 =	vadd.f32 v28, v24;
	v18 =	vld [tilespmem:s22+$0x13580]  }
0x283: {  	v25 =	vmul.f32 v29, v25;
	v20 =	vsel vm6, v26, v33;
	v26 =	vsel vm7, v27, v38;
	v28 =	vld.idx.msk [tilespmem:v7+s22+$0x0 ss:$0x1], $0xffff  }
0x284: {  	vm6 =	vlt.f32 v21, $1.000000000e+00;
	v22 =	vadd.f32 v26, v22;
	v20 =	vadd.f32 v20, v24;
	v27 =	vld.idx.msk [tilespmem:v8+s22+$0x0 ss:$0x1], $0xffff  }
0x285: {  	v19 =	vsub.f32 v19, v23;
	v24 =	vsel vm6, v25, v37;
	v25 =	vsel vm4, $0x1, v1;
	v21 =	vld.idx.msk [tilespmem:v9+s22+$0x0 ss:$0x1], $0xffff  }
0x286: {  	v26 =	vnsel vm5, $0x0, v34;
	v22 =	vadd.f32 v24, v22;
	v20 =	vnsel vm5, $0x0, v20;
	v23 =	vld.idx.msk [tilespmem:v8+s22+$0xFFFFFFF0 ss:$0x1], $0xffff  }
0x287: {  	v14 =	vadd.f32 v26, v14;
	v13 =	vadd.f32 v20, v13;
	v20 =	vsel vm5, $0x1, v1;
	v24 =	vld.idx.msk [tilespmem:v7+s22+$0xFFFFFFF0 ss:$0x1], $0xffff  }
0x288: {  	s25 =	sadd.s32 $0x20, s25;
	v12 =	vadd.s32 v20, v12;
	v20 =	vnsel vm4, $0x0, v22;
	v22 =	vnsel vm4, $0x0, v19;
	v26 =	vld.idx.msk [tilespmem:v9+s22+$0xFFFFFFF0 ss:$0x1], $0xffff  }
0x289: {  	s0 =	sadd.s32 $0x10, s25;
	v13 =	vadd.f32 v20, v13;
	v12 =	vadd.s32 v25, v12;
	v14 =	vadd.f32 v22, v14;
	v29 =	vld.idx.msk [tilespmem:v10+s22+$0x0 ss:$0x1], $0xffff  }
0x28a: {  	p2 =	slt.u32 s25, $0x4E20;
	p3 =	slt.u32 s0, $0x4E20;
	v19 =	vsel vm4, $0x0, v19;
	v25 =	vsel vm5, $0x0, v34;
	v20 =	vadd.s32 $0x40, v27;
	v22 =	vld.idx.msk [tilespmem:v11+s22+$0x0 ss:$0x1], $0xffff  }
0x28b: {  	v19 =	vpsel !p3, $0xBF800000, v19;
	v33 =	vadd.s32 $0xC0, v27;
	v25 =	vpsel !p2, $0xBF800000, v25;
	v31 =	vld.idx.msk [tilespmem:v10+s22+$0xFFFFFFF0 ss:$0x1], $0xffff  }
0x28c: {  	v35 =	vadd.s32 $0x40, v23;
	v34 =	vld.idx.msk [tilespmem:v11+s22+$0xFFFFFFF0 ss:$0x1], $0xffff;
	[tilespmem:v5+s13+$0xFFFFFFF0 ss:$0x1] =	vst.idx.msk $0xffff, v25  }
0x28d: {  	v25 =	vadd.s32 $0xC0, v23;
	v36 =	vld.idx.msk [tilespmem:v27+s24+$0x0], $0xffff;
	[tilespmem:v5+s13+$0x0 ss:$0x1] =	vst.idx.msk $0xffff, v19;
	s13 =	smov.u32 s22  }
0x28e: {  	v27 =	vadd.s32 $0x80, v27;
	v37 =	vld.idx.msk [tilespmem:v23+s24+$0x0], $0xffff  }
0x28f: {  	v39 =	vsub.f32 v15, v16;
	v19 =	vmax.f32 v15, v16;
	v23 =	vadd.s32 $0x80, v23;
	v38 =	vld.idx.msk [tilespmem:v20+s24+$0x0], $0xffff  }
0x290: {  	v40 =	vsub.f32 v17, v18;
	v41 =	vsub.f32 v21, v28;
	v20 =	vmax.f32 v17, v18;
	v33 =	vld.idx.msk [tilespmem:v33+s24+$0x0], $0xffff  }
0x291: {  	vm4 =	vge.f32 v30, $3.499999940e-01;
	vm5 =	vge.f32 v32, $3.499999940e-01;
	v32 =	vsub.f32 v26, v24;
	v35 =	vld.idx.msk [tilespmem:v35+s24+$0x0], $0xffff  }
0x292: {  	v30 =	vsub.f32 v22, v29;
	v22 =	vadd.f32 v22, v29;
	v25 =	vld.idx.msk [tilespmem:v25+s24+$0x0], $0xffff;
	(erf) = vrcp.f32 v41  }
0x293: {  	v21 =	vadd.f32 v21, v28;
	v29 =	vsub.f32 v34, v31;
	v27 =	vld.idx.msk [tilespmem:v27+s24+$0x0], $0xffff;
	(erf) = vrcp.f32 v32  }
0x294: {  	v28 =	vadd.f32 v34, v31;
	v31 =	vmul.f32 $1.000000010e-01, v30;
	v23 =	vld.idx.msk [tilespmem:v23+s24+$0x0], $0xffff;
	(erf) = vrcp.f32 v30  }
0x295: {  	v24 =	vadd.f32 v26, v24;
	v26 =	vmul.f32 $1.000000010e-01, v41;
	(erf) = vrcp.f32 v29  }
0x296: {  	v30 =	vand.u32 $0x7FFFFFFF, v39;
	v29 =	vmul.f32 $1.000000010e-01, v29;
	(erf) = vrcp.f32 v31  }
0x297: {  	v30 =	vsub.f32 $0.0e+00, v30;
	v31 =	vand.u32 $0x7FFFFFFF, v40;
	(erf) = vrcp.f32 v26  }
0x298: {  	v26 =	vmul.f32 $1.000000010e-01, v32;
	v31 =	vsub.f32 $0.0e+00, v31;
	(erf) = vrcp.f32 v29  }
0x299: {  	v32 =	vadd.f32 v33, v38;
	v40 =	vmul.f32 $1.442695020e+00, v30;
	v29 =	vadd.f32 v27, v36  }
0x29a: {  	v39 =	vadd.f32 v25, v35;
	v34 =	vadd.f32 v23, v37;
	v31 =	vmul.f32 $1.442695020e+00, v31  }
0x29b: {  	v25 =	vsub.f32 v25, v35;
	v33 =	vsub.f32 v33, v38;
	v35 =	vpop (erf);
	(erf) = vpow2.f32 v40  }
0x29c: {  	v36 =	vsub.f32 v27, v36;
	v23 =	vsub.f32 v23, v37;
	v30 =	vpop (erf);
	(erf) = vpow2.f32 v31  }
0x29d: {  	v21 =	vsub.f32 v32, v21;
	v22 =	vsub.f32 v29, v22;
	(erf) = vrcp.f32 v26;
	v26 =	vpop (erf)  }
0x29e: {  	v28 =	vsub.f32 v34, v28;
	v29 =	vmul.f32 v33, v35;
	v25 =	vmul.f32 v25, v30;
	v30 =	vpop (erf)  }
0x29f: {  	s2 =	sadd.s32 $0x2, s2;
	v24 =	vsub.f32 v39, v24;
	v26 =	vmul.f32 v36, v26;
	v23 =	vmul.f32 v23, v30;
	v27 =	vpop (erf)  }
0x2a0: {  	vm4 =	vmand vm3, vm4;
	p2 =	slt.u32 s2, $0x8A;
	v21 =	vmul.f32 $5.000000000e-01, v21;
	v22 =	vmul.f32 $5.000000000e-01, v22;
	v30 =	vpop (erf)  }
0x2a1: {  	v24 =	vmul.f32 $5.000000000e-01, v24;
	v28 =	vmul.f32 $5.000000000e-01, v28;
	v31 =	vshrl.u32 v29, $0x17;
	v32 =	vpop (erf)  }
0x2a2: {  	v34 =	vshrl.u32 v25, $0x17;
	v35 =	vshrl.u32 v26, $0x17;
	v33 =	vshrl.u32 v23, $0x17  }
0x2a3: {  	v29 =	vand.u32 $0x7FFFFF, v29;
	v25 =	vand.u32 $0x7FFFFF, v25;
	v26 =	vand.u32 $0x7FFFFF, v26  }
0x2a4: {  	v31 =	vand.u32 $0xFF, v31;
	v34 =	vand.u32 $0xFF, v34;
	v23 =	vand.u32 $0x7FFFFF, v23;
	v36 =	vpop (erf)  }
0x2a5: {  	v35 =	vand.u32 $0xFF, v35;
	v33 =	vand.u32 $0xFF, v33;
	v36 =	vadd.f32 $1.000000000e+00, v36;
	v37 =	vpop (erf)  }
0x2a6: {  	v29 =	vor.u32 $0x3F800000, v29;
	v25 =	vor.u32 $0x3F800000, v25;
	v37 =	vadd.f32 $1.000000000e+00, v37;
	v38 =	vpop (erf)  }
0x2a7: {  	v22 =	vmul.f32 v22, v27;
	v21 =	vmul.f32 v21, v30;
	v26 =	vor.u32 $0x3F800000, v26  }
0x2a8: {  	v27 =	vmul.f32 v28, v32;
	v23 =	vor.u32 $0x3F800000, v23;
	v24 =	vmul.f32 v24, v38  }
0x2a9: {  	v30 =	vadd.s32 $0xFFFFFF81, v31;
	v31 =	vadd.f32 $-1.000000000e+00, v29;
	v28 =	vadd.f32 $-1.000000000e+00, v25  }
0x2aa: {  	v34 =	vadd.s32 $0xFFFFFF81, v34;
	v32 =	vadd.f32 $-1.000000000e+00, v23;
	v38 =	vadd.f32 $-1.000000000e+00, v26;
	v39 =	vld [tilespmem:s13+$0x10890]  }
0x2ab: {  	v29 =	vadd.f32 $1.000000000e+00, v29;
	v25 =	vadd.f32 $1.000000000e+00, v25;
	v35 =	vadd.s32 $0xFFFFFF81, v35;
	v40 =	vld [tilespmem:s13+$0x11190]  }
0x2ac: {  	v33 =	vadd.s32 $0xFFFFFF81, v33;
	v23 =	vadd.f32 $1.000000000e+00, v23;
	v26 =	vadd.f32 $1.000000000e+00, v26;
	v41 =	vld [tilespmem:s13+$0x10880]  }
0x2ad: {  	v34 =	vcvt.s32.f32 v34;
	v30 =	vcvt.s32.f32 v30;
	v43 =	vshrl.u32 v36, $0x17;
	v42 =	vld [tilespmem:s13+$0x11180]  }
0x2ae: {  	v35 =	vcvt.s32.f32 v35;
	v33 =	vcvt.s32.f32 v33;
	v44 =	vshrl.u32 v37, $0x17  }
0x2af: {  	v36 =	vand.u32 $0x7FFFFF, v36;
	v37 =	vand.u32 $0x7FFFFF, v37;
	v22 =	vsub.f32 v39, v22  }
0x2b0: {  	v39 =	vsub.f32 v40, v21;
	v21 =	vand.u32 $0xFF, v43;
	(erf) = vrcp.f32 v29  }
0x2b1: {  	v29 =	vand.u32 $0xFF, v44;
	v27 =	vsub.f32 v41, v27;
	(erf) = vrcp.f32 v25  }
0x2b2: {  	v36 =	vor.u32 $0x3F800000, v36;
	v40 =	vsub.f32 v42, v24;
	(erf) = vrcp.f32 v26  }
0x2b3: {  	v26 =	vor.u32 $0x3F800000, v37;
	v37 =	vadd.s32 $0xFFFFFF81, v21;
	(erf) = vrcp.f32 v23  }
0x2b4: {  	v29 =	vadd.s32 $0xFFFFFF81, v29;
	v25 =	vmul.f32 $6.931471820e-01, v30;
	v21 =	vmul.f32 $6.931471820e-01, v34  }
0x2b5: {  	v24 =	vmul.f32 $6.931471820e-01, v35;
	v34 =	vadd.f32 $-1.000000000e+00, v36;
	v30 =	vadd.f32 $-1.000000000e+00, v26  }
0x2b6: {  	v23 =	vmul.f32 $6.931471820e-01, v33;
	v43 =	vadd.f32 $1.000000000e+00, v26;
	v33 =	vadd.f32 $1.000000000e+00, v36  }
0x2b7: {  	v35 =	vand.u32 $0x7FFFFFFF, v22;
	v41 =	vmul.f32 $5.000000000e-01, v39;
	v36 =	vmul.f32 $5.000000000e-01, v22  }
0x2b8: {  	v42 =	vand.u32 $0x7FFFFFFF, v39;
	v37 =	vcvt.s32.f32 v37;
	(erf) = vrcp.f32 v33  }
0x2b9: {  	v29 =	vcvt.s32.f32 v29;
	v33 =	vand.u32 $0x7FFFFFFF, v27;
	(erf) = vrcp.f32 v43;
	v26 =	vpop (erf)  }
0x2ba: {  	v44 =	vand.u32 $0x7FFFFFFF, v40;
	v45 =	vmul.f32 $5.000000000e-01, v40;
	v43 =	vmul.f32 $5.000000000e-01, v27;
	v46 =	vpop (erf)  }
0x2bb: {  	vm6 =	vlt.f32 v35, $1.000000000e+00;
	v35 =	vadd.f32 $-5.000000000e-01, v35;
	vm7 =	vlt.f32 v42, $1.000000000e+00;
	v47 =	vpop (erf)  }
0x2bc: {  	v22 =	vmul.f32 v36, v22;
	v36 =	vmul.f32 v41, v39;
	v39 =	vadd.f32 $-5.000000000e-01, v42;
	v41 =	vpop (erf)  }
0x2bd: {  	v29 =	vmul.f32 $6.931471820e-01, v29;
	v37 =	vmul.f32 $6.931471820e-01, v37;
	vm8 =	vlt.f32 v33, $1.000000000e+00  }
0x2be: {  	vm9 =	vlt.f32 v44, $1.000000000e+00;
	v40 =	vmul.f32 v45, v40;
	v27 =	vmul.f32 v43, v27  }
0x2bf: {  	v33 =	vadd.f32 $-5.000000000e-01, v33;
	v26 =	vmul.f32 v26, v31;
	v28 =	vmul.f32 v46, v28  }
0x2c0: {  	v38 =	vmul.f32 v47, v38;
	v31 =	vmul.f32 v41, v32;
	v32 =	vadd.f32 $-5.000000000e-01, v44  }
0x2c1: {  	v22 =	vsel vm6, v22, v35;
	v42 =	vmul.f32 v26, v26;
	v41 =	vmul.f32 v28, v28;
	v35 =	vpop (erf)  }
0x2c2: {  	v36 =	vsel vm7, v36, v39;
	v44 =	vmul.f32 v38, v38;
	v43 =	vmul.f32 v31, v31;
	v39 =	vpop (erf)  }
0x2c3: {  	v27 =	vsel vm8, v27, v33;
	v33 =	vmul.f32 v35, v34;
	v30 =	vmul.f32 v39, v30  }
0x2c4: {  	v32 =	vsel vm9, v40, v32;
	v34 =	vmul.f32 $2.222222240e-01, v41;
	v35 =	vmul.f32 $2.222222240e-01, v42  }
0x2c5: {  	v22 =	vadd.f32 v36, v22;
	v39 =	vmul.f32 $2.222222240e-01, v44;
	v36 =	vmul.f32 v33, v33  }
0x2c6: {  	v40 =	vmul.f32 $2.222222240e-01, v43;
	v35 =	vadd.f32 $2.857142980e-01, v35;
	v45 =	vmul.f32 v30, v30  }
0x2c7: {  	v34 =	vadd.f32 $2.857142980e-01, v34;
	v39 =	vadd.f32 $2.857142980e-01, v39;
	v46 =	vmul.f32 $2.222222240e-01, v36  }
0x2c8: {  	v40 =	vadd.f32 $2.857142980e-01, v40;
	v35 =	vmul.f32 v35, v42;
	v47 =	vmul.f32 $2.222222240e-01, v45  }
0x2c9: {  	v34 =	vmul.f32 v34, v41;
	v39 =	vmul.f32 v39, v44;
	v46 =	vadd.f32 $2.857142980e-01, v46  }
0x2ca: {  	v40 =	vmul.f32 v40, v43;
	v35 =	vadd.f32 $4.000000060e-01, v35;
	v47 =	vadd.f32 $2.857142980e-01, v47  }
0x2cb: {  	v34 =	vadd.f32 $4.000000060e-01, v34;
	v39 =	vadd.f32 $4.000000060e-01, v39;
	v46 =	vmul.f32 v46, v36  }
0x2cc: {  	v40 =	vadd.f32 $4.000000060e-01, v40;
	v35 =	vmul.f32 v35, v42;
	v47 =	vmul.f32 v47, v45  }
0x2cd: {  	v34 =	vmul.f32 v34, v41;
	v39 =	vmul.f32 v39, v44;
	v46 =	vadd.f32 $4.000000060e-01, v46  }
0x2ce: {  	v40 =	vmul.f32 v40, v43;
	v35 =	vadd.f32 $6.666666860e-01, v35;
	v47 =	vadd.f32 $4.000000060e-01, v47  }
0x2cf: {  	v34 =	vadd.f32 $6.666666860e-01, v34;
	v39 =	vadd.f32 $6.666666860e-01, v39;
	v46 =	vmul.f32 v46, v36  }
0x2d0: {  	v40 =	vadd.f32 $6.666666860e-01, v40;
	v35 =	vmul.f32 v35, v42;
	v47 =	vmul.f32 v47, v45  }
0x2d1: {  	v34 =	vmul.f32 v34, v41;
	v39 =	vmul.f32 v39, v44;
	v41 =	vadd.f32 $6.666666860e-01, v46  }
0x2d2: {  	v40 =	vmul.f32 v40, v43;
	v35 =	vadd.f32 $2.000000000e+00, v35;
	v42 =	vadd.f32 $6.666666860e-01, v47  }
0x2d3: {  	v34 =	vadd.f32 $2.000000000e+00, v34;
	v39 =	vadd.f32 $2.000000000e+00, v39;
	v36 =	vmul.f32 v41, v36  }
0x2d4: {  	v40 =	vadd.f32 $2.000000000e+00, v40;
	v26 =	vmul.f32 v35, v26;
	v41 =	vmul.f32 v42, v45;
	v35 =	vld [tilespmem:s13+$0x12390]  }
0x2d5: {  	v28 =	vmul.f32 v34, v28;
	v38 =	vmul.f32 v39, v38;
	v36 =	vadd.f32 $2.000000000e+00, v36;
	v34 =	vld [tilespmem:s13+$0x12380]  }
0x2d6: {  	v31 =	vmul.f32 v40, v31;
	v25 =	vadd.f32 v26, v25;
	v39 =	vadd.f32 $2.000000000e+00, v41;
	v40 =	vld [tilespmem:s13+$0x11A90]  }
0x2d7: {  	v21 =	vadd.f32 v28, v21;
	v26 =	vadd.f32 v38, v24;
	v33 =	vmul.f32 v36, v33;
	v28 =	vld [tilespmem:s13+$0x11A80]  }
0x2d8: {  	v23 =	vadd.f32 v31, v23;
	v25 =	vmul.f32 v25, v3;
	v30 =	vmul.f32 v39, v30  }
.Ltmp7:
0x2d9: {  	v24 =	vadd.f32 v32, v27;
	v21 =	vmul.f32 v21, v3;
	v27 =	vmul.f32 v26, v3;
	(pc) =	sbr.rel @p2 .LBB2_12-.Ltmp7, $4  }
0x2da: {  	v23 =	vmul.f32 v23, v3;
	v29 =	vadd.f32 v30, v29;
	v30 =	vadd.f32 v33, v37  }
0x2db: {  	vm5 =	vmand vm3, vm5;
	v25 =	vsub.f32 v35, v25;
	v26 =	vsub.f32 v34, v21  }
0x2dc: {  	v27 =	vsub.f32 v40, v27;
	v28 =	vsub.f32 v28, v23;
	v23 =	vsel vm4, v16, v15  }
0x2dd: {  	s9 =	sadd.s32 $0x80, s9;
	v19 =	vadd.f32 v30, v19;
	v15 =	vadd.f32 v29, v20;
	v16 =	vsel vm5, v18, v17  }
0x2de: {  	v6 =	vand.u32 $0x7FFFFFFF, v26;
	v7 =	vmul.f32 $5.000000000e-01, v25;
	v8 =	vand.u32 $0x7FFFFFFF, v25  }
0x2df: {  	v9 =	vmul.f32 $5.000000000e-01, v28;
	v10 =	vmul.f32 $5.000000000e-01, v26;
	v11 =	vand.u32 $0x7FFFFFFF, v27  }
0x2e0: {  	v17 =	vand.u32 $0x7FFFFFFF, v28;
	v56 =	vmul.f32 $5.000000000e-01, v27;
	v15 =	vsub.f32 v15, v16  }
0x2e1: {  	v63 =	vsel vm5, $0x1, v1;
	v18 =	vadd.f32 $-5.000000000e-01, v17;
	v20 =	vadd.f32 $-5.000000000e-01, v8  }
0x2e2: {  	vm6 =	vlt.f32 v17, $1.000000000e+00;
	v57 =	vadd.f32 $-5.000000000e-01, v6;
	v9 =	vmul.f32 v9, v28  }
0x2e3: {  	v21 =	vadd.f32 $-5.000000000e-01, v11;
	vm14 =	vlt.f32 v6, $1.000000000e+00;
	vm7 =	vlt.f32 v11, $1.000000000e+00  }
0x2e4: {  	v10 =	vmul.f32 v10, v26;
	v16 =	vmul.f32 v56, v27;
	v9 =	vsel vm6, v9, v18  }
0x2e5: {  	vm15 =	vlt.f32 v8, $1.000000000e+00;
	v8 =	vadd.s32 v63, v12;
	v9 =	vadd.f32 v9, v24  }
0x2e6: {  	s0 =	sadd.s32 $0x20, s25;
	v7 =	vmul.f32 v7, v25;
	v6 =	vsel vm14, v10, v57;
	v58 =	vsel vm7, v16, v21  }
0x2e7: {  	s11 =	sadd.s32 $0x1, s11;
	p2 =	slt.u32 s0, $0x4E20;
	v12 =	vsel vm5, $0x0, v15;
	v59 =	vadd.f32 v58, v22;
	v6 =	vadd.f32 v6, v9  }
0x2e8: {  	v7 =	vsel vm15, v7, v20;
	v12 =	vpsel !p2, $0xBF800000, v12;
	p2 =	seq.s32 s11, $0x3  }
.Ltmp8:
0x2e9: {  	v61 =	vsub.f32 v19, v23;
	v7 =	vadd.f32 v7, v59;
	v6 =	vnsel vm5, $0x0, v6;
	(pc) =	sbr.rel @!p2 .LBB2_11-.Ltmp8, $4  }
0x2ea: {  	v60 =	vsel vm4, $0x1, v1;
	s2 =	sadd.s32 $0x10, s0;
	v62 =	vnsel vm5, $0x0, v15;
	v6 =	vadd.f32 v6, v13  }
0x2eb: {  	s26 =	sadd.s32 $0x8C0, s26;
	s12 =	sadd.s32 $0x8C0, s12;
	p3 =	slt.u32 s2, $0x4E20;
	v11 =	vadd.f32 v62, v14;
	v7 =	vnsel vm4, $0x0, v7;
	v13 =	vsel vm4, $0x0, v61  }
0x2ec: {  	s14 =	sadd.s32 $0x8C0, s14;
	s15 =	sadd.s32 $0x8C0, s15;
	s16 =	sadd.s32 $0x8C0, s16;
	v10 =	vnsel vm4, $0x0, v61;
	[tilespmem:v5+s13+$0xFFFFFFF0 ss:$0x1] =	vst.idx.msk $0xffff, v12;
	v14 =	vadd.f32 v7, v6;
	v6 =	vpsel !p3, $0xBF800000, v13  }
0x2ed: {  	s17 =	sadd.s32 $0x8C0, s17;
	s18 =	sadd.s32 $0x8C0, s18;
	s21 =	sadd.s32 $0x8C0, s21;
	v12 =	vadd.s32 v60, v8;
	v13 =	vadd.f32 v10, v11;
	[tilespmem:v5+s13+$0x0 ss:$0x1] =	vst.idx.msk $0xffff, v6  }
0x2ee: {  	s0 =	rddreg [dreg:$0x10];
	s2 =	simm.s32 $0xB980  }
0x2ef: {  	[spmem:s0] =	stream.linear.scatter [tilespmem:s2], [sflag:$0x1], $0x1A40, $0x38;
	[tilespmem:$0x15EB0] =	vst v63  }
0x2f0: {  	_ =	swait.ge [sflag:s1], $0x1A40  }
0x2f1: {  	[sflag:s1] =	ssyncset.done $0x0  }
0x2f2: {  	v5 =	vcvt.s32.f32 v12;
	[sflag:s1] =	ssyncadd.s32 $0xFFFFE5C0  }
0x2f3: {  	[tilespmem:$0x15E30] =	vst v14  }
0x2f4: {  	[tilespmem:$0x15E40] =	vst v5  }
0x2f5: {  	s26 =	simm.s32 $0x15E30;
	s25 =	rddreg [dreg:$0x15];
	[tilespmem:$0x15E50] =	vst v13  }
0x2f6: {  	[spmem:s25] =	stream.linear.scatter [tilespmem:s26], [sflag:$0x1], $0x30, $0x38;
	[tilespmem:$0x15EB0] =	vst v63  }
0x2f7: {  	_ =	swait.ge [sflag:s1], $0x30  }
.Ltmp9:
0x2f8: {  	[sflag:s1] =	ssyncset.done $0x0;
	(pc) =	sbr.rel @p0 .LBB2_28-.Ltmp9, $4  }
0x2f9: {  	[sflag:s1] =	ssyncadd.s32 $0xFFFFFFD0  }
0x2fa: {  	[bflag:$0x0] =	sbarrier.arrive $0xFFFF  }
0x2fb: {  	s16 =	rddreg [dreg:$0x14]  }
0x2fc: {  	s17 =	rddreg [dreg:$0x1a]  }
0x2fd: {  	s0 =	rddreg [dreg:$0x16];
	s2 =	simm.s32 $0xD400  }
0x2fe: {  	[tilespmem:s2], [sflag:$0x1] =	stream.linear.gather [spmem:s0], $0x1A40, $0x38;
	[tilespmem:$0x15EB0] =	vst v63  }
0x2ff: {  	_ =	swait.ge [sflag:s1], $0x1A40  }
0x300: {  	[sflag:s1] =	ssyncset.done $0x0  }
0x301: {  	s15 =	simm.s32 $0x14100;
	s14 =	rddreg [dreg:$0x17];
	[sflag:s1] =	ssyncadd.s32 $0xFFFFE5C0  }
0x302: {  	[tilespmem:s15], [sflag:$0x1] =	stream.linear.gather [spmem:s14], $0x30, $0x38;
	[tilespmem:$0x15EB0] =	vst v63  }
0x303: {  	_ =	swait.ge [sflag:s1], $0x30  }
0x304: {  	[sflag:s1] =	ssyncset.done $0x0  }
0x305: {  	s21 =	simm.s32 $0xEE40;
	s18 =	rddreg [dreg:$0x18];
	[sflag:s1] =	ssyncadd.s32 $0xFFFFFFD0  }
0x306: {  	[tilespmem:s21], [sflag:$0x1] =	stream.linear.gather [spmem:s18], $0x1A40, $0x38;
	[tilespmem:$0x15EB0] =	vst v63  }
0x307: {  	_ =	swait.ge [sflag:s1], $0x1A40  }
0x308: {  	[sflag:s1] =	ssyncset.done $0x0  }
0x309: {  	s25 =	simm.s32 $0x14140;
	s22 =	rddreg [dreg:$0x19];
	[sflag:s1] =	ssyncadd.s32 $0xFFFFE5C0  }
0x30a: {  	[tilespmem:s25], [sflag:$0x1] =	stream.linear.gather [spmem:s22], $0x30, $0x38;
	[tilespmem:$0x15EB0] =	vst v63  }
0x30b: {  	_ =	swait.ge [sflag:s1], $0x30  }
0x30c: {  	[sflag:s1] =	ssyncset.done $0x0  }
0x30d: {  	[sflag:s1] =	ssyncadd.s32 $0xFFFFFFD0  }
0x30e: {  	v5 =	vld [tilespmem:$0x15E40]  }
0x30f: {  	v6 =	vld [tilespmem:$0x14110];
	_ =	sdelay $0x1  }
0x310: {  	v7 =	vld [tilespmem:$0x14150];
	_ =	sdelay $0x2  }
0x311: {  	v5 =	vadd.f32 v6, v5;
	_ =	sdelay $0x1  }
0x312: {  	v5 =	vadd.f32 v7, v5;
	_ =	sdelay $0x1  }
0x313: {  	(xrf2) =	vadd.scan.msk.f32 $0xffff, v5;
	_ =	sdelay $0x9  }
0x314: {  	v6, _, _ =	vpop (xrf2)  }
0x315: {  	(v2sf) =	vpush v6, $0xF;
	_ =	sdelay $0xe  }
0x316: {  	s26 =	spop (v2sf)  }
0x317: {  	v8 =	vld [tilespmem:$0x14100];
	s0 =	scvt.f32.s32 s26  }
0x318: {  	v9 =	vld [tilespmem:$0x14120]  }
0x319: {  	v10 =	vld [tilespmem:$0x14140];
	s2 =	smul.u32 $0x7, s0  }
0x31a: {  	v11 =	vld [tilespmem:$0x14160]  }
0x31b: {  	s12 =	simm.s32 $0x0;
	v7 =	vld [tilespmem:$0x15E50];
	p2 =	slt.s32 s2, $0x4E1F;
	s9 =	smov.u32 s2  }
0x31c: {  	s10 =	simm.s32 $0x7FFFFFFF;
	s11 =	simm.s32 $0x0;
	v6 =	vld [tilespmem:$0x15E30];
	s9 =	simm.s32 @!p2 $0x4E1F  }
.LBB2_16:
0x31d: {  	s0 =	ssub.s32 s10, s12;
	s15 =	simm.s32 $0xB9C0  }
0x31e: {  	s13 =	sshrl.u32 s0, $0x1F;
	v14 =	vld [tilespmem:s15+$0xFFFFFFC0]  }
0x31f: {  	v16 =	vld [tilespmem:s15+$0xFFFFFFD0];
	s0 =	sadd.s32 s13, s0  }
0x320: {  	v17 =	vld [tilespmem:s15+$0xFFFFFFE0];
	s0 =	sshra.s32 s0, $0x1  }
0x321: {  	v15 =	vld [tilespmem:s15+$0xFFFFFFF0];
	s13 =	sadd.s32 s12, s0  }
0x322: {  	v13 =	vld [tilespmem:s15+$0x0];
	v12 =	vmov s13  }
0x323: {  	vm3 =	vge.s32 v14, v12;
	v14 =	vld [tilespmem:s15+$0x10]  }
0x324: {  	v18 =	vimm.s32 $0x0;
	v19 =	vsel vm3, $0x1, v1;
	vm3 =	vge.s32 v16, v12;
	v16 =	vld [tilespmem:s15+$0x20]  }
0x325: {  	s14 =	simm.s32 $0x0;
	v18 =	vadd.s32 v19, v18;
	v19 =	vsel vm3, $0x1, v1;
	vm3 =	vge.s32 v17, v12;
	v17 =	vld [tilespmem:s15+$0x30];
	s15 =	simm.s32 $0xBA40  }
.LBB2_17:
0x326: {  	v20 =	vld [tilespmem:s15+$0xFFFFFFC0];
	s14 =	sadd.s32 $0x8, s14;
	v18 =	vadd.s32 v19, v18;
	v19 =	vsel vm3, $0x1, v1;
	vm3 =	vge.s32 v15, v12  }
0x327: {  	v21 =	vld [tilespmem:s15+$0xFFFFFFD0];
	p2 =	slt.u32 s14, $0x198;
	v15 =	vadd.s32 v19, v18;
	v18 =	vsel vm3, $0x1, v1;
	vm3 =	vge.s32 v13, v12  }
0x328: {  	v22 =	vld [tilespmem:s15+$0xFFFFFFE0];
	v13 =	vadd.s32 v18, v15;
	v18 =	vsel vm3, $0x1, v1;
	vm3 =	vge.s32 v14, v12  }
.Ltmp10:
0x329: {  	v15 =	vld [tilespmem:s15+$0xFFFFFFF0];
	v14 =	vadd.s32 v18, v13;
	v18 =	vsel vm3, $0x1, v1;
	vm3 =	vge.s32 v16, v12;
	(pc) =	sbr.rel @p2 .LBB2_17-.Ltmp10, $4  }
0x32a: {  	v13 =	vld [tilespmem:s15+$0x0];
	v16 =	vadd.s32 v18, v14;
	v18 =	vsel vm3, $0x1, v1;
	vm3 =	vge.s32 v17, v12  }
0x32b: {  	vm4 =	vge.s32 v20, v12;
	v14 =	vld [tilespmem:s15+$0x10];
	v17 =	vadd.s32 v18, v16;
	v18 =	vsel vm3, $0x1, v1  }
0x32c: {  	v19 =	vsel vm4, $0x1, v1;
	vm3 =	vge.s32 v21, v12;
	v16 =	vld [tilespmem:s15+$0x20];
	v17 =	vadd.s32 v18, v17  }
0x32d: {  	v18 =	vadd.s32 v19, v17;
	v19 =	vsel vm3, $0x1, v1;
	vm3 =	vge.s32 v22, v12;
	v17 =	vld [tilespmem:s15+$0x30];
	s15 =	sadd.s32 $0x80, s15  }
0x32e: {  	v18 =	vadd.s32 v19, v18;
	v19 =	vsel vm3, $0x1, v1;
	vm3 =	vge.s32 v15, v12  }
0x32f: {  	v15 =	vadd.s32 v19, v18;
	v18 =	vsel vm3, $0x1, v1;
	vm3 =	vge.s32 v13, v12  }
0x330: {  	v13 =	vadd.s32 v18, v15;
	v15 =	vsel vm3, $0x1, v1;
	vm3 =	vge.s32 v14, v12  }
0x331: {  	v13 =	vadd.s32 v15, v13;
	v14 =	vsel vm3, $0x1, v1;
	vm3 =	vge.s32 v16, v12  }
0x332: {  	v13 =	vadd.s32 v14, v13;
	v14 =	vsel vm3, $0x1, v1;
	vm3 =	vge.s32 v17, v12  }
0x333: {  	v13 =	vadd.s32 v14, v13;
	v14 =	vsel vm3, $0x1, v1  }
0x334: {  	s14 =	simm.s32 $0x0;
	v17 =	vadd.s32 v14, v13  }
.LBB2_19:
0x335: {  	s0 =	sshra.s32 s14, $0x2  }
0x336: {  	v13 =	vld [tilespmem:s0+$0xD380];
	_ =	sdelay $0x1  }
0x337: {  	p2 =	sne.s32 s14, $0xC0  }
.Ltmp11:
0x338: {  	_ = 	snop;
	(pc) =	sbr.rel @p2 .LBB2_19-.Ltmp11, $4  }
0x339: {  	_ = 	snop  }
0x33a: {  	vm3 =	vge.s32 v13, v12  }
0x33b: {  	v13 =	vsel vm3, $0x1, v1  }
0x33c: {  	s14 =	sadd.s32 $0x40, s14;
	v17 =	vadd.s32 v13, v17  }
0x33d: {  	s0 =	simm.s32 $0xD440  }
0x33e: {  	v14 =	vld [tilespmem:s0+$0xFFFFFFC0]  }
0x33f: {  	v15 =	vld [tilespmem:s0+$0xFFFFFFD0]  }
0x340: {  	v20 =	vld [tilespmem:s0+$0xFFFFFFE0]  }
0x341: {  	v16 =	vld [tilespmem:s0+$0xFFFFFFF0]  }
0x342: {  	v13 =	vld [tilespmem:s0+$0x0]  }
0x343: {  	vm3 =	vge.s32 v14, v12;
	v14 =	vld [tilespmem:s0+$0x10]  }
0x344: {  	v18 =	vsel vm3, $0x1, v1;
	vm3 =	vge.s32 v15, v12;
	v15 =	vld [tilespmem:s0+$0x20]  }
0x345: {  	s14 =	simm.s32 $0x0;
	s15 =	simm.s32 $0xD4C0;
	v18 =	vadd.s32 v18, v17;
	v19 =	vsel vm3, $0x1, v1;
	vm3 =	vge.s32 v20, v12;
	v17 =	vld [tilespmem:s0+$0x30]  }
.LBB2_21:
0x346: {  	v20 =	vld [tilespmem:s15+$0xFFFFFFC0];
	s14 =	sadd.s32 $0x8, s14;
	v18 =	vadd.s32 v19, v18;
	v19 =	vsel vm3, $0x1, v1;
	vm3 =	vge.s32 v16, v12  }
0x347: {  	v21 =	vld [tilespmem:s15+$0xFFFFFFD0];
	p2 =	slt.u32 s14, $0x340;
	v16 =	vadd.s32 v19, v18;
	v18 =	vsel vm3, $0x1, v1;
	vm3 =	vge.s32 v13, v12  }
0x348: {  	v22 =	vld [tilespmem:s15+$0xFFFFFFE0];
	v13 =	vadd.s32 v18, v16;
	v18 =	vsel vm3, $0x1, v1;
	vm3 =	vge.s32 v14, v12  }
.Ltmp12:
0x349: {  	v16 =	vld [tilespmem:s15+$0xFFFFFFF0];
	v14 =	vadd.s32 v18, v13;
	v18 =	vsel vm3, $0x1, v1;
	vm3 =	vge.s32 v15, v12;
	(pc) =	sbr.rel @p2 .LBB2_21-.Ltmp12, $4  }
0x34a: {  	v13 =	vld [tilespmem:s15+$0x0];
	v15 =	vadd.s32 v18, v14;
	v18 =	vsel vm3, $0x1, v1;
	vm3 =	vge.s32 v17, v12  }
0x34b: {  	vm4 =	vge.s32 v20, v12;
	v14 =	vld [tilespmem:s15+$0x10];
	v17 =	vadd.s32 v18, v15;
	v18 =	vsel vm3, $0x1, v1  }
0x34c: {  	v19 =	vsel vm4, $0x1, v1;
	vm3 =	vge.s32 v21, v12;
	v15 =	vld [tilespmem:s15+$0x20];
	v17 =	vadd.s32 v18, v17  }
0x34d: {  	v18 =	vadd.s32 v19, v17;
	v19 =	vsel vm3, $0x1, v1;
	vm3 =	vge.s32 v22, v12;
	v17 =	vld [tilespmem:s15+$0x30];
	s15 =	sadd.s32 $0x80, s15  }
0x34e: {  	v18 =	vadd.s32 v19, v18;
	v56 =	vsel vm3, $0x1, v1;
	vm3 =	vge.s32 v16, v12  }
0x34f: {  	v57 =	vadd.s32 v56, v18;
	v58 =	vsel vm3, $0x1, v1;
	vm3 =	vge.s32 v13, v12  }
0x350: {  	v59 =	vadd.s32 v58, v57;
	v60 =	vsel vm3, $0x1, v1;
	vm3 =	vge.s32 v14, v12  }
0x351: {  	v13 =	vadd.s32 v60, v59;
	v14 =	vsel vm3, $0x1, v1;
	vm3 =	vge.s32 v15, v12  }
0x352: {  	v13 =	vadd.s32 v14, v13;
	v61 =	vsel vm3, $0x1, v1;
	vm3 =	vge.s32 v17, v12  }
0x353: {  	v62 =	vadd.s32 v61, v13;
	v63 =	vsel vm3, $0x1, v1  }
0x354: {  	v12 =	vadd.s32 v63, v62  }
0x355: {  	(xrf0) =	vadd.scan.msk.s32 $0xffff, v12;
	_ =	sdelay $0x5  }
0x356: {  	v12, _, _ =	vpop (xrf0)  }
0x357: {  	(v2sf) =	vpush v12, $0xF;
	_ =	sdelay $0xb  }
0x358: {  	s11 =	sadd.s32 $0x1, s11  }
0x359: {  	p3 =	seq.s32 s11, $0x1F  }
.Ltmp13:
0x35a: {  	_ = 	snop;
	(pc) =	sbr.rel @!p3 .LBB2_16-.Ltmp13, $4  }
0x35b: {  	s0 =	spop (v2sf)  }
0x35c: {  	s14 =	smov.u32 s13;
	p2 =	slt.s32 s0, s9  }
0x35d: {  	s14 =	smov.u32 @p2 s12  }
0x35e: {  	s10 =	smov.u32 @p2 s13;
	s12 =	smov.u32 s14  }
0x35f: {  	s10 =	simm.s32 $0xB9A0  }
0x360: {  	v14 =	vld [tilespmem:s10+$0x10]  }
0x361: {  	v19 =	vld [tilespmem:s10+$0x0]  }
0x362: {  	v15 =	vld [tilespmem:s10+$0xFFFFFFF0]  }
0x363: {  	v18 =	vld [tilespmem:s10+$0xFFFFFFE0];
	_ =	sdelay $0x1  }
0x364: {  	v12 =	vmov s14;
	v13 =	vimm.f32 $0.0e+00;
	v17 =	vimm.s32 $0x0  }
0x365: {  	v16 =	vimm.f32 $-3.000000010e+38;
	vm9 =	vlt.s32 v12, v14;
	vm3 =	veq.s32 v12, v14  }
0x366: {  	vm5 =	veq.s32 v12, v15;
	vm4 =	vlt.s32 v12, v19;
	vm10 =	veq.s32 v12, v19  }
0x367: {  	vm7 =	vlt.s32 v12, v18;
	vm6 =	veq.s32 v12, v18;
	vm8 =	vlt.s32 v12, v15  }
0x368: {  	v22 =	vnsel vm7, $0x0, v18;
	v20 =	vnsel vm9, $0x0, v14;
	v21 =	vsel vm9, $0x1, v1  }
0x369: {  	s11 =	simm.s32 $0xB9E0;
	s10 =	simm.s32 $0x0;
	v23 =	vnsel vm10, $0xFF61B1E6, v19;
	v13 =	vadd.f32 v22, v13;
	v22 =	vsel vm4, $0x1, v1  }
.LBB2_24:
0x36a: {  	v24 =	vld [tilespmem:s11+$0x10];
	v25 =	vnsel vm8, $0x0, v15;
	v26 =	vsel vm8, $0x1, v1;
	v27 =	vnsel vm5, $0xFF61B1E6, v15  }
0x36b: {  	v29 =	vsel vm7, $0x1, v1;
	v18 =	vnsel vm6, $0xFF61B1E6, v18;
	v28 =	vld [tilespmem:s11+$0x0];
	v13 =	vadd.f32 v25, v13  }
0x36c: {  	v19 =	vnsel vm4, $0x0, v19;
	v17 =	vadd.s32 v29, v17;
	v16 =	vmax.f32 v16, v18;
	v15 =	vld [tilespmem:s11+$0xFFFFFFF0]  }
0x36d: {  	s10 =	sadd.s32 $0x4, s10;
	v17 =	vadd.s32 v26, v17;
	v16 =	vmax.f32 v16, v27;
	v18 =	vld [tilespmem:s11+$0xFFFFFFE0];
	v13 =	vadd.f32 v19, v13  }
0x36e: {  	p2 =	slt.u32 s10, $0x1A0;
	v17 =	vadd.s32 v22, v17;
	v16 =	vmax.f32 v16, v23;
	v22 =	vnsel vm3, $0xFF61B1E6, v14  }
0x36f: {  	s12 =	simm.s32 $0xD420;
	v17 =	vadd.s32 v21, v17;
	v16 =	vmax.f32 v16, v22;
	v13 =	vadd.f32 v20, v13;
	v14 =	vmovc v24  }
.Ltmp14:
0x370: {  	vm9 =	vlt.s32 v12, v14;
	vm3 =	veq.s32 v12, v14;
	v19 =	vmov v28;
	(pc) =	sbr.rel @p2 .LBB2_24-.Ltmp14, $4  }
0x371: {  	vm5 =	veq.s32 v12, v15;
	vm4 =	vlt.s32 v12, v19;
	vm10 =	veq.s32 v12, v19  }
0x372: {  	vm8 =	vlt.s32 v12, v15;
	vm7 =	vlt.s32 v12, v18;
	vm6 =	veq.s32 v12, v18  }
0x373: {  	v20 =	vnsel vm9, $0x0, v14;
	v21 =	vsel vm9, $0x1, v1;
	v22 =	vnsel vm7, $0x0, v18  }
0x374: {  	s11 =	sadd.s32 $0x40, s11;
	v23 =	vnsel vm10, $0xFF61B1E6, v19;
	v13 =	vadd.f32 v22, v13;
	v22 =	vsel vm4, $0x1, v1  }
0x375: {  	v24 =	vnsel vm8, $0x0, v15;
	v25 =	vsel vm7, $0x1, v1;
	v27 =	vnsel vm5, $0xFF61B1E6, v15;
	v15 =	vld [tilespmem:s12+$0xFFFFFFF0]  }
0x376: {  	v26 =	vsel vm8, $0x1, v1;
	v18 =	vnsel vm6, $0xFF61B1E6, v18;
	v24 =	vadd.f32 v24, v13;
	v13 =	vld [tilespmem:s12+$0x10]  }
0x377: {  	v25 =	vadd.s32 v25, v17;
	v17 =	vld [tilespmem:s12+$0x0];
	v16 =	vmax.f32 v16, v18;
	v18 =	vnsel vm4, $0x0, v19  }
0x378: {  	v19 =	vadd.s32 v26, v25;
	v63 =	vmax.f32 v16, v27;
	v16 =	vld [tilespmem:s12+$0xFFFFFFE0];
	v18 =	vadd.f32 v18, v24  }
0x379: {  	v14 =	vnsel vm3, $0xFF61B1E6, v14;
	v19 =	vadd.s32 v22, v19;
	v22 =	vmax.f32 v63, v23  }
0x37a: {  	v14 =	vmax.f32 v22, v14;
	v20 =	vadd.f32 v20, v18  }
0x37b: {  	v18 =	vadd.s32 v21, v19;
	vm4 =	veq.s32 v12, v15;
	vm8 =	vlt.s32 v12, v15  }
0x37c: {  	vm9 =	vlt.s32 v12, v13;
	vm3 =	veq.s32 v12, v13;
	vm5 =	vlt.s32 v12, v17  }
0x37d: {  	vm10 =	veq.s32 v12, v17;
	vm7 =	vlt.s32 v12, v16;
	vm6 =	veq.s32 v12, v16  }
0x37e: {  	v21 =	vnsel vm9, $0x0, v13;
	v19 =	vsel vm9, $0x1, v1;
	v22 =	vnsel vm7, $0x0, v16  }
0x37f: {  	s10 =	simm.s32 $0x0;
	s11 =	simm.s32 $0xD460;
	v23 =	vadd.f32 v22, v20;
	v22 =	vsel vm5, $0x1, v1;
	v20 =	vnsel vm10, $0xFF61B1E6, v17  }
.LBB2_26:
0x380: {  	v24 =	vld [tilespmem:s11+$0x10];
	v25 =	vnsel vm8, $0x0, v15;
	v26 =	vsel vm8, $0x1, v1;
	v27 =	vnsel vm4, $0xFF61B1E6, v15  }
0x381: {  	v29 =	vsel vm7, $0x1, v1;
	v16 =	vnsel vm6, $0xFF61B1E6, v16;
	v28 =	vld [tilespmem:s11+$0x0];
	v23 =	vadd.f32 v25, v23  }
0x382: {  	v17 =	vnsel vm5, $0x0, v17;
	v18 =	vadd.s32 v29, v18;
	v14 =	vmax.f32 v14, v16;
	v15 =	vld [tilespmem:s11+$0xFFFFFFF0]  }
0x383: {  	s10 =	sadd.s32 $0x4, s10;
	v18 =	vadd.s32 v26, v18;
	v14 =	vmax.f32 v14, v27;
	v16 =	vld [tilespmem:s11+$0xFFFFFFE0];
	v23 =	vadd.f32 v17, v23  }
0x384: {  	p2 =	slt.u32 s10, $0x344;
	v18 =	vadd.s32 v22, v18;
	v14 =	vmax.f32 v14, v20;
	v22 =	vnsel vm3, $0xFF61B1E6, v13  }
0x385: {  	v18 =	vadd.s32 v19, v18;
	v14 =	vmax.f32 v14, v22;
	v20 =	vadd.f32 v21, v23;
	v13 =	vmovc v24  }
.Ltmp15:
0x386: {  	vm9 =	vlt.s32 v12, v13;
	vm3 =	veq.s32 v12, v13;
	v17 =	vmov v28;
	(pc) =	sbr.rel @p2 .LBB2_26-.Ltmp15, $4  }
0x387: {  	vm4 =	veq.s32 v12, v15;
	vm5 =	vlt.s32 v12, v17;
	vm10 =	veq.s32 v12, v17  }
0x388: {  	vm8 =	vlt.s32 v12, v15;
	vm7 =	vlt.s32 v12, v16;
	vm6 =	veq.s32 v12, v16  }
0x389: {  	v21 =	vnsel vm9, $0x0, v13;
	v19 =	vsel vm9, $0x1, v1;
	v22 =	vnsel vm7, $0x0, v16  }
0x38a: {  	s11 =	sadd.s32 $0x40, s11;
	v23 =	vadd.f32 v22, v20;
	v22 =	vsel vm5, $0x1, v1;
	v20 =	vnsel vm10, $0xFF61B1E6, v17  }
0x38b: {  	v12 =	vnsel vm8, $0x0, v15  }
0x38c: {  	v12 =	vadd.f32 v12, v23  }
0x38d: {  	v17 =	vnsel vm5, $0x0, v17  }
0x38e: {  	v12 =	vadd.f32 v17, v12;
	_ =	sdelay $0x1  }
0x38f: {  	v12 =	vadd.f32 v21, v12;
	_ =	sdelay $0x1  }
0x390: {  	v56 =	vsel vm7, $0x1, v1;
	(xrf2) =	vadd.scan.msk.f32 $0xffff, v12  }
0x391: {  	v57 =	vsel vm8, $0x1, v1;
	v17 =	vadd.s32 v56, v18  }
0x392: {  	v12 =	vadd.s32 v57, v17  }
0x393: {  	v16 =	vnsel vm6, $0xFF61B1E6, v16;
	v12 =	vadd.s32 v22, v12  }
0x394: {  	v58 =	vnsel vm4, $0xFF61B1E6, v15;
	v14 =	vmax.f32 v14, v16;
	v12 =	vadd.s32 v19, v12  }
0x395: {  	v14 =	vmax.f32 v14, v58;
	(xrf0) =	vadd.scan.msk.s32 $0xffff, v12  }
0x396: {  	v13 =	vnsel vm3, $0xFF61B1E6, v13;
	v59 =	vmax.f32 v14, v20  }
0x397: {  	v12 =	vmax.f32 v59, v13  }
0x398: {  	(xrf0) =	vmax.scan.msk.f32 $0xffff, v12;
	_ =	sdelay $0x1  }
0x399: {  	v60, _, _ =	vpop (xrf2)  }
0x39a: {  	v61, _, _ =	vpop (xrf0);
	(v2sf) =	vpush v60, $0xF  }
0x39b: {  	(v2sf) =	vpush v61, $0xF;
	_ =	sdelay $0x1  }
0x39c: {  	v62, _, _ =	vpop (xrf0)  }
0x39d: {  	(v2sf) =	vpush v62, $0xF;
	_ =	sdelay $0xa  }
0x39e: {  	s0 =	spop (v2sf)  }
0x39f: {  	s10 =	spop (v2sf)  }
0x3a0: {  	s9 =	ssub.s32 s9, s10  }
0x3a1: {  	s9 =	scvt.s32.f32 s9  }
0x3a2: {  	s13 =	spop (v2sf)  }
0x3a3: {  	s9 =	smul.f32 s9, s13;
	_ =	sdelay $0x1  }
0x3a4: {  	s0 =	sadd.f32 s9, s0  }
0x3a5: {  	v6 =	vadd.f32 v8, v6;
	v7 =	vadd.f32 v9, v7;
	p2 =	sgt.s32 s2, $0x0  }
0x3a6: {  	s0 =	simm.s32 @!p2 $0x0  }
0x3a7: {  	v6 =	vadd.f32 v10, v6;
	v7 =	vadd.f32 v11, v7;
	v63 =	vmov s0  }
0x3a8: {  	v8 =	vnsel vm2, $0x0, v63  }
0x3a9: {  	[tilespmem:$0x15E30] =	vst v6;
	v6 =	vadd.f32 v8, v7  }
0x3aa: {  	[tilespmem:$0x15E40] =	vst v5  }
0x3ab: {  	s14 =	simm.s32 $0x0;
	s15 =	rddreg [dreg:$0x11];
	s18 =	simm.s32 $0x15E30;
	[tilespmem:$0x15E50] =	vst v6  }
0x3ac: {  	[hbm4b:s15+s14] =	stream.linear.scatter [tilespmem:s18], [sflag:$0x1], $0x10, $0x38;
	[tilespmem:$0x15EB0] =	vst v63  }
0x3ad: {  	_ =	swait.ge [sflag:s1], $0x10  }
0x3ae: {  	[sflag:s1] =	ssyncset.done $0x0  }
0x3af: {  	s22 =	simm.s32 $0x15E40;
	s21 =	rddreg [dreg:$0x12];
	[sflag:s1] =	ssyncadd.s32 $0xFFFFFFF0  }
0x3b0: {  	[hbm4b:s21+s14] =	stream.linear.scatter [tilespmem:s22], [sflag:$0x1], $0x10, $0x38;
	[tilespmem:$0x15EB0] =	vst v63  }
0x3b1: {  	_ =	swait.ge [sflag:s1], $0x10  }
0x3b2: {  	s26 =	simm.s32 $0x15E50;
	[sflag:s1] =	ssyncset.done $0x0  }
.Ltmp16:
0x3b3: {  	s25 =	rddreg [dreg:$0x13];
	[sflag:s1] =	ssyncadd.s32 $0xFFFFFFF0;
	(pc) =	sbr.rel .LBB2_28-.Ltmp16, $4  }
0x3b4: {  	[hbm4b:s25+s14] =	stream.linear.scatter [tilespmem:s26], [sflag:$0x1], $0x10, $0x38;
	[tilespmem:$0x15EB0] =	vst v63  }
0x3b5: {  	_ =	swait.ge [sflag:s1], $0x10  }
0x3b6: {  	[sflag:s1] =	ssyncset.done $0x0  }
0x3b7: {  	[sflag:s1] =	ssyncadd.s32 $0xFFFFFFF0  }
.LBB2_29:
0x3b8: {  	_ =	sfence.sel $0x180000  }
0x3b9: {  	[bflag:$0x0] =	sbarrier.arrive $0xFFFF  }
0x3ba: {  	_ =	strace $0x90000047  }
0x3bb: {  	s0 =	stileid.u32;
	[bflag:$0x2] =	sbarrier.arrive $0xFFFF  }
0x3bc: {  	p0 =	sne.s32 s0, $0x0;
	s0 =	rddreg [dreg:$0x2]  }
0x3bd: {  	s0 =	sadd.s32 @!p0 $0x100000, s0  }
0x3be: {  	[sflag:s0] =	ssyncadd.tile.s32 @!p0 $0x1;
	_ =	shalt  }
.Lfunc_end2:
_tile_overlayer_lowered:
.L_overlay_start_2:
0x3bf: {  	(tag) =	ssettag $0x2  }
0x3c0: {  	s0 =	rddreg [dreg:$0x0];
	s2 =	stileid.u32  }
0x3c1: {  	s1 =	rddreg [dreg:$0x1];
	p0 =	sne.s32 s2, $0x0  }
0x3c2: {  	s3 =	rddreg [dreg:$0x2];
	[bflag:$0x3] =	sbarrier.arrive $0xFFFF;
	s2 =	simm.s32 @!p0 $0x1C01  }
0x3c3: {  	[timem:s3], [sflag:s2] =	dma.local @!p0 [hbm:s0], s1  }
0x3c4: {  	s0 =	simm.s32 @!p0 $0x1  }
0x3c5: {  	_ =	swait.ge @!p0 [sflag:s0], s1  }
0x3c6: {  	s1 =	ssub.s32 @!p0 $0x0, s1;
	[sflag:s0] =	ssyncset.done @!p0 $0x0  }
0x3c7: {  	[sflag:s0] =	ssyncadd.s32 @!p0 s1  }
0x3c8: {  	[bflag:$0x3] =	sbarrier.arrive $0xFFFF  }
0x3c9: {  	_ =	shalt  }

</sc_bundles>
